<compile_context>
chip_gen: v7x
topology: tpu7x:2x2x1
jax: 0.10.2.dev20260603
libtpu: 0.0.44.dev20260713+nightly
codegen_flags: <defaults>
</compile_context>

<pallas_src>
import jax
import jax.numpy as jnp
from jax import lax
from jax.experimental import pallas as pl
from jax.experimental.pallas import tpu as pltpu
from jax.experimental.pallas import tpu_sc as plsc

B = 16384
EMBED = 32
N_GENRES = 8
NC = 2
NS = 16
NW = NC * NS
BPW = B // NW
TITLE_ROW = 100001
T_CHUNK = 2048


def _body(ttT, gtab_flat, mt, mgT, outT,
          trow_v, tbuf_v, gidx_v, gtab_v, gacc_v,
          trow_sem, ti_sem, to_sem, gi_sem, go_sem):
    wid = lax.axis_index("s") * NC + lax.axis_index("c")
    base = wid * BPW

    trow_cp = pltpu.async_copy(ttT.at[pl.ds(wid, 1)], trow_v, trow_sem)
    ti_cp = pltpu.async_copy(mt, tbuf_v.at[0], ti_sem)
    gidx_cp = pltpu.async_copy(mgT.at[:, pl.ds(base, BPW)], gidx_v, gi_sem)
    pltpu.sync_copy(gtab_flat, gtab_v)

    gidx_cp.wait()

    def genre_half(h):
        def genre_body(j, _, h=h):
            gvs = [gidx_v[g, pl.ds(h * (BPW // 2) + j * 16, 16)]
                   for g in range(N_GENRES)]
            for d in range(EMBED):
                drow = jnp.full((16,), d, dtype=jnp.int32)
                acc = None
                for g in range(N_GENRES):
                    val = plsc.load_gather(gtab_v, [drow, gvs[g]])
                    acc = val if acc is None else acc + val
                gacc_v[d, pl.ds(j * 16, 16)] = acc * 0.125
            return _
        lax.fori_loop(0, BPW // 32, genre_body, None)

    def gacc_out(h):
        return (gacc_v, outT.at[pl.ds(EMBED, EMBED),
                                pl.ds(base + h * (BPW // 2), BPW // 2)])

    genre_half(0)
    pltpu.async_copy(*gacc_out(0), go_sem)
    pltpu.make_async_copy(*gacc_out(0), go_sem).wait()
    genre_half(1)
    pltpu.async_copy(*gacc_out(1), go_sem)

    trow_cp.wait()
    ti_cp.wait()
    zrow = jnp.zeros((16,), dtype=jnp.int32)
    for q in range(B // T_CHUNK):

        def title_body(j, _, q=q):
            for s in range(8):
                off = q * T_CHUNK + j * 128 + s * 16
                iv = plsc.bitcast(tbuf_v[0, pl.ds(off, 16)], jnp.int32)
                tbuf_v[0, pl.ds(off, 16)] = plsc.load_gather(
                    trow_v, [zrow, iv])
            return _
        lax.fori_loop(0, T_CHUNK // 128, title_body, None)
        pltpu.async_copy(
            tbuf_v.at[:, pl.ds(q * T_CHUNK, T_CHUNK)],
            outT.at[pl.ds(wid, 1), pl.ds(q * T_CHUNK, T_CHUNK)],
            to_sem)

    for q in range(B // T_CHUNK):
        pltpu.make_async_copy(
            tbuf_v.at[:, pl.ds(q * T_CHUNK, T_CHUNK)],
            outT.at[pl.ds(wid, 1), pl.ds(q * T_CHUNK, T_CHUNK)],
            to_sem).wait()
    pltpu.make_async_copy(*gacc_out(1), go_sem).wait()


@jax.jit
def _run(ttT, gtab_flat, mt_f32, mgT):
    mesh = plsc.VectorSubcoreMesh(core_axis_name="c", subcore_axis_name="s",
                                  num_cores=NC, num_subcores=NS)
    return pl.kernel(
        _body,
        out_type=jax.ShapeDtypeStruct((2 * EMBED, B), jnp.float32),
        mesh=mesh,
        scratch_types=[
            pltpu.VMEM((1, TITLE_ROW), jnp.float32),
            pltpu.VMEM((1, B), jnp.float32),
            pltpu.VMEM((N_GENRES, BPW), jnp.int32),
            pltpu.VMEM((EMBED, 21), jnp.float32),
            pltpu.VMEM((EMBED, BPW // 2), jnp.float32),
            pltpu.SemaphoreType.DMA,
            pltpu.SemaphoreType.DMA,
            pltpu.SemaphoreType.DMA,
            pltpu.SemaphoreType.DMA,
            pltpu.SemaphoreType.DMA,
        ],
        compiler_params=pltpu.CompilerParams(use_tc_tiling_on_sc=False,
                                             needs_layout_passes=False),
    )(ttT, gtab_flat, mt_f32, mgT)


def kernel(title_table, genre_table, movie_title, movie_genres):
    mt_f32 = jax.lax.bitcast_convert_type(movie_title.astype(jnp.int32),
                                          jnp.float32)
    outT = _run(title_table.T, genre_table.T, mt_f32,
                movie_genres.astype(jnp.int32).T)
    return outT.T

# --- scband reference (transcript-rebuilt; emitter-appended) ---
"""Pipeline reference for scband-movie-model-35734127903342 (READ-ONLY COPY).

The authoritative reference and input builder live on the scoring server;
editing this copy changes nothing except your own understanding.
"""

import jax, jax.numpy as jnp
import numpy as np

B = 16384
TITLE_VOCAB = 100000  # StringLookup vocab size; Embedding has TITLE_VOCAB + 1 rows
GENRE_VOCAB = 20      # Embedding has GENRE_VOCAB + 1 rows
EMBED = 32
N_GENRES = 8


def setup_inputs(seed: int = 0) -> dict:
    key = jax.random.key(seed)
    k1, k2, k3, k4 = jax.random.split(key, 4)
    # StringLookup(title) -> integer id in [0, TITLE_VOCAB]; we model post-lookup ids directly
    movie_title = jax.random.randint(k1, (B,), 0, TITLE_VOCAB, dtype=jnp.int64 if jax.config.read('jax_enable_x64') else jnp.int32)
    movie_genres = jax.random.randint(k2, (B, N_GENRES), 0, GENRE_VOCAB + 1, dtype=jnp.int64 if jax.config.read('jax_enable_x64') else jnp.int32)
    title_table = jax.random.normal(k3, (TITLE_VOCAB + 1, EMBED), dtype=jnp.float32) * 0.05
    genre_table = jax.random.normal(k4, (GENRE_VOCAB + 1, EMBED), dtype=jnp.float32) * 0.05
    return {
        'title_table': title_table,
        'genre_table': genre_table,
        'movie_title': movie_title,
        'movie_genres': movie_genres,
    }


def reference(title_table, genre_table, movie_title, movie_genres):
    # title_embedding: StringLookup (already applied) -> Embedding gather
    title_emb = jnp.take(title_table, movie_title, axis=0)           # [B, 32]
    # movie_genres: Embedding gather -> reduce_mean over genre axis (axis=1)
    genre_emb = jnp.take(genre_table, movie_genres, axis=0)          # [B, 8, 32]
    genre_emb = jnp.mean(genre_emb, axis=1)                          # [B, 32]
    return jnp.concatenate([title_emb, genre_emb], axis=1)           # [B, 64]


if False:  # reference __main__ guard neutralized (emitter)
    out = reference(**setup_inputs())
    print(out.shape, out.dtype)

if __name__ == "__main__":
    import jax
    _d = setup_inputs()
    print(jax.jit(kernel)(*tuple(_d.values())))

</pallas_src>

<mosaic_0001>
#map = affine_map<(d0, d1) -> (0, 0)>
#map1 = affine_map<(d0, d1) -> (0)>
module attributes {stable_mosaic.version = 14 : i64} {
  func.func @_body(%arg0: i32, %arg1: i32, %arg2: memref<32x100001xf32, #tpu.memory_space<hbm>>, %arg3: memref<32x21xf32, #tpu.memory_space<hbm>>, %arg4: memref<16384xf32, #tpu.memory_space<hbm>>, %arg5: memref<8x16384xi32, #tpu.memory_space<hbm>>, %arg6: memref<64x16384xf32, #tpu.memory_space<hbm>>, %arg7: memref<1x100001xf32, #tpu.memory_space<vmem>>, %arg8: memref<1x16384xf32, #tpu.memory_space<vmem>>, %arg9: memref<8x512xi32, #tpu.memory_space<vmem>>, %arg10: memref<32x21xf32, #tpu.memory_space<vmem>>, %arg11: memref<32x256xf32, #tpu.memory_space<vmem>>, %arg12: memref<!tpu.dma_semaphore, #tpu.memory_space<semaphore_mem>>, %arg13: memref<!tpu.dma_semaphore, #tpu.memory_space<semaphore_mem>>, %arg14: memref<!tpu.dma_semaphore, #tpu.memory_space<semaphore_mem>>, %arg15: memref<!tpu.dma_semaphore, #tpu.memory_space<semaphore_mem>>, %arg16: memref<!tpu.dma_semaphore, #tpu.memory_space<semaphore_mem>>) attributes {dimension_semantics = [#tpu.dimension_semantics<core_parallel>, #tpu.dimension_semantics<subcore_parallel>], iteration_bounds = array<i64: 2, 16>, scalar_prefetch = 0 : i64, scratch_operands = 10 : i64, tpu.core_type = #tpu.core_type<sc_vector_subcore>, window_params = [{transform_indices = #map}, {transform_indices = #map}, {transform_indices = #map1}, {transform_indices = #map}, {transform_indices = #map}]} {
    %mul3A = arith.constant 2 : i32
    %mul3A_0 = arith.muli %arg1, %mul3A : i32
    %add3A = arith.addi %mul3A_0, %arg0 : i32
    %mul3A_1 = arith.constant 512 : i32
    %mul3A_2 = arith.muli %add3A, %mul3A_1 : i32
    %dma_start3A = arith.constant 0 : i32
    %dma_start3A_3 = tpu.memref_slice %arg2[%add3A, %dma_start3A] : memref<32x100001xf32, #tpu.memory_space<hbm>> -> memref<1x100001xf32, #tpu.memory_space<hbm>>
    %dma_start3A_4 = arith.constant 0 : i32
    %dma_start3A_5 = tpu.memref_slice %arg2[%add3A, %dma_start3A_4] : memref<32x100001xf32, #tpu.memory_space<hbm>> -> memref<1x100001xf32, #tpu.memory_space<hbm>>
    tpu.enqueue_dma source(%dma_start3A_5 : memref<1x100001xf32, #tpu.memory_space<hbm>>) target(%arg7 : memref<1x100001xf32, #tpu.memory_space<vmem>>) target_semaphore(%arg12 : memref<!tpu.dma_semaphore, #tpu.memory_space<semaphore_mem>>)
    %dma_start3A_6 = arith.constant 0 : i32
    %dma_start3A_7 = arith.constant 0 : i32
    %dma_start3A_8 = tpu.memref_slice %arg8[%dma_start3A_6, %dma_start3A_7] : memref<1x16384xf32, #tpu.memory_space<vmem>> -> memref<1x16384xf32, #tpu.memory_space<vmem>>
    %dma_start3A_9 = tpu.memref_squeeze %dma_start3A_8 : memref<1x16384xf32, #tpu.memory_space<vmem>> -> memref<16384xf32, #tpu.memory_space<vmem>>
    %dma_start3A_10 = arith.constant 0 : i32
    %dma_start3A_11 = tpu.memref_slice %arg8[%dma_start3A_6, %dma_start3A_10] : memref<1x16384xf32, #tpu.memory_space<vmem>> -> memref<1x16384xf32, #tpu.memory_space<vmem>>
    %dma_start3A_12 = tpu.memref_squeeze %dma_start3A_11 : memref<1x16384xf32, #tpu.memory_space<vmem>> -> memref<16384xf32, #tpu.memory_space<vmem>>
    tpu.enqueue_dma source(%arg4 : memref<16384xf32, #tpu.memory_space<hbm>>) target(%dma_start3A_12 : memref<16384xf32, #tpu.memory_space<vmem>>) target_semaphore(%arg13 : memref<!tpu.dma_semaphore, #tpu.memory_space<semaphore_mem>>)
    %dma_start3A_13 = arith.constant 0 : i32
    %dma_start3A_14 = tpu.memref_slice %arg5[%dma_start3A_13, %mul3A_2] : memref<8x16384xi32, #tpu.memory_space<hbm>> -> memref<8x512xi32, #tpu.memory_space<hbm>>
    %dma_start3A_15 = arith.constant 0 : i32
    %dma_start3A_16 = tpu.memref_slice %arg5[%dma_start3A_15, %mul3A_2] : memref<8x16384xi32, #tpu.memory_space<hbm>> -> memref<8x512xi32, #tpu.memory_space<hbm>>
    tpu.enqueue_dma source(%dma_start3A_16 : memref<8x512xi32, #tpu.memory_space<hbm>>) target(%arg9 : memref<8x512xi32, #tpu.memory_space<vmem>>) target_semaphore(%arg15 : memref<!tpu.dma_semaphore, #tpu.memory_space<semaphore_mem>>)
    "tpu.region"() ({
      %run_scoped3A = tpu.sem_alloc : memref<!tpu.dma_semaphore, #tpu.memory_space<semaphore_mem>>
      tpu.enqueue_dma source(%arg3 : memref<32x21xf32, #tpu.memory_space<hbm>>) target(%arg10 : memref<32x21xf32, #tpu.memory_space<vmem>>) target_semaphore(%run_scoped3A : memref<!tpu.dma_semaphore, #tpu.memory_space<semaphore_mem>>)
      tpu.wait_dma2 semaphore(%run_scoped3A : memref<!tpu.dma_semaphore, #tpu.memory_space<semaphore_mem>>) src(%arg3 : memref<32x21xf32, #tpu.memory_space<hbm>>) dst(%arg10 : memref<32x21xf32, #tpu.memory_space<vmem>>)
      tpu.yield
    }) : () -> ()
    %dma_wait3A = arith.constant 0 : i32
    %dma_wait3A_17 = tpu.memref_slice %arg5[%dma_wait3A, %mul3A_2] : memref<8x16384xi32, #tpu.memory_space<hbm>> -> memref<8x512xi32, #tpu.memory_space<hbm>>
    %dma_wait3A_18 = arith.constant 0 : i32
    %dma_wait3A_19 = tpu.memref_slice %arg5[%dma_wait3A_18, %mul3A_2] : memref<8x16384xi32, #tpu.memory_space<hbm>> -> memref<8x512xi32, #tpu.memory_space<hbm>>
    tpu.wait_dma2 semaphore(%arg15 : memref<!tpu.dma_semaphore, #tpu.memory_space<semaphore_mem>>) src(%dma_wait3A_19 : memref<8x512xi32, #tpu.memory_space<hbm>>) dst(%arg9 : memref<8x512xi32, #tpu.memory_space<vmem>>)
    %scan3A = arith.constant 0 : i32
    %scan3A_20 = arith.constant 16 : i32
    %scan3A_21 = arith.addi %scan3A, %scan3A_20 : i32
    %scan3A_22 = arith.constant 1 : i32
    scf.for %scan3A_265 = %scan3A to %scan3A_21 step %scan3A_22  : i32 {
      %mul3A_266 = arith.constant 16 : i32
      %mul3A_267 = arith.muli %scan3A_265, %mul3A_266 : i32
      %add3A_268 = arith.constant 0 : i32
      %add3A_269 = arith.addi %add3A_268, %mul3A_267 : i32
      %get3A = arith.constant 0 : i32
      %get3A_270 = arith.index_cast %get3A : i32 to index
      %get3A_271 = arith.index_cast %add3A_269 : i32 to index
      %get3A_272 = tpu.vector_load %arg9[%get3A_270, %get3A_271] {strides = array<i32>} : memref<8x512xi32, #tpu.memory_space<vmem>>, vector<16xi32>,
      %mul3A_273 = arith.constant 16 : i32
      %mul3A_274 = arith.muli %scan3A_265, %mul3A_273 : i32
      %add3A_275 = arith.constant 0 : i32
      %add3A_276 = arith.addi %add3A_275, %mul3A_274 : i32
      %get3A_277 = arith.constant 1 : i32
      %get3A_278 = arith.index_cast %get3A_277 : i32 to index
      %get3A_279 = arith.index_cast %add3A_276 : i32 to index
      %get3A_280 = tpu.vector_load %arg9[%get3A_278, %get3A_279] {strides = array<i32>} : memref<8x512xi32, #tpu.memory_space<vmem>>, vector<16xi32>,
      %mul3A_281 = arith.constant 16 : i32
      %mul3A_282 = arith.muli %scan3A_265, %mul3A_281 : i32
      %add3A_283 = arith.constant 0 : i32
      %add3A_284 = arith.addi %add3A_283, %mul3A_282 : i32
      %get3A_285 = arith.constant 2 : i32
      %get3A_286 = arith.index_cast %get3A_285 : i32 to index
      %get3A_287 = arith.index_cast %add3A_284 : i32 to index
      %get3A_288 = tpu.vector_load %arg9[%get3A_286, %get3A_287] {strides = array<i32>} : memref<8x512xi32, #tpu.memory_space<vmem>>, vector<16xi32>,
      %mul3A_289 = arith.constant 16 : i32
      %mul3A_290 = arith.muli %scan3A_265, %mul3A_289 : i32
      %add3A_291 = arith.constant 0 : i32
      %add3A_292 = arith.addi %add3A_291, %mul3A_290 : i32
      %get3A_293 = arith.constant 3 : i32
      %get3A_294 = arith.index_cast %get3A_293 : i32 to index
      %get3A_295 = arith.index_cast %add3A_292 : i32 to index
      %get3A_296 = tpu.vector_load %arg9[%get3A_294, %get3A_295] {strides = array<i32>} : memref<8x512xi32, #tpu.memory_space<vmem>>, vector<16xi32>,
      %mul3A_297 = arith.constant 16 : i32
      %mul3A_298 = arith.muli %scan3A_265, %mul3A_297 : i32
      %add3A_299 = arith.constant 0 : i32
      %add3A_300 = arith.addi %add3A_299, %mul3A_298 : i32
      %get3A_301 = arith.constant 4 : i32
      %get3A_302 = arith.index_cast %get3A_301 : i32 to index
      %get3A_303 = arith.index_cast %add3A_300 : i32 to index
      %get3A_304 = tpu.vector_load %arg9[%get3A_302, %get3A_303] {strides = array<i32>} : memref<8x512xi32, #tpu.memory_space<vmem>>, vector<16xi32>,
      %mul3A_305 = arith.constant 16 : i32
      %mul3A_306 = arith.muli %scan3A_265, %mul3A_305 : i32
      %add3A_307 = arith.constant 0 : i32
      %add3A_308 = arith.addi %add3A_307, %mul3A_306 : i32
      %get3A_309 = arith.constant 5 : i32
      %get3A_310 = arith.index_cast %get3A_309 : i32 to index
      %get3A_311 = arith.index_cast %add3A_308 : i32 to index
      %get3A_312 = tpu.vector_load %arg9[%get3A_310, %get3A_311] {strides = array<i32>} : memref<8x512xi32, #tpu.memory_space<vmem>>, vector<16xi32>,
      %mul3A_313 = arith.constant 16 : i32
      %mul3A_314 = arith.muli %scan3A_265, %mul3A_313 : i32
      %add3A_315 = arith.constant 0 : i32
      %add3A_316 = arith.addi %add3A_315, %mul3A_314 : i32
      %get3A_317 = arith.constant 6 : i32
      %get3A_318 = arith.index_cast %get3A_317 : i32 to index
      %get3A_319 = arith.index_cast %add3A_316 : i32 to index
      %get3A_320 = tpu.vector_load %arg9[%get3A_318, %get3A_319] {strides = array<i32>} : memref<8x512xi32, #tpu.memory_space<vmem>>, vector<16xi32>,
      %mul3A_321 = arith.constant 16 : i32
      %mul3A_322 = arith.muli %scan3A_265, %mul3A_321 : i32
      %add3A_323 = arith.constant 0 : i32
      %add3A_324 = arith.addi %add3A_323, %mul3A_322 : i32
      %get3A_325 = arith.constant 7 : i32
      %get3A_326 = arith.index_cast %get3A_325 : i32 to index
      %get3A_327 = arith.index_cast %add3A_324 : i32 to index
      %get3A_328 = tpu.vector_load %arg9[%get3A_326, %get3A_327] {strides = array<i32>} : memref<8x512xi32, #tpu.memory_space<vmem>>, vector<16xi32>,
      %broadcast_in_dim3A_329 = arith.constant 0 : i32
      %broadcast_in_dim3A_330 = vector.broadcast %broadcast_in_dim3A_329 : i32 to vector<16xi32>
      %gather3A = tpu.vector_load_idx %arg10[%broadcast_in_dim3A_330, %get3A_272] : memref<32x21xf32, #tpu.memory_space<vmem>>[vector<16xi32>, vector<16xi32>], vector<16xf32>,
      %gather3A_331 = tpu.vector_load_idx %arg10[%broadcast_in_dim3A_330, %get3A_280] : memref<32x21xf32, #tpu.memory_space<vmem>>[vector<16xi32>, vector<16xi32>], vector<16xf32>,
      %add3A_332 = arith.addf %gather3A, %gather3A_331 : vector<16xf32>
      %gather3A_333 = tpu.vector_load_idx %arg10[%broadcast_in_dim3A_330, %get3A_288] : memref<32x21xf32, #tpu.memory_space<vmem>>[vector<16xi32>, vector<16xi32>], vector<16xf32>,
      %add3A_334 = arith.addf %add3A_332, %gather3A_333 : vector<16xf32>
      %gather3A_335 = tpu.vector_load_idx %arg10[%broadcast_in_dim3A_330, %get3A_296] : memref<32x21xf32, #tpu.memory_space<vmem>>[vector<16xi32>, vector<16xi32>], vector<16xf32>,
      %add3A_336 = arith.addf %add3A_334, %gather3A_335 : vector<16xf32>
      %gather3A_337 = tpu.vector_load_idx %arg10[%broadcast_in_dim3A_330, %get3A_304] : memref<32x21xf32, #tpu.memory_space<vmem>>[vector<16xi32>, vector<16xi32>], vector<16xf32>,
      %add3A_338 = arith.addf %add3A_336, %gather3A_337 : vector<16xf32>
      %gather3A_339 = tpu.vector_load_idx %arg10[%broadcast_in_dim3A_330, %get3A_312] : memref<32x21xf32, #tpu.memory_space<vmem>>[vector<16xi32>, vector<16xi32>], vector<16xf32>,
      %add3A_340 = arith.addf %add3A_338, %gather3A_339 : vector<16xf32>
      %gather3A_341 = tpu.vector_load_idx %arg10[%broadcast_in_dim3A_330, %get3A_320] : memref<32x21xf32, #tpu.memory_space<vmem>>[vector<16xi32>, vector<16xi32>], vector<16xf32>,
      %add3A_342 = arith.addf %add3A_340, %gather3A_341 : vector<16xf32>
      %gather3A_343 = tpu.vector_load_idx %arg10[%broadcast_in_dim3A_330, %get3A_328] : memref<32x21xf32, #tpu.memory_space<vmem>>[vector<16xi32>, vector<16xi32>], vector<16xf32>,
      %add3A_344 = arith.addf %add3A_342, %gather3A_343 : vector<16xf32>
      %mul3A_345 = arith.constant 1.250000e-01 : f32
      %mul3A_346 = vector.broadcast %mul3A_345 : f32 to vector<16xf32>
      %mul3A_347 = arith.mulf %add3A_344, %mul3A_346 : vector<16xf32>
      %mul3A_348 = arith.constant 16 : i32
      %mul3A_349 = arith.muli %scan3A_265, %mul3A_348 : i32
      %swap3A = arith.constant 0 : i32
      %swap3A_350 = arith.index_cast %swap3A : i32 to index
      %swap3A_351 = arith.index_cast %mul3A_349 : i32 to index
      %swap3A_352 = tpu.vector_load %arg11[%swap3A_350, %swap3A_351] {strides = array<i32>} : memref<32x256xf32, #tpu.memory_space<vmem>>, vector<16xf32>,
      tpu.vector_store %arg11[%swap3A_350, %swap3A_351], %mul3A_347 {strides = array<i32>} : memref<32x256xf32, #tpu.memory_space<vmem>>, vector<16xf32>,
      %broadcast_in_dim3A_353 = arith.constant 1 : i32
      %broadcast_in_dim3A_354 = vector.broadcast %broadcast_in_dim3A_353 : i32 to vector<16xi32>
      %gather3A_355 = tpu.vector_load_idx %arg10[%broadcast_in_dim3A_354, %get3A_272] : memref<32x21xf32, #tpu.memory_space<vmem>>[vector<16xi32>, vector<16xi32>], vector<16xf32>,
      %gather3A_356 = tpu.vector_load_idx %arg10[%broadcast_in_dim3A_354, %get3A_280] : memref<32x21xf32, #tpu.memory_space<vmem>>[vector<16xi32>, vector<16xi32>], vector<16xf32>,
      %add3A_357 = arith.addf %gather3A_355, %gather3A_356 : vector<16xf32>
      %gather3A_358 = tpu.vector_load_idx %arg10[%broadcast_in_dim3A_354, %get3A_288] : memref<32x21xf32, #tpu.memory_space<vmem>>[vector<16xi32>, vector<16xi32>], vector<16xf32>,
      %add3A_359 = arith.addf %add3A_357, %gather3A_358 : vector<16xf32>
      %gather3A_360 = tpu.vector_load_idx %arg10[%broadcast_in_dim3A_354, %get3A_296] : memref<32x21xf32, #tpu.memory_space<vmem>>[vector<16xi32>, vector<16xi32>], vector<16xf32>,
      %add3A_361 = arith.addf %add3A_359, %gather3A_360 : vector<16xf32>
      %gather3A_362 = tpu.vector_load_idx %arg10[%broadcast_in_dim3A_354, %get3A_304] : memref<32x21xf32, #tpu.memory_space<vmem>>[vector<16xi32>, vector<16xi32>], vector<16xf32>,
      %add3A_363 = arith.addf %add3A_361, %gather3A_362 : vector<16xf32>
      %gather3A_364 = tpu.vector_load_idx %arg10[%broadcast_in_dim3A_354, %get3A_312] : memref<32x21xf32, #tpu.memory_space<vmem>>[vector<16xi32>, vector<16xi32>], vector<16xf32>,
      %add3A_365 = arith.addf %add3A_363, %gather3A_364 : vector<16xf32>
      %gather3A_366 = tpu.vector_load_idx %arg10[%broadcast_in_dim3A_354, %get3A_320] : memref<32x21xf32, #tpu.memory_space<vmem>>[vector<16xi32>, vector<16xi32>], vector<16xf32>,
      %add3A_367 = arith.addf %add3A_365, %gather3A_366 : vector<16xf32>
      %gather3A_368 = tpu.vector_load_idx %arg10[%broadcast_in_dim3A_354, %get3A_328] : memref<32x21xf32, #tpu.memory_space<vmem>>[vector<16xi32>, vector<16xi32>], vector<16xf32>,
      %add3A_369 = arith.addf %add3A_367, %gather3A_368 : vector<16xf32>
      %mul3A_370 = arith.constant 1.250000e-01 : f32
      %mul3A_371 = vector.broadcast %mul3A_370 : f32 to vector<16xf32>
      %mul3A_372 = arith.mulf %add3A_369, %mul3A_371 : vector<16xf32>
      %mul3A_373 = arith.constant 16 : i32
      %mul3A_374 = arith.muli %scan3A_265, %mul3A_373 : i32
      %swap3A_375 = arith.constant 1 : i32
      %swap3A_376 = arith.index_cast %swap3A_375 : i32 to index
      %swap3A_377 = arith.index_cast %mul3A_374 : i32 to index
      %swap3A_378 = tpu.vector_load %arg11[%swap3A_376, %swap3A_377] {strides = array<i32>} : memref<32x256xf32, #tpu.memory_space<vmem>>, vector<16xf32>,
      tpu.vector_store %arg11[%swap3A_376, %swap3A_377], %mul3A_372 {strides = array<i32>} : memref<32x256xf32, #tpu.memory_space<vmem>>, vector<16xf32>,
      %broadcast_in_dim3A_379 = arith.constant 2 : i32
      %broadcast_in_dim3A_380 = vector.broadcast %broadcast_in_dim3A_379 : i32 to vector<16xi32>
      %gather3A_381 = tpu.vector_load_idx %arg10[%broadcast_in_dim3A_380, %get3A_272] : memref<32x21xf32, #tpu.memory_space<vmem>>[vector<16xi32>, vector<16xi32>], vector<16xf32>,
      %gather3A_382 = tpu.vector_load_idx %arg10[%broadcast_in_dim3A_380, %get3A_280] : memref<32x21xf32, #tpu.memory_space<vmem>>[vector<16xi32>, vector<16xi32>], vector<16xf32>,
      %add3A_383 = arith.addf %gather3A_381, %gather3A_382 : vector<16xf32>
      %gather3A_384 = tpu.vector_load_idx %arg10[%broadcast_in_dim3A_380, %get3A_288] : memref<32x21xf32, #tpu.memory_space<vmem>>[vector<16xi32>, vector<16xi32>], vector<16xf32>,
      %add3A_385 = arith.addf %add3A_383, %gather3A_384 : vector<16xf32>
      %gather3A_386 = tpu.vector_load_idx %arg10[%broadcast_in_dim3A_380, %get3A_296] : memref<32x21xf32, #tpu.memory_space<vmem>>[vector<16xi32>, vector<16xi32>], vector<16xf32>,
      %add3A_387 = arith.addf %add3A_385, %gather3A_386 : vector<16xf32>
      %gather3A_388 = tpu.vector_load_idx %arg10[%broadcast_in_dim3A_380, %get3A_304] : memref<32x21xf32, #tpu.memory_space<vmem>>[vector<16xi32>, vector<16xi32>], vector<16xf32>,
      %add3A_389 = arith.addf %add3A_387, %gather3A_388 : vector<16xf32>
      %gather3A_390 = tpu.vector_load_idx %arg10[%broadcast_in_dim3A_380, %get3A_312] : memref<32x21xf32, #tpu.memory_space<vmem>>[vector<16xi32>, vector<16xi32>], vector<16xf32>,
      %add3A_391 = arith.addf %add3A_389, %gather3A_390 : vector<16xf32>
      %gather3A_392 = tpu.vector_load_idx %arg10[%broadcast_in_dim3A_380, %get3A_320] : memref<32x21xf32, #tpu.memory_space<vmem>>[vector<16xi32>, vector<16xi32>], vector<16xf32>,
      %add3A_393 = arith.addf %add3A_391, %gather3A_392 : vector<16xf32>
      %gather3A_394 = tpu.vector_load_idx %arg10[%broadcast_in_dim3A_380, %get3A_328] : memref<32x21xf32, #tpu.memory_space<vmem>>[vector<16xi32>, vector<16xi32>], vector<16xf32>,
      %add3A_395 = arith.addf %add3A_393, %gather3A_394 : vector<16xf32>
      %mul3A_396 = arith.constant 1.250000e-01 : f32
      %mul3A_397 = vector.broadcast %mul3A_396 : f32 to vector<16xf32>
      %mul3A_398 = arith.mulf %add3A_395, %mul3A_397 : vector<16xf32>
      %mul3A_399 = arith.constant 16 : i32
      %mul3A_400 = arith.muli %scan3A_265, %mul3A_399 : i32
      %swap3A_401 = arith.constant 2 : i32
      %swap3A_402 = arith.index_cast %swap3A_401 : i32 to index
      %swap3A_403 = arith.index_cast %mul3A_400 : i32 to index
      %swap3A_404 = tpu.vector_load %arg11[%swap3A_402, %swap3A_403] {strides = array<i32>} : memref<32x256xf32, #tpu.memory_space<vmem>>, vector<16xf32>,
      tpu.vector_store %arg11[%swap3A_402, %swap3A_403], %mul3A_398 {strides = array<i32>} : memref<32x256xf32, #tpu.memory_space<vmem>>, vector<16xf32>,
      %broadcast_in_dim3A_405 = arith.constant 3 : i32
      %broadcast_in_dim3A_406 = vector.broadcast %broadcast_in_dim3A_405 : i32 to vector<16xi32>
      %gather3A_407 = tpu.vector_load_idx %arg10[%broadcast_in_dim3A_406, %get3A_272] : memref<32x21xf32, #tpu.memory_space<vmem>>[vector<16xi32>, vector<16xi32>], vector<16xf32>,
      %gather3A_408 = tpu.vector_load_idx %arg10[%broadcast_in_dim3A_406, %get3A_280] : memref<32x21xf32, #tpu.memory_space<vmem>>[vector<16xi32>, vector<16xi32>], vector<16xf32>,
      %add3A_409 = arith.addf %gather3A_407, %gather3A_408 : vector<16xf32>
      %gather3A_410 = tpu.vector_load_idx %arg10[%broadcast_in_dim3A_406, %get3A_288] : memref<32x21xf32, #tpu.memory_space<vmem>>[vector<16xi32>, vector<16xi32>], vector<16xf32>,
      %add3A_411 = arith.addf %add3A_409, %gather3A_410 : vector<16xf32>
      %gather3A_412 = tpu.vector_load_idx %arg10[%broadcast_in_dim3A_406, %get3A_296] : memref<32x21xf32, #tpu.memory_space<vmem>>[vector<16xi32>, vector<16xi32>], vector<16xf32>,
      %add3A_413 = arith.addf %add3A_411, %gather3A_412 : vector<16xf32>
      %gather3A_414 = tpu.vector_load_idx %arg10[%broadcast_in_dim3A_406, %get3A_304] : memref<32x21xf32, #tpu.memory_space<vmem>>[vector<16xi32>, vector<16xi32>], vector<16xf32>,
      %add3A_415 = arith.addf %add3A_413, %gather3A_414 : vector<16xf32>
      %gather3A_416 = tpu.vector_load_idx %arg10[%broadcast_in_dim3A_406, %get3A_312] : memref<32x21xf32, #tpu.memory_space<vmem>>[vector<16xi32>, vector<16xi32>], vector<16xf32>,
      %add3A_417 = arith.addf %add3A_415, %gather3A_416 : vector<16xf32>
      %gather3A_418 = tpu.vector_load_idx %arg10[%broadcast_in_dim3A_406, %get3A_320] : memref<32x21xf32, #tpu.memory_space<vmem>>[vector<16xi32>, vector<16xi32>], vector<16xf32>,
      %add3A_419 = arith.addf %add3A_417, %gather3A_418 : vector<16xf32>
      %gather3A_420 = tpu.vector_load_idx %arg10[%broadcast_in_dim3A_406, %get3A_328] : memref<32x21xf32, #tpu.memory_space<vmem>>[vector<16xi32>, vector<16xi32>], vector<16xf32>,
      %add3A_421 = arith.addf %add3A_419, %gather3A_420 : vector<16xf32>
      %mul3A_422 = arith.constant 1.250000e-01 : f32
      %mul3A_423 = vector.broadcast %mul3A_422 : f32 to vector<16xf32>
      %mul3A_424 = arith.mulf %add3A_421, %mul3A_423 : vector<16xf32>
      %mul3A_425 = arith.constant 16 : i32
      %mul3A_426 = arith.muli %scan3A_265, %mul3A_425 : i32
      %swap3A_427 = arith.constant 3 : i32
      %swap3A_428 = arith.index_cast %swap3A_427 : i32 to index
      %swap3A_429 = arith.index_cast %mul3A_426 : i32 to index
      %swap3A_430 = tpu.vector_load %arg11[%swap3A_428, %swap3A_429] {strides = array<i32>} : memref<32x256xf32, #tpu.memory_space<vmem>>, vector<16xf32>,
      tpu.vector_store %arg11[%swap3A_428, %swap3A_429], %mul3A_424 {strides = array<i32>} : memref<32x256xf32, #tpu.memory_space<vmem>>, vector<16xf32>,
      %broadcast_in_dim3A_431 = arith.constant 4 : i32
      %broadcast_in_dim3A_432 = vector.broadcast %broadcast_in_dim3A_431 : i32 to vector<16xi32>
      %gather3A_433 = tpu.vector_load_idx %arg10[%broadcast_in_dim3A_432, %get3A_272] : memref<32x21xf32, #tpu.memory_space<vmem>>[vector<16xi32>, vector<16xi32>], vector<16xf32>,
      %gather3A_434 = tpu.vector_load_idx %arg10[%broadcast_in_dim3A_432, %get3A_280] : memref<32x21xf32, #tpu.memory_space<vmem>>[vector<16xi32>, vector<16xi32>], vector<16xf32>,
      %add3A_435 = arith.addf %gather3A_433, %gather3A_434 : vector<16xf32>
      %gather3A_436 = tpu.vector_load_idx %arg10[%broadcast_in_dim3A_432, %get3A_288] : memref<32x21xf32, #tpu.memory_space<vmem>>[vector<16xi32>, vector<16xi32>], vector<16xf32>,
      %add3A_437 = arith.addf %add3A_435, %gather3A_436 : vector<16xf32>
      %gather3A_438 = tpu.vector_load_idx %arg10[%broadcast_in_dim3A_432, %get3A_296] : memref<32x21xf32, #tpu.memory_space<vmem>>[vector<16xi32>, vector<16xi32>], vector<16xf32>,
      %add3A_439 = arith.addf %add3A_437, %gather3A_438 : vector<16xf32>
      %gather3A_440 = tpu.vector_load_idx %arg10[%broadcast_in_dim3A_432, %get3A_304] : memref<32x21xf32, #tpu.memory_space<vmem>>[vector<16xi32>, vector<16xi32>], vector<16xf32>,
      %add3A_441 = arith.addf %add3A_439, %gather3A_440 : vector<16xf32>
      %gather3A_442 = tpu.vector_load_idx %arg10[%broadcast_in_dim3A_432, %get3A_312] : memref<32x21xf32, #tpu.memory_space<vmem>>[vector<16xi32>, vector<16xi32>], vector<16xf32>,
      %add3A_443 = arith.addf %add3A_441, %gather3A_442 : vector<16xf32>
      %gather3A_444 = tpu.vector_load_idx %arg10[%broadcast_in_dim3A_432, %get3A_320] : memref<32x21xf32, #tpu.memory_space<vmem>>[vector<16xi32>, vector<16xi32>], vector<16xf32>,
      %add3A_445 = arith.addf %add3A_443, %gather3A_444 : vector<16xf32>
      %gather3A_446 = tpu.vector_load_idx %arg10[%broadcast_in_dim3A_432, %get3A_328] : memref<32x21xf32, #tpu.memory_space<vmem>>[vector<16xi32>, vector<16xi32>], vector<16xf32>,
      %add3A_447 = arith.addf %add3A_445, %gather3A_446 : vector<16xf32>
      %mul3A_448 = arith.constant 1.250000e-01 : f32
      %mul3A_449 = vector.broadcast %mul3A_448 : f32 to vector<16xf32>
      %mul3A_450 = arith.mulf %add3A_447, %mul3A_449 : vector<16xf32>
      %mul3A_451 = arith.constant 16 : i32
      %mul3A_452 = arith.muli %scan3A_265, %mul3A_451 : i32
      %swap3A_453 = arith.constant 4 : i32
      %swap3A_454 = arith.index_cast %swap3A_453 : i32 to index
      %swap3A_455 = arith.index_cast %mul3A_452 : i32 to index
      %swap3A_456 = tpu.vector_load %arg11[%swap3A_454, %swap3A_455] {strides = array<i32>} : memref<32x256xf32, #tpu.memory_space<vmem>>, vector<16xf32>,
      tpu.vector_store %arg11[%swap3A_454, %swap3A_455], %mul3A_450 {strides = array<i32>} : memref<32x256xf32, #tpu.memory_space<vmem>>, vector<16xf32>,
      %broadcast_in_dim3A_457 = arith.constant 5 : i32
      %broadcast_in_dim3A_458 = vector.broadcast %broadcast_in_dim3A_457 : i32 to vector<16xi32>
      %gather3A_459 = tpu.vector_load_idx %arg10[%broadcast_in_dim3A_458, %get3A_272] : memref<32x21xf32, #tpu.memory_space<vmem>>[vector<16xi32>, vector<16xi32>], vector<16xf32>,
      %gather3A_460 = tpu.vector_load_idx %arg10[%broadcast_in_dim3A_458, %get3A_280] : memref<32x21xf32, #tpu.memory_space<vmem>>[vector<16xi32>, vector<16xi32>], vector<16xf32>,
      %add3A_461 = arith.addf %gather3A_459, %gather3A_460 : vector<16xf32>
      %gather3A_462 = tpu.vector_load_idx %arg10[%broadcast_in_dim3A_458, %get3A_288] : memref<32x21xf32, #tpu.memory_space<vmem>>[vector<16xi32>, vector<16xi32>], vector<16xf32>,
      %add3A_463 = arith.addf %add3A_461, %gather3A_462 : vector<16xf32>
      %gather3A_464 = tpu.vector_load_idx %arg10[%broadcast_in_dim3A_458, %get3A_296] : memref<32x21xf32, #tpu.memory_space<vmem>>[vector<16xi32>, vector<16xi32>], vector<16xf32>,
      %add3A_465 = arith.addf %add3A_463, %gather3A_464 : vector<16xf32>
      %gather3A_466 = tpu.vector_load_idx %arg10[%broadcast_in_dim3A_458, %get3A_304] : memref<32x21xf32, #tpu.memory_space<vmem>>[vector<16xi32>, vector<16xi32>], vector<16xf32>,
      %add3A_467 = arith.addf %add3A_465, %gather3A_466 : vector<16xf32>
      %gather3A_468 = tpu.vector_load_idx %arg10[%broadcast_in_dim3A_458, %get3A_312] : memref<32x21xf32, #tpu.memory_space<vmem>>[vector<16xi32>, vector<16xi32>], vector<16xf32>,
      %add3A_469 = arith.addf %add3A_467, %gather3A_468 : vector<16xf32>
      %gather3A_470 = tpu.vector_load_idx %arg10[%broadcast_in_dim3A_458, %get3A_320] : memref<32x21xf32, #tpu.memory_space<vmem>>[vector<16xi32>, vector<16xi32>], vector<16xf32>,
      %add3A_471 = arith.addf %add3A_469, %gather3A_470 : vector<16xf32>
      %gather3A_472 = tpu.vector_load_idx %arg10[%broadcast_in_dim3A_458, %get3A_328] : memref<32x21xf32, #tpu.memory_space<vmem>>[vector<16xi32>, vector<16xi32>], vector<16xf32>,
      %add3A_473 = arith.addf %add3A_471, %gather3A_472 : vector<16xf32>
      %mul3A_474 = arith.constant 1.250000e-01 : f32
      %mul3A_475 = vector.broadcast %mul3A_474 : f32 to vector<16xf32>
      %mul3A_476 = arith.mulf %add3A_473, %mul3A_475 : vector<16xf32>
      %mul3A_477 = arith.constant 16 : i32
      %mul3A_478 = arith.muli %scan3A_265, %mul3A_477 : i32
      %swap3A_479 = arith.constant 5 : i32
      %swap3A_480 = arith.index_cast %swap3A_479 : i32 to index
      %swap3A_481 = arith.index_cast %mul3A_478 : i32 to index
      %swap3A_482 = tpu.vector_load %arg11[%swap3A_480, %swap3A_481] {strides = array<i32>} : memref<32x256xf32, #tpu.memory_space<vmem>>, vector<16xf32>,
      tpu.vector_store %arg11[%swap3A_480, %swap3A_481], %mul3A_476 {strides = array<i32>} : memref<32x256xf32, #tpu.memory_space<vmem>>, vector<16xf32>,
      %broadcast_in_dim3A_483 = arith.constant 6 : i32
      %broadcast_in_dim3A_484 = vector.broadcast %broadcast_in_dim3A_483 : i32 to vector<16xi32>
      %gather3A_485 = tpu.vector_load_idx %arg10[%broadcast_in_dim3A_484, %get3A_272] : memref<32x21xf32, #tpu.memory_space<vmem>>[vector<16xi32>, vector<16xi32>], vector<16xf32>,
      %gather3A_486 = tpu.vector_load_idx %arg10[%broadcast_in_dim3A_484, %get3A_280] : memref<32x21xf32, #tpu.memory_space<vmem>>[vector<16xi32>, vector<16xi32>], vector<16xf32>,
      %add3A_487 = arith.addf %gather3A_485, %gather3A_486 : vector<16xf32>
      %gather3A_488 = tpu.vector_load_idx %arg10[%broadcast_in_dim3A_484, %get3A_288] : memref<32x21xf32, #tpu.memory_space<vmem>>[vector<16xi32>, vector<16xi32>], vector<16xf32>,
      %add3A_489 = arith.addf %add3A_487, %gather3A_488 : vector<16xf32>
      %gather3A_490 = tpu.vector_load_idx %arg10[%broadcast_in_dim3A_484, %get3A_296] : memref<32x21xf32, #tpu.memory_space<vmem>>[vector<16xi32>, vector<16xi32>], vector<16xf32>,
      %add3A_491 = arith.addf %add3A_489, %gather3A_490 : vector<16xf32>
      %gather3A_492 = tpu.vector_load_idx %arg10[%broadcast_in_dim3A_484, %get3A_304] : memref<32x21xf32, #tpu.memory_space<vmem>>[vector<16xi32>, vector<16xi32>], vector<16xf32>,
      %add3A_493 = arith.addf %add3A_491, %gather3A_492 : vector<16xf32>
      %gather3A_494 = tpu.vector_load_idx %arg10[%broadcast_in_dim3A_484, %get3A_312] : memref<32x21xf32, #tpu.memory_space<vmem>>[vector<16xi32>, vector<16xi32>], vector<16xf32>,
      %add3A_495 = arith.addf %add3A_493, %gather3A_494 : vector<16xf32>
      %gather3A_496 = tpu.vector_load_idx %arg10[%broadcast_in_dim3A_484, %get3A_320] : memref<32x21xf32, #tpu.memory_space<vmem>>[vector<16xi32>, vector<16xi32>], vector<16xf32>,
      %add3A_497 = arith.addf %add3A_495, %gather3A_496 : vector<16xf32>
      %gather3A_498 = tpu.vector_load_idx %arg10[%broadcast_in_dim3A_484, %get3A_328] : memref<32x21xf32, #tpu.memory_space<vmem>>[vector<16xi32>, vector<16xi32>], vector<16xf32>,
      %add3A_499 = arith.addf %add3A_497, %gather3A_498 : vector<16xf32>
      %mul3A_500 = arith.constant 1.250000e-01 : f32
      %mul3A_501 = vector.broadcast %mul3A_500 : f32 to vector<16xf32>
      %mul3A_502 = arith.mulf %add3A_499, %mul3A_501 : vector<16xf32>
      %mul3A_503 = arith.constant 16 : i32
      %mul3A_504 = arith.muli %scan3A_265, %mul3A_503 : i32
      %swap3A_505 = arith.constant 6 : i32
      %swap3A_506 = arith.index_cast %swap3A_505 : i32 to index
      %swap3A_507 = arith.index_cast %mul3A_504 : i32 to index
      %swap3A_508 = tpu.vector_load %arg11[%swap3A_506, %swap3A_507] {strides = array<i32>} : memref<32x256xf32, #tpu.memory_space<vmem>>, vector<16xf32>,
      tpu.vector_store %arg11[%swap3A_506, %swap3A_507], %mul3A_502 {strides = array<i32>} : memref<32x256xf32, #tpu.memory_space<vmem>>, vector<16xf32>,
      %broadcast_in_dim3A_509 = arith.constant 7 : i32
      %broadcast_in_dim3A_510 = vector.broadcast %broadcast_in_dim3A_509 : i32 to vector<16xi32>
      %gather3A_511 = tpu.vector_load_idx %arg10[%broadcast_in_dim3A_510, %get3A_272] : memref<32x21xf32, #tpu.memory_space<vmem>>[vector<16xi32>, vector<16xi32>], vector<16xf32>,
      %gather3A_512 = tpu.vector_load_idx %arg10[%broadcast_in_dim3A_510, %get3A_280] : memref<32x21xf32, #tpu.memory_space<vmem>>[vector<16xi32>, vector<16xi32>], vector<16xf32>,
      %add3A_513 = arith.addf %gather3A_511, %gather3A_512 : vector<16xf32>
      %gather3A_514 = tpu.vector_load_idx %arg10[%broadcast_in_dim3A_510, %get3A_288] : memref<32x21xf32, #tpu.memory_space<vmem>>[vector<16xi32>, vector<16xi32>], vector<16xf32>,
      %add3A_515 = arith.addf %add3A_513, %gather3A_514 : vector<16xf32>
      %gather3A_516 = tpu.vector_load_idx %arg10[%broadcast_in_dim3A_510, %get3A_296] : memref<32x21xf32, #tpu.memory_space<vmem>>[vector<16xi32>, vector<16xi32>], vector<16xf32>,
      %add3A_517 = arith.addf %add3A_515, %gather3A_516 : vector<16xf32>
      %gather3A_518 = tpu.vector_load_idx %arg10[%broadcast_in_dim3A_510, %get3A_304] : memref<32x21xf32, #tpu.memory_space<vmem>>[vector<16xi32>, vector<16xi32>], vector<16xf32>,
      %add3A_519 = arith.addf %add3A_517, %gather3A_518 : vector<16xf32>
      %gather3A_520 = tpu.vector_load_idx %arg10[%broadcast_in_dim3A_510, %get3A_312] : memref<32x21xf32, #tpu.memory_space<vmem>>[vector<16xi32>, vector<16xi32>], vector<16xf32>,
      %add3A_521 = arith.addf %add3A_519, %gather3A_520 : vector<16xf32>
      %gather3A_522 = tpu.vector_load_idx %arg10[%broadcast_in_dim3A_510, %get3A_320] : memref<32x21xf32, #tpu.memory_space<vmem>>[vector<16xi32>, vector<16xi32>], vector<16xf32>,
      %add3A_523 = arith.addf %add3A_521, %gather3A_522 : vector<16xf32>
      %gather3A_524 = tpu.vector_load_idx %arg10[%broadcast_in_dim3A_510, %get3A_328] : memref<32x21xf32, #tpu.memory_space<vmem>>[vector<16xi32>, vector<16xi32>], vector<16xf32>,
      %add3A_525 = arith.addf %add3A_523, %gather3A_524 : vector<16xf32>
      %mul3A_526 = arith.constant 1.250000e-01 : f32
      %mul3A_527 = vector.broadcast %mul3A_526 : f32 to vector<16xf32>
      %mul3A_528 = arith.mulf %add3A_525, %mul3A_527 : vector<16xf32>
      %mul3A_529 = arith.constant 16 : i32
      %mul3A_530 = arith.muli %scan3A_265, %mul3A_529 : i32
      %swap3A_531 = arith.constant 7 : i32
      %swap3A_532 = arith.index_cast %swap3A_531 : i32 to index
      %swap3A_533 = arith.index_cast %mul3A_530 : i32 to index
      %swap3A_534 = tpu.vector_load %arg11[%swap3A_532, %swap3A_533] {strides = array<i32>} : memref<32x256xf32, #tpu.memory_space<vmem>>, vector<16xf32>,
      tpu.vector_store %arg11[%swap3A_532, %swap3A_533], %mul3A_528 {strides = array<i32>} : memref<32x256xf32, #tpu.memory_space<vmem>>, vector<16xf32>,
      %broadcast_in_dim3A_535 = arith.constant 8 : i32
      %broadcast_in_dim3A_536 = vector.broadcast %broadcast_in_dim3A_535 : i32 to vector<16xi32>
      %gather3A_537 = tpu.vector_load_idx %arg10[%broadcast_in_dim3A_536, %get3A_272] : memref<32x21xf32, #tpu.memory_space<vmem>>[vector<16xi32>, vector<16xi32>], vector<16xf32>,
      %gather3A_538 = tpu.vector_load_idx %arg10[%broadcast_in_dim3A_536, %get3A_280] : memref<32x21xf32, #tpu.memory_space<vmem>>[vector<16xi32>, vector<16xi32>], vector<16xf32>,
      %add3A_539 = arith.addf %gather3A_537, %gather3A_538 : vector<16xf32>
      %gather3A_540 = tpu.vector_load_idx %arg10[%broadcast_in_dim3A_536, %get3A_288] : memref<32x21xf32, #tpu.memory_space<vmem>>[vector<16xi32>, vector<16xi32>], vector<16xf32>,
      %add3A_541 = arith.addf %add3A_539, %gather3A_540 : vector<16xf32>
      %gather3A_542 = tpu.vector_load_idx %arg10[%broadcast_in_dim3A_536, %get3A_296] : memref<32x21xf32, #tpu.memory_space<vmem>>[vector<16xi32>, vector<16xi32>], vector<16xf32>,
      %add3A_543 = arith.addf %add3A_541, %gather3A_542 : vector<16xf32>
      %gather3A_544 = tpu.vector_load_idx %arg10[%broadcast_in_dim3A_536, %get3A_304] : memref<32x21xf32, #tpu.memory_space<vmem>>[vector<16xi32>, vector<16xi32>], vector<16xf32>,
      %add3A_545 = arith.addf %add3A_543, %gather3A_544 : vector<16xf32>
      %gather3A_546 = tpu.vector_load_idx %arg10[%broadcast_in_dim3A_536, %get3A_312] : memref<32x21xf32, #tpu.memory_space<vmem>>[vector<16xi32>, vector<16xi32>], vector<16xf32>,
      %add3A_547 = arith.addf %add3A_545, %gather3A_546 : vector<16xf32>
      %gather3A_548 = tpu.vector_load_idx %arg10[%broadcast_in_dim3A_536, %get3A_320] : memref<32x21xf32, #tpu.memory_space<vmem>>[vector<16xi32>, vector<16xi32>], vector<16xf32>,
      %add3A_549 = arith.addf %add3A_547, %gather3A_548 : vector<16xf32>
      %gather3A_550 = tpu.vector_load_idx %arg10[%broadcast_in_dim3A_536, %get3A_328] : memref<32x21xf32, #tpu.memory_space<vmem>>[vector<16xi32>, vector<16xi32>], vector<16xf32>,
      %add3A_551 = arith.addf %add3A_549, %gather3A_550 : vector<16xf32>
      %mul3A_552 = arith.constant 1.250000e-01 : f32
      %mul3A_553 = vector.broadcast %mul3A_552 : f32 to vector<16xf32>
      %mul3A_554 = arith.mulf %add3A_551, %mul3A_553 : vector<16xf32>
      %mul3A_555 = arith.constant 16 : i32
      %mul3A_556 = arith.muli %scan3A_265, %mul3A_555 : i32
      %swap3A_557 = arith.constant 8 : i32
      %swap3A_558 = arith.index_cast %swap3A_557 : i32 to index
      %swap3A_559 = arith.index_cast %mul3A_556 : i32 to index
      %swap3A_560 = tpu.vector_load %arg11[%swap3A_558, %swap3A_559] {strides = array<i32>} : memref<32x256xf32, #tpu.memory_space<vmem>>, vector<16xf32>,
      tpu.vector_store %arg11[%swap3A_558, %swap3A_559], %mul3A_554 {strides = array<i32>} : memref<32x256xf32, #tpu.memory_space<vmem>>, vector<16xf32>,
      %broadcast_in_dim3A_561 = arith.constant 9 : i32
      %broadcast_in_dim3A_562 = vector.broadcast %broadcast_in_dim3A_561 : i32 to vector<16xi32>
      %gather3A_563 = tpu.vector_load_idx %arg10[%broadcast_in_dim3A_562, %get3A_272] : memref<32x21xf32, #tpu.memory_space<vmem>>[vector<16xi32>, vector<16xi32>], vector<16xf32>,
      %gather3A_564 = tpu.vector_load_idx %arg10[%broadcast_in_dim3A_562, %get3A_280] : memref<32x21xf32, #tpu.memory_space<vmem>>[vector<16xi32>, vector<16xi32>], vector<16xf32>,
      %add3A_565 = arith.addf %gather3A_563, %gather3A_564 : vector<16xf32>
      %gather3A_566 = tpu.vector_load_idx %arg10[%broadcast_in_dim3A_562, %get3A_288] : memref<32x21xf32, #tpu.memory_space<vmem>>[vector<16xi32>, vector<16xi32>], vector<16xf32>,
      %add3A_567 = arith.addf %add3A_565, %gather3A_566 : vector<16xf32>
      %gather3A_568 = tpu.vector_load_idx %arg10[%broadcast_in_dim3A_562, %get3A_296] : memref<32x21xf32, #tpu.memory_space<vmem>>[vector<16xi32>, vector<16xi32>], vector<16xf32>,
      %add3A_569 = arith.addf %add3A_567, %gather3A_568 : vector<16xf32>
      %gather3A_570 = tpu.vector_load_idx %arg10[%broadcast_in_dim3A_562, %get3A_304] : memref<32x21xf32, #tpu.memory_space<vmem>>[vector<16xi32>, vector<16xi32>], vector<16xf32>,
      %add3A_571 = arith.addf %add3A_569, %gather3A_570 : vector<16xf32>
      %gather3A_572 = tpu.vector_load_idx %arg10[%broadcast_in_dim3A_562, %get3A_312] : memref<32x21xf32, #tpu.memory_space<vmem>>[vector<16xi32>, vector<16xi32>], vector<16xf32>,
      %add3A_573 = arith.addf %add3A_571, %gather3A_572 : vector<16xf32>
      %gather3A_574 = tpu.vector_load_idx %arg10[%broadcast_in_dim3A_562, %get3A_320] : memref<32x21xf32, #tpu.memory_space<vmem>>[vector<16xi32>, vector<16xi32>], vector<16xf32>,
      %add3A_575 = arith.addf %add3A_573, %gather3A_574 : vector<16xf32>
      %gather3A_576 = tpu.vector_load_idx %arg10[%broadcast_in_dim3A_562, %get3A_328] : memref<32x21xf32, #tpu.memory_space<vmem>>[vector<16xi32>, vector<16xi32>], vector<16xf32>,
      %add3A_577 = arith.addf %add3A_575, %gather3A_576 : vector<16xf32>
      %mul3A_578 = arith.constant 1.250000e-01 : f32
      %mul3A_579 = vector.broadcast %mul3A_578 : f32 to vector<16xf32>
      %mul3A_580 = arith.mulf %add3A_577, %mul3A_579 : vector<16xf32>
      %mul3A_581 = arith.constant 16 : i32
      %mul3A_582 = arith.muli %scan3A_265, %mul3A_581 : i32
      %swap3A_583 = arith.constant 9 : i32
      %swap3A_584 = arith.index_cast %swap3A_583 : i32 to index
      %swap3A_585 = arith.index_cast %mul3A_582 : i32 to index
      %swap3A_586 = tpu.vector_load %arg11[%swap3A_584, %swap3A_585] {strides = array<i32>} : memref<32x256xf32, #tpu.memory_space<vmem>>, vector<16xf32>,
      tpu.vector_store %arg11[%swap3A_584, %swap3A_585], %mul3A_580 {strides = array<i32>} : memref<32x256xf32, #tpu.memory_space<vmem>>, vector<16xf32>,
      %broadcast_in_dim3A_587 = arith.constant 10 : i32
      %broadcast_in_dim3A_588 = vector.broadcast %broadcast_in_dim3A_587 : i32 to vector<16xi32>
      %gather3A_589 = tpu.vector_load_idx %arg10[%broadcast_in_dim3A_588, %get3A_272] : memref<32x21xf32, #tpu.memory_space<vmem>>[vector<16xi32>, vector<16xi32>], vector<16xf32>,
      %gather3A_590 = tpu.vector_load_idx %arg10[%broadcast_in_dim3A_588, %get3A_280] : memref<32x21xf32, #tpu.memory_space<vmem>>[vector<16xi32>, vector<16xi32>], vector<16xf32>,
      %add3A_591 = arith.addf %gather3A_589, %gather3A_590 : vector<16xf32>
      %gather3A_592 = tpu.vector_load_idx %arg10[%broadcast_in_dim3A_588, %get3A_288] : memref<32x21xf32, #tpu.memory_space<vmem>>[vector<16xi32>, vector<16xi32>], vector<16xf32>,
      %add3A_593 = arith.addf %add3A_591, %gather3A_592 : vector<16xf32>
      %gather3A_594 = tpu.vector_load_idx %arg10[%broadcast_in_dim3A_588, %get3A_296] : memref<32x21xf32, #tpu.memory_space<vmem>>[vector<16xi32>, vector<16xi32>], vector<16xf32>,
      %add3A_595 = arith.addf %add3A_593, %gather3A_594 : vector<16xf32>
      %gather3A_596 = tpu.vector_load_idx %arg10[%broadcast_in_dim3A_588, %get3A_304] : memref<32x21xf32, #tpu.memory_space<vmem>>[vector<16xi32>, vector<16xi32>], vector<16xf32>,
      %add3A_597 = arith.addf %add3A_595, %gather3A_596 : vector<16xf32>
      %gather3A_598 = tpu.vector_load_idx %arg10[%broadcast_in_dim3A_588, %get3A_312] : memref<32x21xf32, #tpu.memory_space<vmem>>[vector<16xi32>, vector<16xi32>], vector<16xf32>,
      %add3A_599 = arith.addf %add3A_597, %gather3A_598 : vector<16xf32>
      %gather3A_600 = tpu.vector_load_idx %arg10[%broadcast_in_dim3A_588, %get3A_320] : memref<32x21xf32, #tpu.memory_space<vmem>>[vector<16xi32>, vector<16xi32>], vector<16xf32>,
      %add3A_601 = arith.addf %add3A_599, %gather3A_600 : vector<16xf32>
      %gather3A_602 = tpu.vector_load_idx %arg10[%broadcast_in_dim3A_588, %get3A_328] : memref<32x21xf32, #tpu.memory_space<vmem>>[vector<16xi32>, vector<16xi32>], vector<16xf32>,
      %add3A_603 = arith.addf %add3A_601, %gather3A_602 : vector<16xf32>
      %mul3A_604 = arith.constant 1.250000e-01 : f32
      %mul3A_605 = vector.broadcast %mul3A_604 : f32 to vector<16xf32>
      %mul3A_606 = arith.mulf %add3A_603, %mul3A_605 : vector<16xf32>
      %mul3A_607 = arith.constant 16 : i32
      %mul3A_608 = arith.muli %scan3A_265, %mul3A_607 : i32
      %swap3A_609 = arith.constant 10 : i32
      %swap3A_610 = arith.index_cast %swap3A_609 : i32 to index
      %swap3A_611 = arith.index_cast %mul3A_608 : i32 to index
      %swap3A_612 = tpu.vector_load %arg11[%swap3A_610, %swap3A_611] {strides = array<i32>} : memref<32x256xf32, #tpu.memory_space<vmem>>, vector<16xf32>,
      tpu.vector_store %arg11[%swap3A_610, %swap3A_611], %mul3A_606 {strides = array<i32>} : memref<32x256xf32, #tpu.memory_space<vmem>>, vector<16xf32>,
      %broadcast_in_dim3A_613 = arith.constant 11 : i32
      %broadcast_in_dim3A_614 = vector.broadcast %broadcast_in_dim3A_613 : i32 to vector<16xi32>
      %gather3A_615 = tpu.vector_load_idx %arg10[%broadcast_in_dim3A_614, %get3A_272] : memref<32x21xf32, #tpu.memory_space<vmem>>[vector<16xi32>, vector<16xi32>], vector<16xf32>,
      %gather3A_616 = tpu.vector_load_idx %arg10[%broadcast_in_dim3A_614, %get3A_280] : memref<32x21xf32, #tpu.memory_space<vmem>>[vector<16xi32>, vector<16xi32>], vector<16xf32>,
      %add3A_617 = arith.addf %gather3A_615, %gather3A_616 : vector<16xf32>
      %gather3A_618 = tpu.vector_load_idx %arg10[%broadcast_in_dim3A_614, %get3A_288] : memref<32x21xf32, #tpu.memory_space<vmem>>[vector<16xi32>, vector<16xi32>], vector<16xf32>,
      %add3A_619 = arith.addf %add3A_617, %gather3A_618 : vector<16xf32>
      %gather3A_620 = tpu.vector_load_idx %arg10[%broadcast_in_dim3A_614, %get3A_296] : memref<32x21xf32, #tpu.memory_space<vmem>>[vector<16xi32>, vector<16xi32>], vector<16xf32>,
      %add3A_621 = arith.addf %add3A_619, %gather3A_620 : vector<16xf32>
      %gather3A_622 = tpu.vector_load_idx %arg10[%broadcast_in_dim3A_614, %get3A_304] : memref<32x21xf32, #tpu.memory_space<vmem>>[vector<16xi32>, vector<16xi32>], vector<16xf32>,
      %add3A_623 = arith.addf %add3A_621, %gather3A_622 : vector<16xf32>
      %gather3A_624 = tpu.vector_load_idx %arg10[%broadcast_in_dim3A_614, %get3A_312] : memref<32x21xf32, #tpu.memory_space<vmem>>[vector<16xi32>, vector<16xi32>], vector<16xf32>,
      %add3A_625 = arith.addf %add3A_623, %gather3A_624 : vector<16xf32>
      %gather3A_626 = tpu.vector_load_idx %arg10[%broadcast_in_dim3A_614, %get3A_320] : memref<32x21xf32, #tpu.memory_space<vmem>>[vector<16xi32>, vector<16xi32>], vector<16xf32>,
      %add3A_627 = arith.addf %add3A_625, %gather3A_626 : vector<16xf32>
      %gather3A_628 = tpu.vector_load_idx %arg10[%broadcast_in_dim3A_614, %get3A_328] : memref<32x21xf32, #tpu.memory_space<vmem>>[vector<16xi32>, vector<16xi32>], vector<16xf32>,
      %add3A_629 = arith.addf %add3A_627, %gather3A_628 : vector<16xf32>
      %mul3A_630 = arith.constant 1.250000e-01 : f32
      %mul3A_631 = vector.broadcast %mul3A_630 : f32 to vector<16xf32>
      %mul3A_632 = arith.mulf %add3A_629, %mul3A_631 : vector<16xf32>
      %mul3A_633 = arith.constant 16 : i32
      %mul3A_634 = arith.muli %scan3A_265, %mul3A_633 : i32
      %swap3A_635 = arith.constant 11 : i32
      %swap3A_636 = arith.index_cast %swap3A_635 : i32 to index
      %swap3A_637 = arith.index_cast %mul3A_634 : i32 to index
      %swap3A_638 = tpu.vector_load %arg11[%swap3A_636, %swap3A_637] {strides = array<i32>} : memref<32x256xf32, #tpu.memory_space<vmem>>, vector<16xf32>,
      tpu.vector_store %arg11[%swap3A_636, %swap3A_637], %mul3A_632 {strides = array<i32>} : memref<32x256xf32, #tpu.memory_space<vmem>>, vector<16xf32>,
      %broadcast_in_dim3A_639 = arith.constant 12 : i32
      %broadcast_in_dim3A_640 = vector.broadcast %broadcast_in_dim3A_639 : i32 to vector<16xi32>
      %gather3A_641 = tpu.vector_load_idx %arg10[%broadcast_in_dim3A_640, %get3A_272] : memref<32x21xf32, #tpu.memory_space<vmem>>[vector<16xi32>, vector<16xi32>], vector<16xf32>,
      %gather3A_642 = tpu.vector_load_idx %arg10[%broadcast_in_dim3A_640, %get3A_280] : memref<32x21xf32, #tpu.memory_space<vmem>>[vector<16xi32>, vector<16xi32>], vector<16xf32>,
      %add3A_643 = arith.addf %gather3A_641, %gather3A_642 : vector<16xf32>
      %gather3A_644 = tpu.vector_load_idx %arg10[%broadcast_in_dim3A_640, %get3A_288] : memref<32x21xf32, #tpu.memory_space<vmem>>[vector<16xi32>, vector<16xi32>], vector<16xf32>,
      %add3A_645 = arith.addf %add3A_643, %gather3A_644 : vector<16xf32>
      %gather3A_646 = tpu.vector_load_idx %arg10[%broadcast_in_dim3A_640, %get3A_296] : memref<32x21xf32, #tpu.memory_space<vmem>>[vector<16xi32>, vector<16xi32>], vector<16xf32>,
      %add3A_647 = arith.addf %add3A_645, %gather3A_646 : vector<16xf32>
      %gather3A_648 = tpu.vector_load_idx %arg10[%broadcast_in_dim3A_640, %get3A_304] : memref<32x21xf32, #tpu.memory_space<vmem>>[vector<16xi32>, vector<16xi32>], vector<16xf32>,
      %add3A_649 = arith.addf %add3A_647, %gather3A_648 : vector<16xf32>
      %gather3A_650 = tpu.vector_load_idx %arg10[%broadcast_in_dim3A_640, %get3A_312] : memref<32x21xf32, #tpu.memory_space<vmem>>[vector<16xi32>, vector<16xi32>], vector<16xf32>,
      %add3A_651 = arith.addf %add3A_649, %gather3A_650 : vector<16xf32>
      %gather3A_652 = tpu.vector_load_idx %arg10[%broadcast_in_dim3A_640, %get3A_320] : memref<32x21xf32, #tpu.memory_space<vmem>>[vector<16xi32>, vector<16xi32>], vector<16xf32>,
      %add3A_653 = arith.addf %add3A_651, %gather3A_652 : vector<16xf32>
      %gather3A_654 = tpu.vector_load_idx %arg10[%broadcast_in_dim3A_640, %get3A_328] : memref<32x21xf32, #tpu.memory_space<vmem>>[vector<16xi32>, vector<16xi32>], vector<16xf32>,
      %add3A_655 = arith.addf %add3A_653, %gather3A_654 : vector<16xf32>
      %mul3A_656 = arith.constant 1.250000e-01 : f32
      %mul3A_657 = vector.broadcast %mul3A_656 : f32 to vector<16xf32>
      %mul3A_658 = arith.mulf %add3A_655, %mul3A_657 : vector<16xf32>
      %mul3A_659 = arith.constant 16 : i32
      %mul3A_660 = arith.muli %scan3A_265, %mul3A_659 : i32
      %swap3A_661 = arith.constant 12 : i32
      %swap3A_662 = arith.index_cast %swap3A_661 : i32 to index
      %swap3A_663 = arith.index_cast %mul3A_660 : i32 to index
      %swap3A_664 = tpu.vector_load %arg11[%swap3A_662, %swap3A_663] {strides = array<i32>} : memref<32x256xf32, #tpu.memory_space<vmem>>, vector<16xf32>,
      tpu.vector_store %arg11[%swap3A_662, %swap3A_663], %mul3A_658 {strides = array<i32>} : memref<32x256xf32, #tpu.memory_space<vmem>>, vector<16xf32>,
      %broadcast_in_dim3A_665 = arith.constant 13 : i32
      %broadcast_in_dim3A_666 = vector.broadcast %broadcast_in_dim3A_665 : i32 to vector<16xi32>
      %gather3A_667 = tpu.vector_load_idx %arg10[%broadcast_in_dim3A_666, %get3A_272] : memref<32x21xf32, #tpu.memory_space<vmem>>[vector<16xi32>, vector<16xi32>], vector<16xf32>,
      %gather3A_668 = tpu.vector_load_idx %arg10[%broadcast_in_dim3A_666, %get3A_280] : memref<32x21xf32, #tpu.memory_space<vmem>>[vector<16xi32>, vector<16xi32>], vector<16xf32>,
      %add3A_669 = arith.addf %gather3A_667, %gather3A_668 : vector<16xf32>
      %gather3A_670 = tpu.vector_load_idx %arg10[%broadcast_in_dim3A_666, %get3A_288] : memref<32x21xf32, #tpu.memory_space<vmem>>[vector<16xi32>, vector<16xi32>], vector<16xf32>,
      %add3A_671 = arith.addf %add3A_669, %gather3A_670 : vector<16xf32>
      %gather3A_672 = tpu.vector_load_idx %arg10[%broadcast_in_dim3A_666, %get3A_296] : memref<32x21xf32, #tpu.memory_space<vmem>>[vector<16xi32>, vector<16xi32>], vector<16xf32>,
      %add3A_673 = arith.addf %add3A_671, %gather3A_672 : vector<16xf32>
      %gather3A_674 = tpu.vector_load_idx %arg10[%broadcast_in_dim3A_666, %get3A_304] : memref<32x21xf32, #tpu.memory_space<vmem>>[vector<16xi32>, vector<16xi32>], vector<16xf32>,
      %add3A_675 = arith.addf %add3A_673, %gather3A_674 : vector<16xf32>
      %gather3A_676 = tpu.vector_load_idx %arg10[%broadcast_in_dim3A_666, %get3A_312] : memref<32x21xf32, #tpu.memory_space<vmem>>[vector<16xi32>, vector<16xi32>], vector<16xf32>,
      %add3A_677 = arith.addf %add3A_675, %gather3A_676 : vector<16xf32>
      %gather3A_678 = tpu.vector_load_idx %arg10[%broadcast_in_dim3A_666, %get3A_320] : memref<32x21xf32, #tpu.memory_space<vmem>>[vector<16xi32>, vector<16xi32>], vector<16xf32>,
      %add3A_679 = arith.addf %add3A_677, %gather3A_678 : vector<16xf32>
      %gather3A_680 = tpu.vector_load_idx %arg10[%broadcast_in_dim3A_666, %get3A_328] : memref<32x21xf32, #tpu.memory_space<vmem>>[vector<16xi32>, vector<16xi32>], vector<16xf32>,
      %add3A_681 = arith.addf %add3A_679, %gather3A_680 : vector<16xf32>
      %mul3A_682 = arith.constant 1.250000e-01 : f32
      %mul3A_683 = vector.broadcast %mul3A_682 : f32 to vector<16xf32>
      %mul3A_684 = arith.mulf %add3A_681, %mul3A_683 : vector<16xf32>
      %mul3A_685 = arith.constant 16 : i32
      %mul3A_686 = arith.muli %scan3A_265, %mul3A_685 : i32
      %swap3A_687 = arith.constant 13 : i32
      %swap3A_688 = arith.index_cast %swap3A_687 : i32 to index
      %swap3A_689 = arith.index_cast %mul3A_686 : i32 to index
      %swap3A_690 = tpu.vector_load %arg11[%swap3A_688, %swap3A_689] {strides = array<i32>} : memref<32x256xf32, #tpu.memory_space<vmem>>, vector<16xf32>,
      tpu.vector_store %arg11[%swap3A_688, %swap3A_689], %mul3A_684 {strides = array<i32>} : memref<32x256xf32, #tpu.memory_space<vmem>>, vector<16xf32>,
      %broadcast_in_dim3A_691 = arith.constant 14 : i32
      %broadcast_in_dim3A_692 = vector.broadcast %broadcast_in_dim3A_691 : i32 to vector<16xi32>
      %gather3A_693 = tpu.vector_load_idx %arg10[%broadcast_in_dim3A_692, %get3A_272] : memref<32x21xf32, #tpu.memory_space<vmem>>[vector<16xi32>, vector<16xi32>], vector<16xf32>,
      %gather3A_694 = tpu.vector_load_idx %arg10[%broadcast_in_dim3A_692, %get3A_280] : memref<32x21xf32, #tpu.memory_space<vmem>>[vector<16xi32>, vector<16xi32>], vector<16xf32>,
      %add3A_695 = arith.addf %gather3A_693, %gather3A_694 : vector<16xf32>
      %gather3A_696 = tpu.vector_load_idx %arg10[%broadcast_in_dim3A_692, %get3A_288] : memref<32x21xf32, #tpu.memory_space<vmem>>[vector<16xi32>, vector<16xi32>], vector<16xf32>,
      %add3A_697 = arith.addf %add3A_695, %gather3A_696 : vector<16xf32>
      %gather3A_698 = tpu.vector_load_idx %arg10[%broadcast_in_dim3A_692, %get3A_296] : memref<32x21xf32, #tpu.memory_space<vmem>>[vector<16xi32>, vector<16xi32>], vector<16xf32>,
      %add3A_699 = arith.addf %add3A_697, %gather3A_698 : vector<16xf32>
      %gather3A_700 = tpu.vector_load_idx %arg10[%broadcast_in_dim3A_692, %get3A_304] : memref<32x21xf32, #tpu.memory_space<vmem>>[vector<16xi32>, vector<16xi32>], vector<16xf32>,
      %add3A_701 = arith.addf %add3A_699, %gather3A_700 : vector<16xf32>
      %gather3A_702 = tpu.vector_load_idx %arg10[%broadcast_in_dim3A_692, %get3A_312] : memref<32x21xf32, #tpu.memory_space<vmem>>[vector<16xi32>, vector<16xi32>], vector<16xf32>,
      %add3A_703 = arith.addf %add3A_701, %gather3A_702 : vector<16xf32>
      %gather3A_704 = tpu.vector_load_idx %arg10[%broadcast_in_dim3A_692, %get3A_320] : memref<32x21xf32, #tpu.memory_space<vmem>>[vector<16xi32>, vector<16xi32>], vector<16xf32>,
      %add3A_705 = arith.addf %add3A_703, %gather3A_704 : vector<16xf32>
      %gather3A_706 = tpu.vector_load_idx %arg10[%broadcast_in_dim3A_692, %get3A_328] : memref<32x21xf32, #tpu.memory_space<vmem>>[vector<16xi32>, vector<16xi32>], vector<16xf32>,
      %add3A_707 = arith.addf %add3A_705, %gather3A_706 : vector<16xf32>
      %mul3A_708 = arith.constant 1.250000e-01 : f32
      %mul3A_709 = vector.broadcast %mul3A_708 : f32 to vector<16xf32>
      %mul3A_710 = arith.mulf %add3A_707, %mul3A_709 : vector<16xf32>
      %mul3A_711 = arith.constant 16 : i32
      %mul3A_712 = arith.muli %scan3A_265, %mul3A_711 : i32
      %swap3A_713 = arith.constant 14 : i32
      %swap3A_714 = arith.index_cast %swap3A_713 : i32 to index
      %swap3A_715 = arith.index_cast %mul3A_712 : i32 to index
      %swap3A_716 = tpu.vector_load %arg11[%swap3A_714, %swap3A_715] {strides = array<i32>} : memref<32x256xf32, #tpu.memory_space<vmem>>, vector<16xf32>,
      tpu.vector_store %arg11[%swap3A_714, %swap3A_715], %mul3A_710 {strides = array<i32>} : memref<32x256xf32, #tpu.memory_space<vmem>>, vector<16xf32>,
      %broadcast_in_dim3A_717 = arith.constant 15 : i32
      %broadcast_in_dim3A_718 = vector.broadcast %broadcast_in_dim3A_717 : i32 to vector<16xi32>
      %gather3A_719 = tpu.vector_load_idx %arg10[%broadcast_in_dim3A_718, %get3A_272] : memref<32x21xf32, #tpu.memory_space<vmem>>[vector<16xi32>, vector<16xi32>], vector<16xf32>,
      %gather3A_720 = tpu.vector_load_idx %arg10[%broadcast_in_dim3A_718, %get3A_280] : memref<32x21xf32, #tpu.memory_space<vmem>>[vector<16xi32>, vector<16xi32>], vector<16xf32>,
      %add3A_721 = arith.addf %gather3A_719, %gather3A_720 : vector<16xf32>
      %gather3A_722 = tpu.vector_load_idx %arg10[%broadcast_in_dim3A_718, %get3A_288] : memref<32x21xf32, #tpu.memory_space<vmem>>[vector<16xi32>, vector<16xi32>], vector<16xf32>,
      %add3A_723 = arith.addf %add3A_721, %gather3A_722 : vector<16xf32>
      %gather3A_724 = tpu.vector_load_idx %arg10[%broadcast_in_dim3A_718, %get3A_296] : memref<32x21xf32, #tpu.memory_space<vmem>>[vector<16xi32>, vector<16xi32>], vector<16xf32>,
      %add3A_725 = arith.addf %add3A_723, %gather3A_724 : vector<16xf32>
      %gather3A_726 = tpu.vector_load_idx %arg10[%broadcast_in_dim3A_718, %get3A_304] : memref<32x21xf32, #tpu.memory_space<vmem>>[vector<16xi32>, vector<16xi32>], vector<16xf32>,
      %add3A_727 = arith.addf %add3A_725, %gather3A_726 : vector<16xf32>
      %gather3A_728 = tpu.vector_load_idx %arg10[%broadcast_in_dim3A_718, %get3A_312] : memref<32x21xf32, #tpu.memory_space<vmem>>[vector<16xi32>, vector<16xi32>], vector<16xf32>,
      %add3A_729 = arith.addf %add3A_727, %gather3A_728 : vector<16xf32>
      %gather3A_730 = tpu.vector_load_idx %arg10[%broadcast_in_dim3A_718, %get3A_320] : memref<32x21xf32, #tpu.memory_space<vmem>>[vector<16xi32>, vector<16xi32>], vector<16xf32>,
      %add3A_731 = arith.addf %add3A_729, %gather3A_730 : vector<16xf32>
      %gather3A_732 = tpu.vector_load_idx %arg10[%broadcast_in_dim3A_718, %get3A_328] : memref<32x21xf32, #tpu.memory_space<vmem>>[vector<16xi32>, vector<16xi32>], vector<16xf32>,
      %add3A_733 = arith.addf %add3A_731, %gather3A_732 : vector<16xf32>
      %mul3A_734 = arith.constant 1.250000e-01 : f32
      %mul3A_735 = vector.broadcast %mul3A_734 : f32 to vector<16xf32>
      %mul3A_736 = arith.mulf %add3A_733, %mul3A_735 : vector<16xf32>
      %mul3A_737 = arith.constant 16 : i32
      %mul3A_738 = arith.muli %scan3A_265, %mul3A_737 : i32
      %swap3A_739 = arith.constant 15 : i32
      %swap3A_740 = arith.index_cast %swap3A_739 : i32 to index
      %swap3A_741 = arith.index_cast %mul3A_738 : i32 to index
      %swap3A_742 = tpu.vector_load %arg11[%swap3A_740, %swap3A_741] {strides = array<i32>} : memref<32x256xf32, #tpu.memory_space<vmem>>, vector<16xf32>,
      tpu.vector_store %arg11[%swap3A_740, %swap3A_741], %mul3A_736 {strides = array<i32>} : memref<32x256xf32, #tpu.memory_space<vmem>>, vector<16xf32>,
      %broadcast_in_dim3A_743 = arith.constant 16 : i32
      %broadcast_in_dim3A_744 = vector.broadcast %broadcast_in_dim3A_743 : i32 to vector<16xi32>
      %gather3A_745 = tpu.vector_load_idx %arg10[%broadcast_in_dim3A_744, %get3A_272] : memref<32x21xf32, #tpu.memory_space<vmem>>[vector<16xi32>, vector<16xi32>], vector<16xf32>,
      %gather3A_746 = tpu.vector_load_idx %arg10[%broadcast_in_dim3A_744, %get3A_280] : memref<32x21xf32, #tpu.memory_space<vmem>>[vector<16xi32>, vector<16xi32>], vector<16xf32>,
      %add3A_747 = arith.addf %gather3A_745, %gather3A_746 : vector<16xf32>
      %gather3A_748 = tpu.vector_load_idx %arg10[%broadcast_in_dim3A_744, %get3A_288] : memref<32x21xf32, #tpu.memory_space<vmem>>[vector<16xi32>, vector<16xi32>], vector<16xf32>,
      %add3A_749 = arith.addf %add3A_747, %gather3A_748 : vector<16xf32>
      %gather3A_750 = tpu.vector_load_idx %arg10[%broadcast_in_dim3A_744, %get3A_296] : memref<32x21xf32, #tpu.memory_space<vmem>>[vector<16xi32>, vector<16xi32>], vector<16xf32>,
      %add3A_751 = arith.addf %add3A_749, %gather3A_750 : vector<16xf32>
      %gather3A_752 = tpu.vector_load_idx %arg10[%broadcast_in_dim3A_744, %get3A_304] : memref<32x21xf32, #tpu.memory_space<vmem>>[vector<16xi32>, vector<16xi32>], vector<16xf32>,
      %add3A_753 = arith.addf %add3A_751, %gather3A_752 : vector<16xf32>
      %gather3A_754 = tpu.vector_load_idx %arg10[%broadcast_in_dim3A_744, %get3A_312] : memref<32x21xf32, #tpu.memory_space<vmem>>[vector<16xi32>, vector<16xi32>], vector<16xf32>,
      %add3A_755 = arith.addf %add3A_753, %gather3A_754 : vector<16xf32>
      %gather3A_756 = tpu.vector_load_idx %arg10[%broadcast_in_dim3A_744, %get3A_320] : memref<32x21xf32, #tpu.memory_space<vmem>>[vector<16xi32>, vector<16xi32>], vector<16xf32>,
      %add3A_757 = arith.addf %add3A_755, %gather3A_756 : vector<16xf32>
      %gather3A_758 = tpu.vector_load_idx %arg10[%broadcast_in_dim3A_744, %get3A_328] : memref<32x21xf32, #tpu.memory_space<vmem>>[vector<16xi32>, vector<16xi32>], vector<16xf32>,
      %add3A_759 = arith.addf %add3A_757, %gather3A_758 : vector<16xf32>
      %mul3A_760 = arith.constant 1.250000e-01 : f32
      %mul3A_761 = vector.broadcast %mul3A_760 : f32 to vector<16xf32>
      %mul3A_762 = arith.mulf %add3A_759, %mul3A_761 : vector<16xf32>
      %mul3A_763 = arith.constant 16 : i32
      %mul3A_764 = arith.muli %scan3A_265, %mul3A_763 : i32
      %swap3A_765 = arith.constant 16 : i32
      %swap3A_766 = arith.index_cast %swap3A_765 : i32 to index
      %swap3A_767 = arith.index_cast %mul3A_764 : i32 to index
      %swap3A_768 = tpu.vector_load %arg11[%swap3A_766, %swap3A_767] {strides = array<i32>} : memref<32x256xf32, #tpu.memory_space<vmem>>, vector<16xf32>,
      tpu.vector_store %arg11[%swap3A_766, %swap3A_767], %mul3A_762 {strides = array<i32>} : memref<32x256xf32, #tpu.memory_space<vmem>>, vector<16xf32>,
      %broadcast_in_dim3A_769 = arith.constant 17 : i32
      %broadcast_in_dim3A_770 = vector.broadcast %broadcast_in_dim3A_769 : i32 to vector<16xi32>
      %gather3A_771 = tpu.vector_load_idx %arg10[%broadcast_in_dim3A_770, %get3A_272] : memref<32x21xf32, #tpu.memory_space<vmem>>[vector<16xi32>, vector<16xi32>], vector<16xf32>,
      %gather3A_772 = tpu.vector_load_idx %arg10[%broadcast_in_dim3A_770, %get3A_280] : memref<32x21xf32, #tpu.memory_space<vmem>>[vector<16xi32>, vector<16xi32>], vector<16xf32>,
      %add3A_773 = arith.addf %gather3A_771, %gather3A_772 : vector<16xf32>
      %gather3A_774 = tpu.vector_load_idx %arg10[%broadcast_in_dim3A_770, %get3A_288] : memref<32x21xf32, #tpu.memory_space<vmem>>[vector<16xi32>, vector<16xi32>], vector<16xf32>,
      %add3A_775 = arith.addf %add3A_773, %gather3A_774 : vector<16xf32>
      %gather3A_776 = tpu.vector_load_idx %arg10[%broadcast_in_dim3A_770, %get3A_296] : memref<32x21xf32, #tpu.memory_space<vmem>>[vector<16xi32>, vector<16xi32>], vector<16xf32>,
      %add3A_777 = arith.addf %add3A_775, %gather3A_776 : vector<16xf32>
      %gather3A_778 = tpu.vector_load_idx %arg10[%broadcast_in_dim3A_770, %get3A_304] : memref<32x21xf32, #tpu.memory_space<vmem>>[vector<16xi32>, vector<16xi32>], vector<16xf32>,
      %add3A_779 = arith.addf %add3A_777, %gather3A_778 : vector<16xf32>
      %gather3A_780 = tpu.vector_load_idx %arg10[%broadcast_in_dim3A_770, %get3A_312] : memref<32x21xf32, #tpu.memory_space<vmem>>[vector<16xi32>, vector<16xi32>], vector<16xf32>,
      %add3A_781 = arith.addf %add3A_779, %gather3A_780 : vector<16xf32>
      %gather3A_782 = tpu.vector_load_idx %arg10[%broadcast_in_dim3A_770, %get3A_320] : memref<32x21xf32, #tpu.memory_space<vmem>>[vector<16xi32>, vector<16xi32>], vector<16xf32>,
      %add3A_783 = arith.addf %add3A_781, %gather3A_782 : vector<16xf32>
      %gather3A_784 = tpu.vector_load_idx %arg10[%broadcast_in_dim3A_770, %get3A_328] : memref<32x21xf32, #tpu.memory_space<vmem>>[vector<16xi32>, vector<16xi32>], vector<16xf32>,
      %add3A_785 = arith.addf %add3A_783, %gather3A_784 : vector<16xf32>
      %mul3A_786 = arith.constant 1.250000e-01 : f32
      %mul3A_787 = vector.broadcast %mul3A_786 : f32 to vector<16xf32>
      %mul3A_788 = arith.mulf %add3A_785, %mul3A_787 : vector<16xf32>
      %mul3A_789 = arith.constant 16 : i32
      %mul3A_790 = arith.muli %scan3A_265, %mul3A_789 : i32
      %swap3A_791 = arith.constant 17 : i32
      %swap3A_792 = arith.index_cast %swap3A_791 : i32 to index
      %swap3A_793 = arith.index_cast %mul3A_790 : i32 to index
      %swap3A_794 = tpu.vector_load %arg11[%swap3A_792, %swap3A_793] {strides = array<i32>} : memref<32x256xf32, #tpu.memory_space<vmem>>, vector<16xf32>,
      tpu.vector_store %arg11[%swap3A_792, %swap3A_793], %mul3A_788 {strides = array<i32>} : memref<32x256xf32, #tpu.memory_space<vmem>>, vector<16xf32>,
      %broadcast_in_dim3A_795 = arith.constant 18 : i32
      %broadcast_in_dim3A_796 = vector.broadcast %broadcast_in_dim3A_795 : i32 to vector<16xi32>
      %gather3A_797 = tpu.vector_load_idx %arg10[%broadcast_in_dim3A_796, %get3A_272] : memref<32x21xf32, #tpu.memory_space<vmem>>[vector<16xi32>, vector<16xi32>], vector<16xf32>,
      %gather3A_798 = tpu.vector_load_idx %arg10[%broadcast_in_dim3A_796, %get3A_280] : memref<32x21xf32, #tpu.memory_space<vmem>>[vector<16xi32>, vector<16xi32>], vector<16xf32>,
      %add3A_799 = arith.addf %gather3A_797, %gather3A_798 : vector<16xf32>
      %gather3A_800 = tpu.vector_load_idx %arg10[%broadcast_in_dim3A_796, %get3A_288] : memref<32x21xf32, #tpu.memory_space<vmem>>[vector<16xi32>, vector<16xi32>], vector<16xf32>,
      %add3A_801 = arith.addf %add3A_799, %gather3A_800 : vector<16xf32>
      %gather3A_802 = tpu.vector_load_idx %arg10[%broadcast_in_dim3A_796, %get3A_296] : memref<32x21xf32, #tpu.memory_space<vmem>>[vector<16xi32>, vector<16xi32>], vector<16xf32>,
      %add3A_803 = arith.addf %add3A_801, %gather3A_802 : vector<16xf32>
      %gather3A_804 = tpu.vector_load_idx %arg10[%broadcast_in_dim3A_796, %get3A_304] : memref<32x21xf32, #tpu.memory_space<vmem>>[vector<16xi32>, vector<16xi32>], vector<16xf32>,
      %add3A_805 = arith.addf %add3A_803, %gather3A_804 : vector<16xf32>
      %gather3A_806 = tpu.vector_load_idx %arg10[%broadcast_in_dim3A_796, %get3A_312] : memref<32x21xf32, #tpu.memory_space<vmem>>[vector<16xi32>, vector<16xi32>], vector<16xf32>,
      %add3A_807 = arith.addf %add3A_805, %gather3A_806 : vector<16xf32>
      %gather3A_808 = tpu.vector_load_idx %arg10[%broadcast_in_dim3A_796, %get3A_320] : memref<32x21xf32, #tpu.memory_space<vmem>>[vector<16xi32>, vector<16xi32>], vector<16xf32>,
      %add3A_809 = arith.addf %add3A_807, %gather3A_808 : vector<16xf32>
      %gather3A_810 = tpu.vector_load_idx %arg10[%broadcast_in_dim3A_796, %get3A_328] : memref<32x21xf32, #tpu.memory_space<vmem>>[vector<16xi32>, vector<16xi32>], vector<16xf32>,
      %add3A_811 = arith.addf %add3A_809, %gather3A_810 : vector<16xf32>
      %mul3A_812 = arith.constant 1.250000e-01 : f32
      %mul3A_813 = vector.broadcast %mul3A_812 : f32 to vector<16xf32>
      %mul3A_814 = arith.mulf %add3A_811, %mul3A_813 : vector<16xf32>
      %mul3A_815 = arith.constant 16 : i32
      %mul3A_816 = arith.muli %scan3A_265, %mul3A_815 : i32
      %swap3A_817 = arith.constant 18 : i32
      %swap3A_818 = arith.index_cast %swap3A_817 : i32 to index
      %swap3A_819 = arith.index_cast %mul3A_816 : i32 to index
      %swap3A_820 = tpu.vector_load %arg11[%swap3A_818, %swap3A_819] {strides = array<i32>} : memref<32x256xf32, #tpu.memory_space<vmem>>, vector<16xf32>,
      tpu.vector_store %arg11[%swap3A_818, %swap3A_819], %mul3A_814 {strides = array<i32>} : memref<32x256xf32, #tpu.memory_space<vmem>>, vector<16xf32>,
      %broadcast_in_dim3A_821 = arith.constant 19 : i32
      %broadcast_in_dim3A_822 = vector.broadcast %broadcast_in_dim3A_821 : i32 to vector<16xi32>
      %gather3A_823 = tpu.vector_load_idx %arg10[%broadcast_in_dim3A_822, %get3A_272] : memref<32x21xf32, #tpu.memory_space<vmem>>[vector<16xi32>, vector<16xi32>], vector<16xf32>,
      %gather3A_824 = tpu.vector_load_idx %arg10[%broadcast_in_dim3A_822, %get3A_280] : memref<32x21xf32, #tpu.memory_space<vmem>>[vector<16xi32>, vector<16xi32>], vector<16xf32>,
      %add3A_825 = arith.addf %gather3A_823, %gather3A_824 : vector<16xf32>
      %gather3A_826 = tpu.vector_load_idx %arg10[%broadcast_in_dim3A_822, %get3A_288] : memref<32x21xf32, #tpu.memory_space<vmem>>[vector<16xi32>, vector<16xi32>], vector<16xf32>,
      %add3A_827 = arith.addf %add3A_825, %gather3A_826 : vector<16xf32>
      %gather3A_828 = tpu.vector_load_idx %arg10[%broadcast_in_dim3A_822, %get3A_296] : memref<32x21xf32, #tpu.memory_space<vmem>>[vector<16xi32>, vector<16xi32>], vector<16xf32>,
      %add3A_829 = arith.addf %add3A_827, %gather3A_828 : vector<16xf32>
      %gather3A_830 = tpu.vector_load_idx %arg10[%broadcast_in_dim3A_822, %get3A_304] : memref<32x21xf32, #tpu.memory_space<vmem>>[vector<16xi32>, vector<16xi32>], vector<16xf32>,
      %add3A_831 = arith.addf %add3A_829, %gather3A_830 : vector<16xf32>
      %gather3A_832 = tpu.vector_load_idx %arg10[%broadcast_in_dim3A_822, %get3A_312] : memref<32x21xf32, #tpu.memory_space<vmem>>[vector<16xi32>, vector<16xi32>], vector<16xf32>,
      %add3A_833 = arith.addf %add3A_831, %gather3A_832 : vector<16xf32>
      %gather3A_834 = tpu.vector_load_idx %arg10[%broadcast_in_dim3A_822, %get3A_320] : memref<32x21xf32, #tpu.memory_space<vmem>>[vector<16xi32>, vector<16xi32>], vector<16xf32>,
      %add3A_835 = arith.addf %add3A_833, %gather3A_834 : vector<16xf32>
      %gather3A_836 = tpu.vector_load_idx %arg10[%broadcast_in_dim3A_822, %get3A_328] : memref<32x21xf32, #tpu.memory_space<vmem>>[vector<16xi32>, vector<16xi32>], vector<16xf32>,
      %add3A_837 = arith.addf %add3A_835, %gather3A_836 : vector<16xf32>
      %mul3A_838 = arith.constant 1.250000e-01 : f32
      %mul3A_839 = vector.broadcast %mul3A_838 : f32 to vector<16xf32>
      %mul3A_840 = arith.mulf %add3A_837, %mul3A_839 : vector<16xf32>
      %mul3A_841 = arith.constant 16 : i32
      %mul3A_842 = arith.muli %scan3A_265, %mul3A_841 : i32
      %swap3A_843 = arith.constant 19 : i32
      %swap3A_844 = arith.index_cast %swap3A_843 : i32 to index
      %swap3A_845 = arith.index_cast %mul3A_842 : i32 to index
      %swap3A_846 = tpu.vector_load %arg11[%swap3A_844, %swap3A_845] {strides = array<i32>} : memref<32x256xf32, #tpu.memory_space<vmem>>, vector<16xf32>,
      tpu.vector_store %arg11[%swap3A_844, %swap3A_845], %mul3A_840 {strides = array<i32>} : memref<32x256xf32, #tpu.memory_space<vmem>>, vector<16xf32>,
      %broadcast_in_dim3A_847 = arith.constant 20 : i32
      %broadcast_in_dim3A_848 = vector.broadcast %broadcast_in_dim3A_847 : i32 to vector<16xi32>
      %gather3A_849 = tpu.vector_load_idx %arg10[%broadcast_in_dim3A_848, %get3A_272] : memref<32x21xf32, #tpu.memory_space<vmem>>[vector<16xi32>, vector<16xi32>], vector<16xf32>,
      %gather3A_850 = tpu.vector_load_idx %arg10[%broadcast_in_dim3A_848, %get3A_280] : memref<32x21xf32, #tpu.memory_space<vmem>>[vector<16xi32>, vector<16xi32>], vector<16xf32>,
      %add3A_851 = arith.addf %gather3A_849, %gather3A_850 : vector<16xf32>
      %gather3A_852 = tpu.vector_load_idx %arg10[%broadcast_in_dim3A_848, %get3A_288] : memref<32x21xf32, #tpu.memory_space<vmem>>[vector<16xi32>, vector<16xi32>], vector<16xf32>,
      %add3A_853 = arith.addf %add3A_851, %gather3A_852 : vector<16xf32>
      %gather3A_854 = tpu.vector_load_idx %arg10[%broadcast_in_dim3A_848, %get3A_296] : memref<32x21xf32, #tpu.memory_space<vmem>>[vector<16xi32>, vector<16xi32>], vector<16xf32>,
      %add3A_855 = arith.addf %add3A_853, %gather3A_854 : vector<16xf32>
      %gather3A_856 = tpu.vector_load_idx %arg10[%broadcast_in_dim3A_848, %get3A_304] : memref<32x21xf32, #tpu.memory_space<vmem>>[vector<16xi32>, vector<16xi32>], vector<16xf32>,
      %add3A_857 = arith.addf %add3A_855, %gather3A_856 : vector<16xf32>
      %gather3A_858 = tpu.vector_load_idx %arg10[%broadcast_in_dim3A_848, %get3A_312] : memref<32x21xf32, #tpu.memory_space<vmem>>[vector<16xi32>, vector<16xi32>], vector<16xf32>,
      %add3A_859 = arith.addf %add3A_857, %gather3A_858 : vector<16xf32>
      %gather3A_860 = tpu.vector_load_idx %arg10[%broadcast_in_dim3A_848, %get3A_320] : memref<32x21xf32, #tpu.memory_space<vmem>>[vector<16xi32>, vector<16xi32>], vector<16xf32>,
      %add3A_861 = arith.addf %add3A_859, %gather3A_860 : vector<16xf32>
      %gather3A_862 = tpu.vector_load_idx %arg10[%broadcast_in_dim3A_848, %get3A_328] : memref<32x21xf32, #tpu.memory_space<vmem>>[vector<16xi32>, vector<16xi32>], vector<16xf32>,
      %add3A_863 = arith.addf %add3A_861, %gather3A_862 : vector<16xf32>
      %mul3A_864 = arith.constant 1.250000e-01 : f32
      %mul3A_865 = vector.broadcast %mul3A_864 : f32 to vector<16xf32>
      %mul3A_866 = arith.mulf %add3A_863, %mul3A_865 : vector<16xf32>
      %mul3A_867 = arith.constant 16 : i32
      %mul3A_868 = arith.muli %scan3A_265, %mul3A_867 : i32
      %swap3A_869 = arith.constant 20 : i32
      %swap3A_870 = arith.index_cast %swap3A_869 : i32 to index
      %swap3A_871 = arith.index_cast %mul3A_868 : i32 to index
      %swap3A_872 = tpu.vector_load %arg11[%swap3A_870, %swap3A_871] {strides = array<i32>} : memref<32x256xf32, #tpu.memory_space<vmem>>, vector<16xf32>,
      tpu.vector_store %arg11[%swap3A_870, %swap3A_871], %mul3A_866 {strides = array<i32>} : memref<32x256xf32, #tpu.memory_space<vmem>>, vector<16xf32>,
      %broadcast_in_dim3A_873 = arith.constant 21 : i32
      %broadcast_in_dim3A_874 = vector.broadcast %broadcast_in_dim3A_873 : i32 to vector<16xi32>
      %gather3A_875 = tpu.vector_load_idx %arg10[%broadcast_in_dim3A_874, %get3A_272] : memref<32x21xf32, #tpu.memory_space<vmem>>[vector<16xi32>, vector<16xi32>], vector<16xf32>,
      %gather3A_876 = tpu.vector_load_idx %arg10[%broadcast_in_dim3A_874, %get3A_280] : memref<32x21xf32, #tpu.memory_space<vmem>>[vector<16xi32>, vector<16xi32>], vector<16xf32>,
      %add3A_877 = arith.addf %gather3A_875, %gather3A_876 : vector<16xf32>
      %gather3A_878 = tpu.vector_load_idx %arg10[%broadcast_in_dim3A_874, %get3A_288] : memref<32x21xf32, #tpu.memory_space<vmem>>[vector<16xi32>, vector<16xi32>], vector<16xf32>,
      %add3A_879 = arith.addf %add3A_877, %gather3A_878 : vector<16xf32>
      %gather3A_880 = tpu.vector_load_idx %arg10[%broadcast_in_dim3A_874, %get3A_296] : memref<32x21xf32, #tpu.memory_space<vmem>>[vector<16xi32>, vector<16xi32>], vector<16xf32>,
      %add3A_881 = arith.addf %add3A_879, %gather3A_880 : vector<16xf32>
      %gather3A_882 = tpu.vector_load_idx %arg10[%broadcast_in_dim3A_874, %get3A_304] : memref<32x21xf32, #tpu.memory_space<vmem>>[vector<16xi32>, vector<16xi32>], vector<16xf32>,
      %add3A_883 = arith.addf %add3A_881, %gather3A_882 : vector<16xf32>
      %gather3A_884 = tpu.vector_load_idx %arg10[%broadcast_in_dim3A_874, %get3A_312] : memref<32x21xf32, #tpu.memory_space<vmem>>[vector<16xi32>, vector<16xi32>], vector<16xf32>,
      %add3A_885 = arith.addf %add3A_883, %gather3A_884 : vector<16xf32>
      %gather3A_886 = tpu.vector_load_idx %arg10[%broadcast_in_dim3A_874, %get3A_320] : memref<32x21xf32, #tpu.memory_space<vmem>>[vector<16xi32>, vector<16xi32>], vector<16xf32>,
      %add3A_887 = arith.addf %add3A_885, %gather3A_886 : vector<16xf32>
      %gather3A_888 = tpu.vector_load_idx %arg10[%broadcast_in_dim3A_874, %get3A_328] : memref<32x21xf32, #tpu.memory_space<vmem>>[vector<16xi32>, vector<16xi32>], vector<16xf32>,
      %add3A_889 = arith.addf %add3A_887, %gather3A_888 : vector<16xf32>
      %mul3A_890 = arith.constant 1.250000e-01 : f32
      %mul3A_891 = vector.broadcast %mul3A_890 : f32 to vector<16xf32>
      %mul3A_892 = arith.mulf %add3A_889, %mul3A_891 : vector<16xf32>
      %mul3A_893 = arith.constant 16 : i32
      %mul3A_894 = arith.muli %scan3A_265, %mul3A_893 : i32
      %swap3A_895 = arith.constant 21 : i32
      %swap3A_896 = arith.index_cast %swap3A_895 : i32 to index
      %swap3A_897 = arith.index_cast %mul3A_894 : i32 to index
      %swap3A_898 = tpu.vector_load %arg11[%swap3A_896, %swap3A_897] {strides = array<i32>} : memref<32x256xf32, #tpu.memory_space<vmem>>, vector<16xf32>,
      tpu.vector_store %arg11[%swap3A_896, %swap3A_897], %mul3A_892 {strides = array<i32>} : memref<32x256xf32, #tpu.memory_space<vmem>>, vector<16xf32>,
      %broadcast_in_dim3A_899 = arith.constant 22 : i32
      %broadcast_in_dim3A_900 = vector.broadcast %broadcast_in_dim3A_899 : i32 to vector<16xi32>
      %gather3A_901 = tpu.vector_load_idx %arg10[%broadcast_in_dim3A_900, %get3A_272] : memref<32x21xf32, #tpu.memory_space<vmem>>[vector<16xi32>, vector<16xi32>], vector<16xf32>,
      %gather3A_902 = tpu.vector_load_idx %arg10[%broadcast_in_dim3A_900, %get3A_280] : memref<32x21xf32, #tpu.memory_space<vmem>>[vector<16xi32>, vector<16xi32>], vector<16xf32>,
      %add3A_903 = arith.addf %gather3A_901, %gather3A_902 : vector<16xf32>
      %gather3A_904 = tpu.vector_load_idx %arg10[%broadcast_in_dim3A_900, %get3A_288] : memref<32x21xf32, #tpu.memory_space<vmem>>[vector<16xi32>, vector<16xi32>], vector<16xf32>,
      %add3A_905 = arith.addf %add3A_903, %gather3A_904 : vector<16xf32>
      %gather3A_906 = tpu.vector_load_idx %arg10[%broadcast_in_dim3A_900, %get3A_296] : memref<32x21xf32, #tpu.memory_space<vmem>>[vector<16xi32>, vector<16xi32>], vector<16xf32>,
      %add3A_907 = arith.addf %add3A_905, %gather3A_906 : vector<16xf32>
      %gather3A_908 = tpu.vector_load_idx %arg10[%broadcast_in_dim3A_900, %get3A_304] : memref<32x21xf32, #tpu.memory_space<vmem>>[vector<16xi32>, vector<16xi32>], vector<16xf32>,
      %add3A_909 = arith.addf %add3A_907, %gather3A_908 : vector<16xf32>
      %gather3A_910 = tpu.vector_load_idx %arg10[%broadcast_in_dim3A_900, %get3A_312] : memref<32x21xf32, #tpu.memory_space<vmem>>[vector<16xi32>, vector<16xi32>], vector<16xf32>,
      %add3A_911 = arith.addf %add3A_909, %gather3A_910 : vector<16xf32>
      %gather3A_912 = tpu.vector_load_idx %arg10[%broadcast_in_dim3A_900, %get3A_320] : memref<32x21xf32, #tpu.memory_space<vmem>>[vector<16xi32>, vector<16xi32>], vector<16xf32>,
      %add3A_913 = arith.addf %add3A_911, %gather3A_912 : vector<16xf32>
      %gather3A_914 = tpu.vector_load_idx %arg10[%broadcast_in_dim3A_900, %get3A_328] : memref<32x21xf32, #tpu.memory_space<vmem>>[vector<16xi32>, vector<16xi32>], vector<16xf32>,
      %add3A_915 = arith.addf %add3A_913, %gather3A_914 : vector<16xf32>
      %mul3A_916 = arith.constant 1.250000e-01 : f32
      %mul3A_917 = vector.broadcast %mul3A_916 : f32 to vector<16xf32>
      %mul3A_918 = arith.mulf %add3A_915, %mul3A_917 : vector<16xf32>
      %mul3A_919 = arith.constant 16 : i32
      %mul3A_920 = arith.muli %scan3A_265, %mul3A_919 : i32
      %swap3A_921 = arith.constant 22 : i32
      %swap3A_922 = arith.index_cast %swap3A_921 : i32 to index
      %swap3A_923 = arith.index_cast %mul3A_920 : i32 to index
      %swap3A_924 = tpu.vector_load %arg11[%swap3A_922, %swap3A_923] {strides = array<i32>} : memref<32x256xf32, #tpu.memory_space<vmem>>, vector<16xf32>,
      tpu.vector_store %arg11[%swap3A_922, %swap3A_923], %mul3A_918 {strides = array<i32>} : memref<32x256xf32, #tpu.memory_space<vmem>>, vector<16xf32>,
      %broadcast_in_dim3A_925 = arith.constant 23 : i32
      %broadcast_in_dim3A_926 = vector.broadcast %broadcast_in_dim3A_925 : i32 to vector<16xi32>
      %gather3A_927 = tpu.vector_load_idx %arg10[%broadcast_in_dim3A_926, %get3A_272] : memref<32x21xf32, #tpu.memory_space<vmem>>[vector<16xi32>, vector<16xi32>], vector<16xf32>,
      %gather3A_928 = tpu.vector_load_idx %arg10[%broadcast_in_dim3A_926, %get3A_280] : memref<32x21xf32, #tpu.memory_space<vmem>>[vector<16xi32>, vector<16xi32>], vector<16xf32>,
      %add3A_929 = arith.addf %gather3A_927, %gather3A_928 : vector<16xf32>
      %gather3A_930 = tpu.vector_load_idx %arg10[%broadcast_in_dim3A_926, %get3A_288] : memref<32x21xf32, #tpu.memory_space<vmem>>[vector<16xi32>, vector<16xi32>], vector<16xf32>,
      %add3A_931 = arith.addf %add3A_929, %gather3A_930 : vector<16xf32>
      %gather3A_932 = tpu.vector_load_idx %arg10[%broadcast_in_dim3A_926, %get3A_296] : memref<32x21xf32, #tpu.memory_space<vmem>>[vector<16xi32>, vector<16xi32>], vector<16xf32>,
      %add3A_933 = arith.addf %add3A_931, %gather3A_932 : vector<16xf32>
      %gather3A_934 = tpu.vector_load_idx %arg10[%broadcast_in_dim3A_926, %get3A_304] : memref<32x21xf32, #tpu.memory_space<vmem>>[vector<16xi32>, vector<16xi32>], vector<16xf32>,
      %add3A_935 = arith.addf %add3A_933, %gather3A_934 : vector<16xf32>
      %gather3A_936 = tpu.vector_load_idx %arg10[%broadcast_in_dim3A_926, %get3A_312] : memref<32x21xf32, #tpu.memory_space<vmem>>[vector<16xi32>, vector<16xi32>], vector<16xf32>,
      %add3A_937 = arith.addf %add3A_935, %gather3A_936 : vector<16xf32>
      %gather3A_938 = tpu.vector_load_idx %arg10[%broadcast_in_dim3A_926, %get3A_320] : memref<32x21xf32, #tpu.memory_space<vmem>>[vector<16xi32>, vector<16xi32>], vector<16xf32>,
      %add3A_939 = arith.addf %add3A_937, %gather3A_938 : vector<16xf32>
      %gather3A_940 = tpu.vector_load_idx %arg10[%broadcast_in_dim3A_926, %get3A_328] : memref<32x21xf32, #tpu.memory_space<vmem>>[vector<16xi32>, vector<16xi32>], vector<16xf32>,
      %add3A_941 = arith.addf %add3A_939, %gather3A_940 : vector<16xf32>
      %mul3A_942 = arith.constant 1.250000e-01 : f32
      %mul3A_943 = vector.broadcast %mul3A_942 : f32 to vector<16xf32>
      %mul3A_944 = arith.mulf %add3A_941, %mul3A_943 : vector<16xf32>
      %mul3A_945 = arith.constant 16 : i32
      %mul3A_946 = arith.muli %scan3A_265, %mul3A_945 : i32
      %swap3A_947 = arith.constant 23 : i32
      %swap3A_948 = arith.index_cast %swap3A_947 : i32 to index
      %swap3A_949 = arith.index_cast %mul3A_946 : i32 to index
      %swap3A_950 = tpu.vector_load %arg11[%swap3A_948, %swap3A_949] {strides = array<i32>} : memref<32x256xf32, #tpu.memory_space<vmem>>, vector<16xf32>,
      tpu.vector_store %arg11[%swap3A_948, %swap3A_949], %mul3A_944 {strides = array<i32>} : memref<32x256xf32, #tpu.memory_space<vmem>>, vector<16xf32>,
      %broadcast_in_dim3A_951 = arith.constant 24 : i32
      %broadcast_in_dim3A_952 = vector.broadcast %broadcast_in_dim3A_951 : i32 to vector<16xi32>
      %gather3A_953 = tpu.vector_load_idx %arg10[%broadcast_in_dim3A_952, %get3A_272] : memref<32x21xf32, #tpu.memory_space<vmem>>[vector<16xi32>, vector<16xi32>], vector<16xf32>,
      %gather3A_954 = tpu.vector_load_idx %arg10[%broadcast_in_dim3A_952, %get3A_280] : memref<32x21xf32, #tpu.memory_space<vmem>>[vector<16xi32>, vector<16xi32>], vector<16xf32>,
      %add3A_955 = arith.addf %gather3A_953, %gather3A_954 : vector<16xf32>
      %gather3A_956 = tpu.vector_load_idx %arg10[%broadcast_in_dim3A_952, %get3A_288] : memref<32x21xf32, #tpu.memory_space<vmem>>[vector<16xi32>, vector<16xi32>], vector<16xf32>,
      %add3A_957 = arith.addf %add3A_955, %gather3A_956 : vector<16xf32>
      %gather3A_958 = tpu.vector_load_idx %arg10[%broadcast_in_dim3A_952, %get3A_296] : memref<32x21xf32, #tpu.memory_space<vmem>>[vector<16xi32>, vector<16xi32>], vector<16xf32>,
      %add3A_959 = arith.addf %add3A_957, %gather3A_958 : vector<16xf32>
      %gather3A_960 = tpu.vector_load_idx %arg10[%broadcast_in_dim3A_952, %get3A_304] : memref<32x21xf32, #tpu.memory_space<vmem>>[vector<16xi32>, vector<16xi32>], vector<16xf32>,
      %add3A_961 = arith.addf %add3A_959, %gather3A_960 : vector<16xf32>
      %gather3A_962 = tpu.vector_load_idx %arg10[%broadcast_in_dim3A_952, %get3A_312] : memref<32x21xf32, #tpu.memory_space<vmem>>[vector<16xi32>, vector<16xi32>], vector<16xf32>,
      %add3A_963 = arith.addf %add3A_961, %gather3A_962 : vector<16xf32>
      %gather3A_964 = tpu.vector_load_idx %arg10[%broadcast_in_dim3A_952, %get3A_320] : memref<32x21xf32, #tpu.memory_space<vmem>>[vector<16xi32>, vector<16xi32>], vector<16xf32>,
      %add3A_965 = arith.addf %add3A_963, %gather3A_964 : vector<16xf32>
      %gather3A_966 = tpu.vector_load_idx %arg10[%broadcast_in_dim3A_952, %get3A_328] : memref<32x21xf32, #tpu.memory_space<vmem>>[vector<16xi32>, vector<16xi32>], vector<16xf32>,
      %add3A_967 = arith.addf %add3A_965, %gather3A_966 : vector<16xf32>
      %mul3A_968 = arith.constant 1.250000e-01 : f32
      %mul3A_969 = vector.broadcast %mul3A_968 : f32 to vector<16xf32>
      %mul3A_970 = arith.mulf %add3A_967, %mul3A_969 : vector<16xf32>
      %mul3A_971 = arith.constant 16 : i32
      %mul3A_972 = arith.muli %scan3A_265, %mul3A_971 : i32
      %swap3A_973 = arith.constant 24 : i32
      %swap3A_974 = arith.index_cast %swap3A_973 : i32 to index
      %swap3A_975 = arith.index_cast %mul3A_972 : i32 to index
      %swap3A_976 = tpu.vector_load %arg11[%swap3A_974, %swap3A_975] {strides = array<i32>} : memref<32x256xf32, #tpu.memory_space<vmem>>, vector<16xf32>,
      tpu.vector_store %arg11[%swap3A_974, %swap3A_975], %mul3A_970 {strides = array<i32>} : memref<32x256xf32, #tpu.memory_space<vmem>>, vector<16xf32>,
      %broadcast_in_dim3A_977 = arith.constant 25 : i32
      %broadcast_in_dim3A_978 = vector.broadcast %broadcast_in_dim3A_977 : i32 to vector<16xi32>
      %gather3A_979 = tpu.vector_load_idx %arg10[%broadcast_in_dim3A_978, %get3A_272] : memref<32x21xf32, #tpu.memory_space<vmem>>[vector<16xi32>, vector<16xi32>], vector<16xf32>,
      %gather3A_980 = tpu.vector_load_idx %arg10[%broadcast_in_dim3A_978, %get3A_280] : memref<32x21xf32, #tpu.memory_space<vmem>>[vector<16xi32>, vector<16xi32>], vector<16xf32>,
      %add3A_981 = arith.addf %gather3A_979, %gather3A_980 : vector<16xf32>
      %gather3A_982 = tpu.vector_load_idx %arg10[%broadcast_in_dim3A_978, %get3A_288] : memref<32x21xf32, #tpu.memory_space<vmem>>[vector<16xi32>, vector<16xi32>], vector<16xf32>,
      %add3A_983 = arith.addf %add3A_981, %gather3A_982 : vector<16xf32>
      %gather3A_984 = tpu.vector_load_idx %arg10[%broadcast_in_dim3A_978, %get3A_296] : memref<32x21xf32, #tpu.memory_space<vmem>>[vector<16xi32>, vector<16xi32>], vector<16xf32>,
      %add3A_985 = arith.addf %add3A_983, %gather3A_984 : vector<16xf32>
      %gather3A_986 = tpu.vector_load_idx %arg10[%broadcast_in_dim3A_978, %get3A_304] : memref<32x21xf32, #tpu.memory_space<vmem>>[vector<16xi32>, vector<16xi32>], vector<16xf32>,
      %add3A_987 = arith.addf %add3A_985, %gather3A_986 : vector<16xf32>
      %gather3A_988 = tpu.vector_load_idx %arg10[%broadcast_in_dim3A_978, %get3A_312] : memref<32x21xf32, #tpu.memory_space<vmem>>[vector<16xi32>, vector<16xi32>], vector<16xf32>,
      %add3A_989 = arith.addf %add3A_987, %gather3A_988 : vector<16xf32>
      %gather3A_990 = tpu.vector_load_idx %arg10[%broadcast_in_dim3A_978, %get3A_320] : memref<32x21xf32, #tpu.memory_space<vmem>>[vector<16xi32>, vector<16xi32>], vector<16xf32>,
      %add3A_991 = arith.addf %add3A_989, %gather3A_990 : vector<16xf32>
      %gather3A_992 = tpu.vector_load_idx %arg10[%broadcast_in_dim3A_978, %get3A_328] : memref<32x21xf32, #tpu.memory_space<vmem>>[vector<16xi32>, vector<16xi32>], vector<16xf32>,
      %add3A_993 = arith.addf %add3A_991, %gather3A_992 : vector<16xf32>
      %mul3A_994 = arith.constant 1.250000e-01 : f32
      %mul3A_995 = vector.broadcast %mul3A_994 : f32 to vector<16xf32>
      %mul3A_996 = arith.mulf %add3A_993, %mul3A_995 : vector<16xf32>
      %mul3A_997 = arith.constant 16 : i32
      %mul3A_998 = arith.muli %scan3A_265, %mul3A_997 : i32
      %swap3A_999 = arith.constant 25 : i32
      %swap3A_1000 = arith.index_cast %swap3A_999 : i32 to index
      %swap3A_1001 = arith.index_cast %mul3A_998 : i32 to index
      %swap3A_1002 = tpu.vector_load %arg11[%swap3A_1000, %swap3A_1001] {strides = array<i32>} : memref<32x256xf32, #tpu.memory_space<vmem>>, vector<16xf32>,
      tpu.vector_store %arg11[%swap3A_1000, %swap3A_1001], %mul3A_996 {strides = array<i32>} : memref<32x256xf32, #tpu.memory_space<vmem>>, vector<16xf32>,
      %broadcast_in_dim3A_1003 = arith.constant 26 : i32
      %broadcast_in_dim3A_1004 = vector.broadcast %broadcast_in_dim3A_1003 : i32 to vector<16xi32>
      %gather3A_1005 = tpu.vector_load_idx %arg10[%broadcast_in_dim3A_1004, %get3A_272] : memref<32x21xf32, #tpu.memory_space<vmem>>[vector<16xi32>, vector<16xi32>], vector<16xf32>,
      %gather3A_1006 = tpu.vector_load_idx %arg10[%broadcast_in_dim3A_1004, %get3A_280] : memref<32x21xf32, #tpu.memory_space<vmem>>[vector<16xi32>, vector<16xi32>], vector<16xf32>,
      %add3A_1007 = arith.addf %gather3A_1005, %gather3A_1006 : vector<16xf32>
      %gather3A_1008 = tpu.vector_load_idx %arg10[%broadcast_in_dim3A_1004, %get3A_288] : memref<32x21xf32, #tpu.memory_space<vmem>>[vector<16xi32>, vector<16xi32>], vector<16xf32>,
      %add3A_1009 = arith.addf %add3A_1007, %gather3A_1008 : vector<16xf32>
      %gather3A_1010 = tpu.vector_load_idx %arg10[%broadcast_in_dim3A_1004, %get3A_296] : memref<32x21xf32, #tpu.memory_space<vmem>>[vector<16xi32>, vector<16xi32>], vector<16xf32>,
      %add3A_1011 = arith.addf %add3A_1009, %gather3A_1010 : vector<16xf32>
      %gather3A_1012 = tpu.vector_load_idx %arg10[%broadcast_in_dim3A_1004, %get3A_304] : memref<32x21xf32, #tpu.memory_space<vmem>>[vector<16xi32>, vector<16xi32>], vector<16xf32>,
      %add3A_1013 = arith.addf %add3A_1011, %gather3A_1012 : vector<16xf32>
      %gather3A_1014 = tpu.vector_load_idx %arg10[%broadcast_in_dim3A_1004, %get3A_312] : memref<32x21xf32, #tpu.memory_space<vmem>>[vector<16xi32>, vector<16xi32>], vector<16xf32>,
      %add3A_1015 = arith.addf %add3A_1013, %gather3A_1014 : vector<16xf32>
      %gather3A_1016 = tpu.vector_load_idx %arg10[%broadcast_in_dim3A_1004, %get3A_320] : memref<32x21xf32, #tpu.memory_space<vmem>>[vector<16xi32>, vector<16xi32>], vector<16xf32>,
      %add3A_1017 = arith.addf %add3A_1015, %gather3A_1016 : vector<16xf32>
      %gather3A_1018 = tpu.vector_load_idx %arg10[%broadcast_in_dim3A_1004, %get3A_328] : memref<32x21xf32, #tpu.memory_space<vmem>>[vector<16xi32>, vector<16xi32>], vector<16xf32>,
      %add3A_1019 = arith.addf %add3A_1017, %gather3A_1018 : vector<16xf32>
      %mul3A_1020 = arith.constant 1.250000e-01 : f32
      %mul3A_1021 = vector.broadcast %mul3A_1020 : f32 to vector<16xf32>
      %mul3A_1022 = arith.mulf %add3A_1019, %mul3A_1021 : vector<16xf32>
      %mul3A_1023 = arith.constant 16 : i32
      %mul3A_1024 = arith.muli %scan3A_265, %mul3A_1023 : i32
      %swap3A_1025 = arith.constant 26 : i32
      %swap3A_1026 = arith.index_cast %swap3A_1025 : i32 to index
      %swap3A_1027 = arith.index_cast %mul3A_1024 : i32 to index
      %swap3A_1028 = tpu.vector_load %arg11[%swap3A_1026, %swap3A_1027] {strides = array<i32>} : memref<32x256xf32, #tpu.memory_space<vmem>>, vector<16xf32>,
      tpu.vector_store %arg11[%swap3A_1026, %swap3A_1027], %mul3A_1022 {strides = array<i32>} : memref<32x256xf32, #tpu.memory_space<vmem>>, vector<16xf32>,
      %broadcast_in_dim3A_1029 = arith.constant 27 : i32
      %broadcast_in_dim3A_1030 = vector.broadcast %broadcast_in_dim3A_1029 : i32 to vector<16xi32>
      %gather3A_1031 = tpu.vector_load_idx %arg10[%broadcast_in_dim3A_1030, %get3A_272] : memref<32x21xf32, #tpu.memory_space<vmem>>[vector<16xi32>, vector<16xi32>], vector<16xf32>,
      %gather3A_1032 = tpu.vector_load_idx %arg10[%broadcast_in_dim3A_1030, %get3A_280] : memref<32x21xf32, #tpu.memory_space<vmem>>[vector<16xi32>, vector<16xi32>], vector<16xf32>,
      %add3A_1033 = arith.addf %gather3A_1031, %gather3A_1032 : vector<16xf32>
      %gather3A_1034 = tpu.vector_load_idx %arg10[%broadcast_in_dim3A_1030, %get3A_288] : memref<32x21xf32, #tpu.memory_space<vmem>>[vector<16xi32>, vector<16xi32>], vector<16xf32>,
      %add3A_1035 = arith.addf %add3A_1033, %gather3A_1034 : vector<16xf32>
      %gather3A_1036 = tpu.vector_load_idx %arg10[%broadcast_in_dim3A_1030, %get3A_296] : memref<32x21xf32, #tpu.memory_space<vmem>>[vector<16xi32>, vector<16xi32>], vector<16xf32>,
      %add3A_1037 = arith.addf %add3A_1035, %gather3A_1036 : vector<16xf32>
      %gather3A_1038 = tpu.vector_load_idx %arg10[%broadcast_in_dim3A_1030, %get3A_304] : memref<32x21xf32, #tpu.memory_space<vmem>>[vector<16xi32>, vector<16xi32>], vector<16xf32>,
      %add3A_1039 = arith.addf %add3A_1037, %gather3A_1038 : vector<16xf32>
      %gather3A_1040 = tpu.vector_load_idx %arg10[%broadcast_in_dim3A_1030, %get3A_312] : memref<32x21xf32, #tpu.memory_space<vmem>>[vector<16xi32>, vector<16xi32>], vector<16xf32>,
      %add3A_1041 = arith.addf %add3A_1039, %gather3A_1040 : vector<16xf32>
      %gather3A_1042 = tpu.vector_load_idx %arg10[%broadcast_in_dim3A_1030, %get3A_320] : memref<32x21xf32, #tpu.memory_space<vmem>>[vector<16xi32>, vector<16xi32>], vector<16xf32>,
      %add3A_1043 = arith.addf %add3A_1041, %gather3A_1042 : vector<16xf32>
      %gather3A_1044 = tpu.vector_load_idx %arg10[%broadcast_in_dim3A_1030, %get3A_328] : memref<32x21xf32, #tpu.memory_space<vmem>>[vector<16xi32>, vector<16xi32>], vector<16xf32>,
      %add3A_1045 = arith.addf %add3A_1043, %gather3A_1044 : vector<16xf32>
      %mul3A_1046 = arith.constant 1.250000e-01 : f32
      %mul3A_1047 = vector.broadcast %mul3A_1046 : f32 to vector<16xf32>
      %mul3A_1048 = arith.mulf %add3A_1045, %mul3A_1047 : vector<16xf32>
      %mul3A_1049 = arith.constant 16 : i32
      %mul3A_1050 = arith.muli %scan3A_265, %mul3A_1049 : i32
      %swap3A_1051 = arith.constant 27 : i32
      %swap3A_1052 = arith.index_cast %swap3A_1051 : i32 to index
      %swap3A_1053 = arith.index_cast %mul3A_1050 : i32 to index
      %swap3A_1054 = tpu.vector_load %arg11[%swap3A_1052, %swap3A_1053] {strides = array<i32>} : memref<32x256xf32, #tpu.memory_space<vmem>>, vector<16xf32>,
      tpu.vector_store %arg11[%swap3A_1052, %swap3A_1053], %mul3A_1048 {strides = array<i32>} : memref<32x256xf32, #tpu.memory_space<vmem>>, vector<16xf32>,
      %broadcast_in_dim3A_1055 = arith.constant 28 : i32
      %broadcast_in_dim3A_1056 = vector.broadcast %broadcast_in_dim3A_1055 : i32 to vector<16xi32>
      %gather3A_1057 = tpu.vector_load_idx %arg10[%broadcast_in_dim3A_1056, %get3A_272] : memref<32x21xf32, #tpu.memory_space<vmem>>[vector<16xi32>, vector<16xi32>], vector<16xf32>,
      %gather3A_1058 = tpu.vector_load_idx %arg10[%broadcast_in_dim3A_1056, %get3A_280] : memref<32x21xf32, #tpu.memory_space<vmem>>[vector<16xi32>, vector<16xi32>], vector<16xf32>,
      %add3A_1059 = arith.addf %gather3A_1057, %gather3A_1058 : vector<16xf32>
      %gather3A_1060 = tpu.vector_load_idx %arg10[%broadcast_in_dim3A_1056, %get3A_288] : memref<32x21xf32, #tpu.memory_space<vmem>>[vector<16xi32>, vector<16xi32>], vector<16xf32>,
      %add3A_1061 = arith.addf %add3A_1059, %gather3A_1060 : vector<16xf32>
      %gather3A_1062 = tpu.vector_load_idx %arg10[%broadcast_in_dim3A_1056, %get3A_296] : memref<32x21xf32, #tpu.memory_space<vmem>>[vector<16xi32>, vector<16xi32>], vector<16xf32>,
      %add3A_1063 = arith.addf %add3A_1061, %gather3A_1062 : vector<16xf32>
      %gather3A_1064 = tpu.vector_load_idx %arg10[%broadcast_in_dim3A_1056, %get3A_304] : memref<32x21xf32, #tpu.memory_space<vmem>>[vector<16xi32>, vector<16xi32>], vector<16xf32>,
      %add3A_1065 = arith.addf %add3A_1063, %gather3A_1064 : vector<16xf32>
      %gather3A_1066 = tpu.vector_load_idx %arg10[%broadcast_in_dim3A_1056, %get3A_312] : memref<32x21xf32, #tpu.memory_space<vmem>>[vector<16xi32>, vector<16xi32>], vector<16xf32>,
      %add3A_1067 = arith.addf %add3A_1065, %gather3A_1066 : vector<16xf32>
      %gather3A_1068 = tpu.vector_load_idx %arg10[%broadcast_in_dim3A_1056, %get3A_320] : memref<32x21xf32, #tpu.memory_space<vmem>>[vector<16xi32>, vector<16xi32>], vector<16xf32>,
      %add3A_1069 = arith.addf %add3A_1067, %gather3A_1068 : vector<16xf32>
      %gather3A_1070 = tpu.vector_load_idx %arg10[%broadcast_in_dim3A_1056, %get3A_328] : memref<32x21xf32, #tpu.memory_space<vmem>>[vector<16xi32>, vector<16xi32>], vector<16xf32>,
      %add3A_1071 = arith.addf %add3A_1069, %gather3A_1070 : vector<16xf32>
      %mul3A_1072 = arith.constant 1.250000e-01 : f32
      %mul3A_1073 = vector.broadcast %mul3A_1072 : f32 to vector<16xf32>
      %mul3A_1074 = arith.mulf %add3A_1071, %mul3A_1073 : vector<16xf32>
      %mul3A_1075 = arith.constant 16 : i32
      %mul3A_1076 = arith.muli %scan3A_265, %mul3A_1075 : i32
      %swap3A_1077 = arith.constant 28 : i32
      %swap3A_1078 = arith.index_cast %swap3A_1077 : i32 to index
      %swap3A_1079 = arith.index_cast %mul3A_1076 : i32 to index
      %swap3A_1080 = tpu.vector_load %arg11[%swap3A_1078, %swap3A_1079] {strides = array<i32>} : memref<32x256xf32, #tpu.memory_space<vmem>>, vector<16xf32>,
      tpu.vector_store %arg11[%swap3A_1078, %swap3A_1079], %mul3A_1074 {strides = array<i32>} : memref<32x256xf32, #tpu.memory_space<vmem>>, vector<16xf32>,
      %broadcast_in_dim3A_1081 = arith.constant 29 : i32
      %broadcast_in_dim3A_1082 = vector.broadcast %broadcast_in_dim3A_1081 : i32 to vector<16xi32>
      %gather3A_1083 = tpu.vector_load_idx %arg10[%broadcast_in_dim3A_1082, %get3A_272] : memref<32x21xf32, #tpu.memory_space<vmem>>[vector<16xi32>, vector<16xi32>], vector<16xf32>,
      %gather3A_1084 = tpu.vector_load_idx %arg10[%broadcast_in_dim3A_1082, %get3A_280] : memref<32x21xf32, #tpu.memory_space<vmem>>[vector<16xi32>, vector<16xi32>], vector<16xf32>,
      %add3A_1085 = arith.addf %gather3A_1083, %gather3A_1084 : vector<16xf32>
      %gather3A_1086 = tpu.vector_load_idx %arg10[%broadcast_in_dim3A_1082, %get3A_288] : memref<32x21xf32, #tpu.memory_space<vmem>>[vector<16xi32>, vector<16xi32>], vector<16xf32>,
      %add3A_1087 = arith.addf %add3A_1085, %gather3A_1086 : vector<16xf32>
      %gather3A_1088 = tpu.vector_load_idx %arg10[%broadcast_in_dim3A_1082, %get3A_296] : memref<32x21xf32, #tpu.memory_space<vmem>>[vector<16xi32>, vector<16xi32>], vector<16xf32>,
      %add3A_1089 = arith.addf %add3A_1087, %gather3A_1088 : vector<16xf32>
      %gather3A_1090 = tpu.vector_load_idx %arg10[%broadcast_in_dim3A_1082, %get3A_304] : memref<32x21xf32, #tpu.memory_space<vmem>>[vector<16xi32>, vector<16xi32>], vector<16xf32>,
      %add3A_1091 = arith.addf %add3A_1089, %gather3A_1090 : vector<16xf32>
      %gather3A_1092 = tpu.vector_load_idx %arg10[%broadcast_in_dim3A_1082, %get3A_312] : memref<32x21xf32, #tpu.memory_space<vmem>>[vector<16xi32>, vector<16xi32>], vector<16xf32>,
      %add3A_1093 = arith.addf %add3A_1091, %gather3A_1092 : vector<16xf32>
      %gather3A_1094 = tpu.vector_load_idx %arg10[%broadcast_in_dim3A_1082, %get3A_320] : memref<32x21xf32, #tpu.memory_space<vmem>>[vector<16xi32>, vector<16xi32>], vector<16xf32>,
      %add3A_1095 = arith.addf %add3A_1093, %gather3A_1094 : vector<16xf32>
      %gather3A_1096 = tpu.vector_load_idx %arg10[%broadcast_in_dim3A_1082, %get3A_328] : memref<32x21xf32, #tpu.memory_space<vmem>>[vector<16xi32>, vector<16xi32>], vector<16xf32>,
      %add3A_1097 = arith.addf %add3A_1095, %gather3A_1096 : vector<16xf32>
      %mul3A_1098 = arith.constant 1.250000e-01 : f32
      %mul3A_1099 = vector.broadcast %mul3A_1098 : f32 to vector<16xf32>
      %mul3A_1100 = arith.mulf %add3A_1097, %mul3A_1099 : vector<16xf32>
      %mul3A_1101 = arith.constant 16 : i32
      %mul3A_1102 = arith.muli %scan3A_265, %mul3A_1101 : i32
      %swap3A_1103 = arith.constant 29 : i32
      %swap3A_1104 = arith.index_cast %swap3A_1103 : i32 to index
      %swap3A_1105 = arith.index_cast %mul3A_1102 : i32 to index
      %swap3A_1106 = tpu.vector_load %arg11[%swap3A_1104, %swap3A_1105] {strides = array<i32>} : memref<32x256xf32, #tpu.memory_space<vmem>>, vector<16xf32>,
      tpu.vector_store %arg11[%swap3A_1104, %swap3A_1105], %mul3A_1100 {strides = array<i32>} : memref<32x256xf32, #tpu.memory_space<vmem>>, vector<16xf32>,
      %broadcast_in_dim3A_1107 = arith.constant 30 : i32
      %broadcast_in_dim3A_1108 = vector.broadcast %broadcast_in_dim3A_1107 : i32 to vector<16xi32>
      %gather3A_1109 = tpu.vector_load_idx %arg10[%broadcast_in_dim3A_1108, %get3A_272] : memref<32x21xf32, #tpu.memory_space<vmem>>[vector<16xi32>, vector<16xi32>], vector<16xf32>,
      %gather3A_1110 = tpu.vector_load_idx %arg10[%broadcast_in_dim3A_1108, %get3A_280] : memref<32x21xf32, #tpu.memory_space<vmem>>[vector<16xi32>, vector<16xi32>], vector<16xf32>,
      %add3A_1111 = arith.addf %gather3A_1109, %gather3A_1110 : vector<16xf32>
      %gather3A_1112 = tpu.vector_load_idx %arg10[%broadcast_in_dim3A_1108, %get3A_288] : memref<32x21xf32, #tpu.memory_space<vmem>>[vector<16xi32>, vector<16xi32>], vector<16xf32>,
      %add3A_1113 = arith.addf %add3A_1111, %gather3A_1112 : vector<16xf32>
      %gather3A_1114 = tpu.vector_load_idx %arg10[%broadcast_in_dim3A_1108, %get3A_296] : memref<32x21xf32, #tpu.memory_space<vmem>>[vector<16xi32>, vector<16xi32>], vector<16xf32>,
      %add3A_1115 = arith.addf %add3A_1113, %gather3A_1114 : vector<16xf32>
      %gather3A_1116 = tpu.vector_load_idx %arg10[%broadcast_in_dim3A_1108, %get3A_304] : memref<32x21xf32, #tpu.memory_space<vmem>>[vector<16xi32>, vector<16xi32>], vector<16xf32>,
      %add3A_1117 = arith.addf %add3A_1115, %gather3A_1116 : vector<16xf32>
      %gather3A_1118 = tpu.vector_load_idx %arg10[%broadcast_in_dim3A_1108, %get3A_312] : memref<32x21xf32, #tpu.memory_space<vmem>>[vector<16xi32>, vector<16xi32>], vector<16xf32>,
      %add3A_1119 = arith.addf %add3A_1117, %gather3A_1118 : vector<16xf32>
      %gather3A_1120 = tpu.vector_load_idx %arg10[%broadcast_in_dim3A_1108, %get3A_320] : memref<32x21xf32, #tpu.memory_space<vmem>>[vector<16xi32>, vector<16xi32>], vector<16xf32>,
      %add3A_1121 = arith.addf %add3A_1119, %gather3A_1120 : vector<16xf32>
      %gather3A_1122 = tpu.vector_load_idx %arg10[%broadcast_in_dim3A_1108, %get3A_328] : memref<32x21xf32, #tpu.memory_space<vmem>>[vector<16xi32>, vector<16xi32>], vector<16xf32>,
      %add3A_1123 = arith.addf %add3A_1121, %gather3A_1122 : vector<16xf32>
      %mul3A_1124 = arith.constant 1.250000e-01 : f32
      %mul3A_1125 = vector.broadcast %mul3A_1124 : f32 to vector<16xf32>
      %mul3A_1126 = arith.mulf %add3A_1123, %mul3A_1125 : vector<16xf32>
      %mul3A_1127 = arith.constant 16 : i32
      %mul3A_1128 = arith.muli %scan3A_265, %mul3A_1127 : i32
      %swap3A_1129 = arith.constant 30 : i32
      %swap3A_1130 = arith.index_cast %swap3A_1129 : i32 to index
      %swap3A_1131 = arith.index_cast %mul3A_1128 : i32 to index
      %swap3A_1132 = tpu.vector_load %arg11[%swap3A_1130, %swap3A_1131] {strides = array<i32>} : memref<32x256xf32, #tpu.memory_space<vmem>>, vector<16xf32>,
      tpu.vector_store %arg11[%swap3A_1130, %swap3A_1131], %mul3A_1126 {strides = array<i32>} : memref<32x256xf32, #tpu.memory_space<vmem>>, vector<16xf32>,
      %broadcast_in_dim3A_1133 = arith.constant 31 : i32
      %broadcast_in_dim3A_1134 = vector.broadcast %broadcast_in_dim3A_1133 : i32 to vector<16xi32>
      %gather3A_1135 = tpu.vector_load_idx %arg10[%broadcast_in_dim3A_1134, %get3A_272] : memref<32x21xf32, #tpu.memory_space<vmem>>[vector<16xi32>, vector<16xi32>], vector<16xf32>,
      %gather3A_1136 = tpu.vector_load_idx %arg10[%broadcast_in_dim3A_1134, %get3A_280] : memref<32x21xf32, #tpu.memory_space<vmem>>[vector<16xi32>, vector<16xi32>], vector<16xf32>,
      %add3A_1137 = arith.addf %gather3A_1135, %gather3A_1136 : vector<16xf32>
      %gather3A_1138 = tpu.vector_load_idx %arg10[%broadcast_in_dim3A_1134, %get3A_288] : memref<32x21xf32, #tpu.memory_space<vmem>>[vector<16xi32>, vector<16xi32>], vector<16xf32>,
      %add3A_1139 = arith.addf %add3A_1137, %gather3A_1138 : vector<16xf32>
      %gather3A_1140 = tpu.vector_load_idx %arg10[%broadcast_in_dim3A_1134, %get3A_296] : memref<32x21xf32, #tpu.memory_space<vmem>>[vector<16xi32>, vector<16xi32>], vector<16xf32>,
      %add3A_1141 = arith.addf %add3A_1139, %gather3A_1140 : vector<16xf32>
      %gather3A_1142 = tpu.vector_load_idx %arg10[%broadcast_in_dim3A_1134, %get3A_304] : memref<32x21xf32, #tpu.memory_space<vmem>>[vector<16xi32>, vector<16xi32>], vector<16xf32>,
      %add3A_1143 = arith.addf %add3A_1141, %gather3A_1142 : vector<16xf32>
      %gather3A_1144 = tpu.vector_load_idx %arg10[%broadcast_in_dim3A_1134, %get3A_312] : memref<32x21xf32, #tpu.memory_space<vmem>>[vector<16xi32>, vector<16xi32>], vector<16xf32>,
      %add3A_1145 = arith.addf %add3A_1143, %gather3A_1144 : vector<16xf32>
      %gather3A_1146 = tpu.vector_load_idx %arg10[%broadcast_in_dim3A_1134, %get3A_320] : memref<32x21xf32, #tpu.memory_space<vmem>>[vector<16xi32>, vector<16xi32>], vector<16xf32>,
      %add3A_1147 = arith.addf %add3A_1145, %gather3A_1146 : vector<16xf32>
      %gather3A_1148 = tpu.vector_load_idx %arg10[%broadcast_in_dim3A_1134, %get3A_328] : memref<32x21xf32, #tpu.memory_space<vmem>>[vector<16xi32>, vector<16xi32>], vector<16xf32>,
      %add3A_1149 = arith.addf %add3A_1147, %gather3A_1148 : vector<16xf32>
      %mul3A_1150 = arith.constant 1.250000e-01 : f32
      %mul3A_1151 = vector.broadcast %mul3A_1150 : f32 to vector<16xf32>
      %mul3A_1152 = arith.mulf %add3A_1149, %mul3A_1151 : vector<16xf32>
      %mul3A_1153 = arith.constant 16 : i32
      %mul3A_1154 = arith.muli %scan3A_265, %mul3A_1153 : i32
      %swap3A_1155 = arith.constant 31 : i32
      %swap3A_1156 = arith.index_cast %swap3A_1155 : i32 to index
      %swap3A_1157 = arith.index_cast %mul3A_1154 : i32 to index
      %swap3A_1158 = tpu.vector_load %arg11[%swap3A_1156, %swap3A_1157] {strides = array<i32>} : memref<32x256xf32, #tpu.memory_space<vmem>>, vector<16xf32>,
      tpu.vector_store %arg11[%swap3A_1156, %swap3A_1157], %mul3A_1152 {strides = array<i32>} : memref<32x256xf32, #tpu.memory_space<vmem>>, vector<16xf32>,
    }
    %scan3A_23 = arith.constant 16 : i32
    %add3A_24 = arith.constant 0 : i32
    %add3A_25 = arith.addi %mul3A_2, %add3A_24 : i32
    %dma_start3A_26 = arith.constant 32 : i32
    %dma_start3A_27 = tpu.memref_slice %arg6[%dma_start3A_26, %add3A_25] : memref<64x16384xf32, #tpu.memory_space<hbm>> -> memref<32x256xf32, #tpu.memory_space<hbm>>
    %dma_start3A_28 = arith.constant 32 : i32
    %dma_start3A_29 = tpu.memref_slice %arg6[%dma_start3A_28, %add3A_25] : memref<64x16384xf32, #tpu.memory_space<hbm>> -> memref<32x256xf32, #tpu.memory_space<hbm>>
    tpu.enqueue_dma source(%arg11 : memref<32x256xf32, #tpu.memory_space<vmem>>) target(%dma_start3A_29 : memref<32x256xf32, #tpu.memory_space<hbm>>) target_semaphore(%arg16 : memref<!tpu.dma_semaphore, #tpu.memory_space<semaphore_mem>>)
    %add3A_30 = arith.constant 0 : i32
    %add3A_31 = arith.addi %mul3A_2, %add3A_30 : i32
    %dma_wait3A_32 = arith.constant 32 : i32
    %dma_wait3A_33 = tpu.memref_slice %arg6[%dma_wait3A_32, %add3A_31] : memref<64x16384xf32, #tpu.memory_space<hbm>> -> memref<32x256xf32, #tpu.memory_space<hbm>>
    %dma_wait3A_34 = arith.constant 32 : i32
    %dma_wait3A_35 = tpu.memref_slice %arg6[%dma_wait3A_34, %add3A_31] : memref<64x16384xf32, #tpu.memory_space<hbm>> -> memref<32x256xf32, #tpu.memory_space<hbm>>
    tpu.wait_dma2 semaphore(%arg16 : memref<!tpu.dma_semaphore, #tpu.memory_space<semaphore_mem>>) src(%arg11 : memref<32x256xf32, #tpu.memory_space<vmem>>) dst(%dma_wait3A_35 : memref<32x256xf32, #tpu.memory_space<hbm>>)
    %scan3A_36 = arith.constant 0 : i32
    %scan3A_37 = arith.constant 16 : i32
    %scan3A_38 = arith.addi %scan3A_36, %scan3A_37 : i32
    %scan3A_39 = arith.constant 1 : i32
    scf.for %scan3A_265 = %scan3A_36 to %scan3A_38 step %scan3A_39  : i32 {
      %mul3A_266 = arith.constant 16 : i32
      %mul3A_267 = arith.muli %scan3A_265, %mul3A_266 : i32
      %add3A_268 = arith.constant 256 : i32
      %add3A_269 = arith.addi %add3A_268, %mul3A_267 : i32
      %get3A = arith.constant 0 : i32
      %get3A_270 = arith.index_cast %get3A : i32 to index
      %get3A_271 = arith.index_cast %add3A_269 : i32 to index
      %get3A_272 = tpu.vector_load %arg9[%get3A_270, %get3A_271] {strides = array<i32>} : memref<8x512xi32, #tpu.memory_space<vmem>>, vector<16xi32>,
      %mul3A_273 = arith.constant 16 : i32
      %mul3A_274 = arith.muli %scan3A_265, %mul3A_273 : i32
      %add3A_275 = arith.constant 256 : i32
      %add3A_276 = arith.addi %add3A_275, %mul3A_274 : i32
      %get3A_277 = arith.constant 1 : i32
      %get3A_278 = arith.index_cast %get3A_277 : i32 to index
      %get3A_279 = arith.index_cast %add3A_276 : i32 to index
      %get3A_280 = tpu.vector_load %arg9[%get3A_278, %get3A_279] {strides = array<i32>} : memref<8x512xi32, #tpu.memory_space<vmem>>, vector<16xi32>,
      %mul3A_281 = arith.constant 16 : i32
      %mul3A_282 = arith.muli %scan3A_265, %mul3A_281 : i32
      %add3A_283 = arith.constant 256 : i32
      %add3A_284 = arith.addi %add3A_283, %mul3A_282 : i32
      %get3A_285 = arith.constant 2 : i32
      %get3A_286 = arith.index_cast %get3A_285 : i32 to index
      %get3A_287 = arith.index_cast %add3A_284 : i32 to index
      %get3A_288 = tpu.vector_load %arg9[%get3A_286, %get3A_287] {strides = array<i32>} : memref<8x512xi32, #tpu.memory_space<vmem>>, vector<16xi32>,
      %mul3A_289 = arith.constant 16 : i32
      %mul3A_290 = arith.muli %scan3A_265, %mul3A_289 : i32
      %add3A_291 = arith.constant 256 : i32
      %add3A_292 = arith.addi %add3A_291, %mul3A_290 : i32
      %get3A_293 = arith.constant 3 : i32
      %get3A_294 = arith.index_cast %get3A_293 : i32 to index
      %get3A_295 = arith.index_cast %add3A_292 : i32 to index
      %get3A_296 = tpu.vector_load %arg9[%get3A_294, %get3A_295] {strides = array<i32>} : memref<8x512xi32, #tpu.memory_space<vmem>>, vector<16xi32>,
      %mul3A_297 = arith.constant 16 : i32
      %mul3A_298 = arith.muli %scan3A_265, %mul3A_297 : i32
      %add3A_299 = arith.constant 256 : i32
      %add3A_300 = arith.addi %add3A_299, %mul3A_298 : i32
      %get3A_301 = arith.constant 4 : i32
      %get3A_302 = arith.index_cast %get3A_301 : i32 to index
      %get3A_303 = arith.index_cast %add3A_300 : i32 to index
      %get3A_304 = tpu.vector_load %arg9[%get3A_302, %get3A_303] {strides = array<i32>} : memref<8x512xi32, #tpu.memory_space<vmem>>, vector<16xi32>,
      %mul3A_305 = arith.constant 16 : i32
      %mul3A_306 = arith.muli %scan3A_265, %mul3A_305 : i32
      %add3A_307 = arith.constant 256 : i32
      %add3A_308 = arith.addi %add3A_307, %mul3A_306 : i32
      %get3A_309 = arith.constant 5 : i32
      %get3A_310 = arith.index_cast %get3A_309 : i32 to index
      %get3A_311 = arith.index_cast %add3A_308 : i32 to index
      %get3A_312 = tpu.vector_load %arg9[%get3A_310, %get3A_311] {strides = array<i32>} : memref<8x512xi32, #tpu.memory_space<vmem>>, vector<16xi32>,
      %mul3A_313 = arith.constant 16 : i32
      %mul3A_314 = arith.muli %scan3A_265, %mul3A_313 : i32
      %add3A_315 = arith.constant 256 : i32
      %add3A_316 = arith.addi %add3A_315, %mul3A_314 : i32
      %get3A_317 = arith.constant 6 : i32
      %get3A_318 = arith.index_cast %get3A_317 : i32 to index
      %get3A_319 = arith.index_cast %add3A_316 : i32 to index
      %get3A_320 = tpu.vector_load %arg9[%get3A_318, %get3A_319] {strides = array<i32>} : memref<8x512xi32, #tpu.memory_space<vmem>>, vector<16xi32>,
      %mul3A_321 = arith.constant 16 : i32
      %mul3A_322 = arith.muli %scan3A_265, %mul3A_321 : i32
      %add3A_323 = arith.constant 256 : i32
      %add3A_324 = arith.addi %add3A_323, %mul3A_322 : i32
      %get3A_325 = arith.constant 7 : i32
      %get3A_326 = arith.index_cast %get3A_325 : i32 to index
      %get3A_327 = arith.index_cast %add3A_324 : i32 to index
      %get3A_328 = tpu.vector_load %arg9[%get3A_326, %get3A_327] {strides = array<i32>} : memref<8x512xi32, #tpu.memory_space<vmem>>, vector<16xi32>,
      %broadcast_in_dim3A_329 = arith.constant 0 : i32
      %broadcast_in_dim3A_330 = vector.broadcast %broadcast_in_dim3A_329 : i32 to vector<16xi32>
      %gather3A = tpu.vector_load_idx %arg10[%broadcast_in_dim3A_330, %get3A_272] : memref<32x21xf32, #tpu.memory_space<vmem>>[vector<16xi32>, vector<16xi32>], vector<16xf32>,
      %gather3A_331 = tpu.vector_load_idx %arg10[%broadcast_in_dim3A_330, %get3A_280] : memref<32x21xf32, #tpu.memory_space<vmem>>[vector<16xi32>, vector<16xi32>], vector<16xf32>,
      %add3A_332 = arith.addf %gather3A, %gather3A_331 : vector<16xf32>
      %gather3A_333 = tpu.vector_load_idx %arg10[%broadcast_in_dim3A_330, %get3A_288] : memref<32x21xf32, #tpu.memory_space<vmem>>[vector<16xi32>, vector<16xi32>], vector<16xf32>,
      %add3A_334 = arith.addf %add3A_332, %gather3A_333 : vector<16xf32>
      %gather3A_335 = tpu.vector_load_idx %arg10[%broadcast_in_dim3A_330, %get3A_296] : memref<32x21xf32, #tpu.memory_space<vmem>>[vector<16xi32>, vector<16xi32>], vector<16xf32>,
      %add3A_336 = arith.addf %add3A_334, %gather3A_335 : vector<16xf32>
      %gather3A_337 = tpu.vector_load_idx %arg10[%broadcast_in_dim3A_330, %get3A_304] : memref<32x21xf32, #tpu.memory_space<vmem>>[vector<16xi32>, vector<16xi32>], vector<16xf32>,
      %add3A_338 = arith.addf %add3A_336, %gather3A_337 : vector<16xf32>
      %gather3A_339 = tpu.vector_load_idx %arg10[%broadcast_in_dim3A_330, %get3A_312] : memref<32x21xf32, #tpu.memory_space<vmem>>[vector<16xi32>, vector<16xi32>], vector<16xf32>,
      %add3A_340 = arith.addf %add3A_338, %gather3A_339 : vector<16xf32>
      %gather3A_341 = tpu.vector_load_idx %arg10[%broadcast_in_dim3A_330, %get3A_320] : memref<32x21xf32, #tpu.memory_space<vmem>>[vector<16xi32>, vector<16xi32>], vector<16xf32>,
      %add3A_342 = arith.addf %add3A_340, %gather3A_341 : vector<16xf32>
      %gather3A_343 = tpu.vector_load_idx %arg10[%broadcast_in_dim3A_330, %get3A_328] : memref<32x21xf32, #tpu.memory_space<vmem>>[vector<16xi32>, vector<16xi32>], vector<16xf32>,
      %add3A_344 = arith.addf %add3A_342, %gather3A_343 : vector<16xf32>
      %mul3A_345 = arith.constant 1.250000e-01 : f32
      %mul3A_346 = vector.broadcast %mul3A_345 : f32 to vector<16xf32>
      %mul3A_347 = arith.mulf %add3A_344, %mul3A_346 : vector<16xf32>
      %mul3A_348 = arith.constant 16 : i32
      %mul3A_349 = arith.muli %scan3A_265, %mul3A_348 : i32
      %swap3A = arith.constant 0 : i32
      %swap3A_350 = arith.index_cast %swap3A : i32 to index
      %swap3A_351 = arith.index_cast %mul3A_349 : i32 to index
      %swap3A_352 = tpu.vector_load %arg11[%swap3A_350, %swap3A_351] {strides = array<i32>} : memref<32x256xf32, #tpu.memory_space<vmem>>, vector<16xf32>,
      tpu.vector_store %arg11[%swap3A_350, %swap3A_351], %mul3A_347 {strides = array<i32>} : memref<32x256xf32, #tpu.memory_space<vmem>>, vector<16xf32>,
      %broadcast_in_dim3A_353 = arith.constant 1 : i32
      %broadcast_in_dim3A_354 = vector.broadcast %broadcast_in_dim3A_353 : i32 to vector<16xi32>
      %gather3A_355 = tpu.vector_load_idx %arg10[%broadcast_in_dim3A_354, %get3A_272] : memref<32x21xf32, #tpu.memory_space<vmem>>[vector<16xi32>, vector<16xi32>], vector<16xf32>,
      %gather3A_356 = tpu.vector_load_idx %arg10[%broadcast_in_dim3A_354, %get3A_280] : memref<32x21xf32, #tpu.memory_space<vmem>>[vector<16xi32>, vector<16xi32>], vector<16xf32>,
      %add3A_357 = arith.addf %gather3A_355, %gather3A_356 : vector<16xf32>
      %gather3A_358 = tpu.vector_load_idx %arg10[%broadcast_in_dim3A_354, %get3A_288] : memref<32x21xf32, #tpu.memory_space<vmem>>[vector<16xi32>, vector<16xi32>], vector<16xf32>,
      %add3A_359 = arith.addf %add3A_357, %gather3A_358 : vector<16xf32>
      %gather3A_360 = tpu.vector_load_idx %arg10[%broadcast_in_dim3A_354, %get3A_296] : memref<32x21xf32, #tpu.memory_space<vmem>>[vector<16xi32>, vector<16xi32>], vector<16xf32>,
      %add3A_361 = arith.addf %add3A_359, %gather3A_360 : vector<16xf32>
      %gather3A_362 = tpu.vector_load_idx %arg10[%broadcast_in_dim3A_354, %get3A_304] : memref<32x21xf32, #tpu.memory_space<vmem>>[vector<16xi32>, vector<16xi32>], vector<16xf32>,
      %add3A_363 = arith.addf %add3A_361, %gather3A_362 : vector<16xf32>
      %gather3A_364 = tpu.vector_load_idx %arg10[%broadcast_in_dim3A_354, %get3A_312] : memref<32x21xf32, #tpu.memory_space<vmem>>[vector<16xi32>, vector<16xi32>], vector<16xf32>,
      %add3A_365 = arith.addf %add3A_363, %gather3A_364 : vector<16xf32>
      %gather3A_366 = tpu.vector_load_idx %arg10[%broadcast_in_dim3A_354, %get3A_320] : memref<32x21xf32, #tpu.memory_space<vmem>>[vector<16xi32>, vector<16xi32>], vector<16xf32>,
      %add3A_367 = arith.addf %add3A_365, %gather3A_366 : vector<16xf32>
      %gather3A_368 = tpu.vector_load_idx %arg10[%broadcast_in_dim3A_354, %get3A_328] : memref<32x21xf32, #tpu.memory_space<vmem>>[vector<16xi32>, vector<16xi32>], vector<16xf32>,
      %add3A_369 = arith.addf %add3A_367, %gather3A_368 : vector<16xf32>
      %mul3A_370 = arith.constant 1.250000e-01 : f32
      %mul3A_371 = vector.broadcast %mul3A_370 : f32 to vector<16xf32>
      %mul3A_372 = arith.mulf %add3A_369, %mul3A_371 : vector<16xf32>
      %mul3A_373 = arith.constant 16 : i32
      %mul3A_374 = arith.muli %scan3A_265, %mul3A_373 : i32
      %swap3A_375 = arith.constant 1 : i32
      %swap3A_376 = arith.index_cast %swap3A_375 : i32 to index
      %swap3A_377 = arith.index_cast %mul3A_374 : i32 to index
      %swap3A_378 = tpu.vector_load %arg11[%swap3A_376, %swap3A_377] {strides = array<i32>} : memref<32x256xf32, #tpu.memory_space<vmem>>, vector<16xf32>,
      tpu.vector_store %arg11[%swap3A_376, %swap3A_377], %mul3A_372 {strides = array<i32>} : memref<32x256xf32, #tpu.memory_space<vmem>>, vector<16xf32>,
      %broadcast_in_dim3A_379 = arith.constant 2 : i32
      %broadcast_in_dim3A_380 = vector.broadcast %broadcast_in_dim3A_379 : i32 to vector<16xi32>
      %gather3A_381 = tpu.vector_load_idx %arg10[%broadcast_in_dim3A_380, %get3A_272] : memref<32x21xf32, #tpu.memory_space<vmem>>[vector<16xi32>, vector<16xi32>], vector<16xf32>,
      %gather3A_382 = tpu.vector_load_idx %arg10[%broadcast_in_dim3A_380, %get3A_280] : memref<32x21xf32, #tpu.memory_space<vmem>>[vector<16xi32>, vector<16xi32>], vector<16xf32>,
      %add3A_383 = arith.addf %gather3A_381, %gather3A_382 : vector<16xf32>
      %gather3A_384 = tpu.vector_load_idx %arg10[%broadcast_in_dim3A_380, %get3A_288] : memref<32x21xf32, #tpu.memory_space<vmem>>[vector<16xi32>, vector<16xi32>], vector<16xf32>,
      %add3A_385 = arith.addf %add3A_383, %gather3A_384 : vector<16xf32>
      %gather3A_386 = tpu.vector_load_idx %arg10[%broadcast_in_dim3A_380, %get3A_296] : memref<32x21xf32, #tpu.memory_space<vmem>>[vector<16xi32>, vector<16xi32>], vector<16xf32>,
      %add3A_387 = arith.addf %add3A_385, %gather3A_386 : vector<16xf32>
      %gather3A_388 = tpu.vector_load_idx %arg10[%broadcast_in_dim3A_380, %get3A_304] : memref<32x21xf32, #tpu.memory_space<vmem>>[vector<16xi32>, vector<16xi32>], vector<16xf32>,
      %add3A_389 = arith.addf %add3A_387, %gather3A_388 : vector<16xf32>
      %gather3A_390 = tpu.vector_load_idx %arg10[%broadcast_in_dim3A_380, %get3A_312] : memref<32x21xf32, #tpu.memory_space<vmem>>[vector<16xi32>, vector<16xi32>], vector<16xf32>,
      %add3A_391 = arith.addf %add3A_389, %gather3A_390 : vector<16xf32>
      %gather3A_392 = tpu.vector_load_idx %arg10[%broadcast_in_dim3A_380, %get3A_320] : memref<32x21xf32, #tpu.memory_space<vmem>>[vector<16xi32>, vector<16xi32>], vector<16xf32>,
      %add3A_393 = arith.addf %add3A_391, %gather3A_392 : vector<16xf32>
      %gather3A_394 = tpu.vector_load_idx %arg10[%broadcast_in_dim3A_380, %get3A_328] : memref<32x21xf32, #tpu.memory_space<vmem>>[vector<16xi32>, vector<16xi32>], vector<16xf32>,
      %add3A_395 = arith.addf %add3A_393, %gather3A_394 : vector<16xf32>
      %mul3A_396 = arith.constant 1.250000e-01 : f32
      %mul3A_397 = vector.broadcast %mul3A_396 : f32 to vector<16xf32>
      %mul3A_398 = arith.mulf %add3A_395, %mul3A_397 : vector<16xf32>
      %mul3A_399 = arith.constant 16 : i32
      %mul3A_400 = arith.muli %scan3A_265, %mul3A_399 : i32
      %swap3A_401 = arith.constant 2 : i32
      %swap3A_402 = arith.index_cast %swap3A_401 : i32 to index
      %swap3A_403 = arith.index_cast %mul3A_400 : i32 to index
      %swap3A_404 = tpu.vector_load %arg11[%swap3A_402, %swap3A_403] {strides = array<i32>} : memref<32x256xf32, #tpu.memory_space<vmem>>, vector<16xf32>,
      tpu.vector_store %arg11[%swap3A_402, %swap3A_403], %mul3A_398 {strides = array<i32>} : memref<32x256xf32, #tpu.memory_space<vmem>>, vector<16xf32>,
      %broadcast_in_dim3A_405 = arith.constant 3 : i32
      %broadcast_in_dim3A_406 = vector.broadcast %broadcast_in_dim3A_405 : i32 to vector<16xi32>
      %gather3A_407 = tpu.vector_load_idx %arg10[%broadcast_in_dim3A_406, %get3A_272] : memref<32x21xf32, #tpu.memory_space<vmem>>[vector<16xi32>, vector<16xi32>], vector<16xf32>,
      %gather3A_408 = tpu.vector_load_idx %arg10[%broadcast_in_dim3A_406, %get3A_280] : memref<32x21xf32, #tpu.memory_space<vmem>>[vector<16xi32>, vector<16xi32>], vector<16xf32>,
      %add3A_409 = arith.addf %gather3A_407, %gather3A_408 : vector<16xf32>
      %gather3A_410 = tpu.vector_load_idx %arg10[%broadcast_in_dim3A_406, %get3A_288] : memref<32x21xf32, #tpu.memory_space<vmem>>[vector<16xi32>, vector<16xi32>], vector<16xf32>,
      %add3A_411 = arith.addf %add3A_409, %gather3A_410 : vector<16xf32>
      %gather3A_412 = tpu.vector_load_idx %arg10[%broadcast_in_dim3A_406, %get3A_296] : memref<32x21xf32, #tpu.memory_space<vmem>>[vector<16xi32>, vector<16xi32>], vector<16xf32>,
      %add3A_413 = arith.addf %add3A_411, %gather3A_412 : vector<16xf32>
      %gather3A_414 = tpu.vector_load_idx %arg10[%broadcast_in_dim3A_406, %get3A_304] : memref<32x21xf32, #tpu.memory_space<vmem>>[vector<16xi32>, vector<16xi32>], vector<16xf32>,
      %add3A_415 = arith.addf %add3A_413, %gather3A_414 : vector<16xf32>
      %gather3A_416 = tpu.vector_load_idx %arg10[%broadcast_in_dim3A_406, %get3A_312] : memref<32x21xf32, #tpu.memory_space<vmem>>[vector<16xi32>, vector<16xi32>], vector<16xf32>,
      %add3A_417 = arith.addf %add3A_415, %gather3A_416 : vector<16xf32>
      %gather3A_418 = tpu.vector_load_idx %arg10[%broadcast_in_dim3A_406, %get3A_320] : memref<32x21xf32, #tpu.memory_space<vmem>>[vector<16xi32>, vector<16xi32>], vector<16xf32>,
      %add3A_419 = arith.addf %add3A_417, %gather3A_418 : vector<16xf32>
      %gather3A_420 = tpu.vector_load_idx %arg10[%broadcast_in_dim3A_406, %get3A_328] : memref<32x21xf32, #tpu.memory_space<vmem>>[vector<16xi32>, vector<16xi32>], vector<16xf32>,
      %add3A_421 = arith.addf %add3A_419, %gather3A_420 : vector<16xf32>
      %mul3A_422 = arith.constant 1.250000e-01 : f32
      %mul3A_423 = vector.broadcast %mul3A_422 : f32 to vector<16xf32>
      %mul3A_424 = arith.mulf %add3A_421, %mul3A_423 : vector<16xf32>
      %mul3A_425 = arith.constant 16 : i32
      %mul3A_426 = arith.muli %scan3A_265, %mul3A_425 : i32
      %swap3A_427 = arith.constant 3 : i32
      %swap3A_428 = arith.index_cast %swap3A_427 : i32 to index
      %swap3A_429 = arith.index_cast %mul3A_426 : i32 to index
      %swap3A_430 = tpu.vector_load %arg11[%swap3A_428, %swap3A_429] {strides = array<i32>} : memref<32x256xf32, #tpu.memory_space<vmem>>, vector<16xf32>,
      tpu.vector_store %arg11[%swap3A_428, %swap3A_429], %mul3A_424 {strides = array<i32>} : memref<32x256xf32, #tpu.memory_space<vmem>>, vector<16xf32>,
      %broadcast_in_dim3A_431 = arith.constant 4 : i32
      %broadcast_in_dim3A_432 = vector.broadcast %broadcast_in_dim3A_431 : i32 to vector<16xi32>
      %gather3A_433 = tpu.vector_load_idx %arg10[%broadcast_in_dim3A_432, %get3A_272] : memref<32x21xf32, #tpu.memory_space<vmem>>[vector<16xi32>, vector<16xi32>], vector<16xf32>,
      %gather3A_434 = tpu.vector_load_idx %arg10[%broadcast_in_dim3A_432, %get3A_280] : memref<32x21xf32, #tpu.memory_space<vmem>>[vector<16xi32>, vector<16xi32>], vector<16xf32>,
      %add3A_435 = arith.addf %gather3A_433, %gather3A_434 : vector<16xf32>
      %gather3A_436 = tpu.vector_load_idx %arg10[%broadcast_in_dim3A_432, %get3A_288] : memref<32x21xf32, #tpu.memory_space<vmem>>[vector<16xi32>, vector<16xi32>], vector<16xf32>,
      %add3A_437 = arith.addf %add3A_435, %gather3A_436 : vector<16xf32>
      %gather3A_438 = tpu.vector_load_idx %arg10[%broadcast_in_dim3A_432, %get3A_296] : memref<32x21xf32, #tpu.memory_space<vmem>>[vector<16xi32>, vector<16xi32>], vector<16xf32>,
      %add3A_439 = arith.addf %add3A_437, %gather3A_438 : vector<16xf32>
      %gather3A_440 = tpu.vector_load_idx %arg10[%broadcast_in_dim3A_432, %get3A_304] : memref<32x21xf32, #tpu.memory_space<vmem>>[vector<16xi32>, vector<16xi32>], vector<16xf32>,
      %add3A_441 = arith.addf %add3A_439, %gather3A_440 : vector<16xf32>
      %gather3A_442 = tpu.vector_load_idx %arg10[%broadcast_in_dim3A_432, %get3A_312] : memref<32x21xf32, #tpu.memory_space<vmem>>[vector<16xi32>, vector<16xi32>], vector<16xf32>,
      %add3A_443 = arith.addf %add3A_441, %gather3A_442 : vector<16xf32>
      %gather3A_444 = tpu.vector_load_idx %arg10[%broadcast_in_dim3A_432, %get3A_320] : memref<32x21xf32, #tpu.memory_space<vmem>>[vector<16xi32>, vector<16xi32>], vector<16xf32>,
      %add3A_445 = arith.addf %add3A_443, %gather3A_444 : vector<16xf32>
      %gather3A_446 = tpu.vector_load_idx %arg10[%broadcast_in_dim3A_432, %get3A_328] : memref<32x21xf32, #tpu.memory_space<vmem>>[vector<16xi32>, vector<16xi32>], vector<16xf32>,
      %add3A_447 = arith.addf %add3A_445, %gather3A_446 : vector<16xf32>
      %mul3A_448 = arith.constant 1.250000e-01 : f32
      %mul3A_449 = vector.broadcast %mul3A_448 : f32 to vector<16xf32>
      %mul3A_450 = arith.mulf %add3A_447, %mul3A_449 : vector<16xf32>
      %mul3A_451 = arith.constant 16 : i32
      %mul3A_452 = arith.muli %scan3A_265, %mul3A_451 : i32
      %swap3A_453 = arith.constant 4 : i32
      %swap3A_454 = arith.index_cast %swap3A_453 : i32 to index
      %swap3A_455 = arith.index_cast %mul3A_452 : i32 to index
      %swap3A_456 = tpu.vector_load %arg11[%swap3A_454, %swap3A_455] {strides = array<i32>} : memref<32x256xf32, #tpu.memory_space<vmem>>, vector<16xf32>,
      tpu.vector_store %arg11[%swap3A_454, %swap3A_455], %mul3A_450 {strides = array<i32>} : memref<32x256xf32, #tpu.memory_space<vmem>>, vector<16xf32>,
      %broadcast_in_dim3A_457 = arith.constant 5 : i32
      %broadcast_in_dim3A_458 = vector.broadcast %broadcast_in_dim3A_457 : i32 to vector<16xi32>
      %gather3A_459 = tpu.vector_load_idx %arg10[%broadcast_in_dim3A_458, %get3A_272] : memref<32x21xf32, #tpu.memory_space<vmem>>[vector<16xi32>, vector<16xi32>], vector<16xf32>,
      %gather3A_460 = tpu.vector_load_idx %arg10[%broadcast_in_dim3A_458, %get3A_280] : memref<32x21xf32, #tpu.memory_space<vmem>>[vector<16xi32>, vector<16xi32>], vector<16xf32>,
      %add3A_461 = arith.addf %gather3A_459, %gather3A_460 : vector<16xf32>
      %gather3A_462 = tpu.vector_load_idx %arg10[%broadcast_in_dim3A_458, %get3A_288] : memref<32x21xf32, #tpu.memory_space<vmem>>[vector<16xi32>, vector<16xi32>], vector<16xf32>,
      %add3A_463 = arith.addf %add3A_461, %gather3A_462 : vector<16xf32>
      %gather3A_464 = tpu.vector_load_idx %arg10[%broadcast_in_dim3A_458, %get3A_296] : memref<32x21xf32, #tpu.memory_space<vmem>>[vector<16xi32>, vector<16xi32>], vector<16xf32>,
      %add3A_465 = arith.addf %add3A_463, %gather3A_464 : vector<16xf32>
      %gather3A_466 = tpu.vector_load_idx %arg10[%broadcast_in_dim3A_458, %get3A_304] : memref<32x21xf32, #tpu.memory_space<vmem>>[vector<16xi32>, vector<16xi32>], vector<16xf32>,
      %add3A_467 = arith.addf %add3A_465, %gather3A_466 : vector<16xf32>
      %gather3A_468 = tpu.vector_load_idx %arg10[%broadcast_in_dim3A_458, %get3A_312] : memref<32x21xf32, #tpu.memory_space<vmem>>[vector<16xi32>, vector<16xi32>], vector<16xf32>,
      %add3A_469 = arith.addf %add3A_467, %gather3A_468 : vector<16xf32>
      %gather3A_470 = tpu.vector_load_idx %arg10[%broadcast_in_dim3A_458, %get3A_320] : memref<32x21xf32, #tpu.memory_space<vmem>>[vector<16xi32>, vector<16xi32>], vector<16xf32>,
      %add3A_471 = arith.addf %add3A_469, %gather3A_470 : vector<16xf32>
      %gather3A_472 = tpu.vector_load_idx %arg10[%broadcast_in_dim3A_458, %get3A_328] : memref<32x21xf32, #tpu.memory_space<vmem>>[vector<16xi32>, vector<16xi32>], vector<16xf32>,
      %add3A_473 = arith.addf %add3A_471, %gather3A_472 : vector<16xf32>
      %mul3A_474 = arith.constant 1.250000e-01 : f32
      %mul3A_475 = vector.broadcast %mul3A_474 : f32 to vector<16xf32>
      %mul3A_476 = arith.mulf %add3A_473, %mul3A_475 : vector<16xf32>
      %mul3A_477 = arith.constant 16 : i32
      %mul3A_478 = arith.muli %scan3A_265, %mul3A_477 : i32
      %swap3A_479 = arith.constant 5 : i32
      %swap3A_480 = arith.index_cast %swap3A_479 : i32 to index
      %swap3A_481 = arith.index_cast %mul3A_478 : i32 to index
      %swap3A_482 = tpu.vector_load %arg11[%swap3A_480, %swap3A_481] {strides = array<i32>} : memref<32x256xf32, #tpu.memory_space<vmem>>, vector<16xf32>,
      tpu.vector_store %arg11[%swap3A_480, %swap3A_481], %mul3A_476 {strides = array<i32>} : memref<32x256xf32, #tpu.memory_space<vmem>>, vector<16xf32>,
      %broadcast_in_dim3A_483 = arith.constant 6 : i32
      %broadcast_in_dim3A_484 = vector.broadcast %broadcast_in_dim3A_483 : i32 to vector<16xi32>
      %gather3A_485 = tpu.vector_load_idx %arg10[%broadcast_in_dim3A_484, %get3A_272] : memref<32x21xf32, #tpu.memory_space<vmem>>[vector<16xi32>, vector<16xi32>], vector<16xf32>,
      %gather3A_486 = tpu.vector_load_idx %arg10[%broadcast_in_dim3A_484, %get3A_280] : memref<32x21xf32, #tpu.memory_space<vmem>>[vector<16xi32>, vector<16xi32>], vector<16xf32>,
      %add3A_487 = arith.addf %gather3A_485, %gather3A_486 : vector<16xf32>
      %gather3A_488 = tpu.vector_load_idx %arg10[%broadcast_in_dim3A_484, %get3A_288] : memref<32x21xf32, #tpu.memory_space<vmem>>[vector<16xi32>, vector<16xi32>], vector<16xf32>,
      %add3A_489 = arith.addf %add3A_487, %gather3A_488 : vector<16xf32>
      %gather3A_490 = tpu.vector_load_idx %arg10[%broadcast_in_dim3A_484, %get3A_296] : memref<32x21xf32, #tpu.memory_space<vmem>>[vector<16xi32>, vector<16xi32>], vector<16xf32>,
      %add3A_491 = arith.addf %add3A_489, %gather3A_490 : vector<16xf32>
      %gather3A_492 = tpu.vector_load_idx %arg10[%broadcast_in_dim3A_484, %get3A_304] : memref<32x21xf32, #tpu.memory_space<vmem>>[vector<16xi32>, vector<16xi32>], vector<16xf32>,
      %add3A_493 = arith.addf %add3A_491, %gather3A_492 : vector<16xf32>
      %gather3A_494 = tpu.vector_load_idx %arg10[%broadcast_in_dim3A_484, %get3A_312] : memref<32x21xf32, #tpu.memory_space<vmem>>[vector<16xi32>, vector<16xi32>], vector<16xf32>,
      %add3A_495 = arith.addf %add3A_493, %gather3A_494 : vector<16xf32>
      %gather3A_496 = tpu.vector_load_idx %arg10[%broadcast_in_dim3A_484, %get3A_320] : memref<32x21xf32, #tpu.memory_space<vmem>>[vector<16xi32>, vector<16xi32>], vector<16xf32>,
      %add3A_497 = arith.addf %add3A_495, %gather3A_496 : vector<16xf32>
      %gather3A_498 = tpu.vector_load_idx %arg10[%broadcast_in_dim3A_484, %get3A_328] : memref<32x21xf32, #tpu.memory_space<vmem>>[vector<16xi32>, vector<16xi32>], vector<16xf32>,
      %add3A_499 = arith.addf %add3A_497, %gather3A_498 : vector<16xf32>
      %mul3A_500 = arith.constant 1.250000e-01 : f32
      %mul3A_501 = vector.broadcast %mul3A_500 : f32 to vector<16xf32>
      %mul3A_502 = arith.mulf %add3A_499, %mul3A_501 : vector<16xf32>
      %mul3A_503 = arith.constant 16 : i32
      %mul3A_504 = arith.muli %scan3A_265, %mul3A_503 : i32
      %swap3A_505 = arith.constant 6 : i32
      %swap3A_506 = arith.index_cast %swap3A_505 : i32 to index
      %swap3A_507 = arith.index_cast %mul3A_504 : i32 to index
      %swap3A_508 = tpu.vector_load %arg11[%swap3A_506, %swap3A_507] {strides = array<i32>} : memref<32x256xf32, #tpu.memory_space<vmem>>, vector<16xf32>,
      tpu.vector_store %arg11[%swap3A_506, %swap3A_507], %mul3A_502 {strides = array<i32>} : memref<32x256xf32, #tpu.memory_space<vmem>>, vector<16xf32>,
      %broadcast_in_dim3A_509 = arith.constant 7 : i32
      %broadcast_in_dim3A_510 = vector.broadcast %broadcast_in_dim3A_509 : i32 to vector<16xi32>
      %gather3A_511 = tpu.vector_load_idx %arg10[%broadcast_in_dim3A_510, %get3A_272] : memref<32x21xf32, #tpu.memory_space<vmem>>[vector<16xi32>, vector<16xi32>], vector<16xf32>,
      %gather3A_512 = tpu.vector_load_idx %arg10[%broadcast_in_dim3A_510, %get3A_280] : memref<32x21xf32, #tpu.memory_space<vmem>>[vector<16xi32>, vector<16xi32>], vector<16xf32>,
      %add3A_513 = arith.addf %gather3A_511, %gather3A_512 : vector<16xf32>
      %gather3A_514 = tpu.vector_load_idx %arg10[%broadcast_in_dim3A_510, %get3A_288] : memref<32x21xf32, #tpu.memory_space<vmem>>[vector<16xi32>, vector<16xi32>], vector<16xf32>,
      %add3A_515 = arith.addf %add3A_513, %gather3A_514 : vector<16xf32>
      %gather3A_516 = tpu.vector_load_idx %arg10[%broadcast_in_dim3A_510, %get3A_296] : memref<32x21xf32, #tpu.memory_space<vmem>>[vector<16xi32>, vector<16xi32>], vector<16xf32>,
      %add3A_517 = arith.addf %add3A_515, %gather3A_516 : vector<16xf32>
      %gather3A_518 = tpu.vector_load_idx %arg10[%broadcast_in_dim3A_510, %get3A_304] : memref<32x21xf32, #tpu.memory_space<vmem>>[vector<16xi32>, vector<16xi32>], vector<16xf32>,
      %add3A_519 = arith.addf %add3A_517, %gather3A_518 : vector<16xf32>
      %gather3A_520 = tpu.vector_load_idx %arg10[%broadcast_in_dim3A_510, %get3A_312] : memref<32x21xf32, #tpu.memory_space<vmem>>[vector<16xi32>, vector<16xi32>], vector<16xf32>,
      %add3A_521 = arith.addf %add3A_519, %gather3A_520 : vector<16xf32>
      %gather3A_522 = tpu.vector_load_idx %arg10[%broadcast_in_dim3A_510, %get3A_320] : memref<32x21xf32, #tpu.memory_space<vmem>>[vector<16xi32>, vector<16xi32>], vector<16xf32>,
      %add3A_523 = arith.addf %add3A_521, %gather3A_522 : vector<16xf32>
      %gather3A_524 = tpu.vector_load_idx %arg10[%broadcast_in_dim3A_510, %get3A_328] : memref<32x21xf32, #tpu.memory_space<vmem>>[vector<16xi32>, vector<16xi32>], vector<16xf32>,
      %add3A_525 = arith.addf %add3A_523, %gather3A_524 : vector<16xf32>
      %mul3A_526 = arith.constant 1.250000e-01 : f32
      %mul3A_527 = vector.broadcast %mul3A_526 : f32 to vector<16xf32>
      %mul3A_528 = arith.mulf %add3A_525, %mul3A_527 : vector<16xf32>
      %mul3A_529 = arith.constant 16 : i32
      %mul3A_530 = arith.muli %scan3A_265, %mul3A_529 : i32
      %swap3A_531 = arith.constant 7 : i32
      %swap3A_532 = arith.index_cast %swap3A_531 : i32 to index
      %swap3A_533 = arith.index_cast %mul3A_530 : i32 to index
      %swap3A_534 = tpu.vector_load %arg11[%swap3A_532, %swap3A_533] {strides = array<i32>} : memref<32x256xf32, #tpu.memory_space<vmem>>, vector<16xf32>,
      tpu.vector_store %arg11[%swap3A_532, %swap3A_533], %mul3A_528 {strides = array<i32>} : memref<32x256xf32, #tpu.memory_space<vmem>>, vector<16xf32>,
      %broadcast_in_dim3A_535 = arith.constant 8 : i32
      %broadcast_in_dim3A_536 = vector.broadcast %broadcast_in_dim3A_535 : i32 to vector<16xi32>
      %gather3A_537 = tpu.vector_load_idx %arg10[%broadcast_in_dim3A_536, %get3A_272] : memref<32x21xf32, #tpu.memory_space<vmem>>[vector<16xi32>, vector<16xi32>], vector<16xf32>,
      %gather3A_538 = tpu.vector_load_idx %arg10[%broadcast_in_dim3A_536, %get3A_280] : memref<32x21xf32, #tpu.memory_space<vmem>>[vector<16xi32>, vector<16xi32>], vector<16xf32>,
      %add3A_539 = arith.addf %gather3A_537, %gather3A_538 : vector<16xf32>
      %gather3A_540 = tpu.vector_load_idx %arg10[%broadcast_in_dim3A_536, %get3A_288] : memref<32x21xf32, #tpu.memory_space<vmem>>[vector<16xi32>, vector<16xi32>], vector<16xf32>,
      %add3A_541 = arith.addf %add3A_539, %gather3A_540 : vector<16xf32>
      %gather3A_542 = tpu.vector_load_idx %arg10[%broadcast_in_dim3A_536, %get3A_296] : memref<32x21xf32, #tpu.memory_space<vmem>>[vector<16xi32>, vector<16xi32>], vector<16xf32>,
      %add3A_543 = arith.addf %add3A_541, %gather3A_542 : vector<16xf32>
      %gather3A_544 = tpu.vector_load_idx %arg10[%broadcast_in_dim3A_536, %get3A_304] : memref<32x21xf32, #tpu.memory_space<vmem>>[vector<16xi32>, vector<16xi32>], vector<16xf32>,
      %add3A_545 = arith.addf %add3A_543, %gather3A_544 : vector<16xf32>
      %gather3A_546 = tpu.vector_load_idx %arg10[%broadcast_in_dim3A_536, %get3A_312] : memref<32x21xf32, #tpu.memory_space<vmem>>[vector<16xi32>, vector<16xi32>], vector<16xf32>,
      %add3A_547 = arith.addf %add3A_545, %gather3A_546 : vector<16xf32>
      %gather3A_548 = tpu.vector_load_idx %arg10[%broadcast_in_dim3A_536, %get3A_320] : memref<32x21xf32, #tpu.memory_space<vmem>>[vector<16xi32>, vector<16xi32>], vector<16xf32>,
      %add3A_549 = arith.addf %add3A_547, %gather3A_548 : vector<16xf32>
      %gather3A_550 = tpu.vector_load_idx %arg10[%broadcast_in_dim3A_536, %get3A_328] : memref<32x21xf32, #tpu.memory_space<vmem>>[vector<16xi32>, vector<16xi32>], vector<16xf32>,
      %add3A_551 = arith.addf %add3A_549, %gather3A_550 : vector<16xf32>
      %mul3A_552 = arith.constant 1.250000e-01 : f32
      %mul3A_553 = vector.broadcast %mul3A_552 : f32 to vector<16xf32>
      %mul3A_554 = arith.mulf %add3A_551, %mul3A_553 : vector<16xf32>
      %mul3A_555 = arith.constant 16 : i32
      %mul3A_556 = arith.muli %scan3A_265, %mul3A_555 : i32
      %swap3A_557 = arith.constant 8 : i32
      %swap3A_558 = arith.index_cast %swap3A_557 : i32 to index
      %swap3A_559 = arith.index_cast %mul3A_556 : i32 to index
      %swap3A_560 = tpu.vector_load %arg11[%swap3A_558, %swap3A_559] {strides = array<i32>} : memref<32x256xf32, #tpu.memory_space<vmem>>, vector<16xf32>,
      tpu.vector_store %arg11[%swap3A_558, %swap3A_559], %mul3A_554 {strides = array<i32>} : memref<32x256xf32, #tpu.memory_space<vmem>>, vector<16xf32>,
      %broadcast_in_dim3A_561 = arith.constant 9 : i32
      %broadcast_in_dim3A_562 = vector.broadcast %broadcast_in_dim3A_561 : i32 to vector<16xi32>
      %gather3A_563 = tpu.vector_load_idx %arg10[%broadcast_in_dim3A_562, %get3A_272] : memref<32x21xf32, #tpu.memory_space<vmem>>[vector<16xi32>, vector<16xi32>], vector<16xf32>,
      %gather3A_564 = tpu.vector_load_idx %arg10[%broadcast_in_dim3A_562, %get3A_280] : memref<32x21xf32, #tpu.memory_space<vmem>>[vector<16xi32>, vector<16xi32>], vector<16xf32>,
      %add3A_565 = arith.addf %gather3A_563, %gather3A_564 : vector<16xf32>
      %gather3A_566 = tpu.vector_load_idx %arg10[%broadcast_in_dim3A_562, %get3A_288] : memref<32x21xf32, #tpu.memory_space<vmem>>[vector<16xi32>, vector<16xi32>], vector<16xf32>,
      %add3A_567 = arith.addf %add3A_565, %gather3A_566 : vector<16xf32>
      %gather3A_568 = tpu.vector_load_idx %arg10[%broadcast_in_dim3A_562, %get3A_296] : memref<32x21xf32, #tpu.memory_space<vmem>>[vector<16xi32>, vector<16xi32>], vector<16xf32>,
      %add3A_569 = arith.addf %add3A_567, %gather3A_568 : vector<16xf32>
      %gather3A_570 = tpu.vector_load_idx %arg10[%broadcast_in_dim3A_562, %get3A_304] : memref<32x21xf32, #tpu.memory_space<vmem>>[vector<16xi32>, vector<16xi32>], vector<16xf32>,
      %add3A_571 = arith.addf %add3A_569, %gather3A_570 : vector<16xf32>
      %gather3A_572 = tpu.vector_load_idx %arg10[%broadcast_in_dim3A_562, %get3A_312] : memref<32x21xf32, #tpu.memory_space<vmem>>[vector<16xi32>, vector<16xi32>], vector<16xf32>,
      %add3A_573 = arith.addf %add3A_571, %gather3A_572 : vector<16xf32>
      %gather3A_574 = tpu.vector_load_idx %arg10[%broadcast_in_dim3A_562, %get3A_320] : memref<32x21xf32, #tpu.memory_space<vmem>>[vector<16xi32>, vector<16xi32>], vector<16xf32>,
      %add3A_575 = arith.addf %add3A_573, %gather3A_574 : vector<16xf32>
      %gather3A_576 = tpu.vector_load_idx %arg10[%broadcast_in_dim3A_562, %get3A_328] : memref<32x21xf32, #tpu.memory_space<vmem>>[vector<16xi32>, vector<16xi32>], vector<16xf32>,
      %add3A_577 = arith.addf %add3A_575, %gather3A_576 : vector<16xf32>
      %mul3A_578 = arith.constant 1.250000e-01 : f32
      %mul3A_579 = vector.broadcast %mul3A_578 : f32 to vector<16xf32>
      %mul3A_580 = arith.mulf %add3A_577, %mul3A_579 : vector<16xf32>
      %mul3A_581 = arith.constant 16 : i32
      %mul3A_582 = arith.muli %scan3A_265, %mul3A_581 : i32
      %swap3A_583 = arith.constant 9 : i32
      %swap3A_584 = arith.index_cast %swap3A_583 : i32 to index
      %swap3A_585 = arith.index_cast %mul3A_582 : i32 to index
      %swap3A_586 = tpu.vector_load %arg11[%swap3A_584, %swap3A_585] {strides = array<i32>} : memref<32x256xf32, #tpu.memory_space<vmem>>, vector<16xf32>,
      tpu.vector_store %arg11[%swap3A_584, %swap3A_585], %mul3A_580 {strides = array<i32>} : memref<32x256xf32, #tpu.memory_space<vmem>>, vector<16xf32>,
      %broadcast_in_dim3A_587 = arith.constant 10 : i32
      %broadcast_in_dim3A_588 = vector.broadcast %broadcast_in_dim3A_587 : i32 to vector<16xi32>
      %gather3A_589 = tpu.vector_load_idx %arg10[%broadcast_in_dim3A_588, %get3A_272] : memref<32x21xf32, #tpu.memory_space<vmem>>[vector<16xi32>, vector<16xi32>], vector<16xf32>,
      %gather3A_590 = tpu.vector_load_idx %arg10[%broadcast_in_dim3A_588, %get3A_280] : memref<32x21xf32, #tpu.memory_space<vmem>>[vector<16xi32>, vector<16xi32>], vector<16xf32>,
      %add3A_591 = arith.addf %gather3A_589, %gather3A_590 : vector<16xf32>
      %gather3A_592 = tpu.vector_load_idx %arg10[%broadcast_in_dim3A_588, %get3A_288] : memref<32x21xf32, #tpu.memory_space<vmem>>[vector<16xi32>, vector<16xi32>], vector<16xf32>,
      %add3A_593 = arith.addf %add3A_591, %gather3A_592 : vector<16xf32>
      %gather3A_594 = tpu.vector_load_idx %arg10[%broadcast_in_dim3A_588, %get3A_296] : memref<32x21xf32, #tpu.memory_space<vmem>>[vector<16xi32>, vector<16xi32>], vector<16xf32>,
      %add3A_595 = arith.addf %add3A_593, %gather3A_594 : vector<16xf32>
      %gather3A_596 = tpu.vector_load_idx %arg10[%broadcast_in_dim3A_588, %get3A_304] : memref<32x21xf32, #tpu.memory_space<vmem>>[vector<16xi32>, vector<16xi32>], vector<16xf32>,
      %add3A_597 = arith.addf %add3A_595, %gather3A_596 : vector<16xf32>
      %gather3A_598 = tpu.vector_load_idx %arg10[%broadcast_in_dim3A_588, %get3A_312] : memref<32x21xf32, #tpu.memory_space<vmem>>[vector<16xi32>, vector<16xi32>], vector<16xf32>,
      %add3A_599 = arith.addf %add3A_597, %gather3A_598 : vector<16xf32>
      %gather3A_600 = tpu.vector_load_idx %arg10[%broadcast_in_dim3A_588, %get3A_320] : memref<32x21xf32, #tpu.memory_space<vmem>>[vector<16xi32>, vector<16xi32>], vector<16xf32>,
      %add3A_601 = arith.addf %add3A_599, %gather3A_600 : vector<16xf32>
      %gather3A_602 = tpu.vector_load_idx %arg10[%broadcast_in_dim3A_588, %get3A_328] : memref<32x21xf32, #tpu.memory_space<vmem>>[vector<16xi32>, vector<16xi32>], vector<16xf32>,
      %add3A_603 = arith.addf %add3A_601, %gather3A_602 : vector<16xf32>
      %mul3A_604 = arith.constant 1.250000e-01 : f32
      %mul3A_605 = vector.broadcast %mul3A_604 : f32 to vector<16xf32>
      %mul3A_606 = arith.mulf %add3A_603, %mul3A_605 : vector<16xf32>
      %mul3A_607 = arith.constant 16 : i32
      %mul3A_608 = arith.muli %scan3A_265, %mul3A_607 : i32
      %swap3A_609 = arith.constant 10 : i32
      %swap3A_610 = arith.index_cast %swap3A_609 : i32 to index
      %swap3A_611 = arith.index_cast %mul3A_608 : i32 to index
      %swap3A_612 = tpu.vector_load %arg11[%swap3A_610, %swap3A_611] {strides = array<i32>} : memref<32x256xf32, #tpu.memory_space<vmem>>, vector<16xf32>,
      tpu.vector_store %arg11[%swap3A_610, %swap3A_611], %mul3A_606 {strides = array<i32>} : memref<32x256xf32, #tpu.memory_space<vmem>>, vector<16xf32>,
      %broadcast_in_dim3A_613 = arith.constant 11 : i32
      %broadcast_in_dim3A_614 = vector.broadcast %broadcast_in_dim3A_613 : i32 to vector<16xi32>
      %gather3A_615 = tpu.vector_load_idx %arg10[%broadcast_in_dim3A_614, %get3A_272] : memref<32x21xf32, #tpu.memory_space<vmem>>[vector<16xi32>, vector<16xi32>], vector<16xf32>,
      %gather3A_616 = tpu.vector_load_idx %arg10[%broadcast_in_dim3A_614, %get3A_280] : memref<32x21xf32, #tpu.memory_space<vmem>>[vector<16xi32>, vector<16xi32>], vector<16xf32>,
      %add3A_617 = arith.addf %gather3A_615, %gather3A_616 : vector<16xf32>
      %gather3A_618 = tpu.vector_load_idx %arg10[%broadcast_in_dim3A_614, %get3A_288] : memref<32x21xf32, #tpu.memory_space<vmem>>[vector<16xi32>, vector<16xi32>], vector<16xf32>,
      %add3A_619 = arith.addf %add3A_617, %gather3A_618 : vector<16xf32>
      %gather3A_620 = tpu.vector_load_idx %arg10[%broadcast_in_dim3A_614, %get3A_296] : memref<32x21xf32, #tpu.memory_space<vmem>>[vector<16xi32>, vector<16xi32>], vector<16xf32>,
      %add3A_621 = arith.addf %add3A_619, %gather3A_620 : vector<16xf32>
      %gather3A_622 = tpu.vector_load_idx %arg10[%broadcast_in_dim3A_614, %get3A_304] : memref<32x21xf32, #tpu.memory_space<vmem>>[vector<16xi32>, vector<16xi32>], vector<16xf32>,
      %add3A_623 = arith.addf %add3A_621, %gather3A_622 : vector<16xf32>
      %gather3A_624 = tpu.vector_load_idx %arg10[%broadcast_in_dim3A_614, %get3A_312] : memref<32x21xf32, #tpu.memory_space<vmem>>[vector<16xi32>, vector<16xi32>], vector<16xf32>,
      %add3A_625 = arith.addf %add3A_623, %gather3A_624 : vector<16xf32>
      %gather3A_626 = tpu.vector_load_idx %arg10[%broadcast_in_dim3A_614, %get3A_320] : memref<32x21xf32, #tpu.memory_space<vmem>>[vector<16xi32>, vector<16xi32>], vector<16xf32>,
      %add3A_627 = arith.addf %add3A_625, %gather3A_626 : vector<16xf32>
      %gather3A_628 = tpu.vector_load_idx %arg10[%broadcast_in_dim3A_614, %get3A_328] : memref<32x21xf32, #tpu.memory_space<vmem>>[vector<16xi32>, vector<16xi32>], vector<16xf32>,
      %add3A_629 = arith.addf %add3A_627, %gather3A_628 : vector<16xf32>
      %mul3A_630 = arith.constant 1.250000e-01 : f32
      %mul3A_631 = vector.broadcast %mul3A_630 : f32 to vector<16xf32>
      %mul3A_632 = arith.mulf %add3A_629, %mul3A_631 : vector<16xf32>
      %mul3A_633 = arith.constant 16 : i32
      %mul3A_634 = arith.muli %scan3A_265, %mul3A_633 : i32
      %swap3A_635 = arith.constant 11 : i32
      %swap3A_636 = arith.index_cast %swap3A_635 : i32 to index
      %swap3A_637 = arith.index_cast %mul3A_634 : i32 to index
      %swap3A_638 = tpu.vector_load %arg11[%swap3A_636, %swap3A_637] {strides = array<i32>} : memref<32x256xf32, #tpu.memory_space<vmem>>, vector<16xf32>,
      tpu.vector_store %arg11[%swap3A_636, %swap3A_637], %mul3A_632 {strides = array<i32>} : memref<32x256xf32, #tpu.memory_space<vmem>>, vector<16xf32>,
      %broadcast_in_dim3A_639 = arith.constant 12 : i32
      %broadcast_in_dim3A_640 = vector.broadcast %broadcast_in_dim3A_639 : i32 to vector<16xi32>
      %gather3A_641 = tpu.vector_load_idx %arg10[%broadcast_in_dim3A_640, %get3A_272] : memref<32x21xf32, #tpu.memory_space<vmem>>[vector<16xi32>, vector<16xi32>], vector<16xf32>,
      %gather3A_642 = tpu.vector_load_idx %arg10[%broadcast_in_dim3A_640, %get3A_280] : memref<32x21xf32, #tpu.memory_space<vmem>>[vector<16xi32>, vector<16xi32>], vector<16xf32>,
      %add3A_643 = arith.addf %gather3A_641, %gather3A_642 : vector<16xf32>
      %gather3A_644 = tpu.vector_load_idx %arg10[%broadcast_in_dim3A_640, %get3A_288] : memref<32x21xf32, #tpu.memory_space<vmem>>[vector<16xi32>, vector<16xi32>], vector<16xf32>,
      %add3A_645 = arith.addf %add3A_643, %gather3A_644 : vector<16xf32>
      %gather3A_646 = tpu.vector_load_idx %arg10[%broadcast_in_dim3A_640, %get3A_296] : memref<32x21xf32, #tpu.memory_space<vmem>>[vector<16xi32>, vector<16xi32>], vector<16xf32>,
      %add3A_647 = arith.addf %add3A_645, %gather3A_646 : vector<16xf32>
      %gather3A_648 = tpu.vector_load_idx %arg10[%broadcast_in_dim3A_640, %get3A_304] : memref<32x21xf32, #tpu.memory_space<vmem>>[vector<16xi32>, vector<16xi32>], vector<16xf32>,
      %add3A_649 = arith.addf %add3A_647, %gather3A_648 : vector<16xf32>
      %gather3A_650 = tpu.vector_load_idx %arg10[%broadcast_in_dim3A_640, %get3A_312] : memref<32x21xf32, #tpu.memory_space<vmem>>[vector<16xi32>, vector<16xi32>], vector<16xf32>,
      %add3A_651 = arith.addf %add3A_649, %gather3A_650 : vector<16xf32>
      %gather3A_652 = tpu.vector_load_idx %arg10[%broadcast_in_dim3A_640, %get3A_320] : memref<32x21xf32, #tpu.memory_space<vmem>>[vector<16xi32>, vector<16xi32>], vector<16xf32>,
      %add3A_653 = arith.addf %add3A_651, %gather3A_652 : vector<16xf32>
      %gather3A_654 = tpu.vector_load_idx %arg10[%broadcast_in_dim3A_640, %get3A_328] : memref<32x21xf32, #tpu.memory_space<vmem>>[vector<16xi32>, vector<16xi32>], vector<16xf32>,
      %add3A_655 = arith.addf %add3A_653, %gather3A_654 : vector<16xf32>
      %mul3A_656 = arith.constant 1.250000e-01 : f32
      %mul3A_657 = vector.broadcast %mul3A_656 : f32 to vector<16xf32>
      %mul3A_658 = arith.mulf %add3A_655, %mul3A_657 : vector<16xf32>
      %mul3A_659 = arith.constant 16 : i32
      %mul3A_660 = arith.muli %scan3A_265, %mul3A_659 : i32
      %swap3A_661 = arith.constant 12 : i32
      %swap3A_662 = arith.index_cast %swap3A_661 : i32 to index
      %swap3A_663 = arith.index_cast %mul3A_660 : i32 to index
      %swap3A_664 = tpu.vector_load %arg11[%swap3A_662, %swap3A_663] {strides = array<i32>} : memref<32x256xf32, #tpu.memory_space<vmem>>, vector<16xf32>,
      tpu.vector_store %arg11[%swap3A_662, %swap3A_663], %mul3A_658 {strides = array<i32>} : memref<32x256xf32, #tpu.memory_space<vmem>>, vector<16xf32>,
      %broadcast_in_dim3A_665 = arith.constant 13 : i32
      %broadcast_in_dim3A_666 = vector.broadcast %broadcast_in_dim3A_665 : i32 to vector<16xi32>
      %gather3A_667 = tpu.vector_load_idx %arg10[%broadcast_in_dim3A_666, %get3A_272] : memref<32x21xf32, #tpu.memory_space<vmem>>[vector<16xi32>, vector<16xi32>], vector<16xf32>,
      %gather3A_668 = tpu.vector_load_idx %arg10[%broadcast_in_dim3A_666, %get3A_280] : memref<32x21xf32, #tpu.memory_space<vmem>>[vector<16xi32>, vector<16xi32>], vector<16xf32>,
      %add3A_669 = arith.addf %gather3A_667, %gather3A_668 : vector<16xf32>
      %gather3A_670 = tpu.vector_load_idx %arg10[%broadcast_in_dim3A_666, %get3A_288] : memref<32x21xf32, #tpu.memory_space<vmem>>[vector<16xi32>, vector<16xi32>], vector<16xf32>,
      %add3A_671 = arith.addf %add3A_669, %gather3A_670 : vector<16xf32>
      %gather3A_672 = tpu.vector_load_idx %arg10[%broadcast_in_dim3A_666, %get3A_296] : memref<32x21xf32, #tpu.memory_space<vmem>>[vector<16xi32>, vector<16xi32>], vector<16xf32>,
      %add3A_673 = arith.addf %add3A_671, %gather3A_672 : vector<16xf32>
      %gather3A_674 = tpu.vector_load_idx %arg10[%broadcast_in_dim3A_666, %get3A_304] : memref<32x21xf32, #tpu.memory_space<vmem>>[vector<16xi32>, vector<16xi32>], vector<16xf32>,
      %add3A_675 = arith.addf %add3A_673, %gather3A_674 : vector<16xf32>
      %gather3A_676 = tpu.vector_load_idx %arg10[%broadcast_in_dim3A_666, %get3A_312] : memref<32x21xf32, #tpu.memory_space<vmem>>[vector<16xi32>, vector<16xi32>], vector<16xf32>,
      %add3A_677 = arith.addf %add3A_675, %gather3A_676 : vector<16xf32>
      %gather3A_678 = tpu.vector_load_idx %arg10[%broadcast_in_dim3A_666, %get3A_320] : memref<32x21xf32, #tpu.memory_space<vmem>>[vector<16xi32>, vector<16xi32>], vector<16xf32>,
      %add3A_679 = arith.addf %add3A_677, %gather3A_678 : vector<16xf32>
      %gather3A_680 = tpu.vector_load_idx %arg10[%broadcast_in_dim3A_666, %get3A_328] : memref<32x21xf32, #tpu.memory_space<vmem>>[vector<16xi32>, vector<16xi32>], vector<16xf32>,
      %add3A_681 = arith.addf %add3A_679, %gather3A_680 : vector<16xf32>
      %mul3A_682 = arith.constant 1.250000e-01 : f32
      %mul3A_683 = vector.broadcast %mul3A_682 : f32 to vector<16xf32>
      %mul3A_684 = arith.mulf %add3A_681, %mul3A_683 : vector<16xf32>
      %mul3A_685 = arith.constant 16 : i32
      %mul3A_686 = arith.muli %scan3A_265, %mul3A_685 : i32
      %swap3A_687 = arith.constant 13 : i32
      %swap3A_688 = arith.index_cast %swap3A_687 : i32 to index
      %swap3A_689 = arith.index_cast %mul3A_686 : i32 to index
      %swap3A_690 = tpu.vector_load %arg11[%swap3A_688, %swap3A_689] {strides = array<i32>} : memref<32x256xf32, #tpu.memory_space<vmem>>, vector<16xf32>,
      tpu.vector_store %arg11[%swap3A_688, %swap3A_689], %mul3A_684 {strides = array<i32>} : memref<32x256xf32, #tpu.memory_space<vmem>>, vector<16xf32>,
      %broadcast_in_dim3A_691 = arith.constant 14 : i32
      %broadcast_in_dim3A_692 = vector.broadcast %broadcast_in_dim3A_691 : i32 to vector<16xi32>
      %gather3A_693 = tpu.vector_load_idx %arg10[%broadcast_in_dim3A_692, %get3A_272] : memref<32x21xf32, #tpu.memory_space<vmem>>[vector<16xi32>, vector<16xi32>], vector<16xf32>,
      %gather3A_694 = tpu.vector_load_idx %arg10[%broadcast_in_dim3A_692, %get3A_280] : memref<32x21xf32, #tpu.memory_space<vmem>>[vector<16xi32>, vector<16xi32>], vector<16xf32>,
      %add3A_695 = arith.addf %gather3A_693, %gather3A_694 : vector<16xf32>
      %gather3A_696 = tpu.vector_load_idx %arg10[%broadcast_in_dim3A_692, %get3A_288] : memref<32x21xf32, #tpu.memory_space<vmem>>[vector<16xi32>, vector<16xi32>], vector<16xf32>,
      %add3A_697 = arith.addf %add3A_695, %gather3A_696 : vector<16xf32>
      %gather3A_698 = tpu.vector_load_idx %arg10[%broadcast_in_dim3A_692, %get3A_296] : memref<32x21xf32, #tpu.memory_space<vmem>>[vector<16xi32>, vector<16xi32>], vector<16xf32>,
      %add3A_699 = arith.addf %add3A_697, %gather3A_698 : vector<16xf32>
      %gather3A_700 = tpu.vector_load_idx %arg10[%broadcast_in_dim3A_692, %get3A_304] : memref<32x21xf32, #tpu.memory_space<vmem>>[vector<16xi32>, vector<16xi32>], vector<16xf32>,
      %add3A_701 = arith.addf %add3A_699, %gather3A_700 : vector<16xf32>
      %gather3A_702 = tpu.vector_load_idx %arg10[%broadcast_in_dim3A_692, %get3A_312] : memref<32x21xf32, #tpu.memory_space<vmem>>[vector<16xi32>, vector<16xi32>], vector<16xf32>,
      %add3A_703 = arith.addf %add3A_701, %gather3A_702 : vector<16xf32>
      %gather3A_704 = tpu.vector_load_idx %arg10[%broadcast_in_dim3A_692, %get3A_320] : memref<32x21xf32, #tpu.memory_space<vmem>>[vector<16xi32>, vector<16xi32>], vector<16xf32>,
      %add3A_705 = arith.addf %add3A_703, %gather3A_704 : vector<16xf32>
      %gather3A_706 = tpu.vector_load_idx %arg10[%broadcast_in_dim3A_692, %get3A_328] : memref<32x21xf32, #tpu.memory_space<vmem>>[vector<16xi32>, vector<16xi32>], vector<16xf32>,
      %add3A_707 = arith.addf %add3A_705, %gather3A_706 : vector<16xf32>
      %mul3A_708 = arith.constant 1.250000e-01 : f32
      %mul3A_709 = vector.broadcast %mul3A_708 : f32 to vector<16xf32>
      %mul3A_710 = arith.mulf %add3A_707, %mul3A_709 : vector<16xf32>
      %mul3A_711 = arith.constant 16 : i32
      %mul3A_712 = arith.muli %scan3A_265, %mul3A_711 : i32
      %swap3A_713 = arith.constant 14 : i32
      %swap3A_714 = arith.index_cast %swap3A_713 : i32 to index
      %swap3A_715 = arith.index_cast %mul3A_712 : i32 to index
      %swap3A_716 = tpu.vector_load %arg11[%swap3A_714, %swap3A_715] {strides = array<i32>} : memref<32x256xf32, #tpu.memory_space<vmem>>, vector<16xf32>,
      tpu.vector_store %arg11[%swap3A_714, %swap3A_715], %mul3A_710 {strides = array<i32>} : memref<32x256xf32, #tpu.memory_space<vmem>>, vector<16xf32>,
      %broadcast_in_dim3A_717 = arith.constant 15 : i32
      %broadcast_in_dim3A_718 = vector.broadcast %broadcast_in_dim3A_717 : i32 to vector<16xi32>
      %gather3A_719 = tpu.vector_load_idx %arg10[%broadcast_in_dim3A_718, %get3A_272] : memref<32x21xf32, #tpu.memory_space<vmem>>[vector<16xi32>, vector<16xi32>], vector<16xf32>,
      %gather3A_720 = tpu.vector_load_idx %arg10[%broadcast_in_dim3A_718, %get3A_280] : memref<32x21xf32, #tpu.memory_space<vmem>>[vector<16xi32>, vector<16xi32>], vector<16xf32>,
      %add3A_721 = arith.addf %gather3A_719, %gather3A_720 : vector<16xf32>
      %gather3A_722 = tpu.vector_load_idx %arg10[%broadcast_in_dim3A_718, %get3A_288] : memref<32x21xf32, #tpu.memory_space<vmem>>[vector<16xi32>, vector<16xi32>], vector<16xf32>,
      %add3A_723 = arith.addf %add3A_721, %gather3A_722 : vector<16xf32>
      %gather3A_724 = tpu.vector_load_idx %arg10[%broadcast_in_dim3A_718, %get3A_296] : memref<32x21xf32, #tpu.memory_space<vmem>>[vector<16xi32>, vector<16xi32>], vector<16xf32>,
      %add3A_725 = arith.addf %add3A_723, %gather3A_724 : vector<16xf32>
      %gather3A_726 = tpu.vector_load_idx %arg10[%broadcast_in_dim3A_718, %get3A_304] : memref<32x21xf32, #tpu.memory_space<vmem>>[vector<16xi32>, vector<16xi32>], vector<16xf32>,
      %add3A_727 = arith.addf %add3A_725, %gather3A_726 : vector<16xf32>
      %gather3A_728 = tpu.vector_load_idx %arg10[%broadcast_in_dim3A_718, %get3A_312] : memref<32x21xf32, #tpu.memory_space<vmem>>[vector<16xi32>, vector<16xi32>], vector<16xf32>,
      %add3A_729 = arith.addf %add3A_727, %gather3A_728 : vector<16xf32>
      %gather3A_730 = tpu.vector_load_idx %arg10[%broadcast_in_dim3A_718, %get3A_320] : memref<32x21xf32, #tpu.memory_space<vmem>>[vector<16xi32>, vector<16xi32>], vector<16xf32>,
      %add3A_731 = arith.addf %add3A_729, %gather3A_730 : vector<16xf32>
      %gather3A_732 = tpu.vector_load_idx %arg10[%broadcast_in_dim3A_718, %get3A_328] : memref<32x21xf32, #tpu.memory_space<vmem>>[vector<16xi32>, vector<16xi32>], vector<16xf32>,
      %add3A_733 = arith.addf %add3A_731, %gather3A_732 : vector<16xf32>
      %mul3A_734 = arith.constant 1.250000e-01 : f32
      %mul3A_735 = vector.broadcast %mul3A_734 : f32 to vector<16xf32>
      %mul3A_736 = arith.mulf %add3A_733, %mul3A_735 : vector<16xf32>
      %mul3A_737 = arith.constant 16 : i32
      %mul3A_738 = arith.muli %scan3A_265, %mul3A_737 : i32
      %swap3A_739 = arith.constant 15 : i32
      %swap3A_740 = arith.index_cast %swap3A_739 : i32 to index
      %swap3A_741 = arith.index_cast %mul3A_738 : i32 to index
      %swap3A_742 = tpu.vector_load %arg11[%swap3A_740, %swap3A_741] {strides = array<i32>} : memref<32x256xf32, #tpu.memory_space<vmem>>, vector<16xf32>,
      tpu.vector_store %arg11[%swap3A_740, %swap3A_741], %mul3A_736 {strides = array<i32>} : memref<32x256xf32, #tpu.memory_space<vmem>>, vector<16xf32>,
      %broadcast_in_dim3A_743 = arith.constant 16 : i32
      %broadcast_in_dim3A_744 = vector.broadcast %broadcast_in_dim3A_743 : i32 to vector<16xi32>
      %gather3A_745 = tpu.vector_load_idx %arg10[%broadcast_in_dim3A_744, %get3A_272] : memref<32x21xf32, #tpu.memory_space<vmem>>[vector<16xi32>, vector<16xi32>], vector<16xf32>,
      %gather3A_746 = tpu.vector_load_idx %arg10[%broadcast_in_dim3A_744, %get3A_280] : memref<32x21xf32, #tpu.memory_space<vmem>>[vector<16xi32>, vector<16xi32>], vector<16xf32>,
      %add3A_747 = arith.addf %gather3A_745, %gather3A_746 : vector<16xf32>
      %gather3A_748 = tpu.vector_load_idx %arg10[%broadcast_in_dim3A_744, %get3A_288] : memref<32x21xf32, #tpu.memory_space<vmem>>[vector<16xi32>, vector<16xi32>], vector<16xf32>,
      %add3A_749 = arith.addf %add3A_747, %gather3A_748 : vector<16xf32>
      %gather3A_750 = tpu.vector_load_idx %arg10[%broadcast_in_dim3A_744, %get3A_296] : memref<32x21xf32, #tpu.memory_space<vmem>>[vector<16xi32>, vector<16xi32>], vector<16xf32>,
      %add3A_751 = arith.addf %add3A_749, %gather3A_750 : vector<16xf32>
      %gather3A_752 = tpu.vector_load_idx %arg10[%broadcast_in_dim3A_744, %get3A_304] : memref<32x21xf32, #tpu.memory_space<vmem>>[vector<16xi32>, vector<16xi32>], vector<16xf32>,
      %add3A_753 = arith.addf %add3A_751, %gather3A_752 : vector<16xf32>
      %gather3A_754 = tpu.vector_load_idx %arg10[%broadcast_in_dim3A_744, %get3A_312] : memref<32x21xf32, #tpu.memory_space<vmem>>[vector<16xi32>, vector<16xi32>], vector<16xf32>,
      %add3A_755 = arith.addf %add3A_753, %gather3A_754 : vector<16xf32>
      %gather3A_756 = tpu.vector_load_idx %arg10[%broadcast_in_dim3A_744, %get3A_320] : memref<32x21xf32, #tpu.memory_space<vmem>>[vector<16xi32>, vector<16xi32>], vector<16xf32>,
      %add3A_757 = arith.addf %add3A_755, %gather3A_756 : vector<16xf32>
      %gather3A_758 = tpu.vector_load_idx %arg10[%broadcast_in_dim3A_744, %get3A_328] : memref<32x21xf32, #tpu.memory_space<vmem>>[vector<16xi32>, vector<16xi32>], vector<16xf32>,
      %add3A_759 = arith.addf %add3A_757, %gather3A_758 : vector<16xf32>
      %mul3A_760 = arith.constant 1.250000e-01 : f32
      %mul3A_761 = vector.broadcast %mul3A_760 : f32 to vector<16xf32>
      %mul3A_762 = arith.mulf %add3A_759, %mul3A_761 : vector<16xf32>
      %mul3A_763 = arith.constant 16 : i32
      %mul3A_764 = arith.muli %scan3A_265, %mul3A_763 : i32
      %swap3A_765 = arith.constant 16 : i32
      %swap3A_766 = arith.index_cast %swap3A_765 : i32 to index
      %swap3A_767 = arith.index_cast %mul3A_764 : i32 to index
      %swap3A_768 = tpu.vector_load %arg11[%swap3A_766, %swap3A_767] {strides = array<i32>} : memref<32x256xf32, #tpu.memory_space<vmem>>, vector<16xf32>,
      tpu.vector_store %arg11[%swap3A_766, %swap3A_767], %mul3A_762 {strides = array<i32>} : memref<32x256xf32, #tpu.memory_space<vmem>>, vector<16xf32>,
      %broadcast_in_dim3A_769 = arith.constant 17 : i32
      %broadcast_in_dim3A_770 = vector.broadcast %broadcast_in_dim3A_769 : i32 to vector<16xi32>
      %gather3A_771 = tpu.vector_load_idx %arg10[%broadcast_in_dim3A_770, %get3A_272] : memref<32x21xf32, #tpu.memory_space<vmem>>[vector<16xi32>, vector<16xi32>], vector<16xf32>,
      %gather3A_772 = tpu.vector_load_idx %arg10[%broadcast_in_dim3A_770, %get3A_280] : memref<32x21xf32, #tpu.memory_space<vmem>>[vector<16xi32>, vector<16xi32>], vector<16xf32>,
      %add3A_773 = arith.addf %gather3A_771, %gather3A_772 : vector<16xf32>
      %gather3A_774 = tpu.vector_load_idx %arg10[%broadcast_in_dim3A_770, %get3A_288] : memref<32x21xf32, #tpu.memory_space<vmem>>[vector<16xi32>, vector<16xi32>], vector<16xf32>,
      %add3A_775 = arith.addf %add3A_773, %gather3A_774 : vector<16xf32>
      %gather3A_776 = tpu.vector_load_idx %arg10[%broadcast_in_dim3A_770, %get3A_296] : memref<32x21xf32, #tpu.memory_space<vmem>>[vector<16xi32>, vector<16xi32>], vector<16xf32>,
      %add3A_777 = arith.addf %add3A_775, %gather3A_776 : vector<16xf32>
      %gather3A_778 = tpu.vector_load_idx %arg10[%broadcast_in_dim3A_770, %get3A_304] : memref<32x21xf32, #tpu.memory_space<vmem>>[vector<16xi32>, vector<16xi32>], vector<16xf32>,
      %add3A_779 = arith.addf %add3A_777, %gather3A_778 : vector<16xf32>
      %gather3A_780 = tpu.vector_load_idx %arg10[%broadcast_in_dim3A_770, %get3A_312] : memref<32x21xf32, #tpu.memory_space<vmem>>[vector<16xi32>, vector<16xi32>], vector<16xf32>,
      %add3A_781 = arith.addf %add3A_779, %gather3A_780 : vector<16xf32>
      %gather3A_782 = tpu.vector_load_idx %arg10[%broadcast_in_dim3A_770, %get3A_320] : memref<32x21xf32, #tpu.memory_space<vmem>>[vector<16xi32>, vector<16xi32>], vector<16xf32>,
      %add3A_783 = arith.addf %add3A_781, %gather3A_782 : vector<16xf32>
      %gather3A_784 = tpu.vector_load_idx %arg10[%broadcast_in_dim3A_770, %get3A_328] : memref<32x21xf32, #tpu.memory_space<vmem>>[vector<16xi32>, vector<16xi32>], vector<16xf32>,
      %add3A_785 = arith.addf %add3A_783, %gather3A_784 : vector<16xf32>
      %mul3A_786 = arith.constant 1.250000e-01 : f32
      %mul3A_787 = vector.broadcast %mul3A_786 : f32 to vector<16xf32>
      %mul3A_788 = arith.mulf %add3A_785, %mul3A_787 : vector<16xf32>
      %mul3A_789 = arith.constant 16 : i32
      %mul3A_790 = arith.muli %scan3A_265, %mul3A_789 : i32
      %swap3A_791 = arith.constant 17 : i32
      %swap3A_792 = arith.index_cast %swap3A_791 : i32 to index
      %swap3A_793 = arith.index_cast %mul3A_790 : i32 to index
      %swap3A_794 = tpu.vector_load %arg11[%swap3A_792, %swap3A_793] {strides = array<i32>} : memref<32x256xf32, #tpu.memory_space<vmem>>, vector<16xf32>,
      tpu.vector_store %arg11[%swap3A_792, %swap3A_793], %mul3A_788 {strides = array<i32>} : memref<32x256xf32, #tpu.memory_space<vmem>>, vector<16xf32>,
      %broadcast_in_dim3A_795 = arith.constant 18 : i32
      %broadcast_in_dim3A_796 = vector.broadcast %broadcast_in_dim3A_795 : i32 to vector<16xi32>
      %gather3A_797 = tpu.vector_load_idx %arg10[%broadcast_in_dim3A_796, %get3A_272] : memref<32x21xf32, #tpu.memory_space<vmem>>[vector<16xi32>, vector<16xi32>], vector<16xf32>,
      %gather3A_798 = tpu.vector_load_idx %arg10[%broadcast_in_dim3A_796, %get3A_280] : memref<32x21xf32, #tpu.memory_space<vmem>>[vector<16xi32>, vector<16xi32>], vector<16xf32>,
      %add3A_799 = arith.addf %gather3A_797, %gather3A_798 : vector<16xf32>
      %gather3A_800 = tpu.vector_load_idx %arg10[%broadcast_in_dim3A_796, %get3A_288] : memref<32x21xf32, #tpu.memory_space<vmem>>[vector<16xi32>, vector<16xi32>], vector<16xf32>,
      %add3A_801 = arith.addf %add3A_799, %gather3A_800 : vector<16xf32>
      %gather3A_802 = tpu.vector_load_idx %arg10[%broadcast_in_dim3A_796, %get3A_296] : memref<32x21xf32, #tpu.memory_space<vmem>>[vector<16xi32>, vector<16xi32>], vector<16xf32>,
      %add3A_803 = arith.addf %add3A_801, %gather3A_802 : vector<16xf32>
      %gather3A_804 = tpu.vector_load_idx %arg10[%broadcast_in_dim3A_796, %get3A_304] : memref<32x21xf32, #tpu.memory_space<vmem>>[vector<16xi32>, vector<16xi32>], vector<16xf32>,
      %add3A_805 = arith.addf %add3A_803, %gather3A_804 : vector<16xf32>
      %gather3A_806 = tpu.vector_load_idx %arg10[%broadcast_in_dim3A_796, %get3A_312] : memref<32x21xf32, #tpu.memory_space<vmem>>[vector<16xi32>, vector<16xi32>], vector<16xf32>,
      %add3A_807 = arith.addf %add3A_805, %gather3A_806 : vector<16xf32>
      %gather3A_808 = tpu.vector_load_idx %arg10[%broadcast_in_dim3A_796, %get3A_320] : memref<32x21xf32, #tpu.memory_space<vmem>>[vector<16xi32>, vector<16xi32>], vector<16xf32>,
      %add3A_809 = arith.addf %add3A_807, %gather3A_808 : vector<16xf32>
      %gather3A_810 = tpu.vector_load_idx %arg10[%broadcast_in_dim3A_796, %get3A_328] : memref<32x21xf32, #tpu.memory_space<vmem>>[vector<16xi32>, vector<16xi32>], vector<16xf32>,
      %add3A_811 = arith.addf %add3A_809, %gather3A_810 : vector<16xf32>
      %mul3A_812 = arith.constant 1.250000e-01 : f32
      %mul3A_813 = vector.broadcast %mul3A_812 : f32 to vector<16xf32>
      %mul3A_814 = arith.mulf %add3A_811, %mul3A_813 : vector<16xf32>
      %mul3A_815 = arith.constant 16 : i32
      %mul3A_816 = arith.muli %scan3A_265, %mul3A_815 : i32
      %swap3A_817 = arith.constant 18 : i32
      %swap3A_818 = arith.index_cast %swap3A_817 : i32 to index
      %swap3A_819 = arith.index_cast %mul3A_816 : i32 to index
      %swap3A_820 = tpu.vector_load %arg11[%swap3A_818, %swap3A_819] {strides = array<i32>} : memref<32x256xf32, #tpu.memory_space<vmem>>, vector<16xf32>,
      tpu.vector_store %arg11[%swap3A_818, %swap3A_819], %mul3A_814 {strides = array<i32>} : memref<32x256xf32, #tpu.memory_space<vmem>>, vector<16xf32>,
      %broadcast_in_dim3A_821 = arith.constant 19 : i32
      %broadcast_in_dim3A_822 = vector.broadcast %broadcast_in_dim3A_821 : i32 to vector<16xi32>
      %gather3A_823 = tpu.vector_load_idx %arg10[%broadcast_in_dim3A_822, %get3A_272] : memref<32x21xf32, #tpu.memory_space<vmem>>[vector<16xi32>, vector<16xi32>], vector<16xf32>,
      %gather3A_824 = tpu.vector_load_idx %arg10[%broadcast_in_dim3A_822, %get3A_280] : memref<32x21xf32, #tpu.memory_space<vmem>>[vector<16xi32>, vector<16xi32>], vector<16xf32>,
      %add3A_825 = arith.addf %gather3A_823, %gather3A_824 : vector<16xf32>
      %gather3A_826 = tpu.vector_load_idx %arg10[%broadcast_in_dim3A_822, %get3A_288] : memref<32x21xf32, #tpu.memory_space<vmem>>[vector<16xi32>, vector<16xi32>], vector<16xf32>,
      %add3A_827 = arith.addf %add3A_825, %gather3A_826 : vector<16xf32>
      %gather3A_828 = tpu.vector_load_idx %arg10[%broadcast_in_dim3A_822, %get3A_296] : memref<32x21xf32, #tpu.memory_space<vmem>>[vector<16xi32>, vector<16xi32>], vector<16xf32>,
      %add3A_829 = arith.addf %add3A_827, %gather3A_828 : vector<16xf32>
      %gather3A_830 = tpu.vector_load_idx %arg10[%broadcast_in_dim3A_822, %get3A_304] : memref<32x21xf32, #tpu.memory_space<vmem>>[vector<16xi32>, vector<16xi32>], vector<16xf32>,
      %add3A_831 = arith.addf %add3A_829, %gather3A_830 : vector<16xf32>
      %gather3A_832 = tpu.vector_load_idx %arg10[%broadcast_in_dim3A_822, %get3A_312] : memref<32x21xf32, #tpu.memory_space<vmem>>[vector<16xi32>, vector<16xi32>], vector<16xf32>,
      %add3A_833 = arith.addf %add3A_831, %gather3A_832 : vector<16xf32>
      %gather3A_834 = tpu.vector_load_idx %arg10[%broadcast_in_dim3A_822, %get3A_320] : memref<32x21xf32, #tpu.memory_space<vmem>>[vector<16xi32>, vector<16xi32>], vector<16xf32>,
      %add3A_835 = arith.addf %add3A_833, %gather3A_834 : vector<16xf32>
      %gather3A_836 = tpu.vector_load_idx %arg10[%broadcast_in_dim3A_822, %get3A_328] : memref<32x21xf32, #tpu.memory_space<vmem>>[vector<16xi32>, vector<16xi32>], vector<16xf32>,
      %add3A_837 = arith.addf %add3A_835, %gather3A_836 : vector<16xf32>
      %mul3A_838 = arith.constant 1.250000e-01 : f32
      %mul3A_839 = vector.broadcast %mul3A_838 : f32 to vector<16xf32>
      %mul3A_840 = arith.mulf %add3A_837, %mul3A_839 : vector<16xf32>
      %mul3A_841 = arith.constant 16 : i32
      %mul3A_842 = arith.muli %scan3A_265, %mul3A_841 : i32
      %swap3A_843 = arith.constant 19 : i32
      %swap3A_844 = arith.index_cast %swap3A_843 : i32 to index
      %swap3A_845 = arith.index_cast %mul3A_842 : i32 to index
      %swap3A_846 = tpu.vector_load %arg11[%swap3A_844, %swap3A_845] {strides = array<i32>} : memref<32x256xf32, #tpu.memory_space<vmem>>, vector<16xf32>,
      tpu.vector_store %arg11[%swap3A_844, %swap3A_845], %mul3A_840 {strides = array<i32>} : memref<32x256xf32, #tpu.memory_space<vmem>>, vector<16xf32>,
      %broadcast_in_dim3A_847 = arith.constant 20 : i32
      %broadcast_in_dim3A_848 = vector.broadcast %broadcast_in_dim3A_847 : i32 to vector<16xi32>
      %gather3A_849 = tpu.vector_load_idx %arg10[%broadcast_in_dim3A_848, %get3A_272] : memref<32x21xf32, #tpu.memory_space<vmem>>[vector<16xi32>, vector<16xi32>], vector<16xf32>,
      %gather3A_850 = tpu.vector_load_idx %arg10[%broadcast_in_dim3A_848, %get3A_280] : memref<32x21xf32, #tpu.memory_space<vmem>>[vector<16xi32>, vector<16xi32>], vector<16xf32>,
      %add3A_851 = arith.addf %gather3A_849, %gather3A_850 : vector<16xf32>
      %gather3A_852 = tpu.vector_load_idx %arg10[%broadcast_in_dim3A_848, %get3A_288] : memref<32x21xf32, #tpu.memory_space<vmem>>[vector<16xi32>, vector<16xi32>], vector<16xf32>,
      %add3A_853 = arith.addf %add3A_851, %gather3A_852 : vector<16xf32>
      %gather3A_854 = tpu.vector_load_idx %arg10[%broadcast_in_dim3A_848, %get3A_296] : memref<32x21xf32, #tpu.memory_space<vmem>>[vector<16xi32>, vector<16xi32>], vector<16xf32>,
      %add3A_855 = arith.addf %add3A_853, %gather3A_854 : vector<16xf32>
      %gather3A_856 = tpu.vector_load_idx %arg10[%broadcast_in_dim3A_848, %get3A_304] : memref<32x21xf32, #tpu.memory_space<vmem>>[vector<16xi32>, vector<16xi32>], vector<16xf32>,
      %add3A_857 = arith.addf %add3A_855, %gather3A_856 : vector<16xf32>
      %gather3A_858 = tpu.vector_load_idx %arg10[%broadcast_in_dim3A_848, %get3A_312] : memref<32x21xf32, #tpu.memory_space<vmem>>[vector<16xi32>, vector<16xi32>], vector<16xf32>,
      %add3A_859 = arith.addf %add3A_857, %gather3A_858 : vector<16xf32>
      %gather3A_860 = tpu.vector_load_idx %arg10[%broadcast_in_dim3A_848, %get3A_320] : memref<32x21xf32, #tpu.memory_space<vmem>>[vector<16xi32>, vector<16xi32>], vector<16xf32>,
      %add3A_861 = arith.addf %add3A_859, %gather3A_860 : vector<16xf32>
      %gather3A_862 = tpu.vector_load_idx %arg10[%broadcast_in_dim3A_848, %get3A_328] : memref<32x21xf32, #tpu.memory_space<vmem>>[vector<16xi32>, vector<16xi32>], vector<16xf32>,
      %add3A_863 = arith.addf %add3A_861, %gather3A_862 : vector<16xf32>
      %mul3A_864 = arith.constant 1.250000e-01 : f32
      %mul3A_865 = vector.broadcast %mul3A_864 : f32 to vector<16xf32>
      %mul3A_866 = arith.mulf %add3A_863, %mul3A_865 : vector<16xf32>
      %mul3A_867 = arith.constant 16 : i32
      %mul3A_868 = arith.muli %scan3A_265, %mul3A_867 : i32
      %swap3A_869 = arith.constant 20 : i32
      %swap3A_870 = arith.index_cast %swap3A_869 : i32 to index
      %swap3A_871 = arith.index_cast %mul3A_868 : i32 to index
      %swap3A_872 = tpu.vector_load %arg11[%swap3A_870, %swap3A_871] {strides = array<i32>} : memref<32x256xf32, #tpu.memory_space<vmem>>, vector<16xf32>,
      tpu.vector_store %arg11[%swap3A_870, %swap3A_871], %mul3A_866 {strides = array<i32>} : memref<32x256xf32, #tpu.memory_space<vmem>>, vector<16xf32>,
      %broadcast_in_dim3A_873 = arith.constant 21 : i32
      %broadcast_in_dim3A_874 = vector.broadcast %broadcast_in_dim3A_873 : i32 to vector<16xi32>
      %gather3A_875 = tpu.vector_load_idx %arg10[%broadcast_in_dim3A_874, %get3A_272] : memref<32x21xf32, #tpu.memory_space<vmem>>[vector<16xi32>, vector<16xi32>], vector<16xf32>,
      %gather3A_876 = tpu.vector_load_idx %arg10[%broadcast_in_dim3A_874, %get3A_280] : memref<32x21xf32, #tpu.memory_space<vmem>>[vector<16xi32>, vector<16xi32>], vector<16xf32>,
      %add3A_877 = arith.addf %gather3A_875, %gather3A_876 : vector<16xf32>
      %gather3A_878 = tpu.vector_load_idx %arg10[%broadcast_in_dim3A_874, %get3A_288] : memref<32x21xf32, #tpu.memory_space<vmem>>[vector<16xi32>, vector<16xi32>], vector<16xf32>,
      %add3A_879 = arith.addf %add3A_877, %gather3A_878 : vector<16xf32>
      %gather3A_880 = tpu.vector_load_idx %arg10[%broadcast_in_dim3A_874, %get3A_296] : memref<32x21xf32, #tpu.memory_space<vmem>>[vector<16xi32>, vector<16xi32>], vector<16xf32>,
      %add3A_881 = arith.addf %add3A_879, %gather3A_880 : vector<16xf32>
      %gather3A_882 = tpu.vector_load_idx %arg10[%broadcast_in_dim3A_874, %get3A_304] : memref<32x21xf32, #tpu.memory_space<vmem>>[vector<16xi32>, vector<16xi32>], vector<16xf32>,
      %add3A_883 = arith.addf %add3A_881, %gather3A_882 : vector<16xf32>
      %gather3A_884 = tpu.vector_load_idx %arg10[%broadcast_in_dim3A_874, %get3A_312] : memref<32x21xf32, #tpu.memory_space<vmem>>[vector<16xi32>, vector<16xi32>], vector<16xf32>,
      %add3A_885 = arith.addf %add3A_883, %gather3A_884 : vector<16xf32>
      %gather3A_886 = tpu.vector_load_idx %arg10[%broadcast_in_dim3A_874, %get3A_320] : memref<32x21xf32, #tpu.memory_space<vmem>>[vector<16xi32>, vector<16xi32>], vector<16xf32>,
      %add3A_887 = arith.addf %add3A_885, %gather3A_886 : vector<16xf32>
      %gather3A_888 = tpu.vector_load_idx %arg10[%broadcast_in_dim3A_874, %get3A_328] : memref<32x21xf32, #tpu.memory_space<vmem>>[vector<16xi32>, vector<16xi32>], vector<16xf32>,
      %add3A_889 = arith.addf %add3A_887, %gather3A_888 : vector<16xf32>
      %mul3A_890 = arith.constant 1.250000e-01 : f32
      %mul3A_891 = vector.broadcast %mul3A_890 : f32 to vector<16xf32>
      %mul3A_892 = arith.mulf %add3A_889, %mul3A_891 : vector<16xf32>
      %mul3A_893 = arith.constant 16 : i32
      %mul3A_894 = arith.muli %scan3A_265, %mul3A_893 : i32
      %swap3A_895 = arith.constant 21 : i32
      %swap3A_896 = arith.index_cast %swap3A_895 : i32 to index
      %swap3A_897 = arith.index_cast %mul3A_894 : i32 to index
      %swap3A_898 = tpu.vector_load %arg11[%swap3A_896, %swap3A_897] {strides = array<i32>} : memref<32x256xf32, #tpu.memory_space<vmem>>, vector<16xf32>,
      tpu.vector_store %arg11[%swap3A_896, %swap3A_897], %mul3A_892 {strides = array<i32>} : memref<32x256xf32, #tpu.memory_space<vmem>>, vector<16xf32>,
      %broadcast_in_dim3A_899 = arith.constant 22 : i32
      %broadcast_in_dim3A_900 = vector.broadcast %broadcast_in_dim3A_899 : i32 to vector<16xi32>
      %gather3A_901 = tpu.vector_load_idx %arg10[%broadcast_in_dim3A_900, %get3A_272] : memref<32x21xf32, #tpu.memory_space<vmem>>[vector<16xi32>, vector<16xi32>], vector<16xf32>,
      %gather3A_902 = tpu.vector_load_idx %arg10[%broadcast_in_dim3A_900, %get3A_280] : memref<32x21xf32, #tpu.memory_space<vmem>>[vector<16xi32>, vector<16xi32>], vector<16xf32>,
      %add3A_903 = arith.addf %gather3A_901, %gather3A_902 : vector<16xf32>
      %gather3A_904 = tpu.vector_load_idx %arg10[%broadcast_in_dim3A_900, %get3A_288] : memref<32x21xf32, #tpu.memory_space<vmem>>[vector<16xi32>, vector<16xi32>], vector<16xf32>,
      %add3A_905 = arith.addf %add3A_903, %gather3A_904 : vector<16xf32>
      %gather3A_906 = tpu.vector_load_idx %arg10[%broadcast_in_dim3A_900, %get3A_296] : memref<32x21xf32, #tpu.memory_space<vmem>>[vector<16xi32>, vector<16xi32>], vector<16xf32>,
      %add3A_907 = arith.addf %add3A_905, %gather3A_906 : vector<16xf32>
      %gather3A_908 = tpu.vector_load_idx %arg10[%broadcast_in_dim3A_900, %get3A_304] : memref<32x21xf32, #tpu.memory_space<vmem>>[vector<16xi32>, vector<16xi32>], vector<16xf32>,
      %add3A_909 = arith.addf %add3A_907, %gather3A_908 : vector<16xf32>
      %gather3A_910 = tpu.vector_load_idx %arg10[%broadcast_in_dim3A_900, %get3A_312] : memref<32x21xf32, #tpu.memory_space<vmem>>[vector<16xi32>, vector<16xi32>], vector<16xf32>,
      %add3A_911 = arith.addf %add3A_909, %gather3A_910 : vector<16xf32>
      %gather3A_912 = tpu.vector_load_idx %arg10[%broadcast_in_dim3A_900, %get3A_320] : memref<32x21xf32, #tpu.memory_space<vmem>>[vector<16xi32>, vector<16xi32>], vector<16xf32>,
      %add3A_913 = arith.addf %add3A_911, %gather3A_912 : vector<16xf32>
      %gather3A_914 = tpu.vector_load_idx %arg10[%broadcast_in_dim3A_900, %get3A_328] : memref<32x21xf32, #tpu.memory_space<vmem>>[vector<16xi32>, vector<16xi32>], vector<16xf32>,
      %add3A_915 = arith.addf %add3A_913, %gather3A_914 : vector<16xf32>
      %mul3A_916 = arith.constant 1.250000e-01 : f32
      %mul3A_917 = vector.broadcast %mul3A_916 : f32 to vector<16xf32>
      %mul3A_918 = arith.mulf %add3A_915, %mul3A_917 : vector<16xf32>
      %mul3A_919 = arith.constant 16 : i32
      %mul3A_920 = arith.muli %scan3A_265, %mul3A_919 : i32
      %swap3A_921 = arith.constant 22 : i32
      %swap3A_922 = arith.index_cast %swap3A_921 : i32 to index
      %swap3A_923 = arith.index_cast %mul3A_920 : i32 to index
      %swap3A_924 = tpu.vector_load %arg11[%swap3A_922, %swap3A_923] {strides = array<i32>} : memref<32x256xf32, #tpu.memory_space<vmem>>, vector<16xf32>,
      tpu.vector_store %arg11[%swap3A_922, %swap3A_923], %mul3A_918 {strides = array<i32>} : memref<32x256xf32, #tpu.memory_space<vmem>>, vector<16xf32>,
      %broadcast_in_dim3A_925 = arith.constant 23 : i32
      %broadcast_in_dim3A_926 = vector.broadcast %broadcast_in_dim3A_925 : i32 to vector<16xi32>
      %gather3A_927 = tpu.vector_load_idx %arg10[%broadcast_in_dim3A_926, %get3A_272] : memref<32x21xf32, #tpu.memory_space<vmem>>[vector<16xi32>, vector<16xi32>], vector<16xf32>,
      %gather3A_928 = tpu.vector_load_idx %arg10[%broadcast_in_dim3A_926, %get3A_280] : memref<32x21xf32, #tpu.memory_space<vmem>>[vector<16xi32>, vector<16xi32>], vector<16xf32>,
      %add3A_929 = arith.addf %gather3A_927, %gather3A_928 : vector<16xf32>
      %gather3A_930 = tpu.vector_load_idx %arg10[%broadcast_in_dim3A_926, %get3A_288] : memref<32x21xf32, #tpu.memory_space<vmem>>[vector<16xi32>, vector<16xi32>], vector<16xf32>,
      %add3A_931 = arith.addf %add3A_929, %gather3A_930 : vector<16xf32>
      %gather3A_932 = tpu.vector_load_idx %arg10[%broadcast_in_dim3A_926, %get3A_296] : memref<32x21xf32, #tpu.memory_space<vmem>>[vector<16xi32>, vector<16xi32>], vector<16xf32>,
      %add3A_933 = arith.addf %add3A_931, %gather3A_932 : vector<16xf32>
      %gather3A_934 = tpu.vector_load_idx %arg10[%broadcast_in_dim3A_926, %get3A_304] : memref<32x21xf32, #tpu.memory_space<vmem>>[vector<16xi32>, vector<16xi32>], vector<16xf32>,
      %add3A_935 = arith.addf %add3A_933, %gather3A_934 : vector<16xf32>
      %gather3A_936 = tpu.vector_load_idx %arg10[%broadcast_in_dim3A_926, %get3A_312] : memref<32x21xf32, #tpu.memory_space<vmem>>[vector<16xi32>, vector<16xi32>], vector<16xf32>,
      %add3A_937 = arith.addf %add3A_935, %gather3A_936 : vector<16xf32>
      %gather3A_938 = tpu.vector_load_idx %arg10[%broadcast_in_dim3A_926, %get3A_320] : memref<32x21xf32, #tpu.memory_space<vmem>>[vector<16xi32>, vector<16xi32>], vector<16xf32>,
      %add3A_939 = arith.addf %add3A_937, %gather3A_938 : vector<16xf32>
      %gather3A_940 = tpu.vector_load_idx %arg10[%broadcast_in_dim3A_926, %get3A_328] : memref<32x21xf32, #tpu.memory_space<vmem>>[vector<16xi32>, vector<16xi32>], vector<16xf32>,
      %add3A_941 = arith.addf %add3A_939, %gather3A_940 : vector<16xf32>
      %mul3A_942 = arith.constant 1.250000e-01 : f32
      %mul3A_943 = vector.broadcast %mul3A_942 : f32 to vector<16xf32>
      %mul3A_944 = arith.mulf %add3A_941, %mul3A_943 : vector<16xf32>
      %mul3A_945 = arith.constant 16 : i32
      %mul3A_946 = arith.muli %scan3A_265, %mul3A_945 : i32
      %swap3A_947 = arith.constant 23 : i32
      %swap3A_948 = arith.index_cast %swap3A_947 : i32 to index
      %swap3A_949 = arith.index_cast %mul3A_946 : i32 to index
      %swap3A_950 = tpu.vector_load %arg11[%swap3A_948, %swap3A_949] {strides = array<i32>} : memref<32x256xf32, #tpu.memory_space<vmem>>, vector<16xf32>,
      tpu.vector_store %arg11[%swap3A_948, %swap3A_949], %mul3A_944 {strides = array<i32>} : memref<32x256xf32, #tpu.memory_space<vmem>>, vector<16xf32>,
      %broadcast_in_dim3A_951 = arith.constant 24 : i32
      %broadcast_in_dim3A_952 = vector.broadcast %broadcast_in_dim3A_951 : i32 to vector<16xi32>
      %gather3A_953 = tpu.vector_load_idx %arg10[%broadcast_in_dim3A_952, %get3A_272] : memref<32x21xf32, #tpu.memory_space<vmem>>[vector<16xi32>, vector<16xi32>], vector<16xf32>,
      %gather3A_954 = tpu.vector_load_idx %arg10[%broadcast_in_dim3A_952, %get3A_280] : memref<32x21xf32, #tpu.memory_space<vmem>>[vector<16xi32>, vector<16xi32>], vector<16xf32>,
      %add3A_955 = arith.addf %gather3A_953, %gather3A_954 : vector<16xf32>
      %gather3A_956 = tpu.vector_load_idx %arg10[%broadcast_in_dim3A_952, %get3A_288] : memref<32x21xf32, #tpu.memory_space<vmem>>[vector<16xi32>, vector<16xi32>], vector<16xf32>,
      %add3A_957 = arith.addf %add3A_955, %gather3A_956 : vector<16xf32>
      %gather3A_958 = tpu.vector_load_idx %arg10[%broadcast_in_dim3A_952, %get3A_296] : memref<32x21xf32, #tpu.memory_space<vmem>>[vector<16xi32>, vector<16xi32>], vector<16xf32>,
      %add3A_959 = arith.addf %add3A_957, %gather3A_958 : vector<16xf32>
      %gather3A_960 = tpu.vector_load_idx %arg10[%broadcast_in_dim3A_952, %get3A_304] : memref<32x21xf32, #tpu.memory_space<vmem>>[vector<16xi32>, vector<16xi32>], vector<16xf32>,
      %add3A_961 = arith.addf %add3A_959, %gather3A_960 : vector<16xf32>
      %gather3A_962 = tpu.vector_load_idx %arg10[%broadcast_in_dim3A_952, %get3A_312] : memref<32x21xf32, #tpu.memory_space<vmem>>[vector<16xi32>, vector<16xi32>], vector<16xf32>,
      %add3A_963 = arith.addf %add3A_961, %gather3A_962 : vector<16xf32>
      %gather3A_964 = tpu.vector_load_idx %arg10[%broadcast_in_dim3A_952, %get3A_320] : memref<32x21xf32, #tpu.memory_space<vmem>>[vector<16xi32>, vector<16xi32>], vector<16xf32>,
      %add3A_965 = arith.addf %add3A_963, %gather3A_964 : vector<16xf32>
      %gather3A_966 = tpu.vector_load_idx %arg10[%broadcast_in_dim3A_952, %get3A_328] : memref<32x21xf32, #tpu.memory_space<vmem>>[vector<16xi32>, vector<16xi32>], vector<16xf32>,
      %add3A_967 = arith.addf %add3A_965, %gather3A_966 : vector<16xf32>
      %mul3A_968 = arith.constant 1.250000e-01 : f32
      %mul3A_969 = vector.broadcast %mul3A_968 : f32 to vector<16xf32>
      %mul3A_970 = arith.mulf %add3A_967, %mul3A_969 : vector<16xf32>
      %mul3A_971 = arith.constant 16 : i32
      %mul3A_972 = arith.muli %scan3A_265, %mul3A_971 : i32
      %swap3A_973 = arith.constant 24 : i32
      %swap3A_974 = arith.index_cast %swap3A_973 : i32 to index
      %swap3A_975 = arith.index_cast %mul3A_972 : i32 to index
      %swap3A_976 = tpu.vector_load %arg11[%swap3A_974, %swap3A_975] {strides = array<i32>} : memref<32x256xf32, #tpu.memory_space<vmem>>, vector<16xf32>,
      tpu.vector_store %arg11[%swap3A_974, %swap3A_975], %mul3A_970 {strides = array<i32>} : memref<32x256xf32, #tpu.memory_space<vmem>>, vector<16xf32>,
      %broadcast_in_dim3A_977 = arith.constant 25 : i32
      %broadcast_in_dim3A_978 = vector.broadcast %broadcast_in_dim3A_977 : i32 to vector<16xi32>
      %gather3A_979 = tpu.vector_load_idx %arg10[%broadcast_in_dim3A_978, %get3A_272] : memref<32x21xf32, #tpu.memory_space<vmem>>[vector<16xi32>, vector<16xi32>], vector<16xf32>,
      %gather3A_980 = tpu.vector_load_idx %arg10[%broadcast_in_dim3A_978, %get3A_280] : memref<32x21xf32, #tpu.memory_space<vmem>>[vector<16xi32>, vector<16xi32>], vector<16xf32>,
      %add3A_981 = arith.addf %gather3A_979, %gather3A_980 : vector<16xf32>
      %gather3A_982 = tpu.vector_load_idx %arg10[%broadcast_in_dim3A_978, %get3A_288] : memref<32x21xf32, #tpu.memory_space<vmem>>[vector<16xi32>, vector<16xi32>], vector<16xf32>,
      %add3A_983 = arith.addf %add3A_981, %gather3A_982 : vector<16xf32>
      %gather3A_984 = tpu.vector_load_idx %arg10[%broadcast_in_dim3A_978, %get3A_296] : memref<32x21xf32, #tpu.memory_space<vmem>>[vector<16xi32>, vector<16xi32>], vector<16xf32>,
      %add3A_985 = arith.addf %add3A_983, %gather3A_984 : vector<16xf32>
      %gather3A_986 = tpu.vector_load_idx %arg10[%broadcast_in_dim3A_978, %get3A_304] : memref<32x21xf32, #tpu.memory_space<vmem>>[vector<16xi32>, vector<16xi32>], vector<16xf32>,
      %add3A_987 = arith.addf %add3A_985, %gather3A_986 : vector<16xf32>
      %gather3A_988 = tpu.vector_load_idx %arg10[%broadcast_in_dim3A_978, %get3A_312] : memref<32x21xf32, #tpu.memory_space<vmem>>[vector<16xi32>, vector<16xi32>], vector<16xf32>,
      %add3A_989 = arith.addf %add3A_987, %gather3A_988 : vector<16xf32>
      %gather3A_990 = tpu.vector_load_idx %arg10[%broadcast_in_dim3A_978, %get3A_320] : memref<32x21xf32, #tpu.memory_space<vmem>>[vector<16xi32>, vector<16xi32>], vector<16xf32>,
      %add3A_991 = arith.addf %add3A_989, %gather3A_990 : vector<16xf32>
      %gather3A_992 = tpu.vector_load_idx %arg10[%broadcast_in_dim3A_978, %get3A_328] : memref<32x21xf32, #tpu.memory_space<vmem>>[vector<16xi32>, vector<16xi32>], vector<16xf32>,
      %add3A_993 = arith.addf %add3A_991, %gather3A_992 : vector<16xf32>
      %mul3A_994 = arith.constant 1.250000e-01 : f32
      %mul3A_995 = vector.broadcast %mul3A_994 : f32 to vector<16xf32>
      %mul3A_996 = arith.mulf %add3A_993, %mul3A_995 : vector<16xf32>
      %mul3A_997 = arith.constant 16 : i32
      %mul3A_998 = arith.muli %scan3A_265, %mul3A_997 : i32
      %swap3A_999 = arith.constant 25 : i32
      %swap3A_1000 = arith.index_cast %swap3A_999 : i32 to index
      %swap3A_1001 = arith.index_cast %mul3A_998 : i32 to index
      %swap3A_1002 = tpu.vector_load %arg11[%swap3A_1000, %swap3A_1001] {strides = array<i32>} : memref<32x256xf32, #tpu.memory_space<vmem>>, vector<16xf32>,
      tpu.vector_store %arg11[%swap3A_1000, %swap3A_1001], %mul3A_996 {strides = array<i32>} : memref<32x256xf32, #tpu.memory_space<vmem>>, vector<16xf32>,
      %broadcast_in_dim3A_1003 = arith.constant 26 : i32
      %broadcast_in_dim3A_1004 = vector.broadcast %broadcast_in_dim3A_1003 : i32 to vector<16xi32>
      %gather3A_1005 = tpu.vector_load_idx %arg10[%broadcast_in_dim3A_1004, %get3A_272] : memref<32x21xf32, #tpu.memory_space<vmem>>[vector<16xi32>, vector<16xi32>], vector<16xf32>,
      %gather3A_1006 = tpu.vector_load_idx %arg10[%broadcast_in_dim3A_1004, %get3A_280] : memref<32x21xf32, #tpu.memory_space<vmem>>[vector<16xi32>, vector<16xi32>], vector<16xf32>,
      %add3A_1007 = arith.addf %gather3A_1005, %gather3A_1006 : vector<16xf32>
      %gather3A_1008 = tpu.vector_load_idx %arg10[%broadcast_in_dim3A_1004, %get3A_288] : memref<32x21xf32, #tpu.memory_space<vmem>>[vector<16xi32>, vector<16xi32>], vector<16xf32>,
      %add3A_1009 = arith.addf %add3A_1007, %gather3A_1008 : vector<16xf32>
      %gather3A_1010 = tpu.vector_load_idx %arg10[%broadcast_in_dim3A_1004, %get3A_296] : memref<32x21xf32, #tpu.memory_space<vmem>>[vector<16xi32>, vector<16xi32>], vector<16xf32>,
      %add3A_1011 = arith.addf %add3A_1009, %gather3A_1010 : vector<16xf32>
      %gather3A_1012 = tpu.vector_load_idx %arg10[%broadcast_in_dim3A_1004, %get3A_304] : memref<32x21xf32, #tpu.memory_space<vmem>>[vector<16xi32>, vector<16xi32>], vector<16xf32>,
      %add3A_1013 = arith.addf %add3A_1011, %gather3A_1012 : vector<16xf32>
      %gather3A_1014 = tpu.vector_load_idx %arg10[%broadcast_in_dim3A_1004, %get3A_312] : memref<32x21xf32, #tpu.memory_space<vmem>>[vector<16xi32>, vector<16xi32>], vector<16xf32>,
      %add3A_1015 = arith.addf %add3A_1013, %gather3A_1014 : vector<16xf32>
      %gather3A_1016 = tpu.vector_load_idx %arg10[%broadcast_in_dim3A_1004, %get3A_320] : memref<32x21xf32, #tpu.memory_space<vmem>>[vector<16xi32>, vector<16xi32>], vector<16xf32>,
      %add3A_1017 = arith.addf %add3A_1015, %gather3A_1016 : vector<16xf32>
      %gather3A_1018 = tpu.vector_load_idx %arg10[%broadcast_in_dim3A_1004, %get3A_328] : memref<32x21xf32, #tpu.memory_space<vmem>>[vector<16xi32>, vector<16xi32>], vector<16xf32>,
      %add3A_1019 = arith.addf %add3A_1017, %gather3A_1018 : vector<16xf32>
      %mul3A_1020 = arith.constant 1.250000e-01 : f32
      %mul3A_1021 = vector.broadcast %mul3A_1020 : f32 to vector<16xf32>
      %mul3A_1022 = arith.mulf %add3A_1019, %mul3A_1021 : vector<16xf32>
      %mul3A_1023 = arith.constant 16 : i32
      %mul3A_1024 = arith.muli %scan3A_265, %mul3A_1023 : i32
      %swap3A_1025 = arith.constant 26 : i32
      %swap3A_1026 = arith.index_cast %swap3A_1025 : i32 to index
      %swap3A_1027 = arith.index_cast %mul3A_1024 : i32 to index
      %swap3A_1028 = tpu.vector_load %arg11[%swap3A_1026, %swap3A_1027] {strides = array<i32>} : memref<32x256xf32, #tpu.memory_space<vmem>>, vector<16xf32>,
      tpu.vector_store %arg11[%swap3A_1026, %swap3A_1027], %mul3A_1022 {strides = array<i32>} : memref<32x256xf32, #tpu.memory_space<vmem>>, vector<16xf32>,
      %broadcast_in_dim3A_1029 = arith.constant 27 : i32
      %broadcast_in_dim3A_1030 = vector.broadcast %broadcast_in_dim3A_1029 : i32 to vector<16xi32>
      %gather3A_1031 = tpu.vector_load_idx %arg10[%broadcast_in_dim3A_1030, %get3A_272] : memref<32x21xf32, #tpu.memory_space<vmem>>[vector<16xi32>, vector<16xi32>], vector<16xf32>,
      %gather3A_1032 = tpu.vector_load_idx %arg10[%broadcast_in_dim3A_1030, %get3A_280] : memref<32x21xf32, #tpu.memory_space<vmem>>[vector<16xi32>, vector<16xi32>], vector<16xf32>,
      %add3A_1033 = arith.addf %gather3A_1031, %gather3A_1032 : vector<16xf32>
      %gather3A_1034 = tpu.vector_load_idx %arg10[%broadcast_in_dim3A_1030, %get3A_288] : memref<32x21xf32, #tpu.memory_space<vmem>>[vector<16xi32>, vector<16xi32>], vector<16xf32>,
      %add3A_1035 = arith.addf %add3A_1033, %gather3A_1034 : vector<16xf32>
      %gather3A_1036 = tpu.vector_load_idx %arg10[%broadcast_in_dim3A_1030, %get3A_296] : memref<32x21xf32, #tpu.memory_space<vmem>>[vector<16xi32>, vector<16xi32>], vector<16xf32>,
      %add3A_1037 = arith.addf %add3A_1035, %gather3A_1036 : vector<16xf32>
      %gather3A_1038 = tpu.vector_load_idx %arg10[%broadcast_in_dim3A_1030, %get3A_304] : memref<32x21xf32, #tpu.memory_space<vmem>>[vector<16xi32>, vector<16xi32>], vector<16xf32>,
      %add3A_1039 = arith.addf %add3A_1037, %gather3A_1038 : vector<16xf32>
      %gather3A_1040 = tpu.vector_load_idx %arg10[%broadcast_in_dim3A_1030, %get3A_312] : memref<32x21xf32, #tpu.memory_space<vmem>>[vector<16xi32>, vector<16xi32>], vector<16xf32>,
      %add3A_1041 = arith.addf %add3A_1039, %gather3A_1040 : vector<16xf32>
      %gather3A_1042 = tpu.vector_load_idx %arg10[%broadcast_in_dim3A_1030, %get3A_320] : memref<32x21xf32, #tpu.memory_space<vmem>>[vector<16xi32>, vector<16xi32>], vector<16xf32>,
      %add3A_1043 = arith.addf %add3A_1041, %gather3A_1042 : vector<16xf32>
      %gather3A_1044 = tpu.vector_load_idx %arg10[%broadcast_in_dim3A_1030, %get3A_328] : memref<32x21xf32, #tpu.memory_space<vmem>>[vector<16xi32>, vector<16xi32>], vector<16xf32>,
      %add3A_1045 = arith.addf %add3A_1043, %gather3A_1044 : vector<16xf32>
      %mul3A_1046 = arith.constant 1.250000e-01 : f32
      %mul3A_1047 = vector.broadcast %mul3A_1046 : f32 to vector<16xf32>
      %mul3A_1048 = arith.mulf %add3A_1045, %mul3A_1047 : vector<16xf32>
      %mul3A_1049 = arith.constant 16 : i32
      %mul3A_1050 = arith.muli %scan3A_265, %mul3A_1049 : i32
      %swap3A_1051 = arith.constant 27 : i32
      %swap3A_1052 = arith.index_cast %swap3A_1051 : i32 to index
      %swap3A_1053 = arith.index_cast %mul3A_1050 : i32 to index
      %swap3A_1054 = tpu.vector_load %arg11[%swap3A_1052, %swap3A_1053] {strides = array<i32>} : memref<32x256xf32, #tpu.memory_space<vmem>>, vector<16xf32>,
      tpu.vector_store %arg11[%swap3A_1052, %swap3A_1053], %mul3A_1048 {strides = array<i32>} : memref<32x256xf32, #tpu.memory_space<vmem>>, vector<16xf32>,
      %broadcast_in_dim3A_1055 = arith.constant 28 : i32
      %broadcast_in_dim3A_1056 = vector.broadcast %broadcast_in_dim3A_1055 : i32 to vector<16xi32>
      %gather3A_1057 = tpu.vector_load_idx %arg10[%broadcast_in_dim3A_1056, %get3A_272] : memref<32x21xf32, #tpu.memory_space<vmem>>[vector<16xi32>, vector<16xi32>], vector<16xf32>,
      %gather3A_1058 = tpu.vector_load_idx %arg10[%broadcast_in_dim3A_1056, %get3A_280] : memref<32x21xf32, #tpu.memory_space<vmem>>[vector<16xi32>, vector<16xi32>], vector<16xf32>,
      %add3A_1059 = arith.addf %gather3A_1057, %gather3A_1058 : vector<16xf32>
      %gather3A_1060 = tpu.vector_load_idx %arg10[%broadcast_in_dim3A_1056, %get3A_288] : memref<32x21xf32, #tpu.memory_space<vmem>>[vector<16xi32>, vector<16xi32>], vector<16xf32>,
      %add3A_1061 = arith.addf %add3A_1059, %gather3A_1060 : vector<16xf32>
      %gather3A_1062 = tpu.vector_load_idx %arg10[%broadcast_in_dim3A_1056, %get3A_296] : memref<32x21xf32, #tpu.memory_space<vmem>>[vector<16xi32>, vector<16xi32>], vector<16xf32>,
      %add3A_1063 = arith.addf %add3A_1061, %gather3A_1062 : vector<16xf32>
      %gather3A_1064 = tpu.vector_load_idx %arg10[%broadcast_in_dim3A_1056, %get3A_304] : memref<32x21xf32, #tpu.memory_space<vmem>>[vector<16xi32>, vector<16xi32>], vector<16xf32>,
      %add3A_1065 = arith.addf %add3A_1063, %gather3A_1064 : vector<16xf32>
      %gather3A_1066 = tpu.vector_load_idx %arg10[%broadcast_in_dim3A_1056, %get3A_312] : memref<32x21xf32, #tpu.memory_space<vmem>>[vector<16xi32>, vector<16xi32>], vector<16xf32>,
      %add3A_1067 = arith.addf %add3A_1065, %gather3A_1066 : vector<16xf32>
      %gather3A_1068 = tpu.vector_load_idx %arg10[%broadcast_in_dim3A_1056, %get3A_320] : memref<32x21xf32, #tpu.memory_space<vmem>>[vector<16xi32>, vector<16xi32>], vector<16xf32>,
      %add3A_1069 = arith.addf %add3A_1067, %gather3A_1068 : vector<16xf32>
      %gather3A_1070 = tpu.vector_load_idx %arg10[%broadcast_in_dim3A_1056, %get3A_328] : memref<32x21xf32, #tpu.memory_space<vmem>>[vector<16xi32>, vector<16xi32>], vector<16xf32>,
      %add3A_1071 = arith.addf %add3A_1069, %gather3A_1070 : vector<16xf32>
      %mul3A_1072 = arith.constant 1.250000e-01 : f32
      %mul3A_1073 = vector.broadcast %mul3A_1072 : f32 to vector<16xf32>
      %mul3A_1074 = arith.mulf %add3A_1071, %mul3A_1073 : vector<16xf32>
      %mul3A_1075 = arith.constant 16 : i32
      %mul3A_1076 = arith.muli %scan3A_265, %mul3A_1075 : i32
      %swap3A_1077 = arith.constant 28 : i32
      %swap3A_1078 = arith.index_cast %swap3A_1077 : i32 to index
      %swap3A_1079 = arith.index_cast %mul3A_1076 : i32 to index
      %swap3A_1080 = tpu.vector_load %arg11[%swap3A_1078, %swap3A_1079] {strides = array<i32>} : memref<32x256xf32, #tpu.memory_space<vmem>>, vector<16xf32>,
      tpu.vector_store %arg11[%swap3A_1078, %swap3A_1079], %mul3A_1074 {strides = array<i32>} : memref<32x256xf32, #tpu.memory_space<vmem>>, vector<16xf32>,
      %broadcast_in_dim3A_1081 = arith.constant 29 : i32
      %broadcast_in_dim3A_1082 = vector.broadcast %broadcast_in_dim3A_1081 : i32 to vector<16xi32>
      %gather3A_1083 = tpu.vector_load_idx %arg10[%broadcast_in_dim3A_1082, %get3A_272] : memref<32x21xf32, #tpu.memory_space<vmem>>[vector<16xi32>, vector<16xi32>], vector<16xf32>,
      %gather3A_1084 = tpu.vector_load_idx %arg10[%broadcast_in_dim3A_1082, %get3A_280] : memref<32x21xf32, #tpu.memory_space<vmem>>[vector<16xi32>, vector<16xi32>], vector<16xf32>,
      %add3A_1085 = arith.addf %gather3A_1083, %gather3A_1084 : vector<16xf32>
      %gather3A_1086 = tpu.vector_load_idx %arg10[%broadcast_in_dim3A_1082, %get3A_288] : memref<32x21xf32, #tpu.memory_space<vmem>>[vector<16xi32>, vector<16xi32>], vector<16xf32>,
      %add3A_1087 = arith.addf %add3A_1085, %gather3A_1086 : vector<16xf32>
      %gather3A_1088 = tpu.vector_load_idx %arg10[%broadcast_in_dim3A_1082, %get3A_296] : memref<32x21xf32, #tpu.memory_space<vmem>>[vector<16xi32>, vector<16xi32>], vector<16xf32>,
      %add3A_1089 = arith.addf %add3A_1087, %gather3A_1088 : vector<16xf32>
      %gather3A_1090 = tpu.vector_load_idx %arg10[%broadcast_in_dim3A_1082, %get3A_304] : memref<32x21xf32, #tpu.memory_space<vmem>>[vector<16xi32>, vector<16xi32>], vector<16xf32>,
      %add3A_1091 = arith.addf %add3A_1089, %gather3A_1090 : vector<16xf32>
      %gather3A_1092 = tpu.vector_load_idx %arg10[%broadcast_in_dim3A_1082, %get3A_312] : memref<32x21xf32, #tpu.memory_space<vmem>>[vector<16xi32>, vector<16xi32>], vector<16xf32>,
      %add3A_1093 = arith.addf %add3A_1091, %gather3A_1092 : vector<16xf32>
      %gather3A_1094 = tpu.vector_load_idx %arg10[%broadcast_in_dim3A_1082, %get3A_320] : memref<32x21xf32, #tpu.memory_space<vmem>>[vector<16xi32>, vector<16xi32>], vector<16xf32>,
      %add3A_1095 = arith.addf %add3A_1093, %gather3A_1094 : vector<16xf32>
      %gather3A_1096 = tpu.vector_load_idx %arg10[%broadcast_in_dim3A_1082, %get3A_328] : memref<32x21xf32, #tpu.memory_space<vmem>>[vector<16xi32>, vector<16xi32>], vector<16xf32>,
      %add3A_1097 = arith.addf %add3A_1095, %gather3A_1096 : vector<16xf32>
      %mul3A_1098 = arith.constant 1.250000e-01 : f32
      %mul3A_1099 = vector.broadcast %mul3A_1098 : f32 to vector<16xf32>
      %mul3A_1100 = arith.mulf %add3A_1097, %mul3A_1099 : vector<16xf32>
      %mul3A_1101 = arith.constant 16 : i32
      %mul3A_1102 = arith.muli %scan3A_265, %mul3A_1101 : i32
      %swap3A_1103 = arith.constant 29 : i32
      %swap3A_1104 = arith.index_cast %swap3A_1103 : i32 to index
      %swap3A_1105 = arith.index_cast %mul3A_1102 : i32 to index
      %swap3A_1106 = tpu.vector_load %arg11[%swap3A_1104, %swap3A_1105] {strides = array<i32>} : memref<32x256xf32, #tpu.memory_space<vmem>>, vector<16xf32>,
      tpu.vector_store %arg11[%swap3A_1104, %swap3A_1105], %mul3A_1100 {strides = array<i32>} : memref<32x256xf32, #tpu.memory_space<vmem>>, vector<16xf32>,
      %broadcast_in_dim3A_1107 = arith.constant 30 : i32
      %broadcast_in_dim3A_1108 = vector.broadcast %broadcast_in_dim3A_1107 : i32 to vector<16xi32>
      %gather3A_1109 = tpu.vector_load_idx %arg10[%broadcast_in_dim3A_1108, %get3A_272] : memref<32x21xf32, #tpu.memory_space<vmem>>[vector<16xi32>, vector<16xi32>], vector<16xf32>,
      %gather3A_1110 = tpu.vector_load_idx %arg10[%broadcast_in_dim3A_1108, %get3A_280] : memref<32x21xf32, #tpu.memory_space<vmem>>[vector<16xi32>, vector<16xi32>], vector<16xf32>,
      %add3A_1111 = arith.addf %gather3A_1109, %gather3A_1110 : vector<16xf32>
      %gather3A_1112 = tpu.vector_load_idx %arg10[%broadcast_in_dim3A_1108, %get3A_288] : memref<32x21xf32, #tpu.memory_space<vmem>>[vector<16xi32>, vector<16xi32>], vector<16xf32>,
      %add3A_1113 = arith.addf %add3A_1111, %gather3A_1112 : vector<16xf32>
      %gather3A_1114 = tpu.vector_load_idx %arg10[%broadcast_in_dim3A_1108, %get3A_296] : memref<32x21xf32, #tpu.memory_space<vmem>>[vector<16xi32>, vector<16xi32>], vector<16xf32>,
      %add3A_1115 = arith.addf %add3A_1113, %gather3A_1114 : vector<16xf32>
      %gather3A_1116 = tpu.vector_load_idx %arg10[%broadcast_in_dim3A_1108, %get3A_304] : memref<32x21xf32, #tpu.memory_space<vmem>>[vector<16xi32>, vector<16xi32>], vector<16xf32>,
      %add3A_1117 = arith.addf %add3A_1115, %gather3A_1116 : vector<16xf32>
      %gather3A_1118 = tpu.vector_load_idx %arg10[%broadcast_in_dim3A_1108, %get3A_312] : memref<32x21xf32, #tpu.memory_space<vmem>>[vector<16xi32>, vector<16xi32>], vector<16xf32>,
      %add3A_1119 = arith.addf %add3A_1117, %gather3A_1118 : vector<16xf32>
      %gather3A_1120 = tpu.vector_load_idx %arg10[%broadcast_in_dim3A_1108, %get3A_320] : memref<32x21xf32, #tpu.memory_space<vmem>>[vector<16xi32>, vector<16xi32>], vector<16xf32>,
      %add3A_1121 = arith.addf %add3A_1119, %gather3A_1120 : vector<16xf32>
      %gather3A_1122 = tpu.vector_load_idx %arg10[%broadcast_in_dim3A_1108, %get3A_328] : memref<32x21xf32, #tpu.memory_space<vmem>>[vector<16xi32>, vector<16xi32>], vector<16xf32>,
      %add3A_1123 = arith.addf %add3A_1121, %gather3A_1122 : vector<16xf32>
      %mul3A_1124 = arith.constant 1.250000e-01 : f32
      %mul3A_1125 = vector.broadcast %mul3A_1124 : f32 to vector<16xf32>
      %mul3A_1126 = arith.mulf %add3A_1123, %mul3A_1125 : vector<16xf32>
      %mul3A_1127 = arith.constant 16 : i32
      %mul3A_1128 = arith.muli %scan3A_265, %mul3A_1127 : i32
      %swap3A_1129 = arith.constant 30 : i32
      %swap3A_1130 = arith.index_cast %swap3A_1129 : i32 to index
      %swap3A_1131 = arith.index_cast %mul3A_1128 : i32 to index
      %swap3A_1132 = tpu.vector_load %arg11[%swap3A_1130, %swap3A_1131] {strides = array<i32>} : memref<32x256xf32, #tpu.memory_space<vmem>>, vector<16xf32>,
      tpu.vector_store %arg11[%swap3A_1130, %swap3A_1131], %mul3A_1126 {strides = array<i32>} : memref<32x256xf32, #tpu.memory_space<vmem>>, vector<16xf32>,
      %broadcast_in_dim3A_1133 = arith.constant 31 : i32
      %broadcast_in_dim3A_1134 = vector.broadcast %broadcast_in_dim3A_1133 : i32 to vector<16xi32>
      %gather3A_1135 = tpu.vector_load_idx %arg10[%broadcast_in_dim3A_1134, %get3A_272] : memref<32x21xf32, #tpu.memory_space<vmem>>[vector<16xi32>, vector<16xi32>], vector<16xf32>,
      %gather3A_1136 = tpu.vector_load_idx %arg10[%broadcast_in_dim3A_1134, %get3A_280] : memref<32x21xf32, #tpu.memory_space<vmem>>[vector<16xi32>, vector<16xi32>], vector<16xf32>,
      %add3A_1137 = arith.addf %gather3A_1135, %gather3A_1136 : vector<16xf32>
      %gather3A_1138 = tpu.vector_load_idx %arg10[%broadcast_in_dim3A_1134, %get3A_288] : memref<32x21xf32, #tpu.memory_space<vmem>>[vector<16xi32>, vector<16xi32>], vector<16xf32>,
      %add3A_1139 = arith.addf %add3A_1137, %gather3A_1138 : vector<16xf32>
      %gather3A_1140 = tpu.vector_load_idx %arg10[%broadcast_in_dim3A_1134, %get3A_296] : memref<32x21xf32, #tpu.memory_space<vmem>>[vector<16xi32>, vector<16xi32>], vector<16xf32>,
      %add3A_1141 = arith.addf %add3A_1139, %gather3A_1140 : vector<16xf32>
      %gather3A_1142 = tpu.vector_load_idx %arg10[%broadcast_in_dim3A_1134, %get3A_304] : memref<32x21xf32, #tpu.memory_space<vmem>>[vector<16xi32>, vector<16xi32>], vector<16xf32>,
      %add3A_1143 = arith.addf %add3A_1141, %gather3A_1142 : vector<16xf32>
      %gather3A_1144 = tpu.vector_load_idx %arg10[%broadcast_in_dim3A_1134, %get3A_312] : memref<32x21xf32, #tpu.memory_space<vmem>>[vector<16xi32>, vector<16xi32>], vector<16xf32>,
      %add3A_1145 = arith.addf %add3A_1143, %gather3A_1144 : vector<16xf32>
      %gather3A_1146 = tpu.vector_load_idx %arg10[%broadcast_in_dim3A_1134, %get3A_320] : memref<32x21xf32, #tpu.memory_space<vmem>>[vector<16xi32>, vector<16xi32>], vector<16xf32>,
      %add3A_1147 = arith.addf %add3A_1145, %gather3A_1146 : vector<16xf32>
      %gather3A_1148 = tpu.vector_load_idx %arg10[%broadcast_in_dim3A_1134, %get3A_328] : memref<32x21xf32, #tpu.memory_space<vmem>>[vector<16xi32>, vector<16xi32>], vector<16xf32>,
      %add3A_1149 = arith.addf %add3A_1147, %gather3A_1148 : vector<16xf32>
      %mul3A_1150 = arith.constant 1.250000e-01 : f32
      %mul3A_1151 = vector.broadcast %mul3A_1150 : f32 to vector<16xf32>
      %mul3A_1152 = arith.mulf %add3A_1149, %mul3A_1151 : vector<16xf32>
      %mul3A_1153 = arith.constant 16 : i32
      %mul3A_1154 = arith.muli %scan3A_265, %mul3A_1153 : i32
      %swap3A_1155 = arith.constant 31 : i32
      %swap3A_1156 = arith.index_cast %swap3A_1155 : i32 to index
      %swap3A_1157 = arith.index_cast %mul3A_1154 : i32 to index
      %swap3A_1158 = tpu.vector_load %arg11[%swap3A_1156, %swap3A_1157] {strides = array<i32>} : memref<32x256xf32, #tpu.memory_space<vmem>>, vector<16xf32>,
      tpu.vector_store %arg11[%swap3A_1156, %swap3A_1157], %mul3A_1152 {strides = array<i32>} : memref<32x256xf32, #tpu.memory_space<vmem>>, vector<16xf32>,
    }
    %scan3A_40 = arith.constant 16 : i32
    %add3A_41 = arith.constant 256 : i32
    %add3A_42 = arith.addi %mul3A_2, %add3A_41 : i32
    %dma_start3A_43 = arith.constant 32 : i32
    %dma_start3A_44 = tpu.memref_slice %arg6[%dma_start3A_43, %add3A_42] : memref<64x16384xf32, #tpu.memory_space<hbm>> -> memref<32x256xf32, #tpu.memory_space<hbm>>
    %dma_start3A_45 = arith.constant 32 : i32
    %dma_start3A_46 = tpu.memref_slice %arg6[%dma_start3A_45, %add3A_42] : memref<64x16384xf32, #tpu.memory_space<hbm>> -> memref<32x256xf32, #tpu.memory_space<hbm>>
    tpu.enqueue_dma source(%arg11 : memref<32x256xf32, #tpu.memory_space<vmem>>) target(%dma_start3A_46 : memref<32x256xf32, #tpu.memory_space<hbm>>) target_semaphore(%arg16 : memref<!tpu.dma_semaphore, #tpu.memory_space<semaphore_mem>>)
    %dma_wait3A_47 = arith.constant 0 : i32
    %dma_wait3A_48 = tpu.memref_slice %arg2[%add3A, %dma_wait3A_47] : memref<32x100001xf32, #tpu.memory_space<hbm>> -> memref<1x100001xf32, #tpu.memory_space<hbm>>
    %dma_wait3A_49 = arith.constant 0 : i32
    %dma_wait3A_50 = tpu.memref_slice %arg2[%add3A, %dma_wait3A_49] : memref<32x100001xf32, #tpu.memory_space<hbm>> -> memref<1x100001xf32, #tpu.memory_space<hbm>>
    tpu.wait_dma2 semaphore(%arg12 : memref<!tpu.dma_semaphore, #tpu.memory_space<semaphore_mem>>) src(%dma_wait3A_50 : memref<1x100001xf32, #tpu.memory_space<hbm>>) dst(%arg7 : memref<1x100001xf32, #tpu.memory_space<vmem>>)
    %dma_wait3A_51 = arith.constant 0 : i32
    %dma_wait3A_52 = arith.constant 0 : i32
    %dma_wait3A_53 = tpu.memref_slice %arg8[%dma_wait3A_51, %dma_wait3A_52] : memref<1x16384xf32, #tpu.memory_space<vmem>> -> memref<1x16384xf32, #tpu.memory_space<vmem>>
    %dma_wait3A_54 = tpu.memref_squeeze %dma_wait3A_53 : memref<1x16384xf32, #tpu.memory_space<vmem>> -> memref<16384xf32, #tpu.memory_space<vmem>>
    %dma_wait3A_55 = arith.constant 0 : i32
    %dma_wait3A_56 = tpu.memref_slice %arg8[%dma_wait3A_51, %dma_wait3A_55] : memref<1x16384xf32, #tpu.memory_space<vmem>> -> memref<1x16384xf32, #tpu.memory_space<vmem>>
    %dma_wait3A_57 = tpu.memref_squeeze %dma_wait3A_56 : memref<1x16384xf32, #tpu.memory_space<vmem>> -> memref<16384xf32, #tpu.memory_space<vmem>>
    tpu.wait_dma2 semaphore(%arg13 : memref<!tpu.dma_semaphore, #tpu.memory_space<semaphore_mem>>) src(%arg4 : memref<16384xf32, #tpu.memory_space<hbm>>) dst(%dma_wait3A_57 : memref<16384xf32, #tpu.memory_space<vmem>>)
    %broadcast_in_dim3A = arith.constant 0 : i32
    %broadcast_in_dim3A_58 = vector.broadcast %broadcast_in_dim3A : i32 to vector<16xi32>
    %scan3A_59 = arith.constant 0 : i32
    %scan3A_60 = arith.constant 16 : i32
    %scan3A_61 = arith.addi %scan3A_59, %scan3A_60 : i32
    %scan3A_62 = arith.constant 1 : i32
    scf.for %scan3A_265 = %scan3A_59 to %scan3A_61 step %scan3A_62  : i32 {
      %mul3A_266 = arith.constant 128 : i32
      %mul3A_267 = arith.muli %scan3A_265, %mul3A_266 : i32
      %add3A_268 = arith.constant 0 : i32
      %add3A_269 = arith.addi %add3A_268, %mul3A_267 : i32
      %add3A_270 = arith.constant 0 : i32
      %add3A_271 = arith.addi %add3A_269, %add3A_270 : i32
      %get3A = arith.constant 0 : i32
      %get3A_272 = arith.index_cast %get3A : i32 to index
      %get3A_273 = arith.index_cast %add3A_271 : i32 to index
      %get3A_274 = tpu.vector_load %arg8[%get3A_272, %get3A_273] {strides = array<i32>} : memref<1x16384xf32, #tpu.memory_space<vmem>>, vector<16xf32>,
      %bitcast3A = vector.bitcast %get3A_274 : vector<16xf32> to vector<16xi32>
      %gather3A = tpu.vector_load_idx %arg7[%broadcast_in_dim3A_58, %bitcast3A] : memref<1x100001xf32, #tpu.memory_space<vmem>>[vector<16xi32>, vector<16xi32>], vector<16xf32>,
      %swap3A = arith.constant 0 : i32
      %swap3A_275 = arith.index_cast %swap3A : i32 to index
      %swap3A_276 = arith.index_cast %add3A_271 : i32 to index
      %swap3A_277 = tpu.vector_load %arg8[%swap3A_275, %swap3A_276] {strides = array<i32>} : memref<1x16384xf32, #tpu.memory_space<vmem>>, vector<16xf32>,
      tpu.vector_store %arg8[%swap3A_275, %swap3A_276], %gather3A {strides = array<i32>} : memref<1x16384xf32, #tpu.memory_space<vmem>>, vector<16xf32>,
      %mul3A_278 = arith.constant 128 : i32
      %mul3A_279 = arith.muli %scan3A_265, %mul3A_278 : i32
      %add3A_280 = arith.constant 0 : i32
      %add3A_281 = arith.addi %add3A_280, %mul3A_279 : i32
      %add3A_282 = arith.constant 16 : i32
      %add3A_283 = arith.addi %add3A_281, %add3A_282 : i32
      %get3A_284 = arith.constant 0 : i32
      %get3A_285 = arith.index_cast %get3A_284 : i32 to index
      %get3A_286 = arith.index_cast %add3A_283 : i32 to index
      %get3A_287 = tpu.vector_load %arg8[%get3A_285, %get3A_286] {strides = array<i32>} : memref<1x16384xf32, #tpu.memory_space<vmem>>, vector<16xf32>,
      %bitcast3A_288 = vector.bitcast %get3A_287 : vector<16xf32> to vector<16xi32>
      %gather3A_289 = tpu.vector_load_idx %arg7[%broadcast_in_dim3A_58, %bitcast3A_288] : memref<1x100001xf32, #tpu.memory_space<vmem>>[vector<16xi32>, vector<16xi32>], vector<16xf32>,
      %swap3A_290 = arith.constant 0 : i32
      %swap3A_291 = arith.index_cast %swap3A_290 : i32 to index
      %swap3A_292 = arith.index_cast %add3A_283 : i32 to index
      %swap3A_293 = tpu.vector_load %arg8[%swap3A_291, %swap3A_292] {strides = array<i32>} : memref<1x16384xf32, #tpu.memory_space<vmem>>, vector<16xf32>,
      tpu.vector_store %arg8[%swap3A_291, %swap3A_292], %gather3A_289 {strides = array<i32>} : memref<1x16384xf32, #tpu.memory_space<vmem>>, vector<16xf32>,
      %mul3A_294 = arith.constant 128 : i32
      %mul3A_295 = arith.muli %scan3A_265, %mul3A_294 : i32
      %add3A_296 = arith.constant 0 : i32
      %add3A_297 = arith.addi %add3A_296, %mul3A_295 : i32
      %add3A_298 = arith.constant 32 : i32
      %add3A_299 = arith.addi %add3A_297, %add3A_298 : i32
      %get3A_300 = arith.constant 0 : i32
      %get3A_301 = arith.index_cast %get3A_300 : i32 to index
      %get3A_302 = arith.index_cast %add3A_299 : i32 to index
      %get3A_303 = tpu.vector_load %arg8[%get3A_301, %get3A_302] {strides = array<i32>} : memref<1x16384xf32, #tpu.memory_space<vmem>>, vector<16xf32>,
      %bitcast3A_304 = vector.bitcast %get3A_303 : vector<16xf32> to vector<16xi32>
      %gather3A_305 = tpu.vector_load_idx %arg7[%broadcast_in_dim3A_58, %bitcast3A_304] : memref<1x100001xf32, #tpu.memory_space<vmem>>[vector<16xi32>, vector<16xi32>], vector<16xf32>,
      %swap3A_306 = arith.constant 0 : i32
      %swap3A_307 = arith.index_cast %swap3A_306 : i32 to index
      %swap3A_308 = arith.index_cast %add3A_299 : i32 to index
      %swap3A_309 = tpu.vector_load %arg8[%swap3A_307, %swap3A_308] {strides = array<i32>} : memref<1x16384xf32, #tpu.memory_space<vmem>>, vector<16xf32>,
      tpu.vector_store %arg8[%swap3A_307, %swap3A_308], %gather3A_305 {strides = array<i32>} : memref<1x16384xf32, #tpu.memory_space<vmem>>, vector<16xf32>,
      %mul3A_310 = arith.constant 128 : i32
      %mul3A_311 = arith.muli %scan3A_265, %mul3A_310 : i32
      %add3A_312 = arith.constant 0 : i32
      %add3A_313 = arith.addi %add3A_312, %mul3A_311 : i32
      %add3A_314 = arith.constant 48 : i32
      %add3A_315 = arith.addi %add3A_313, %add3A_314 : i32
      %get3A_316 = arith.constant 0 : i32
      %get3A_317 = arith.index_cast %get3A_316 : i32 to index
      %get3A_318 = arith.index_cast %add3A_315 : i32 to index
      %get3A_319 = tpu.vector_load %arg8[%get3A_317, %get3A_318] {strides = array<i32>} : memref<1x16384xf32, #tpu.memory_space<vmem>>, vector<16xf32>,
      %bitcast3A_320 = vector.bitcast %get3A_319 : vector<16xf32> to vector<16xi32>
      %gather3A_321 = tpu.vector_load_idx %arg7[%broadcast_in_dim3A_58, %bitcast3A_320] : memref<1x100001xf32, #tpu.memory_space<vmem>>[vector<16xi32>, vector<16xi32>], vector<16xf32>,
      %swap3A_322 = arith.constant 0 : i32
      %swap3A_323 = arith.index_cast %swap3A_322 : i32 to index
      %swap3A_324 = arith.index_cast %add3A_315 : i32 to index
      %swap3A_325 = tpu.vector_load %arg8[%swap3A_323, %swap3A_324] {strides = array<i32>} : memref<1x16384xf32, #tpu.memory_space<vmem>>, vector<16xf32>,
      tpu.vector_store %arg8[%swap3A_323, %swap3A_324], %gather3A_321 {strides = array<i32>} : memref<1x16384xf32, #tpu.memory_space<vmem>>, vector<16xf32>,
      %mul3A_326 = arith.constant 128 : i32
      %mul3A_327 = arith.muli %scan3A_265, %mul3A_326 : i32
      %add3A_328 = arith.constant 0 : i32
      %add3A_329 = arith.addi %add3A_328, %mul3A_327 : i32
      %add3A_330 = arith.constant 64 : i32
      %add3A_331 = arith.addi %add3A_329, %add3A_330 : i32
      %get3A_332 = arith.constant 0 : i32
      %get3A_333 = arith.index_cast %get3A_332 : i32 to index
      %get3A_334 = arith.index_cast %add3A_331 : i32 to index
      %get3A_335 = tpu.vector_load %arg8[%get3A_333, %get3A_334] {strides = array<i32>} : memref<1x16384xf32, #tpu.memory_space<vmem>>, vector<16xf32>,
      %bitcast3A_336 = vector.bitcast %get3A_335 : vector<16xf32> to vector<16xi32>
      %gather3A_337 = tpu.vector_load_idx %arg7[%broadcast_in_dim3A_58, %bitcast3A_336] : memref<1x100001xf32, #tpu.memory_space<vmem>>[vector<16xi32>, vector<16xi32>], vector<16xf32>,
      %swap3A_338 = arith.constant 0 : i32
      %swap3A_339 = arith.index_cast %swap3A_338 : i32 to index
      %swap3A_340 = arith.index_cast %add3A_331 : i32 to index
      %swap3A_341 = tpu.vector_load %arg8[%swap3A_339, %swap3A_340] {strides = array<i32>} : memref<1x16384xf32, #tpu.memory_space<vmem>>, vector<16xf32>,
      tpu.vector_store %arg8[%swap3A_339, %swap3A_340], %gather3A_337 {strides = array<i32>} : memref<1x16384xf32, #tpu.memory_space<vmem>>, vector<16xf32>,
      %mul3A_342 = arith.constant 128 : i32
      %mul3A_343 = arith.muli %scan3A_265, %mul3A_342 : i32
      %add3A_344 = arith.constant 0 : i32
      %add3A_345 = arith.addi %add3A_344, %mul3A_343 : i32
      %add3A_346 = arith.constant 80 : i32
      %add3A_347 = arith.addi %add3A_345, %add3A_346 : i32
      %get3A_348 = arith.constant 0 : i32
      %get3A_349 = arith.index_cast %get3A_348 : i32 to index
      %get3A_350 = arith.index_cast %add3A_347 : i32 to index
      %get3A_351 = tpu.vector_load %arg8[%get3A_349, %get3A_350] {strides = array<i32>} : memref<1x16384xf32, #tpu.memory_space<vmem>>, vector<16xf32>,
      %bitcast3A_352 = vector.bitcast %get3A_351 : vector<16xf32> to vector<16xi32>
      %gather3A_353 = tpu.vector_load_idx %arg7[%broadcast_in_dim3A_58, %bitcast3A_352] : memref<1x100001xf32, #tpu.memory_space<vmem>>[vector<16xi32>, vector<16xi32>], vector<16xf32>,
      %swap3A_354 = arith.constant 0 : i32
      %swap3A_355 = arith.index_cast %swap3A_354 : i32 to index
      %swap3A_356 = arith.index_cast %add3A_347 : i32 to index
      %swap3A_357 = tpu.vector_load %arg8[%swap3A_355, %swap3A_356] {strides = array<i32>} : memref<1x16384xf32, #tpu.memory_space<vmem>>, vector<16xf32>,
      tpu.vector_store %arg8[%swap3A_355, %swap3A_356], %gather3A_353 {strides = array<i32>} : memref<1x16384xf32, #tpu.memory_space<vmem>>, vector<16xf32>,
      %mul3A_358 = arith.constant 128 : i32
      %mul3A_359 = arith.muli %scan3A_265, %mul3A_358 : i32
      %add3A_360 = arith.constant 0 : i32
      %add3A_361 = arith.addi %add3A_360, %mul3A_359 : i32
      %add3A_362 = arith.constant 96 : i32
      %add3A_363 = arith.addi %add3A_361, %add3A_362 : i32
      %get3A_364 = arith.constant 0 : i32
      %get3A_365 = arith.index_cast %get3A_364 : i32 to index
      %get3A_366 = arith.index_cast %add3A_363 : i32 to index
      %get3A_367 = tpu.vector_load %arg8[%get3A_365, %get3A_366] {strides = array<i32>} : memref<1x16384xf32, #tpu.memory_space<vmem>>, vector<16xf32>,
      %bitcast3A_368 = vector.bitcast %get3A_367 : vector<16xf32> to vector<16xi32>
      %gather3A_369 = tpu.vector_load_idx %arg7[%broadcast_in_dim3A_58, %bitcast3A_368] : memref<1x100001xf32, #tpu.memory_space<vmem>>[vector<16xi32>, vector<16xi32>], vector<16xf32>,
      %swap3A_370 = arith.constant 0 : i32
      %swap3A_371 = arith.index_cast %swap3A_370 : i32 to index
      %swap3A_372 = arith.index_cast %add3A_363 : i32 to index
      %swap3A_373 = tpu.vector_load %arg8[%swap3A_371, %swap3A_372] {strides = array<i32>} : memref<1x16384xf32, #tpu.memory_space<vmem>>, vector<16xf32>,
      tpu.vector_store %arg8[%swap3A_371, %swap3A_372], %gather3A_369 {strides = array<i32>} : memref<1x16384xf32, #tpu.memory_space<vmem>>, vector<16xf32>,
      %mul3A_374 = arith.constant 128 : i32
      %mul3A_375 = arith.muli %scan3A_265, %mul3A_374 : i32
      %add3A_376 = arith.constant 0 : i32
      %add3A_377 = arith.addi %add3A_376, %mul3A_375 : i32
      %add3A_378 = arith.constant 112 : i32
      %add3A_379 = arith.addi %add3A_377, %add3A_378 : i32
      %get3A_380 = arith.constant 0 : i32
      %get3A_381 = arith.index_cast %get3A_380 : i32 to index
      %get3A_382 = arith.index_cast %add3A_379 : i32 to index
      %get3A_383 = tpu.vector_load %arg8[%get3A_381, %get3A_382] {strides = array<i32>} : memref<1x16384xf32, #tpu.memory_space<vmem>>, vector<16xf32>,
      %bitcast3A_384 = vector.bitcast %get3A_383 : vector<16xf32> to vector<16xi32>
      %gather3A_385 = tpu.vector_load_idx %arg7[%broadcast_in_dim3A_58, %bitcast3A_384] : memref<1x100001xf32, #tpu.memory_space<vmem>>[vector<16xi32>, vector<16xi32>], vector<16xf32>,
      %swap3A_386 = arith.constant 0 : i32
      %swap3A_387 = arith.index_cast %swap3A_386 : i32 to index
      %swap3A_388 = arith.index_cast %add3A_379 : i32 to index
      %swap3A_389 = tpu.vector_load %arg8[%swap3A_387, %swap3A_388] {strides = array<i32>} : memref<1x16384xf32, #tpu.memory_space<vmem>>, vector<16xf32>,
      tpu.vector_store %arg8[%swap3A_387, %swap3A_388], %gather3A_385 {strides = array<i32>} : memref<1x16384xf32, #tpu.memory_space<vmem>>, vector<16xf32>,
    }
    %scan3A_63 = arith.constant 16 : i32
    %dma_start3A_64 = arith.constant 0 : i32
    %dma_start3A_65 = arith.constant 0 : i32
    %dma_start3A_66 = tpu.memref_slice %arg8[%dma_start3A_64, %dma_start3A_65] : memref<1x16384xf32, #tpu.memory_space<vmem>> -> memref<1x2048xf32, #tpu.memory_space<vmem>>
    %dma_start3A_67 = arith.constant 0 : i32
    %dma_start3A_68 = tpu.memref_slice %arg6[%add3A, %dma_start3A_67] : memref<64x16384xf32, #tpu.memory_space<hbm>> -> memref<1x2048xf32, #tpu.memory_space<hbm>>
    %dma_start3A_69 = arith.constant 0 : i32
    %dma_start3A_70 = tpu.memref_slice %arg6[%add3A, %dma_start3A_69] : memref<64x16384xf32, #tpu.memory_space<hbm>> -> memref<1x2048xf32, #tpu.memory_space<hbm>>
    %dma_start3A_71 = arith.constant 0 : i32
    %dma_start3A_72 = arith.constant 0 : i32
    %dma_start3A_73 = tpu.memref_slice %arg8[%dma_start3A_71, %dma_start3A_72] : memref<1x16384xf32, #tpu.memory_space<vmem>> -> memref<1x2048xf32, #tpu.memory_space<vmem>>
    tpu.enqueue_dma source(%dma_start3A_73 : memref<1x2048xf32, #tpu.memory_space<vmem>>) target(%dma_start3A_70 : memref<1x2048xf32, #tpu.memory_space<hbm>>) target_semaphore(%arg14 : memref<!tpu.dma_semaphore, #tpu.memory_space<semaphore_mem>>)
    %scan3A_74 = arith.constant 0 : i32
    %scan3A_75 = arith.constant 16 : i32
    %scan3A_76 = arith.addi %scan3A_74, %scan3A_75 : i32
    %scan3A_77 = arith.constant 1 : i32
    scf.for %scan3A_265 = %scan3A_74 to %scan3A_76 step %scan3A_77  : i32 {
      %mul3A_266 = arith.constant 128 : i32
      %mul3A_267 = arith.muli %scan3A_265, %mul3A_266 : i32
      %add3A_268 = arith.constant 2048 : i32
      %add3A_269 = arith.addi %add3A_268, %mul3A_267 : i32
      %add3A_270 = arith.constant 0 : i32
      %add3A_271 = arith.addi %add3A_269, %add3A_270 : i32
      %get3A = arith.constant 0 : i32
      %get3A_272 = arith.index_cast %get3A : i32 to index
      %get3A_273 = arith.index_cast %add3A_271 : i32 to index
      %get3A_274 = tpu.vector_load %arg8[%get3A_272, %get3A_273] {strides = array<i32>} : memref<1x16384xf32, #tpu.memory_space<vmem>>, vector<16xf32>,
      %bitcast3A = vector.bitcast %get3A_274 : vector<16xf32> to vector<16xi32>
      %gather3A = tpu.vector_load_idx %arg7[%broadcast_in_dim3A_58, %bitcast3A] : memref<1x100001xf32, #tpu.memory_space<vmem>>[vector<16xi32>, vector<16xi32>], vector<16xf32>,
      %swap3A = arith.constant 0 : i32
      %swap3A_275 = arith.index_cast %swap3A : i32 to index
      %swap3A_276 = arith.index_cast %add3A_271 : i32 to index
      %swap3A_277 = tpu.vector_load %arg8[%swap3A_275, %swap3A_276] {strides = array<i32>} : memref<1x16384xf32, #tpu.memory_space<vmem>>, vector<16xf32>,
      tpu.vector_store %arg8[%swap3A_275, %swap3A_276], %gather3A {strides = array<i32>} : memref<1x16384xf32, #tpu.memory_space<vmem>>, vector<16xf32>,
      %mul3A_278 = arith.constant 128 : i32
      %mul3A_279 = arith.muli %scan3A_265, %mul3A_278 : i32
      %add3A_280 = arith.constant 2048 : i32
      %add3A_281 = arith.addi %add3A_280, %mul3A_279 : i32
      %add3A_282 = arith.constant 16 : i32
      %add3A_283 = arith.addi %add3A_281, %add3A_282 : i32
      %get3A_284 = arith.constant 0 : i32
      %get3A_285 = arith.index_cast %get3A_284 : i32 to index
      %get3A_286 = arith.index_cast %add3A_283 : i32 to index
      %get3A_287 = tpu.vector_load %arg8[%get3A_285, %get3A_286] {strides = array<i32>} : memref<1x16384xf32, #tpu.memory_space<vmem>>, vector<16xf32>,
      %bitcast3A_288 = vector.bitcast %get3A_287 : vector<16xf32> to vector<16xi32>
      %gather3A_289 = tpu.vector_load_idx %arg7[%broadcast_in_dim3A_58, %bitcast3A_288] : memref<1x100001xf32, #tpu.memory_space<vmem>>[vector<16xi32>, vector<16xi32>], vector<16xf32>,
      %swap3A_290 = arith.constant 0 : i32
      %swap3A_291 = arith.index_cast %swap3A_290 : i32 to index
      %swap3A_292 = arith.index_cast %add3A_283 : i32 to index
      %swap3A_293 = tpu.vector_load %arg8[%swap3A_291, %swap3A_292] {strides = array<i32>} : memref<1x16384xf32, #tpu.memory_space<vmem>>, vector<16xf32>,
      tpu.vector_store %arg8[%swap3A_291, %swap3A_292], %gather3A_289 {strides = array<i32>} : memref<1x16384xf32, #tpu.memory_space<vmem>>, vector<16xf32>,
      %mul3A_294 = arith.constant 128 : i32
      %mul3A_295 = arith.muli %scan3A_265, %mul3A_294 : i32
      %add3A_296 = arith.constant 2048 : i32
      %add3A_297 = arith.addi %add3A_296, %mul3A_295 : i32
      %add3A_298 = arith.constant 32 : i32
      %add3A_299 = arith.addi %add3A_297, %add3A_298 : i32
      %get3A_300 = arith.constant 0 : i32
      %get3A_301 = arith.index_cast %get3A_300 : i32 to index
      %get3A_302 = arith.index_cast %add3A_299 : i32 to index
      %get3A_303 = tpu.vector_load %arg8[%get3A_301, %get3A_302] {strides = array<i32>} : memref<1x16384xf32, #tpu.memory_space<vmem>>, vector<16xf32>,
      %bitcast3A_304 = vector.bitcast %get3A_303 : vector<16xf32> to vector<16xi32>
      %gather3A_305 = tpu.vector_load_idx %arg7[%broadcast_in_dim3A_58, %bitcast3A_304] : memref<1x100001xf32, #tpu.memory_space<vmem>>[vector<16xi32>, vector<16xi32>], vector<16xf32>,
      %swap3A_306 = arith.constant 0 : i32
      %swap3A_307 = arith.index_cast %swap3A_306 : i32 to index
      %swap3A_308 = arith.index_cast %add3A_299 : i32 to index
      %swap3A_309 = tpu.vector_load %arg8[%swap3A_307, %swap3A_308] {strides = array<i32>} : memref<1x16384xf32, #tpu.memory_space<vmem>>, vector<16xf32>,
      tpu.vector_store %arg8[%swap3A_307, %swap3A_308], %gather3A_305 {strides = array<i32>} : memref<1x16384xf32, #tpu.memory_space<vmem>>, vector<16xf32>,
      %mul3A_310 = arith.constant 128 : i32
      %mul3A_311 = arith.muli %scan3A_265, %mul3A_310 : i32
      %add3A_312 = arith.constant 2048 : i32
      %add3A_313 = arith.addi %add3A_312, %mul3A_311 : i32
      %add3A_314 = arith.constant 48 : i32
      %add3A_315 = arith.addi %add3A_313, %add3A_314 : i32
      %get3A_316 = arith.constant 0 : i32
      %get3A_317 = arith.index_cast %get3A_316 : i32 to index
      %get3A_318 = arith.index_cast %add3A_315 : i32 to index
      %get3A_319 = tpu.vector_load %arg8[%get3A_317, %get3A_318] {strides = array<i32>} : memref<1x16384xf32, #tpu.memory_space<vmem>>, vector<16xf32>,
      %bitcast3A_320 = vector.bitcast %get3A_319 : vector<16xf32> to vector<16xi32>
      %gather3A_321 = tpu.vector_load_idx %arg7[%broadcast_in_dim3A_58, %bitcast3A_320] : memref<1x100001xf32, #tpu.memory_space<vmem>>[vector<16xi32>, vector<16xi32>], vector<16xf32>,
      %swap3A_322 = arith.constant 0 : i32
      %swap3A_323 = arith.index_cast %swap3A_322 : i32 to index
      %swap3A_324 = arith.index_cast %add3A_315 : i32 to index
      %swap3A_325 = tpu.vector_load %arg8[%swap3A_323, %swap3A_324] {strides = array<i32>} : memref<1x16384xf32, #tpu.memory_space<vmem>>, vector<16xf32>,
      tpu.vector_store %arg8[%swap3A_323, %swap3A_324], %gather3A_321 {strides = array<i32>} : memref<1x16384xf32, #tpu.memory_space<vmem>>, vector<16xf32>,
      %mul3A_326 = arith.constant 128 : i32
      %mul3A_327 = arith.muli %scan3A_265, %mul3A_326 : i32
      %add3A_328 = arith.constant 2048 : i32
      %add3A_329 = arith.addi %add3A_328, %mul3A_327 : i32
      %add3A_330 = arith.constant 64 : i32
      %add3A_331 = arith.addi %add3A_329, %add3A_330 : i32
      %get3A_332 = arith.constant 0 : i32
      %get3A_333 = arith.index_cast %get3A_332 : i32 to index
      %get3A_334 = arith.index_cast %add3A_331 : i32 to index
      %get3A_335 = tpu.vector_load %arg8[%get3A_333, %get3A_334] {strides = array<i32>} : memref<1x16384xf32, #tpu.memory_space<vmem>>, vector<16xf32>,
      %bitcast3A_336 = vector.bitcast %get3A_335 : vector<16xf32> to vector<16xi32>
      %gather3A_337 = tpu.vector_load_idx %arg7[%broadcast_in_dim3A_58, %bitcast3A_336] : memref<1x100001xf32, #tpu.memory_space<vmem>>[vector<16xi32>, vector<16xi32>], vector<16xf32>,
      %swap3A_338 = arith.constant 0 : i32
      %swap3A_339 = arith.index_cast %swap3A_338 : i32 to index
      %swap3A_340 = arith.index_cast %add3A_331 : i32 to index
      %swap3A_341 = tpu.vector_load %arg8[%swap3A_339, %swap3A_340] {strides = array<i32>} : memref<1x16384xf32, #tpu.memory_space<vmem>>, vector<16xf32>,
      tpu.vector_store %arg8[%swap3A_339, %swap3A_340], %gather3A_337 {strides = array<i32>} : memref<1x16384xf32, #tpu.memory_space<vmem>>, vector<16xf32>,
      %mul3A_342 = arith.constant 128 : i32
      %mul3A_343 = arith.muli %scan3A_265, %mul3A_342 : i32
      %add3A_344 = arith.constant 2048 : i32
      %add3A_345 = arith.addi %add3A_344, %mul3A_343 : i32
      %add3A_346 = arith.constant 80 : i32
      %add3A_347 = arith.addi %add3A_345, %add3A_346 : i32
      %get3A_348 = arith.constant 0 : i32
      %get3A_349 = arith.index_cast %get3A_348 : i32 to index
      %get3A_350 = arith.index_cast %add3A_347 : i32 to index
      %get3A_351 = tpu.vector_load %arg8[%get3A_349, %get3A_350] {strides = array<i32>} : memref<1x16384xf32, #tpu.memory_space<vmem>>, vector<16xf32>,
      %bitcast3A_352 = vector.bitcast %get3A_351 : vector<16xf32> to vector<16xi32>
      %gather3A_353 = tpu.vector_load_idx %arg7[%broadcast_in_dim3A_58, %bitcast3A_352] : memref<1x100001xf32, #tpu.memory_space<vmem>>[vector<16xi32>, vector<16xi32>], vector<16xf32>,
      %swap3A_354 = arith.constant 0 : i32
      %swap3A_355 = arith.index_cast %swap3A_354 : i32 to index
      %swap3A_356 = arith.index_cast %add3A_347 : i32 to index
      %swap3A_357 = tpu.vector_load %arg8[%swap3A_355, %swap3A_356] {strides = array<i32>} : memref<1x16384xf32, #tpu.memory_space<vmem>>, vector<16xf32>,
      tpu.vector_store %arg8[%swap3A_355, %swap3A_356], %gather3A_353 {strides = array<i32>} : memref<1x16384xf32, #tpu.memory_space<vmem>>, vector<16xf32>,
      %mul3A_358 = arith.constant 128 : i32
      %mul3A_359 = arith.muli %scan3A_265, %mul3A_358 : i32
      %add3A_360 = arith.constant 2048 : i32
      %add3A_361 = arith.addi %add3A_360, %mul3A_359 : i32
      %add3A_362 = arith.constant 96 : i32
      %add3A_363 = arith.addi %add3A_361, %add3A_362 : i32
      %get3A_364 = arith.constant 0 : i32
      %get3A_365 = arith.index_cast %get3A_364 : i32 to index
      %get3A_366 = arith.index_cast %add3A_363 : i32 to index
      %get3A_367 = tpu.vector_load %arg8[%get3A_365, %get3A_366] {strides = array<i32>} : memref<1x16384xf32, #tpu.memory_space<vmem>>, vector<16xf32>,
      %bitcast3A_368 = vector.bitcast %get3A_367 : vector<16xf32> to vector<16xi32>
      %gather3A_369 = tpu.vector_load_idx %arg7[%broadcast_in_dim3A_58, %bitcast3A_368] : memref<1x100001xf32, #tpu.memory_space<vmem>>[vector<16xi32>, vector<16xi32>], vector<16xf32>,
      %swap3A_370 = arith.constant 0 : i32
      %swap3A_371 = arith.index_cast %swap3A_370 : i32 to index
      %swap3A_372 = arith.index_cast %add3A_363 : i32 to index
      %swap3A_373 = tpu.vector_load %arg8[%swap3A_371, %swap3A_372] {strides = array<i32>} : memref<1x16384xf32, #tpu.memory_space<vmem>>, vector<16xf32>,
      tpu.vector_store %arg8[%swap3A_371, %swap3A_372], %gather3A_369 {strides = array<i32>} : memref<1x16384xf32, #tpu.memory_space<vmem>>, vector<16xf32>,
      %mul3A_374 = arith.constant 128 : i32
      %mul3A_375 = arith.muli %scan3A_265, %mul3A_374 : i32
      %add3A_376 = arith.constant 2048 : i32
      %add3A_377 = arith.addi %add3A_376, %mul3A_375 : i32
      %add3A_378 = arith.constant 112 : i32
      %add3A_379 = arith.addi %add3A_377, %add3A_378 : i32
      %get3A_380 = arith.constant 0 : i32
      %get3A_381 = arith.index_cast %get3A_380 : i32 to index
      %get3A_382 = arith.index_cast %add3A_379 : i32 to index
      %get3A_383 = tpu.vector_load %arg8[%get3A_381, %get3A_382] {strides = array<i32>} : memref<1x16384xf32, #tpu.memory_space<vmem>>, vector<16xf32>,
      %bitcast3A_384 = vector.bitcast %get3A_383 : vector<16xf32> to vector<16xi32>
      %gather3A_385 = tpu.vector_load_idx %arg7[%broadcast_in_dim3A_58, %bitcast3A_384] : memref<1x100001xf32, #tpu.memory_space<vmem>>[vector<16xi32>, vector<16xi32>], vector<16xf32>,
      %swap3A_386 = arith.constant 0 : i32
      %swap3A_387 = arith.index_cast %swap3A_386 : i32 to index
      %swap3A_388 = arith.index_cast %add3A_379 : i32 to index
      %swap3A_389 = tpu.vector_load %arg8[%swap3A_387, %swap3A_388] {strides = array<i32>} : memref<1x16384xf32, #tpu.memory_space<vmem>>, vector<16xf32>,
      tpu.vector_store %arg8[%swap3A_387, %swap3A_388], %gather3A_385 {strides = array<i32>} : memref<1x16384xf32, #tpu.memory_space<vmem>>, vector<16xf32>,
    }
    %scan3A_78 = arith.constant 16 : i32
    %dma_start3A_79 = arith.constant 0 : i32
    %dma_start3A_80 = arith.constant 2048 : i32
    %dma_start3A_81 = tpu.memref_slice %arg8[%dma_start3A_79, %dma_start3A_80] : memref<1x16384xf32, #tpu.memory_space<vmem>> -> memref<1x2048xf32, #tpu.memory_space<vmem>>
    %dma_start3A_82 = arith.constant 2048 : i32
    %dma_start3A_83 = tpu.memref_slice %arg6[%add3A, %dma_start3A_82] : memref<64x16384xf32, #tpu.memory_space<hbm>> -> memref<1x2048xf32, #tpu.memory_space<hbm>>
    %dma_start3A_84 = arith.constant 2048 : i32
    %dma_start3A_85 = tpu.memref_slice %arg6[%add3A, %dma_start3A_84] : memref<64x16384xf32, #tpu.memory_space<hbm>> -> memref<1x2048xf32, #tpu.memory_space<hbm>>
    %dma_start3A_86 = arith.constant 0 : i32
    %dma_start3A_87 = arith.constant 2048 : i32
    %dma_start3A_88 = tpu.memref_slice %arg8[%dma_start3A_86, %dma_start3A_87] : memref<1x16384xf32, #tpu.memory_space<vmem>> -> memref<1x2048xf32, #tpu.memory_space<vmem>>
    tpu.enqueue_dma source(%dma_start3A_88 : memref<1x2048xf32, #tpu.memory_space<vmem>>) target(%dma_start3A_85 : memref<1x2048xf32, #tpu.memory_space<hbm>>) target_semaphore(%arg14 : memref<!tpu.dma_semaphore, #tpu.memory_space<semaphore_mem>>)
    %scan3A_89 = arith.constant 0 : i32
    %scan3A_90 = arith.constant 16 : i32
    %scan3A_91 = arith.addi %scan3A_89, %scan3A_90 : i32
    %scan3A_92 = arith.constant 1 : i32
    scf.for %scan3A_265 = %scan3A_89 to %scan3A_91 step %scan3A_92  : i32 {
      %mul3A_266 = arith.constant 128 : i32
      %mul3A_267 = arith.muli %scan3A_265, %mul3A_266 : i32
      %add3A_268 = arith.constant 4096 : i32
      %add3A_269 = arith.addi %add3A_268, %mul3A_267 : i32
      %add3A_270 = arith.constant 0 : i32
      %add3A_271 = arith.addi %add3A_269, %add3A_270 : i32
      %get3A = arith.constant 0 : i32
      %get3A_272 = arith.index_cast %get3A : i32 to index
      %get3A_273 = arith.index_cast %add3A_271 : i32 to index
      %get3A_274 = tpu.vector_load %arg8[%get3A_272, %get3A_273] {strides = array<i32>} : memref<1x16384xf32, #tpu.memory_space<vmem>>, vector<16xf32>,
      %bitcast3A = vector.bitcast %get3A_274 : vector<16xf32> to vector<16xi32>
      %gather3A = tpu.vector_load_idx %arg7[%broadcast_in_dim3A_58, %bitcast3A] : memref<1x100001xf32, #tpu.memory_space<vmem>>[vector<16xi32>, vector<16xi32>], vector<16xf32>,
      %swap3A = arith.constant 0 : i32
      %swap3A_275 = arith.index_cast %swap3A : i32 to index
      %swap3A_276 = arith.index_cast %add3A_271 : i32 to index
      %swap3A_277 = tpu.vector_load %arg8[%swap3A_275, %swap3A_276] {strides = array<i32>} : memref<1x16384xf32, #tpu.memory_space<vmem>>, vector<16xf32>,
      tpu.vector_store %arg8[%swap3A_275, %swap3A_276], %gather3A {strides = array<i32>} : memref<1x16384xf32, #tpu.memory_space<vmem>>, vector<16xf32>,
      %mul3A_278 = arith.constant 128 : i32
      %mul3A_279 = arith.muli %scan3A_265, %mul3A_278 : i32
      %add3A_280 = arith.constant 4096 : i32
      %add3A_281 = arith.addi %add3A_280, %mul3A_279 : i32
      %add3A_282 = arith.constant 16 : i32
      %add3A_283 = arith.addi %add3A_281, %add3A_282 : i32
      %get3A_284 = arith.constant 0 : i32
      %get3A_285 = arith.index_cast %get3A_284 : i32 to index
      %get3A_286 = arith.index_cast %add3A_283 : i32 to index
      %get3A_287 = tpu.vector_load %arg8[%get3A_285, %get3A_286] {strides = array<i32>} : memref<1x16384xf32, #tpu.memory_space<vmem>>, vector<16xf32>,
      %bitcast3A_288 = vector.bitcast %get3A_287 : vector<16xf32> to vector<16xi32>
      %gather3A_289 = tpu.vector_load_idx %arg7[%broadcast_in_dim3A_58, %bitcast3A_288] : memref<1x100001xf32, #tpu.memory_space<vmem>>[vector<16xi32>, vector<16xi32>], vector<16xf32>,
      %swap3A_290 = arith.constant 0 : i32
      %swap3A_291 = arith.index_cast %swap3A_290 : i32 to index
      %swap3A_292 = arith.index_cast %add3A_283 : i32 to index
      %swap3A_293 = tpu.vector_load %arg8[%swap3A_291, %swap3A_292] {strides = array<i32>} : memref<1x16384xf32, #tpu.memory_space<vmem>>, vector<16xf32>,
      tpu.vector_store %arg8[%swap3A_291, %swap3A_292], %gather3A_289 {strides = array<i32>} : memref<1x16384xf32, #tpu.memory_space<vmem>>, vector<16xf32>,
      %mul3A_294 = arith.constant 128 : i32
      %mul3A_295 = arith.muli %scan3A_265, %mul3A_294 : i32
      %add3A_296 = arith.constant 4096 : i32
      %add3A_297 = arith.addi %add3A_296, %mul3A_295 : i32
      %add3A_298 = arith.constant 32 : i32
      %add3A_299 = arith.addi %add3A_297, %add3A_298 : i32
      %get3A_300 = arith.constant 0 : i32
      %get3A_301 = arith.index_cast %get3A_300 : i32 to index
      %get3A_302 = arith.index_cast %add3A_299 : i32 to index
      %get3A_303 = tpu.vector_load %arg8[%get3A_301, %get3A_302] {strides = array<i32>} : memref<1x16384xf32, #tpu.memory_space<vmem>>, vector<16xf32>,
      %bitcast3A_304 = vector.bitcast %get3A_303 : vector<16xf32> to vector<16xi32>
      %gather3A_305 = tpu.vector_load_idx %arg7[%broadcast_in_dim3A_58, %bitcast3A_304] : memref<1x100001xf32, #tpu.memory_space<vmem>>[vector<16xi32>, vector<16xi32>], vector<16xf32>,
      %swap3A_306 = arith.constant 0 : i32
      %swap3A_307 = arith.index_cast %swap3A_306 : i32 to index
      %swap3A_308 = arith.index_cast %add3A_299 : i32 to index
      %swap3A_309 = tpu.vector_load %arg8[%swap3A_307, %swap3A_308] {strides = array<i32>} : memref<1x16384xf32, #tpu.memory_space<vmem>>, vector<16xf32>,
      tpu.vector_store %arg8[%swap3A_307, %swap3A_308], %gather3A_305 {strides = array<i32>} : memref<1x16384xf32, #tpu.memory_space<vmem>>, vector<16xf32>,
      %mul3A_310 = arith.constant 128 : i32
      %mul3A_311 = arith.muli %scan3A_265, %mul3A_310 : i32
      %add3A_312 = arith.constant 4096 : i32
      %add3A_313 = arith.addi %add3A_312, %mul3A_311 : i32
      %add3A_314 = arith.constant 48 : i32
      %add3A_315 = arith.addi %add3A_313, %add3A_314 : i32
      %get3A_316 = arith.constant 0 : i32
      %get3A_317 = arith.index_cast %get3A_316 : i32 to index
      %get3A_318 = arith.index_cast %add3A_315 : i32 to index
      %get3A_319 = tpu.vector_load %arg8[%get3A_317, %get3A_318] {strides = array<i32>} : memref<1x16384xf32, #tpu.memory_space<vmem>>, vector<16xf32>,
      %bitcast3A_320 = vector.bitcast %get3A_319 : vector<16xf32> to vector<16xi32>
      %gather3A_321 = tpu.vector_load_idx %arg7[%broadcast_in_dim3A_58, %bitcast3A_320] : memref<1x100001xf32, #tpu.memory_space<vmem>>[vector<16xi32>, vector<16xi32>], vector<16xf32>,
      %swap3A_322 = arith.constant 0 : i32
      %swap3A_323 = arith.index_cast %swap3A_322 : i32 to index
      %swap3A_324 = arith.index_cast %add3A_315 : i32 to index
      %swap3A_325 = tpu.vector_load %arg8[%swap3A_323, %swap3A_324] {strides = array<i32>} : memref<1x16384xf32, #tpu.memory_space<vmem>>, vector<16xf32>,
      tpu.vector_store %arg8[%swap3A_323, %swap3A_324], %gather3A_321 {strides = array<i32>} : memref<1x16384xf32, #tpu.memory_space<vmem>>, vector<16xf32>,
      %mul3A_326 = arith.constant 128 : i32
      %mul3A_327 = arith.muli %scan3A_265, %mul3A_326 : i32
      %add3A_328 = arith.constant 4096 : i32
      %add3A_329 = arith.addi %add3A_328, %mul3A_327 : i32
      %add3A_330 = arith.constant 64 : i32
      %add3A_331 = arith.addi %add3A_329, %add3A_330 : i32
      %get3A_332 = arith.constant 0 : i32
      %get3A_333 = arith.index_cast %get3A_332 : i32 to index
      %get3A_334 = arith.index_cast %add3A_331 : i32 to index
      %get3A_335 = tpu.vector_load %arg8[%get3A_333, %get3A_334] {strides = array<i32>} : memref<1x16384xf32, #tpu.memory_space<vmem>>, vector<16xf32>,
      %bitcast3A_336 = vector.bitcast %get3A_335 : vector<16xf32> to vector<16xi32>
      %gather3A_337 = tpu.vector_load_idx %arg7[%broadcast_in_dim3A_58, %bitcast3A_336] : memref<1x100001xf32, #tpu.memory_space<vmem>>[vector<16xi32>, vector<16xi32>], vector<16xf32>,
      %swap3A_338 = arith.constant 0 : i32
      %swap3A_339 = arith.index_cast %swap3A_338 : i32 to index
      %swap3A_340 = arith.index_cast %add3A_331 : i32 to index
      %swap3A_341 = tpu.vector_load %arg8[%swap3A_339, %swap3A_340] {strides = array<i32>} : memref<1x16384xf32, #tpu.memory_space<vmem>>, vector<16xf32>,
      tpu.vector_store %arg8[%swap3A_339, %swap3A_340], %gather3A_337 {strides = array<i32>} : memref<1x16384xf32, #tpu.memory_space<vmem>>, vector<16xf32>,
      %mul3A_342 = arith.constant 128 : i32
      %mul3A_343 = arith.muli %scan3A_265, %mul3A_342 : i32
      %add3A_344 = arith.constant 4096 : i32
      %add3A_345 = arith.addi %add3A_344, %mul3A_343 : i32
      %add3A_346 = arith.constant 80 : i32
      %add3A_347 = arith.addi %add3A_345, %add3A_346 : i32
      %get3A_348 = arith.constant 0 : i32
      %get3A_349 = arith.index_cast %get3A_348 : i32 to index
      %get3A_350 = arith.index_cast %add3A_347 : i32 to index
      %get3A_351 = tpu.vector_load %arg8[%get3A_349, %get3A_350] {strides = array<i32>} : memref<1x16384xf32, #tpu.memory_space<vmem>>, vector<16xf32>,
      %bitcast3A_352 = vector.bitcast %get3A_351 : vector<16xf32> to vector<16xi32>
      %gather3A_353 = tpu.vector_load_idx %arg7[%broadcast_in_dim3A_58, %bitcast3A_352] : memref<1x100001xf32, #tpu.memory_space<vmem>>[vector<16xi32>, vector<16xi32>], vector<16xf32>,
      %swap3A_354 = arith.constant 0 : i32
      %swap3A_355 = arith.index_cast %swap3A_354 : i32 to index
      %swap3A_356 = arith.index_cast %add3A_347 : i32 to index
      %swap3A_357 = tpu.vector_load %arg8[%swap3A_355, %swap3A_356] {strides = array<i32>} : memref<1x16384xf32, #tpu.memory_space<vmem>>, vector<16xf32>,
      tpu.vector_store %arg8[%swap3A_355, %swap3A_356], %gather3A_353 {strides = array<i32>} : memref<1x16384xf32, #tpu.memory_space<vmem>>, vector<16xf32>,
      %mul3A_358 = arith.constant 128 : i32
      %mul3A_359 = arith.muli %scan3A_265, %mul3A_358 : i32
      %add3A_360 = arith.constant 4096 : i32
      %add3A_361 = arith.addi %add3A_360, %mul3A_359 : i32
      %add3A_362 = arith.constant 96 : i32
      %add3A_363 = arith.addi %add3A_361, %add3A_362 : i32
      %get3A_364 = arith.constant 0 : i32
      %get3A_365 = arith.index_cast %get3A_364 : i32 to index
      %get3A_366 = arith.index_cast %add3A_363 : i32 to index
      %get3A_367 = tpu.vector_load %arg8[%get3A_365, %get3A_366] {strides = array<i32>} : memref<1x16384xf32, #tpu.memory_space<vmem>>, vector<16xf32>,
      %bitcast3A_368 = vector.bitcast %get3A_367 : vector<16xf32> to vector<16xi32>
      %gather3A_369 = tpu.vector_load_idx %arg7[%broadcast_in_dim3A_58, %bitcast3A_368] : memref<1x100001xf32, #tpu.memory_space<vmem>>[vector<16xi32>, vector<16xi32>], vector<16xf32>,
      %swap3A_370 = arith.constant 0 : i32
      %swap3A_371 = arith.index_cast %swap3A_370 : i32 to index
      %swap3A_372 = arith.index_cast %add3A_363 : i32 to index
      %swap3A_373 = tpu.vector_load %arg8[%swap3A_371, %swap3A_372] {strides = array<i32>} : memref<1x16384xf32, #tpu.memory_space<vmem>>, vector<16xf32>,
      tpu.vector_store %arg8[%swap3A_371, %swap3A_372], %gather3A_369 {strides = array<i32>} : memref<1x16384xf32, #tpu.memory_space<vmem>>, vector<16xf32>,
      %mul3A_374 = arith.constant 128 : i32
      %mul3A_375 = arith.muli %scan3A_265, %mul3A_374 : i32
      %add3A_376 = arith.constant 4096 : i32
      %add3A_377 = arith.addi %add3A_376, %mul3A_375 : i32
      %add3A_378 = arith.constant 112 : i32
      %add3A_379 = arith.addi %add3A_377, %add3A_378 : i32
      %get3A_380 = arith.constant 0 : i32
      %get3A_381 = arith.index_cast %get3A_380 : i32 to index
      %get3A_382 = arith.index_cast %add3A_379 : i32 to index
      %get3A_383 = tpu.vector_load %arg8[%get3A_381, %get3A_382] {strides = array<i32>} : memref<1x16384xf32, #tpu.memory_space<vmem>>, vector<16xf32>,
      %bitcast3A_384 = vector.bitcast %get3A_383 : vector<16xf32> to vector<16xi32>
      %gather3A_385 = tpu.vector_load_idx %arg7[%broadcast_in_dim3A_58, %bitcast3A_384] : memref<1x100001xf32, #tpu.memory_space<vmem>>[vector<16xi32>, vector<16xi32>], vector<16xf32>,
      %swap3A_386 = arith.constant 0 : i32
      %swap3A_387 = arith.index_cast %swap3A_386 : i32 to index
      %swap3A_388 = arith.index_cast %add3A_379 : i32 to index
      %swap3A_389 = tpu.vector_load %arg8[%swap3A_387, %swap3A_388] {strides = array<i32>} : memref<1x16384xf32, #tpu.memory_space<vmem>>, vector<16xf32>,
      tpu.vector_store %arg8[%swap3A_387, %swap3A_388], %gather3A_385 {strides = array<i32>} : memref<1x16384xf32, #tpu.memory_space<vmem>>, vector<16xf32>,
    }
    %scan3A_93 = arith.constant 16 : i32
    %dma_start3A_94 = arith.constant 0 : i32
    %dma_start3A_95 = arith.constant 4096 : i32
    %dma_start3A_96 = tpu.memref_slice %arg8[%dma_start3A_94, %dma_start3A_95] : memref<1x16384xf32, #tpu.memory_space<vmem>> -> memref<1x2048xf32, #tpu.memory_space<vmem>>
    %dma_start3A_97 = arith.constant 4096 : i32
    %dma_start3A_98 = tpu.memref_slice %arg6[%add3A, %dma_start3A_97] : memref<64x16384xf32, #tpu.memory_space<hbm>> -> memref<1x2048xf32, #tpu.memory_space<hbm>>
    %dma_start3A_99 = arith.constant 4096 : i32
    %dma_start3A_100 = tpu.memref_slice %arg6[%add3A, %dma_start3A_99] : memref<64x16384xf32, #tpu.memory_space<hbm>> -> memref<1x2048xf32, #tpu.memory_space<hbm>>
    %dma_start3A_101 = arith.constant 0 : i32
    %dma_start3A_102 = arith.constant 4096 : i32
    %dma_start3A_103 = tpu.memref_slice %arg8[%dma_start3A_101, %dma_start3A_102] : memref<1x16384xf32, #tpu.memory_space<vmem>> -> memref<1x2048xf32, #tpu.memory_space<vmem>>
    tpu.enqueue_dma source(%dma_start3A_103 : memref<1x2048xf32, #tpu.memory_space<vmem>>) target(%dma_start3A_100 : memref<1x2048xf32, #tpu.memory_space<hbm>>) target_semaphore(%arg14 : memref<!tpu.dma_semaphore, #tpu.memory_space<semaphore_mem>>)
    %scan3A_104 = arith.constant 0 : i32
    %scan3A_105 = arith.constant 16 : i32
    %scan3A_106 = arith.addi %scan3A_104, %scan3A_105 : i32
    %scan3A_107 = arith.constant 1 : i32
    scf.for %scan3A_265 = %scan3A_104 to %scan3A_106 step %scan3A_107  : i32 {
      %mul3A_266 = arith.constant 128 : i32
      %mul3A_267 = arith.muli %scan3A_265, %mul3A_266 : i32
      %add3A_268 = arith.constant 6144 : i32
      %add3A_269 = arith.addi %add3A_268, %mul3A_267 : i32
      %add3A_270 = arith.constant 0 : i32
      %add3A_271 = arith.addi %add3A_269, %add3A_270 : i32
      %get3A = arith.constant 0 : i32
      %get3A_272 = arith.index_cast %get3A : i32 to index
      %get3A_273 = arith.index_cast %add3A_271 : i32 to index
      %get3A_274 = tpu.vector_load %arg8[%get3A_272, %get3A_273] {strides = array<i32>} : memref<1x16384xf32, #tpu.memory_space<vmem>>, vector<16xf32>,
      %bitcast3A = vector.bitcast %get3A_274 : vector<16xf32> to vector<16xi32>
      %gather3A = tpu.vector_load_idx %arg7[%broadcast_in_dim3A_58, %bitcast3A] : memref<1x100001xf32, #tpu.memory_space<vmem>>[vector<16xi32>, vector<16xi32>], vector<16xf32>,
      %swap3A = arith.constant 0 : i32
      %swap3A_275 = arith.index_cast %swap3A : i32 to index
      %swap3A_276 = arith.index_cast %add3A_271 : i32 to index
      %swap3A_277 = tpu.vector_load %arg8[%swap3A_275, %swap3A_276] {strides = array<i32>} : memref<1x16384xf32, #tpu.memory_space<vmem>>, vector<16xf32>,
      tpu.vector_store %arg8[%swap3A_275, %swap3A_276], %gather3A {strides = array<i32>} : memref<1x16384xf32, #tpu.memory_space<vmem>>, vector<16xf32>,
      %mul3A_278 = arith.constant 128 : i32
      %mul3A_279 = arith.muli %scan3A_265, %mul3A_278 : i32
      %add3A_280 = arith.constant 6144 : i32
      %add3A_281 = arith.addi %add3A_280, %mul3A_279 : i32
      %add3A_282 = arith.constant 16 : i32
      %add3A_283 = arith.addi %add3A_281, %add3A_282 : i32
      %get3A_284 = arith.constant 0 : i32
      %get3A_285 = arith.index_cast %get3A_284 : i32 to index
      %get3A_286 = arith.index_cast %add3A_283 : i32 to index
      %get3A_287 = tpu.vector_load %arg8[%get3A_285, %get3A_286] {strides = array<i32>} : memref<1x16384xf32, #tpu.memory_space<vmem>>, vector<16xf32>,
      %bitcast3A_288 = vector.bitcast %get3A_287 : vector<16xf32> to vector<16xi32>
      %gather3A_289 = tpu.vector_load_idx %arg7[%broadcast_in_dim3A_58, %bitcast3A_288] : memref<1x100001xf32, #tpu.memory_space<vmem>>[vector<16xi32>, vector<16xi32>], vector<16xf32>,
      %swap3A_290 = arith.constant 0 : i32
      %swap3A_291 = arith.index_cast %swap3A_290 : i32 to index
      %swap3A_292 = arith.index_cast %add3A_283 : i32 to index
      %swap3A_293 = tpu.vector_load %arg8[%swap3A_291, %swap3A_292] {strides = array<i32>} : memref<1x16384xf32, #tpu.memory_space<vmem>>, vector<16xf32>,
      tpu.vector_store %arg8[%swap3A_291, %swap3A_292], %gather3A_289 {strides = array<i32>} : memref<1x16384xf32, #tpu.memory_space<vmem>>, vector<16xf32>,
      %mul3A_294 = arith.constant 128 : i32
      %mul3A_295 = arith.muli %scan3A_265, %mul3A_294 : i32
      %add3A_296 = arith.constant 6144 : i32
      %add3A_297 = arith.addi %add3A_296, %mul3A_295 : i32
      %add3A_298 = arith.constant 32 : i32
      %add3A_299 = arith.addi %add3A_297, %add3A_298 : i32
      %get3A_300 = arith.constant 0 : i32
      %get3A_301 = arith.index_cast %get3A_300 : i32 to index
      %get3A_302 = arith.index_cast %add3A_299 : i32 to index
      %get3A_303 = tpu.vector_load %arg8[%get3A_301, %get3A_302] {strides = array<i32>} : memref<1x16384xf32, #tpu.memory_space<vmem>>, vector<16xf32>,
      %bitcast3A_304 = vector.bitcast %get3A_303 : vector<16xf32> to vector<16xi32>
      %gather3A_305 = tpu.vector_load_idx %arg7[%broadcast_in_dim3A_58, %bitcast3A_304] : memref<1x100001xf32, #tpu.memory_space<vmem>>[vector<16xi32>, vector<16xi32>], vector<16xf32>,
      %swap3A_306 = arith.constant 0 : i32
      %swap3A_307 = arith.index_cast %swap3A_306 : i32 to index
      %swap3A_308 = arith.index_cast %add3A_299 : i32 to index
      %swap3A_309 = tpu.vector_load %arg8[%swap3A_307, %swap3A_308] {strides = array<i32>} : memref<1x16384xf32, #tpu.memory_space<vmem>>, vector<16xf32>,
      tpu.vector_store %arg8[%swap3A_307, %swap3A_308], %gather3A_305 {strides = array<i32>} : memref<1x16384xf32, #tpu.memory_space<vmem>>, vector<16xf32>,
      %mul3A_310 = arith.constant 128 : i32
      %mul3A_311 = arith.muli %scan3A_265, %mul3A_310 : i32
      %add3A_312 = arith.constant 6144 : i32
      %add3A_313 = arith.addi %add3A_312, %mul3A_311 : i32
      %add3A_314 = arith.constant 48 : i32
      %add3A_315 = arith.addi %add3A_313, %add3A_314 : i32
      %get3A_316 = arith.constant 0 : i32
      %get3A_317 = arith.index_cast %get3A_316 : i32 to index
      %get3A_318 = arith.index_cast %add3A_315 : i32 to index
      %get3A_319 = tpu.vector_load %arg8[%get3A_317, %get3A_318] {strides = array<i32>} : memref<1x16384xf32, #tpu.memory_space<vmem>>, vector<16xf32>,
      %bitcast3A_320 = vector.bitcast %get3A_319 : vector<16xf32> to vector<16xi32>
      %gather3A_321 = tpu.vector_load_idx %arg7[%broadcast_in_dim3A_58, %bitcast3A_320] : memref<1x100001xf32, #tpu.memory_space<vmem>>[vector<16xi32>, vector<16xi32>], vector<16xf32>,
      %swap3A_322 = arith.constant 0 : i32
      %swap3A_323 = arith.index_cast %swap3A_322 : i32 to index
      %swap3A_324 = arith.index_cast %add3A_315 : i32 to index
      %swap3A_325 = tpu.vector_load %arg8[%swap3A_323, %swap3A_324] {strides = array<i32>} : memref<1x16384xf32, #tpu.memory_space<vmem>>, vector<16xf32>,
      tpu.vector_store %arg8[%swap3A_323, %swap3A_324], %gather3A_321 {strides = array<i32>} : memref<1x16384xf32, #tpu.memory_space<vmem>>, vector<16xf32>,
      %mul3A_326 = arith.constant 128 : i32
      %mul3A_327 = arith.muli %scan3A_265, %mul3A_326 : i32
      %add3A_328 = arith.constant 6144 : i32
      %add3A_329 = arith.addi %add3A_328, %mul3A_327 : i32
      %add3A_330 = arith.constant 64 : i32
      %add3A_331 = arith.addi %add3A_329, %add3A_330 : i32
      %get3A_332 = arith.constant 0 : i32
      %get3A_333 = arith.index_cast %get3A_332 : i32 to index
      %get3A_334 = arith.index_cast %add3A_331 : i32 to index
      %get3A_335 = tpu.vector_load %arg8[%get3A_333, %get3A_334] {strides = array<i32>} : memref<1x16384xf32, #tpu.memory_space<vmem>>, vector<16xf32>,
      %bitcast3A_336 = vector.bitcast %get3A_335 : vector<16xf32> to vector<16xi32>
      %gather3A_337 = tpu.vector_load_idx %arg7[%broadcast_in_dim3A_58, %bitcast3A_336] : memref<1x100001xf32, #tpu.memory_space<vmem>>[vector<16xi32>, vector<16xi32>], vector<16xf32>,
      %swap3A_338 = arith.constant 0 : i32
      %swap3A_339 = arith.index_cast %swap3A_338 : i32 to index
      %swap3A_340 = arith.index_cast %add3A_331 : i32 to index
      %swap3A_341 = tpu.vector_load %arg8[%swap3A_339, %swap3A_340] {strides = array<i32>} : memref<1x16384xf32, #tpu.memory_space<vmem>>, vector<16xf32>,
      tpu.vector_store %arg8[%swap3A_339, %swap3A_340], %gather3A_337 {strides = array<i32>} : memref<1x16384xf32, #tpu.memory_space<vmem>>, vector<16xf32>,
      %mul3A_342 = arith.constant 128 : i32
      %mul3A_343 = arith.muli %scan3A_265, %mul3A_342 : i32
      %add3A_344 = arith.constant 6144 : i32
      %add3A_345 = arith.addi %add3A_344, %mul3A_343 : i32
      %add3A_346 = arith.constant 80 : i32
      %add3A_347 = arith.addi %add3A_345, %add3A_346 : i32
      %get3A_348 = arith.constant 0 : i32
      %get3A_349 = arith.index_cast %get3A_348 : i32 to index
      %get3A_350 = arith.index_cast %add3A_347 : i32 to index
      %get3A_351 = tpu.vector_load %arg8[%get3A_349, %get3A_350] {strides = array<i32>} : memref<1x16384xf32, #tpu.memory_space<vmem>>, vector<16xf32>,
      %bitcast3A_352 = vector.bitcast %get3A_351 : vector<16xf32> to vector<16xi32>
      %gather3A_353 = tpu.vector_load_idx %arg7[%broadcast_in_dim3A_58, %bitcast3A_352] : memref<1x100001xf32, #tpu.memory_space<vmem>>[vector<16xi32>, vector<16xi32>], vector<16xf32>,
      %swap3A_354 = arith.constant 0 : i32
      %swap3A_355 = arith.index_cast %swap3A_354 : i32 to index
      %swap3A_356 = arith.index_cast %add3A_347 : i32 to index
      %swap3A_357 = tpu.vector_load %arg8[%swap3A_355, %swap3A_356] {strides = array<i32>} : memref<1x16384xf32, #tpu.memory_space<vmem>>, vector<16xf32>,
      tpu.vector_store %arg8[%swap3A_355, %swap3A_356], %gather3A_353 {strides = array<i32>} : memref<1x16384xf32, #tpu.memory_space<vmem>>, vector<16xf32>,
      %mul3A_358 = arith.constant 128 : i32
      %mul3A_359 = arith.muli %scan3A_265, %mul3A_358 : i32
      %add3A_360 = arith.constant 6144 : i32
      %add3A_361 = arith.addi %add3A_360, %mul3A_359 : i32
      %add3A_362 = arith.constant 96 : i32
      %add3A_363 = arith.addi %add3A_361, %add3A_362 : i32
      %get3A_364 = arith.constant 0 : i32
      %get3A_365 = arith.index_cast %get3A_364 : i32 to index
      %get3A_366 = arith.index_cast %add3A_363 : i32 to index
      %get3A_367 = tpu.vector_load %arg8[%get3A_365, %get3A_366] {strides = array<i32>} : memref<1x16384xf32, #tpu.memory_space<vmem>>, vector<16xf32>,
      %bitcast3A_368 = vector.bitcast %get3A_367 : vector<16xf32> to vector<16xi32>
      %gather3A_369 = tpu.vector_load_idx %arg7[%broadcast_in_dim3A_58, %bitcast3A_368] : memref<1x100001xf32, #tpu.memory_space<vmem>>[vector<16xi32>, vector<16xi32>], vector<16xf32>,
      %swap3A_370 = arith.constant 0 : i32
      %swap3A_371 = arith.index_cast %swap3A_370 : i32 to index
      %swap3A_372 = arith.index_cast %add3A_363 : i32 to index
      %swap3A_373 = tpu.vector_load %arg8[%swap3A_371, %swap3A_372] {strides = array<i32>} : memref<1x16384xf32, #tpu.memory_space<vmem>>, vector<16xf32>,
      tpu.vector_store %arg8[%swap3A_371, %swap3A_372], %gather3A_369 {strides = array<i32>} : memref<1x16384xf32, #tpu.memory_space<vmem>>, vector<16xf32>,
      %mul3A_374 = arith.constant 128 : i32
      %mul3A_375 = arith.muli %scan3A_265, %mul3A_374 : i32
      %add3A_376 = arith.constant 6144 : i32
      %add3A_377 = arith.addi %add3A_376, %mul3A_375 : i32
      %add3A_378 = arith.constant 112 : i32
      %add3A_379 = arith.addi %add3A_377, %add3A_378 : i32
      %get3A_380 = arith.constant 0 : i32
      %get3A_381 = arith.index_cast %get3A_380 : i32 to index
      %get3A_382 = arith.index_cast %add3A_379 : i32 to index
      %get3A_383 = tpu.vector_load %arg8[%get3A_381, %get3A_382] {strides = array<i32>} : memref<1x16384xf32, #tpu.memory_space<vmem>>, vector<16xf32>,
      %bitcast3A_384 = vector.bitcast %get3A_383 : vector<16xf32> to vector<16xi32>
      %gather3A_385 = tpu.vector_load_idx %arg7[%broadcast_in_dim3A_58, %bitcast3A_384] : memref<1x100001xf32, #tpu.memory_space<vmem>>[vector<16xi32>, vector<16xi32>], vector<16xf32>,
      %swap3A_386 = arith.constant 0 : i32
      %swap3A_387 = arith.index_cast %swap3A_386 : i32 to index
      %swap3A_388 = arith.index_cast %add3A_379 : i32 to index
      %swap3A_389 = tpu.vector_load %arg8[%swap3A_387, %swap3A_388] {strides = array<i32>} : memref<1x16384xf32, #tpu.memory_space<vmem>>, vector<16xf32>,
      tpu.vector_store %arg8[%swap3A_387, %swap3A_388], %gather3A_385 {strides = array<i32>} : memref<1x16384xf32, #tpu.memory_space<vmem>>, vector<16xf32>,
    }
    %scan3A_108 = arith.constant 16 : i32
    %dma_start3A_109 = arith.constant 0 : i32
    %dma_start3A_110 = arith.constant 6144 : i32
    %dma_start3A_111 = tpu.memref_slice %arg8[%dma_start3A_109, %dma_start3A_110] : memref<1x16384xf32, #tpu.memory_space<vmem>> -> memref<1x2048xf32, #tpu.memory_space<vmem>>
    %dma_start3A_112 = arith.constant 6144 : i32
    %dma_start3A_113 = tpu.memref_slice %arg6[%add3A, %dma_start3A_112] : memref<64x16384xf32, #tpu.memory_space<hbm>> -> memref<1x2048xf32, #tpu.memory_space<hbm>>
    %dma_start3A_114 = arith.constant 6144 : i32
    %dma_start3A_115 = tpu.memref_slice %arg6[%add3A, %dma_start3A_114] : memref<64x16384xf32, #tpu.memory_space<hbm>> -> memref<1x2048xf32, #tpu.memory_space<hbm>>
    %dma_start3A_116 = arith.constant 0 : i32
    %dma_start3A_117 = arith.constant 6144 : i32
    %dma_start3A_118 = tpu.memref_slice %arg8[%dma_start3A_116, %dma_start3A_117] : memref<1x16384xf32, #tpu.memory_space<vmem>> -> memref<1x2048xf32, #tpu.memory_space<vmem>>
    tpu.enqueue_dma source(%dma_start3A_118 : memref<1x2048xf32, #tpu.memory_space<vmem>>) target(%dma_start3A_115 : memref<1x2048xf32, #tpu.memory_space<hbm>>) target_semaphore(%arg14 : memref<!tpu.dma_semaphore, #tpu.memory_space<semaphore_mem>>)
    %scan3A_119 = arith.constant 0 : i32
    %scan3A_120 = arith.constant 16 : i32
    %scan3A_121 = arith.addi %scan3A_119, %scan3A_120 : i32
    %scan3A_122 = arith.constant 1 : i32
    scf.for %scan3A_265 = %scan3A_119 to %scan3A_121 step %scan3A_122  : i32 {
      %mul3A_266 = arith.constant 128 : i32
      %mul3A_267 = arith.muli %scan3A_265, %mul3A_266 : i32
      %add3A_268 = arith.constant 8192 : i32
      %add3A_269 = arith.addi %add3A_268, %mul3A_267 : i32
      %add3A_270 = arith.constant 0 : i32
      %add3A_271 = arith.addi %add3A_269, %add3A_270 : i32
      %get3A = arith.constant 0 : i32
      %get3A_272 = arith.index_cast %get3A : i32 to index
      %get3A_273 = arith.index_cast %add3A_271 : i32 to index
      %get3A_274 = tpu.vector_load %arg8[%get3A_272, %get3A_273] {strides = array<i32>} : memref<1x16384xf32, #tpu.memory_space<vmem>>, vector<16xf32>,
      %bitcast3A = vector.bitcast %get3A_274 : vector<16xf32> to vector<16xi32>
      %gather3A = tpu.vector_load_idx %arg7[%broadcast_in_dim3A_58, %bitcast3A] : memref<1x100001xf32, #tpu.memory_space<vmem>>[vector<16xi32>, vector<16xi32>], vector<16xf32>,
      %swap3A = arith.constant 0 : i32
      %swap3A_275 = arith.index_cast %swap3A : i32 to index
      %swap3A_276 = arith.index_cast %add3A_271 : i32 to index
      %swap3A_277 = tpu.vector_load %arg8[%swap3A_275, %swap3A_276] {strides = array<i32>} : memref<1x16384xf32, #tpu.memory_space<vmem>>, vector<16xf32>,
      tpu.vector_store %arg8[%swap3A_275, %swap3A_276], %gather3A {strides = array<i32>} : memref<1x16384xf32, #tpu.memory_space<vmem>>, vector<16xf32>,
      %mul3A_278 = arith.constant 128 : i32
      %mul3A_279 = arith.muli %scan3A_265, %mul3A_278 : i32
      %add3A_280 = arith.constant 8192 : i32
      %add3A_281 = arith.addi %add3A_280, %mul3A_279 : i32
      %add3A_282 = arith.constant 16 : i32
      %add3A_283 = arith.addi %add3A_281, %add3A_282 : i32
      %get3A_284 = arith.constant 0 : i32
      %get3A_285 = arith.index_cast %get3A_284 : i32 to index
      %get3A_286 = arith.index_cast %add3A_283 : i32 to index
      %get3A_287 = tpu.vector_load %arg8[%get3A_285, %get3A_286] {strides = array<i32>} : memref<1x16384xf32, #tpu.memory_space<vmem>>, vector<16xf32>,
      %bitcast3A_288 = vector.bitcast %get3A_287 : vector<16xf32> to vector<16xi32>
      %gather3A_289 = tpu.vector_load_idx %arg7[%broadcast_in_dim3A_58, %bitcast3A_288] : memref<1x100001xf32, #tpu.memory_space<vmem>>[vector<16xi32>, vector<16xi32>], vector<16xf32>,
      %swap3A_290 = arith.constant 0 : i32
      %swap3A_291 = arith.index_cast %swap3A_290 : i32 to index
      %swap3A_292 = arith.index_cast %add3A_283 : i32 to index
      %swap3A_293 = tpu.vector_load %arg8[%swap3A_291, %swap3A_292] {strides = array<i32>} : memref<1x16384xf32, #tpu.memory_space<vmem>>, vector<16xf32>,
      tpu.vector_store %arg8[%swap3A_291, %swap3A_292], %gather3A_289 {strides = array<i32>} : memref<1x16384xf32, #tpu.memory_space<vmem>>, vector<16xf32>,
      %mul3A_294 = arith.constant 128 : i32
      %mul3A_295 = arith.muli %scan3A_265, %mul3A_294 : i32
      %add3A_296 = arith.constant 8192 : i32
      %add3A_297 = arith.addi %add3A_296, %mul3A_295 : i32
      %add3A_298 = arith.constant 32 : i32
      %add3A_299 = arith.addi %add3A_297, %add3A_298 : i32
      %get3A_300 = arith.constant 0 : i32
      %get3A_301 = arith.index_cast %get3A_300 : i32 to index
      %get3A_302 = arith.index_cast %add3A_299 : i32 to index
      %get3A_303 = tpu.vector_load %arg8[%get3A_301, %get3A_302] {strides = array<i32>} : memref<1x16384xf32, #tpu.memory_space<vmem>>, vector<16xf32>,
      %bitcast3A_304 = vector.bitcast %get3A_303 : vector<16xf32> to vector<16xi32>
      %gather3A_305 = tpu.vector_load_idx %arg7[%broadcast_in_dim3A_58, %bitcast3A_304] : memref<1x100001xf32, #tpu.memory_space<vmem>>[vector<16xi32>, vector<16xi32>], vector<16xf32>,
      %swap3A_306 = arith.constant 0 : i32
      %swap3A_307 = arith.index_cast %swap3A_306 : i32 to index
      %swap3A_308 = arith.index_cast %add3A_299 : i32 to index
      %swap3A_309 = tpu.vector_load %arg8[%swap3A_307, %swap3A_308] {strides = array<i32>} : memref<1x16384xf32, #tpu.memory_space<vmem>>, vector<16xf32>,
      tpu.vector_store %arg8[%swap3A_307, %swap3A_308], %gather3A_305 {strides = array<i32>} : memref<1x16384xf32, #tpu.memory_space<vmem>>, vector<16xf32>,
      %mul3A_310 = arith.constant 128 : i32
      %mul3A_311 = arith.muli %scan3A_265, %mul3A_310 : i32
      %add3A_312 = arith.constant 8192 : i32
      %add3A_313 = arith.addi %add3A_312, %mul3A_311 : i32
      %add3A_314 = arith.constant 48 : i32
      %add3A_315 = arith.addi %add3A_313, %add3A_314 : i32
      %get3A_316 = arith.constant 0 : i32
      %get3A_317 = arith.index_cast %get3A_316 : i32 to index
      %get3A_318 = arith.index_cast %add3A_315 : i32 to index
      %get3A_319 = tpu.vector_load %arg8[%get3A_317, %get3A_318] {strides = array<i32>} : memref<1x16384xf32, #tpu.memory_space<vmem>>, vector<16xf32>,
      %bitcast3A_320 = vector.bitcast %get3A_319 : vector<16xf32> to vector<16xi32>
      %gather3A_321 = tpu.vector_load_idx %arg7[%broadcast_in_dim3A_58, %bitcast3A_320] : memref<1x100001xf32, #tpu.memory_space<vmem>>[vector<16xi32>, vector<16xi32>], vector<16xf32>,
      %swap3A_322 = arith.constant 0 : i32
      %swap3A_323 = arith.index_cast %swap3A_322 : i32 to index
      %swap3A_324 = arith.index_cast %add3A_315 : i32 to index
      %swap3A_325 = tpu.vector_load %arg8[%swap3A_323, %swap3A_324] {strides = array<i32>} : memref<1x16384xf32, #tpu.memory_space<vmem>>, vector<16xf32>,
      tpu.vector_store %arg8[%swap3A_323, %swap3A_324], %gather3A_321 {strides = array<i32>} : memref<1x16384xf32, #tpu.memory_space<vmem>>, vector<16xf32>,
      %mul3A_326 = arith.constant 128 : i32
      %mul3A_327 = arith.muli %scan3A_265, %mul3A_326 : i32
      %add3A_328 = arith.constant 8192 : i32
      %add3A_329 = arith.addi %add3A_328, %mul3A_327 : i32
      %add3A_330 = arith.constant 64 : i32
      %add3A_331 = arith.addi %add3A_329, %add3A_330 : i32
      %get3A_332 = arith.constant 0 : i32
      %get3A_333 = arith.index_cast %get3A_332 : i32 to index
      %get3A_334 = arith.index_cast %add3A_331 : i32 to index
      %get3A_335 = tpu.vector_load %arg8[%get3A_333, %get3A_334] {strides = array<i32>} : memref<1x16384xf32, #tpu.memory_space<vmem>>, vector<16xf32>,
      %bitcast3A_336 = vector.bitcast %get3A_335 : vector<16xf32> to vector<16xi32>
      %gather3A_337 = tpu.vector_load_idx %arg7[%broadcast_in_dim3A_58, %bitcast3A_336] : memref<1x100001xf32, #tpu.memory_space<vmem>>[vector<16xi32>, vector<16xi32>], vector<16xf32>,
      %swap3A_338 = arith.constant 0 : i32
      %swap3A_339 = arith.index_cast %swap3A_338 : i32 to index
      %swap3A_340 = arith.index_cast %add3A_331 : i32 to index
      %swap3A_341 = tpu.vector_load %arg8[%swap3A_339, %swap3A_340] {strides = array<i32>} : memref<1x16384xf32, #tpu.memory_space<vmem>>, vector<16xf32>,
      tpu.vector_store %arg8[%swap3A_339, %swap3A_340], %gather3A_337 {strides = array<i32>} : memref<1x16384xf32, #tpu.memory_space<vmem>>, vector<16xf32>,
      %mul3A_342 = arith.constant 128 : i32
      %mul3A_343 = arith.muli %scan3A_265, %mul3A_342 : i32
      %add3A_344 = arith.constant 8192 : i32
      %add3A_345 = arith.addi %add3A_344, %mul3A_343 : i32
      %add3A_346 = arith.constant 80 : i32
      %add3A_347 = arith.addi %add3A_345, %add3A_346 : i32
      %get3A_348 = arith.constant 0 : i32
      %get3A_349 = arith.index_cast %get3A_348 : i32 to index
      %get3A_350 = arith.index_cast %add3A_347 : i32 to index
      %get3A_351 = tpu.vector_load %arg8[%get3A_349, %get3A_350] {strides = array<i32>} : memref<1x16384xf32, #tpu.memory_space<vmem>>, vector<16xf32>,
      %bitcast3A_352 = vector.bitcast %get3A_351 : vector<16xf32> to vector<16xi32>
      %gather3A_353 = tpu.vector_load_idx %arg7[%broadcast_in_dim3A_58, %bitcast3A_352] : memref<1x100001xf32, #tpu.memory_space<vmem>>[vector<16xi32>, vector<16xi32>], vector<16xf32>,
      %swap3A_354 = arith.constant 0 : i32
      %swap3A_355 = arith.index_cast %swap3A_354 : i32 to index
      %swap3A_356 = arith.index_cast %add3A_347 : i32 to index
      %swap3A_357 = tpu.vector_load %arg8[%swap3A_355, %swap3A_356] {strides = array<i32>} : memref<1x16384xf32, #tpu.memory_space<vmem>>, vector<16xf32>,
      tpu.vector_store %arg8[%swap3A_355, %swap3A_356], %gather3A_353 {strides = array<i32>} : memref<1x16384xf32, #tpu.memory_space<vmem>>, vector<16xf32>,
      %mul3A_358 = arith.constant 128 : i32
      %mul3A_359 = arith.muli %scan3A_265, %mul3A_358 : i32
      %add3A_360 = arith.constant 8192 : i32
      %add3A_361 = arith.addi %add3A_360, %mul3A_359 : i32
      %add3A_362 = arith.constant 96 : i32
      %add3A_363 = arith.addi %add3A_361, %add3A_362 : i32
      %get3A_364 = arith.constant 0 : i32
      %get3A_365 = arith.index_cast %get3A_364 : i32 to index
      %get3A_366 = arith.index_cast %add3A_363 : i32 to index
      %get3A_367 = tpu.vector_load %arg8[%get3A_365, %get3A_366] {strides = array<i32>} : memref<1x16384xf32, #tpu.memory_space<vmem>>, vector<16xf32>,
      %bitcast3A_368 = vector.bitcast %get3A_367 : vector<16xf32> to vector<16xi32>
      %gather3A_369 = tpu.vector_load_idx %arg7[%broadcast_in_dim3A_58, %bitcast3A_368] : memref<1x100001xf32, #tpu.memory_space<vmem>>[vector<16xi32>, vector<16xi32>], vector<16xf32>,
      %swap3A_370 = arith.constant 0 : i32
      %swap3A_371 = arith.index_cast %swap3A_370 : i32 to index
      %swap3A_372 = arith.index_cast %add3A_363 : i32 to index
      %swap3A_373 = tpu.vector_load %arg8[%swap3A_371, %swap3A_372] {strides = array<i32>} : memref<1x16384xf32, #tpu.memory_space<vmem>>, vector<16xf32>,
      tpu.vector_store %arg8[%swap3A_371, %swap3A_372], %gather3A_369 {strides = array<i32>} : memref<1x16384xf32, #tpu.memory_space<vmem>>, vector<16xf32>,
      %mul3A_374 = arith.constant 128 : i32
      %mul3A_375 = arith.muli %scan3A_265, %mul3A_374 : i32
      %add3A_376 = arith.constant 8192 : i32
      %add3A_377 = arith.addi %add3A_376, %mul3A_375 : i32
      %add3A_378 = arith.constant 112 : i32
      %add3A_379 = arith.addi %add3A_377, %add3A_378 : i32
      %get3A_380 = arith.constant 0 : i32
      %get3A_381 = arith.index_cast %get3A_380 : i32 to index
      %get3A_382 = arith.index_cast %add3A_379 : i32 to index
      %get3A_383 = tpu.vector_load %arg8[%get3A_381, %get3A_382] {strides = array<i32>} : memref<1x16384xf32, #tpu.memory_space<vmem>>, vector<16xf32>,
      %bitcast3A_384 = vector.bitcast %get3A_383 : vector<16xf32> to vector<16xi32>
      %gather3A_385 = tpu.vector_load_idx %arg7[%broadcast_in_dim3A_58, %bitcast3A_384] : memref<1x100001xf32, #tpu.memory_space<vmem>>[vector<16xi32>, vector<16xi32>], vector<16xf32>,
      %swap3A_386 = arith.constant 0 : i32
      %swap3A_387 = arith.index_cast %swap3A_386 : i32 to index
      %swap3A_388 = arith.index_cast %add3A_379 : i32 to index
      %swap3A_389 = tpu.vector_load %arg8[%swap3A_387, %swap3A_388] {strides = array<i32>} : memref<1x16384xf32, #tpu.memory_space<vmem>>, vector<16xf32>,
      tpu.vector_store %arg8[%swap3A_387, %swap3A_388], %gather3A_385 {strides = array<i32>} : memref<1x16384xf32, #tpu.memory_space<vmem>>, vector<16xf32>,
    }
    %scan3A_123 = arith.constant 16 : i32
    %dma_start3A_124 = arith.constant 0 : i32
    %dma_start3A_125 = arith.constant 8192 : i32
    %dma_start3A_126 = tpu.memref_slice %arg8[%dma_start3A_124, %dma_start3A_125] : memref<1x16384xf32, #tpu.memory_space<vmem>> -> memref<1x2048xf32, #tpu.memory_space<vmem>>
    %dma_start3A_127 = arith.constant 8192 : i32
    %dma_start3A_128 = tpu.memref_slice %arg6[%add3A, %dma_start3A_127] : memref<64x16384xf32, #tpu.memory_space<hbm>> -> memref<1x2048xf32, #tpu.memory_space<hbm>>
    %dma_start3A_129 = arith.constant 8192 : i32
    %dma_start3A_130 = tpu.memref_slice %arg6[%add3A, %dma_start3A_129] : memref<64x16384xf32, #tpu.memory_space<hbm>> -> memref<1x2048xf32, #tpu.memory_space<hbm>>
    %dma_start3A_131 = arith.constant 0 : i32
    %dma_start3A_132 = arith.constant 8192 : i32
    %dma_start3A_133 = tpu.memref_slice %arg8[%dma_start3A_131, %dma_start3A_132] : memref<1x16384xf32, #tpu.memory_space<vmem>> -> memref<1x2048xf32, #tpu.memory_space<vmem>>
    tpu.enqueue_dma source(%dma_start3A_133 : memref<1x2048xf32, #tpu.memory_space<vmem>>) target(%dma_start3A_130 : memref<1x2048xf32, #tpu.memory_space<hbm>>) target_semaphore(%arg14 : memref<!tpu.dma_semaphore, #tpu.memory_space<semaphore_mem>>)
    %scan3A_134 = arith.constant 0 : i32
    %scan3A_135 = arith.constant 16 : i32
    %scan3A_136 = arith.addi %scan3A_134, %scan3A_135 : i32
    %scan3A_137 = arith.constant 1 : i32
    scf.for %scan3A_265 = %scan3A_134 to %scan3A_136 step %scan3A_137  : i32 {
      %mul3A_266 = arith.constant 128 : i32
      %mul3A_267 = arith.muli %scan3A_265, %mul3A_266 : i32
      %add3A_268 = arith.constant 10240 : i32
      %add3A_269 = arith.addi %add3A_268, %mul3A_267 : i32
      %add3A_270 = arith.constant 0 : i32
      %add3A_271 = arith.addi %add3A_269, %add3A_270 : i32
      %get3A = arith.constant 0 : i32
      %get3A_272 = arith.index_cast %get3A : i32 to index
      %get3A_273 = arith.index_cast %add3A_271 : i32 to index
      %get3A_274 = tpu.vector_load %arg8[%get3A_272, %get3A_273] {strides = array<i32>} : memref<1x16384xf32, #tpu.memory_space<vmem>>, vector<16xf32>,
      %bitcast3A = vector.bitcast %get3A_274 : vector<16xf32> to vector<16xi32>
      %gather3A = tpu.vector_load_idx %arg7[%broadcast_in_dim3A_58, %bitcast3A] : memref<1x100001xf32, #tpu.memory_space<vmem>>[vector<16xi32>, vector<16xi32>], vector<16xf32>,
      %swap3A = arith.constant 0 : i32
      %swap3A_275 = arith.index_cast %swap3A : i32 to index
      %swap3A_276 = arith.index_cast %add3A_271 : i32 to index
      %swap3A_277 = tpu.vector_load %arg8[%swap3A_275, %swap3A_276] {strides = array<i32>} : memref<1x16384xf32, #tpu.memory_space<vmem>>, vector<16xf32>,
      tpu.vector_store %arg8[%swap3A_275, %swap3A_276], %gather3A {strides = array<i32>} : memref<1x16384xf32, #tpu.memory_space<vmem>>, vector<16xf32>,
      %mul3A_278 = arith.constant 128 : i32
      %mul3A_279 = arith.muli %scan3A_265, %mul3A_278 : i32
      %add3A_280 = arith.constant 10240 : i32
      %add3A_281 = arith.addi %add3A_280, %mul3A_279 : i32
      %add3A_282 = arith.constant 16 : i32
      %add3A_283 = arith.addi %add3A_281, %add3A_282 : i32
      %get3A_284 = arith.constant 0 : i32
      %get3A_285 = arith.index_cast %get3A_284 : i32 to index
      %get3A_286 = arith.index_cast %add3A_283 : i32 to index
      %get3A_287 = tpu.vector_load %arg8[%get3A_285, %get3A_286] {strides = array<i32>} : memref<1x16384xf32, #tpu.memory_space<vmem>>, vector<16xf32>,
      %bitcast3A_288 = vector.bitcast %get3A_287 : vector<16xf32> to vector<16xi32>
      %gather3A_289 = tpu.vector_load_idx %arg7[%broadcast_in_dim3A_58, %bitcast3A_288] : memref<1x100001xf32, #tpu.memory_space<vmem>>[vector<16xi32>, vector<16xi32>], vector<16xf32>,
      %swap3A_290 = arith.constant 0 : i32
      %swap3A_291 = arith.index_cast %swap3A_290 : i32 to index
      %swap3A_292 = arith.index_cast %add3A_283 : i32 to index
      %swap3A_293 = tpu.vector_load %arg8[%swap3A_291, %swap3A_292] {strides = array<i32>} : memref<1x16384xf32, #tpu.memory_space<vmem>>, vector<16xf32>,
      tpu.vector_store %arg8[%swap3A_291, %swap3A_292], %gather3A_289 {strides = array<i32>} : memref<1x16384xf32, #tpu.memory_space<vmem>>, vector<16xf32>,
      %mul3A_294 = arith.constant 128 : i32
      %mul3A_295 = arith.muli %scan3A_265, %mul3A_294 : i32
      %add3A_296 = arith.constant 10240 : i32
      %add3A_297 = arith.addi %add3A_296, %mul3A_295 : i32
      %add3A_298 = arith.constant 32 : i32
      %add3A_299 = arith.addi %add3A_297, %add3A_298 : i32
      %get3A_300 = arith.constant 0 : i32
      %get3A_301 = arith.index_cast %get3A_300 : i32 to index
      %get3A_302 = arith.index_cast %add3A_299 : i32 to index
      %get3A_303 = tpu.vector_load %arg8[%get3A_301, %get3A_302] {strides = array<i32>} : memref<1x16384xf32, #tpu.memory_space<vmem>>, vector<16xf32>,
      %bitcast3A_304 = vector.bitcast %get3A_303 : vector<16xf32> to vector<16xi32>
      %gather3A_305 = tpu.vector_load_idx %arg7[%broadcast_in_dim3A_58, %bitcast3A_304] : memref<1x100001xf32, #tpu.memory_space<vmem>>[vector<16xi32>, vector<16xi32>], vector<16xf32>,
      %swap3A_306 = arith.constant 0 : i32
      %swap3A_307 = arith.index_cast %swap3A_306 : i32 to index
      %swap3A_308 = arith.index_cast %add3A_299 : i32 to index
      %swap3A_309 = tpu.vector_load %arg8[%swap3A_307, %swap3A_308] {strides = array<i32>} : memref<1x16384xf32, #tpu.memory_space<vmem>>, vector<16xf32>,
      tpu.vector_store %arg8[%swap3A_307, %swap3A_308], %gather3A_305 {strides = array<i32>} : memref<1x16384xf32, #tpu.memory_space<vmem>>, vector<16xf32>,
      %mul3A_310 = arith.constant 128 : i32
      %mul3A_311 = arith.muli %scan3A_265, %mul3A_310 : i32
      %add3A_312 = arith.constant 10240 : i32
      %add3A_313 = arith.addi %add3A_312, %mul3A_311 : i32
      %add3A_314 = arith.constant 48 : i32
      %add3A_315 = arith.addi %add3A_313, %add3A_314 : i32
      %get3A_316 = arith.constant 0 : i32
      %get3A_317 = arith.index_cast %get3A_316 : i32 to index
      %get3A_318 = arith.index_cast %add3A_315 : i32 to index
      %get3A_319 = tpu.vector_load %arg8[%get3A_317, %get3A_318] {strides = array<i32>} : memref<1x16384xf32, #tpu.memory_space<vmem>>, vector<16xf32>,
      %bitcast3A_320 = vector.bitcast %get3A_319 : vector<16xf32> to vector<16xi32>
      %gather3A_321 = tpu.vector_load_idx %arg7[%broadcast_in_dim3A_58, %bitcast3A_320] : memref<1x100001xf32, #tpu.memory_space<vmem>>[vector<16xi32>, vector<16xi32>], vector<16xf32>,
      %swap3A_322 = arith.constant 0 : i32
      %swap3A_323 = arith.index_cast %swap3A_322 : i32 to index
      %swap3A_324 = arith.index_cast %add3A_315 : i32 to index
      %swap3A_325 = tpu.vector_load %arg8[%swap3A_323, %swap3A_324] {strides = array<i32>} : memref<1x16384xf32, #tpu.memory_space<vmem>>, vector<16xf32>,
      tpu.vector_store %arg8[%swap3A_323, %swap3A_324], %gather3A_321 {strides = array<i32>} : memref<1x16384xf32, #tpu.memory_space<vmem>>, vector<16xf32>,
      %mul3A_326 = arith.constant 128 : i32
      %mul3A_327 = arith.muli %scan3A_265, %mul3A_326 : i32
      %add3A_328 = arith.constant 10240 : i32
      %add3A_329 = arith.addi %add3A_328, %mul3A_327 : i32
      %add3A_330 = arith.constant 64 : i32
      %add3A_331 = arith.addi %add3A_329, %add3A_330 : i32
      %get3A_332 = arith.constant 0 : i32
      %get3A_333 = arith.index_cast %get3A_332 : i32 to index
      %get3A_334 = arith.index_cast %add3A_331 : i32 to index
      %get3A_335 = tpu.vector_load %arg8[%get3A_333, %get3A_334] {strides = array<i32>} : memref<1x16384xf32, #tpu.memory_space<vmem>>, vector<16xf32>,
      %bitcast3A_336 = vector.bitcast %get3A_335 : vector<16xf32> to vector<16xi32>
      %gather3A_337 = tpu.vector_load_idx %arg7[%broadcast_in_dim3A_58, %bitcast3A_336] : memref<1x100001xf32, #tpu.memory_space<vmem>>[vector<16xi32>, vector<16xi32>], vector<16xf32>,
      %swap3A_338 = arith.constant 0 : i32
      %swap3A_339 = arith.index_cast %swap3A_338 : i32 to index
      %swap3A_340 = arith.index_cast %add3A_331 : i32 to index
      %swap3A_341 = tpu.vector_load %arg8[%swap3A_339, %swap3A_340] {strides = array<i32>} : memref<1x16384xf32, #tpu.memory_space<vmem>>, vector<16xf32>,
      tpu.vector_store %arg8[%swap3A_339, %swap3A_340], %gather3A_337 {strides = array<i32>} : memref<1x16384xf32, #tpu.memory_space<vmem>>, vector<16xf32>,
      %mul3A_342 = arith.constant 128 : i32
      %mul3A_343 = arith.muli %scan3A_265, %mul3A_342 : i32
      %add3A_344 = arith.constant 10240 : i32
      %add3A_345 = arith.addi %add3A_344, %mul3A_343 : i32
      %add3A_346 = arith.constant 80 : i32
      %add3A_347 = arith.addi %add3A_345, %add3A_346 : i32
      %get3A_348 = arith.constant 0 : i32
      %get3A_349 = arith.index_cast %get3A_348 : i32 to index
      %get3A_350 = arith.index_cast %add3A_347 : i32 to index
      %get3A_351 = tpu.vector_load %arg8[%get3A_349, %get3A_350] {strides = array<i32>} : memref<1x16384xf32, #tpu.memory_space<vmem>>, vector<16xf32>,
      %bitcast3A_352 = vector.bitcast %get3A_351 : vector<16xf32> to vector<16xi32>
      %gather3A_353 = tpu.vector_load_idx %arg7[%broadcast_in_dim3A_58, %bitcast3A_352] : memref<1x100001xf32, #tpu.memory_space<vmem>>[vector<16xi32>, vector<16xi32>], vector<16xf32>,
      %swap3A_354 = arith.constant 0 : i32
      %swap3A_355 = arith.index_cast %swap3A_354 : i32 to index
      %swap3A_356 = arith.index_cast %add3A_347 : i32 to index
      %swap3A_357 = tpu.vector_load %arg8[%swap3A_355, %swap3A_356] {strides = array<i32>} : memref<1x16384xf32, #tpu.memory_space<vmem>>, vector<16xf32>,
      tpu.vector_store %arg8[%swap3A_355, %swap3A_356], %gather3A_353 {strides = array<i32>} : memref<1x16384xf32, #tpu.memory_space<vmem>>, vector<16xf32>,
      %mul3A_358 = arith.constant 128 : i32
      %mul3A_359 = arith.muli %scan3A_265, %mul3A_358 : i32
      %add3A_360 = arith.constant 10240 : i32
      %add3A_361 = arith.addi %add3A_360, %mul3A_359 : i32
      %add3A_362 = arith.constant 96 : i32
      %add3A_363 = arith.addi %add3A_361, %add3A_362 : i32
      %get3A_364 = arith.constant 0 : i32
      %get3A_365 = arith.index_cast %get3A_364 : i32 to index
      %get3A_366 = arith.index_cast %add3A_363 : i32 to index
      %get3A_367 = tpu.vector_load %arg8[%get3A_365, %get3A_366] {strides = array<i32>} : memref<1x16384xf32, #tpu.memory_space<vmem>>, vector<16xf32>,
      %bitcast3A_368 = vector.bitcast %get3A_367 : vector<16xf32> to vector<16xi32>
      %gather3A_369 = tpu.vector_load_idx %arg7[%broadcast_in_dim3A_58, %bitcast3A_368] : memref<1x100001xf32, #tpu.memory_space<vmem>>[vector<16xi32>, vector<16xi32>], vector<16xf32>,
      %swap3A_370 = arith.constant 0 : i32
      %swap3A_371 = arith.index_cast %swap3A_370 : i32 to index
      %swap3A_372 = arith.index_cast %add3A_363 : i32 to index
      %swap3A_373 = tpu.vector_load %arg8[%swap3A_371, %swap3A_372] {strides = array<i32>} : memref<1x16384xf32, #tpu.memory_space<vmem>>, vector<16xf32>,
      tpu.vector_store %arg8[%swap3A_371, %swap3A_372], %gather3A_369 {strides = array<i32>} : memref<1x16384xf32, #tpu.memory_space<vmem>>, vector<16xf32>,
      %mul3A_374 = arith.constant 128 : i32
      %mul3A_375 = arith.muli %scan3A_265, %mul3A_374 : i32
      %add3A_376 = arith.constant 10240 : i32
      %add3A_377 = arith.addi %add3A_376, %mul3A_375 : i32
      %add3A_378 = arith.constant 112 : i32
      %add3A_379 = arith.addi %add3A_377, %add3A_378 : i32
      %get3A_380 = arith.constant 0 : i32
      %get3A_381 = arith.index_cast %get3A_380 : i32 to index
      %get3A_382 = arith.index_cast %add3A_379 : i32 to index
      %get3A_383 = tpu.vector_load %arg8[%get3A_381, %get3A_382] {strides = array<i32>} : memref<1x16384xf32, #tpu.memory_space<vmem>>, vector<16xf32>,
      %bitcast3A_384 = vector.bitcast %get3A_383 : vector<16xf32> to vector<16xi32>
      %gather3A_385 = tpu.vector_load_idx %arg7[%broadcast_in_dim3A_58, %bitcast3A_384] : memref<1x100001xf32, #tpu.memory_space<vmem>>[vector<16xi32>, vector<16xi32>], vector<16xf32>,
      %swap3A_386 = arith.constant 0 : i32
      %swap3A_387 = arith.index_cast %swap3A_386 : i32 to index
      %swap3A_388 = arith.index_cast %add3A_379 : i32 to index
      %swap3A_389 = tpu.vector_load %arg8[%swap3A_387, %swap3A_388] {strides = array<i32>} : memref<1x16384xf32, #tpu.memory_space<vmem>>, vector<16xf32>,
      tpu.vector_store %arg8[%swap3A_387, %swap3A_388], %gather3A_385 {strides = array<i32>} : memref<1x16384xf32, #tpu.memory_space<vmem>>, vector<16xf32>,
    }
    %scan3A_138 = arith.constant 16 : i32
    %dma_start3A_139 = arith.constant 0 : i32
    %dma_start3A_140 = arith.constant 10240 : i32
    %dma_start3A_141 = tpu.memref_slice %arg8[%dma_start3A_139, %dma_start3A_140] : memref<1x16384xf32, #tpu.memory_space<vmem>> -> memref<1x2048xf32, #tpu.memory_space<vmem>>
    %dma_start3A_142 = arith.constant 10240 : i32
    %dma_start3A_143 = tpu.memref_slice %arg6[%add3A, %dma_start3A_142] : memref<64x16384xf32, #tpu.memory_space<hbm>> -> memref<1x2048xf32, #tpu.memory_space<hbm>>
    %dma_start3A_144 = arith.constant 10240 : i32
    %dma_start3A_145 = tpu.memref_slice %arg6[%add3A, %dma_start3A_144] : memref<64x16384xf32, #tpu.memory_space<hbm>> -> memref<1x2048xf32, #tpu.memory_space<hbm>>
    %dma_start3A_146 = arith.constant 0 : i32
    %dma_start3A_147 = arith.constant 10240 : i32
    %dma_start3A_148 = tpu.memref_slice %arg8[%dma_start3A_146, %dma_start3A_147] : memref<1x16384xf32, #tpu.memory_space<vmem>> -> memref<1x2048xf32, #tpu.memory_space<vmem>>
    tpu.enqueue_dma source(%dma_start3A_148 : memref<1x2048xf32, #tpu.memory_space<vmem>>) target(%dma_start3A_145 : memref<1x2048xf32, #tpu.memory_space<hbm>>) target_semaphore(%arg14 : memref<!tpu.dma_semaphore, #tpu.memory_space<semaphore_mem>>)
    %scan3A_149 = arith.constant 0 : i32
    %scan3A_150 = arith.constant 16 : i32
    %scan3A_151 = arith.addi %scan3A_149, %scan3A_150 : i32
    %scan3A_152 = arith.constant 1 : i32
    scf.for %scan3A_265 = %scan3A_149 to %scan3A_151 step %scan3A_152  : i32 {
      %mul3A_266 = arith.constant 128 : i32
      %mul3A_267 = arith.muli %scan3A_265, %mul3A_266 : i32
      %add3A_268 = arith.constant 12288 : i32
      %add3A_269 = arith.addi %add3A_268, %mul3A_267 : i32
      %add3A_270 = arith.constant 0 : i32
      %add3A_271 = arith.addi %add3A_269, %add3A_270 : i32
      %get3A = arith.constant 0 : i32
      %get3A_272 = arith.index_cast %get3A : i32 to index
      %get3A_273 = arith.index_cast %add3A_271 : i32 to index
      %get3A_274 = tpu.vector_load %arg8[%get3A_272, %get3A_273] {strides = array<i32>} : memref<1x16384xf32, #tpu.memory_space<vmem>>, vector<16xf32>,
      %bitcast3A = vector.bitcast %get3A_274 : vector<16xf32> to vector<16xi32>
      %gather3A = tpu.vector_load_idx %arg7[%broadcast_in_dim3A_58, %bitcast3A] : memref<1x100001xf32, #tpu.memory_space<vmem>>[vector<16xi32>, vector<16xi32>], vector<16xf32>,
      %swap3A = arith.constant 0 : i32
      %swap3A_275 = arith.index_cast %swap3A : i32 to index
      %swap3A_276 = arith.index_cast %add3A_271 : i32 to index
      %swap3A_277 = tpu.vector_load %arg8[%swap3A_275, %swap3A_276] {strides = array<i32>} : memref<1x16384xf32, #tpu.memory_space<vmem>>, vector<16xf32>,
      tpu.vector_store %arg8[%swap3A_275, %swap3A_276], %gather3A {strides = array<i32>} : memref<1x16384xf32, #tpu.memory_space<vmem>>, vector<16xf32>,
      %mul3A_278 = arith.constant 128 : i32
      %mul3A_279 = arith.muli %scan3A_265, %mul3A_278 : i32
      %add3A_280 = arith.constant 12288 : i32
      %add3A_281 = arith.addi %add3A_280, %mul3A_279 : i32
      %add3A_282 = arith.constant 16 : i32
      %add3A_283 = arith.addi %add3A_281, %add3A_282 : i32
      %get3A_284 = arith.constant 0 : i32
      %get3A_285 = arith.index_cast %get3A_284 : i32 to index
      %get3A_286 = arith.index_cast %add3A_283 : i32 to index
      %get3A_287 = tpu.vector_load %arg8[%get3A_285, %get3A_286] {strides = array<i32>} : memref<1x16384xf32, #tpu.memory_space<vmem>>, vector<16xf32>,
      %bitcast3A_288 = vector.bitcast %get3A_287 : vector<16xf32> to vector<16xi32>
      %gather3A_289 = tpu.vector_load_idx %arg7[%broadcast_in_dim3A_58, %bitcast3A_288] : memref<1x100001xf32, #tpu.memory_space<vmem>>[vector<16xi32>, vector<16xi32>], vector<16xf32>,
      %swap3A_290 = arith.constant 0 : i32
      %swap3A_291 = arith.index_cast %swap3A_290 : i32 to index
      %swap3A_292 = arith.index_cast %add3A_283 : i32 to index
      %swap3A_293 = tpu.vector_load %arg8[%swap3A_291, %swap3A_292] {strides = array<i32>} : memref<1x16384xf32, #tpu.memory_space<vmem>>, vector<16xf32>,
      tpu.vector_store %arg8[%swap3A_291, %swap3A_292], %gather3A_289 {strides = array<i32>} : memref<1x16384xf32, #tpu.memory_space<vmem>>, vector<16xf32>,
      %mul3A_294 = arith.constant 128 : i32
      %mul3A_295 = arith.muli %scan3A_265, %mul3A_294 : i32
      %add3A_296 = arith.constant 12288 : i32
      %add3A_297 = arith.addi %add3A_296, %mul3A_295 : i32
      %add3A_298 = arith.constant 32 : i32
      %add3A_299 = arith.addi %add3A_297, %add3A_298 : i32
      %get3A_300 = arith.constant 0 : i32
      %get3A_301 = arith.index_cast %get3A_300 : i32 to index
      %get3A_302 = arith.index_cast %add3A_299 : i32 to index
      %get3A_303 = tpu.vector_load %arg8[%get3A_301, %get3A_302] {strides = array<i32>} : memref<1x16384xf32, #tpu.memory_space<vmem>>, vector<16xf32>,
      %bitcast3A_304 = vector.bitcast %get3A_303 : vector<16xf32> to vector<16xi32>
      %gather3A_305 = tpu.vector_load_idx %arg7[%broadcast_in_dim3A_58, %bitcast3A_304] : memref<1x100001xf32, #tpu.memory_space<vmem>>[vector<16xi32>, vector<16xi32>], vector<16xf32>,
      %swap3A_306 = arith.constant 0 : i32
      %swap3A_307 = arith.index_cast %swap3A_306 : i32 to index
      %swap3A_308 = arith.index_cast %add3A_299 : i32 to index
      %swap3A_309 = tpu.vector_load %arg8[%swap3A_307, %swap3A_308] {strides = array<i32>} : memref<1x16384xf32, #tpu.memory_space<vmem>>, vector<16xf32>,
      tpu.vector_store %arg8[%swap3A_307, %swap3A_308], %gather3A_305 {strides = array<i32>} : memref<1x16384xf32, #tpu.memory_space<vmem>>, vector<16xf32>,
      %mul3A_310 = arith.constant 128 : i32
      %mul3A_311 = arith.muli %scan3A_265, %mul3A_310 : i32
      %add3A_312 = arith.constant 12288 : i32
      %add3A_313 = arith.addi %add3A_312, %mul3A_311 : i32
      %add3A_314 = arith.constant 48 : i32
      %add3A_315 = arith.addi %add3A_313, %add3A_314 : i32
      %get3A_316 = arith.constant 0 : i32
      %get3A_317 = arith.index_cast %get3A_316 : i32 to index
      %get3A_318 = arith.index_cast %add3A_315 : i32 to index
      %get3A_319 = tpu.vector_load %arg8[%get3A_317, %get3A_318] {strides = array<i32>} : memref<1x16384xf32, #tpu.memory_space<vmem>>, vector<16xf32>,
      %bitcast3A_320 = vector.bitcast %get3A_319 : vector<16xf32> to vector<16xi32>
      %gather3A_321 = tpu.vector_load_idx %arg7[%broadcast_in_dim3A_58, %bitcast3A_320] : memref<1x100001xf32, #tpu.memory_space<vmem>>[vector<16xi32>, vector<16xi32>], vector<16xf32>,
      %swap3A_322 = arith.constant 0 : i32
      %swap3A_323 = arith.index_cast %swap3A_322 : i32 to index
      %swap3A_324 = arith.index_cast %add3A_315 : i32 to index
      %swap3A_325 = tpu.vector_load %arg8[%swap3A_323, %swap3A_324] {strides = array<i32>} : memref<1x16384xf32, #tpu.memory_space<vmem>>, vector<16xf32>,
      tpu.vector_store %arg8[%swap3A_323, %swap3A_324], %gather3A_321 {strides = array<i32>} : memref<1x16384xf32, #tpu.memory_space<vmem>>, vector<16xf32>,
      %mul3A_326 = arith.constant 128 : i32
      %mul3A_327 = arith.muli %scan3A_265, %mul3A_326 : i32
      %add3A_328 = arith.constant 12288 : i32
      %add3A_329 = arith.addi %add3A_328, %mul3A_327 : i32
      %add3A_330 = arith.constant 64 : i32
      %add3A_331 = arith.addi %add3A_329, %add3A_330 : i32
      %get3A_332 = arith.constant 0 : i32
      %get3A_333 = arith.index_cast %get3A_332 : i32 to index
      %get3A_334 = arith.index_cast %add3A_331 : i32 to index
      %get3A_335 = tpu.vector_load %arg8[%get3A_333, %get3A_334] {strides = array<i32>} : memref<1x16384xf32, #tpu.memory_space<vmem>>, vector<16xf32>,
      %bitcast3A_336 = vector.bitcast %get3A_335 : vector<16xf32> to vector<16xi32>
      %gather3A_337 = tpu.vector_load_idx %arg7[%broadcast_in_dim3A_58, %bitcast3A_336] : memref<1x100001xf32, #tpu.memory_space<vmem>>[vector<16xi32>, vector<16xi32>], vector<16xf32>,
      %swap3A_338 = arith.constant 0 : i32
      %swap3A_339 = arith.index_cast %swap3A_338 : i32 to index
      %swap3A_340 = arith.index_cast %add3A_331 : i32 to index
      %swap3A_341 = tpu.vector_load %arg8[%swap3A_339, %swap3A_340] {strides = array<i32>} : memref<1x16384xf32, #tpu.memory_space<vmem>>, vector<16xf32>,
      tpu.vector_store %arg8[%swap3A_339, %swap3A_340], %gather3A_337 {strides = array<i32>} : memref<1x16384xf32, #tpu.memory_space<vmem>>, vector<16xf32>,
      %mul3A_342 = arith.constant 128 : i32
      %mul3A_343 = arith.muli %scan3A_265, %mul3A_342 : i32
      %add3A_344 = arith.constant 12288 : i32
      %add3A_345 = arith.addi %add3A_344, %mul3A_343 : i32
      %add3A_346 = arith.constant 80 : i32
      %add3A_347 = arith.addi %add3A_345, %add3A_346 : i32
      %get3A_348 = arith.constant 0 : i32
      %get3A_349 = arith.index_cast %get3A_348 : i32 to index
      %get3A_350 = arith.index_cast %add3A_347 : i32 to index
      %get3A_351 = tpu.vector_load %arg8[%get3A_349, %get3A_350] {strides = array<i32>} : memref<1x16384xf32, #tpu.memory_space<vmem>>, vector<16xf32>,
      %bitcast3A_352 = vector.bitcast %get3A_351 : vector<16xf32> to vector<16xi32>
      %gather3A_353 = tpu.vector_load_idx %arg7[%broadcast_in_dim3A_58, %bitcast3A_352] : memref<1x100001xf32, #tpu.memory_space<vmem>>[vector<16xi32>, vector<16xi32>], vector<16xf32>,
      %swap3A_354 = arith.constant 0 : i32
      %swap3A_355 = arith.index_cast %swap3A_354 : i32 to index
      %swap3A_356 = arith.index_cast %add3A_347 : i32 to index
      %swap3A_357 = tpu.vector_load %arg8[%swap3A_355, %swap3A_356] {strides = array<i32>} : memref<1x16384xf32, #tpu.memory_space<vmem>>, vector<16xf32>,
      tpu.vector_store %arg8[%swap3A_355, %swap3A_356], %gather3A_353 {strides = array<i32>} : memref<1x16384xf32, #tpu.memory_space<vmem>>, vector<16xf32>,
      %mul3A_358 = arith.constant 128 : i32
      %mul3A_359 = arith.muli %scan3A_265, %mul3A_358 : i32
      %add3A_360 = arith.constant 12288 : i32
      %add3A_361 = arith.addi %add3A_360, %mul3A_359 : i32
      %add3A_362 = arith.constant 96 : i32
      %add3A_363 = arith.addi %add3A_361, %add3A_362 : i32
      %get3A_364 = arith.constant 0 : i32
      %get3A_365 = arith.index_cast %get3A_364 : i32 to index
      %get3A_366 = arith.index_cast %add3A_363 : i32 to index
      %get3A_367 = tpu.vector_load %arg8[%get3A_365, %get3A_366] {strides = array<i32>} : memref<1x16384xf32, #tpu.memory_space<vmem>>, vector<16xf32>,
      %bitcast3A_368 = vector.bitcast %get3A_367 : vector<16xf32> to vector<16xi32>
      %gather3A_369 = tpu.vector_load_idx %arg7[%broadcast_in_dim3A_58, %bitcast3A_368] : memref<1x100001xf32, #tpu.memory_space<vmem>>[vector<16xi32>, vector<16xi32>], vector<16xf32>,
      %swap3A_370 = arith.constant 0 : i32
      %swap3A_371 = arith.index_cast %swap3A_370 : i32 to index
      %swap3A_372 = arith.index_cast %add3A_363 : i32 to index
      %swap3A_373 = tpu.vector_load %arg8[%swap3A_371, %swap3A_372] {strides = array<i32>} : memref<1x16384xf32, #tpu.memory_space<vmem>>, vector<16xf32>,
      tpu.vector_store %arg8[%swap3A_371, %swap3A_372], %gather3A_369 {strides = array<i32>} : memref<1x16384xf32, #tpu.memory_space<vmem>>, vector<16xf32>,
      %mul3A_374 = arith.constant 128 : i32
      %mul3A_375 = arith.muli %scan3A_265, %mul3A_374 : i32
      %add3A_376 = arith.constant 12288 : i32
      %add3A_377 = arith.addi %add3A_376, %mul3A_375 : i32
      %add3A_378 = arith.constant 112 : i32
      %add3A_379 = arith.addi %add3A_377, %add3A_378 : i32
      %get3A_380 = arith.constant 0 : i32
      %get3A_381 = arith.index_cast %get3A_380 : i32 to index
      %get3A_382 = arith.index_cast %add3A_379 : i32 to index
      %get3A_383 = tpu.vector_load %arg8[%get3A_381, %get3A_382] {strides = array<i32>} : memref<1x16384xf32, #tpu.memory_space<vmem>>, vector<16xf32>,
      %bitcast3A_384 = vector.bitcast %get3A_383 : vector<16xf32> to vector<16xi32>
      %gather3A_385 = tpu.vector_load_idx %arg7[%broadcast_in_dim3A_58, %bitcast3A_384] : memref<1x100001xf32, #tpu.memory_space<vmem>>[vector<16xi32>, vector<16xi32>], vector<16xf32>,
      %swap3A_386 = arith.constant 0 : i32
      %swap3A_387 = arith.index_cast %swap3A_386 : i32 to index
      %swap3A_388 = arith.index_cast %add3A_379 : i32 to index
      %swap3A_389 = tpu.vector_load %arg8[%swap3A_387, %swap3A_388] {strides = array<i32>} : memref<1x16384xf32, #tpu.memory_space<vmem>>, vector<16xf32>,
      tpu.vector_store %arg8[%swap3A_387, %swap3A_388], %gather3A_385 {strides = array<i32>} : memref<1x16384xf32, #tpu.memory_space<vmem>>, vector<16xf32>,
    }
    %scan3A_153 = arith.constant 16 : i32
    %dma_start3A_154 = arith.constant 0 : i32
    %dma_start3A_155 = arith.constant 12288 : i32
    %dma_start3A_156 = tpu.memref_slice %arg8[%dma_start3A_154, %dma_start3A_155] : memref<1x16384xf32, #tpu.memory_space<vmem>> -> memref<1x2048xf32, #tpu.memory_space<vmem>>
    %dma_start3A_157 = arith.constant 12288 : i32
    %dma_start3A_158 = tpu.memref_slice %arg6[%add3A, %dma_start3A_157] : memref<64x16384xf32, #tpu.memory_space<hbm>> -> memref<1x2048xf32, #tpu.memory_space<hbm>>
    %dma_start3A_159 = arith.constant 12288 : i32
    %dma_start3A_160 = tpu.memref_slice %arg6[%add3A, %dma_start3A_159] : memref<64x16384xf32, #tpu.memory_space<hbm>> -> memref<1x2048xf32, #tpu.memory_space<hbm>>
    %dma_start3A_161 = arith.constant 0 : i32
    %dma_start3A_162 = arith.constant 12288 : i32
    %dma_start3A_163 = tpu.memref_slice %arg8[%dma_start3A_161, %dma_start3A_162] : memref<1x16384xf32, #tpu.memory_space<vmem>> -> memref<1x2048xf32, #tpu.memory_space<vmem>>
    tpu.enqueue_dma source(%dma_start3A_163 : memref<1x2048xf32, #tpu.memory_space<vmem>>) target(%dma_start3A_160 : memref<1x2048xf32, #tpu.memory_space<hbm>>) target_semaphore(%arg14 : memref<!tpu.dma_semaphore, #tpu.memory_space<semaphore_mem>>)
    %scan3A_164 = arith.constant 0 : i32
    %scan3A_165 = arith.constant 16 : i32
    %scan3A_166 = arith.addi %scan3A_164, %scan3A_165 : i32
    %scan3A_167 = arith.constant 1 : i32
    scf.for %scan3A_265 = %scan3A_164 to %scan3A_166 step %scan3A_167  : i32 {
      %mul3A_266 = arith.constant 128 : i32
      %mul3A_267 = arith.muli %scan3A_265, %mul3A_266 : i32
      %add3A_268 = arith.constant 14336 : i32
      %add3A_269 = arith.addi %add3A_268, %mul3A_267 : i32
      %add3A_270 = arith.constant 0 : i32
      %add3A_271 = arith.addi %add3A_269, %add3A_270 : i32
      %get3A = arith.constant 0 : i32
      %get3A_272 = arith.index_cast %get3A : i32 to index
      %get3A_273 = arith.index_cast %add3A_271 : i32 to index
      %get3A_274 = tpu.vector_load %arg8[%get3A_272, %get3A_273] {strides = array<i32>} : memref<1x16384xf32, #tpu.memory_space<vmem>>, vector<16xf32>,
      %bitcast3A = vector.bitcast %get3A_274 : vector<16xf32> to vector<16xi32>
      %gather3A = tpu.vector_load_idx %arg7[%broadcast_in_dim3A_58, %bitcast3A] : memref<1x100001xf32, #tpu.memory_space<vmem>>[vector<16xi32>, vector<16xi32>], vector<16xf32>,
      %swap3A = arith.constant 0 : i32
      %swap3A_275 = arith.index_cast %swap3A : i32 to index
      %swap3A_276 = arith.index_cast %add3A_271 : i32 to index
      %swap3A_277 = tpu.vector_load %arg8[%swap3A_275, %swap3A_276] {strides = array<i32>} : memref<1x16384xf32, #tpu.memory_space<vmem>>, vector<16xf32>,
      tpu.vector_store %arg8[%swap3A_275, %swap3A_276], %gather3A {strides = array<i32>} : memref<1x16384xf32, #tpu.memory_space<vmem>>, vector<16xf32>,
      %mul3A_278 = arith.constant 128 : i32
      %mul3A_279 = arith.muli %scan3A_265, %mul3A_278 : i32
      %add3A_280 = arith.constant 14336 : i32
      %add3A_281 = arith.addi %add3A_280, %mul3A_279 : i32
      %add3A_282 = arith.constant 16 : i32
      %add3A_283 = arith.addi %add3A_281, %add3A_282 : i32
      %get3A_284 = arith.constant 0 : i32
      %get3A_285 = arith.index_cast %get3A_284 : i32 to index
      %get3A_286 = arith.index_cast %add3A_283 : i32 to index
      %get3A_287 = tpu.vector_load %arg8[%get3A_285, %get3A_286] {strides = array<i32>} : memref<1x16384xf32, #tpu.memory_space<vmem>>, vector<16xf32>,
      %bitcast3A_288 = vector.bitcast %get3A_287 : vector<16xf32> to vector<16xi32>
      %gather3A_289 = tpu.vector_load_idx %arg7[%broadcast_in_dim3A_58, %bitcast3A_288] : memref<1x100001xf32, #tpu.memory_space<vmem>>[vector<16xi32>, vector<16xi32>], vector<16xf32>,
      %swap3A_290 = arith.constant 0 : i32
      %swap3A_291 = arith.index_cast %swap3A_290 : i32 to index
      %swap3A_292 = arith.index_cast %add3A_283 : i32 to index
      %swap3A_293 = tpu.vector_load %arg8[%swap3A_291, %swap3A_292] {strides = array<i32>} : memref<1x16384xf32, #tpu.memory_space<vmem>>, vector<16xf32>,
      tpu.vector_store %arg8[%swap3A_291, %swap3A_292], %gather3A_289 {strides = array<i32>} : memref<1x16384xf32, #tpu.memory_space<vmem>>, vector<16xf32>,
      %mul3A_294 = arith.constant 128 : i32
      %mul3A_295 = arith.muli %scan3A_265, %mul3A_294 : i32
      %add3A_296 = arith.constant 14336 : i32
      %add3A_297 = arith.addi %add3A_296, %mul3A_295 : i32
      %add3A_298 = arith.constant 32 : i32
      %add3A_299 = arith.addi %add3A_297, %add3A_298 : i32
      %get3A_300 = arith.constant 0 : i32
      %get3A_301 = arith.index_cast %get3A_300 : i32 to index
      %get3A_302 = arith.index_cast %add3A_299 : i32 to index
      %get3A_303 = tpu.vector_load %arg8[%get3A_301, %get3A_302] {strides = array<i32>} : memref<1x16384xf32, #tpu.memory_space<vmem>>, vector<16xf32>,
      %bitcast3A_304 = vector.bitcast %get3A_303 : vector<16xf32> to vector<16xi32>
      %gather3A_305 = tpu.vector_load_idx %arg7[%broadcast_in_dim3A_58, %bitcast3A_304] : memref<1x100001xf32, #tpu.memory_space<vmem>>[vector<16xi32>, vector<16xi32>], vector<16xf32>,
      %swap3A_306 = arith.constant 0 : i32
      %swap3A_307 = arith.index_cast %swap3A_306 : i32 to index
      %swap3A_308 = arith.index_cast %add3A_299 : i32 to index
      %swap3A_309 = tpu.vector_load %arg8[%swap3A_307, %swap3A_308] {strides = array<i32>} : memref<1x16384xf32, #tpu.memory_space<vmem>>, vector<16xf32>,
      tpu.vector_store %arg8[%swap3A_307, %swap3A_308], %gather3A_305 {strides = array<i32>} : memref<1x16384xf32, #tpu.memory_space<vmem>>, vector<16xf32>,
      %mul3A_310 = arith.constant 128 : i32
      %mul3A_311 = arith.muli %scan3A_265, %mul3A_310 : i32
      %add3A_312 = arith.constant 14336 : i32
      %add3A_313 = arith.addi %add3A_312, %mul3A_311 : i32
      %add3A_314 = arith.constant 48 : i32
      %add3A_315 = arith.addi %add3A_313, %add3A_314 : i32
      %get3A_316 = arith.constant 0 : i32
      %get3A_317 = arith.index_cast %get3A_316 : i32 to index
      %get3A_318 = arith.index_cast %add3A_315 : i32 to index
      %get3A_319 = tpu.vector_load %arg8[%get3A_317, %get3A_318] {strides = array<i32>} : memref<1x16384xf32, #tpu.memory_space<vmem>>, vector<16xf32>,
      %bitcast3A_320 = vector.bitcast %get3A_319 : vector<16xf32> to vector<16xi32>
      %gather3A_321 = tpu.vector_load_idx %arg7[%broadcast_in_dim3A_58, %bitcast3A_320] : memref<1x100001xf32, #tpu.memory_space<vmem>>[vector<16xi32>, vector<16xi32>], vector<16xf32>,
      %swap3A_322 = arith.constant 0 : i32
      %swap3A_323 = arith.index_cast %swap3A_322 : i32 to index
      %swap3A_324 = arith.index_cast %add3A_315 : i32 to index
      %swap3A_325 = tpu.vector_load %arg8[%swap3A_323, %swap3A_324] {strides = array<i32>} : memref<1x16384xf32, #tpu.memory_space<vmem>>, vector<16xf32>,
      tpu.vector_store %arg8[%swap3A_323, %swap3A_324], %gather3A_321 {strides = array<i32>} : memref<1x16384xf32, #tpu.memory_space<vmem>>, vector<16xf32>,
      %mul3A_326 = arith.constant 128 : i32
      %mul3A_327 = arith.muli %scan3A_265, %mul3A_326 : i32
      %add3A_328 = arith.constant 14336 : i32
      %add3A_329 = arith.addi %add3A_328, %mul3A_327 : i32
      %add3A_330 = arith.constant 64 : i32
      %add3A_331 = arith.addi %add3A_329, %add3A_330 : i32
      %get3A_332 = arith.constant 0 : i32
      %get3A_333 = arith.index_cast %get3A_332 : i32 to index
      %get3A_334 = arith.index_cast %add3A_331 : i32 to index
      %get3A_335 = tpu.vector_load %arg8[%get3A_333, %get3A_334] {strides = array<i32>} : memref<1x16384xf32, #tpu.memory_space<vmem>>, vector<16xf32>,
      %bitcast3A_336 = vector.bitcast %get3A_335 : vector<16xf32> to vector<16xi32>
      %gather3A_337 = tpu.vector_load_idx %arg7[%broadcast_in_dim3A_58, %bitcast3A_336] : memref<1x100001xf32, #tpu.memory_space<vmem>>[vector<16xi32>, vector<16xi32>], vector<16xf32>,
      %swap3A_338 = arith.constant 0 : i32
      %swap3A_339 = arith.index_cast %swap3A_338 : i32 to index
      %swap3A_340 = arith.index_cast %add3A_331 : i32 to index
      %swap3A_341 = tpu.vector_load %arg8[%swap3A_339, %swap3A_340] {strides = array<i32>} : memref<1x16384xf32, #tpu.memory_space<vmem>>, vector<16xf32>,
      tpu.vector_store %arg8[%swap3A_339, %swap3A_340], %gather3A_337 {strides = array<i32>} : memref<1x16384xf32, #tpu.memory_space<vmem>>, vector<16xf32>,
      %mul3A_342 = arith.constant 128 : i32
      %mul3A_343 = arith.muli %scan3A_265, %mul3A_342 : i32
      %add3A_344 = arith.constant 14336 : i32
      %add3A_345 = arith.addi %add3A_344, %mul3A_343 : i32
      %add3A_346 = arith.constant 80 : i32
      %add3A_347 = arith.addi %add3A_345, %add3A_346 : i32
      %get3A_348 = arith.constant 0 : i32
      %get3A_349 = arith.index_cast %get3A_348 : i32 to index
      %get3A_350 = arith.index_cast %add3A_347 : i32 to index
      %get3A_351 = tpu.vector_load %arg8[%get3A_349, %get3A_350] {strides = array<i32>} : memref<1x16384xf32, #tpu.memory_space<vmem>>, vector<16xf32>,
      %bitcast3A_352 = vector.bitcast %get3A_351 : vector<16xf32> to vector<16xi32>
      %gather3A_353 = tpu.vector_load_idx %arg7[%broadcast_in_dim3A_58, %bitcast3A_352] : memref<1x100001xf32, #tpu.memory_space<vmem>>[vector<16xi32>, vector<16xi32>], vector<16xf32>,
      %swap3A_354 = arith.constant 0 : i32
      %swap3A_355 = arith.index_cast %swap3A_354 : i32 to index
      %swap3A_356 = arith.index_cast %add3A_347 : i32 to index
      %swap3A_357 = tpu.vector_load %arg8[%swap3A_355, %swap3A_356] {strides = array<i32>} : memref<1x16384xf32, #tpu.memory_space<vmem>>, vector<16xf32>,
      tpu.vector_store %arg8[%swap3A_355, %swap3A_356], %gather3A_353 {strides = array<i32>} : memref<1x16384xf32, #tpu.memory_space<vmem>>, vector<16xf32>,
      %mul3A_358 = arith.constant 128 : i32
      %mul3A_359 = arith.muli %scan3A_265, %mul3A_358 : i32
      %add3A_360 = arith.constant 14336 : i32
      %add3A_361 = arith.addi %add3A_360, %mul3A_359 : i32
      %add3A_362 = arith.constant 96 : i32
      %add3A_363 = arith.addi %add3A_361, %add3A_362 : i32
      %get3A_364 = arith.constant 0 : i32
      %get3A_365 = arith.index_cast %get3A_364 : i32 to index
      %get3A_366 = arith.index_cast %add3A_363 : i32 to index
      %get3A_367 = tpu.vector_load %arg8[%get3A_365, %get3A_366] {strides = array<i32>} : memref<1x16384xf32, #tpu.memory_space<vmem>>, vector<16xf32>,
      %bitcast3A_368 = vector.bitcast %get3A_367 : vector<16xf32> to vector<16xi32>
      %gather3A_369 = tpu.vector_load_idx %arg7[%broadcast_in_dim3A_58, %bitcast3A_368] : memref<1x100001xf32, #tpu.memory_space<vmem>>[vector<16xi32>, vector<16xi32>], vector<16xf32>,
      %swap3A_370 = arith.constant 0 : i32
      %swap3A_371 = arith.index_cast %swap3A_370 : i32 to index
      %swap3A_372 = arith.index_cast %add3A_363 : i32 to index
      %swap3A_373 = tpu.vector_load %arg8[%swap3A_371, %swap3A_372] {strides = array<i32>} : memref<1x16384xf32, #tpu.memory_space<vmem>>, vector<16xf32>,
      tpu.vector_store %arg8[%swap3A_371, %swap3A_372], %gather3A_369 {strides = array<i32>} : memref<1x16384xf32, #tpu.memory_space<vmem>>, vector<16xf32>,
      %mul3A_374 = arith.constant 128 : i32
      %mul3A_375 = arith.muli %scan3A_265, %mul3A_374 : i32
      %add3A_376 = arith.constant 14336 : i32
      %add3A_377 = arith.addi %add3A_376, %mul3A_375 : i32
      %add3A_378 = arith.constant 112 : i32
      %add3A_379 = arith.addi %add3A_377, %add3A_378 : i32
      %get3A_380 = arith.constant 0 : i32
      %get3A_381 = arith.index_cast %get3A_380 : i32 to index
      %get3A_382 = arith.index_cast %add3A_379 : i32 to index
      %get3A_383 = tpu.vector_load %arg8[%get3A_381, %get3A_382] {strides = array<i32>} : memref<1x16384xf32, #tpu.memory_space<vmem>>, vector<16xf32>,
      %bitcast3A_384 = vector.bitcast %get3A_383 : vector<16xf32> to vector<16xi32>
      %gather3A_385 = tpu.vector_load_idx %arg7[%broadcast_in_dim3A_58, %bitcast3A_384] : memref<1x100001xf32, #tpu.memory_space<vmem>>[vector<16xi32>, vector<16xi32>], vector<16xf32>,
      %swap3A_386 = arith.constant 0 : i32
      %swap3A_387 = arith.index_cast %swap3A_386 : i32 to index
      %swap3A_388 = arith.index_cast %add3A_379 : i32 to index
      %swap3A_389 = tpu.vector_load %arg8[%swap3A_387, %swap3A_388] {strides = array<i32>} : memref<1x16384xf32, #tpu.memory_space<vmem>>, vector<16xf32>,
      tpu.vector_store %arg8[%swap3A_387, %swap3A_388], %gather3A_385 {strides = array<i32>} : memref<1x16384xf32, #tpu.memory_space<vmem>>, vector<16xf32>,
    }
    %scan3A_168 = arith.constant 16 : i32
    %dma_start3A_169 = arith.constant 0 : i32
    %dma_start3A_170 = arith.constant 14336 : i32
    %dma_start3A_171 = tpu.memref_slice %arg8[%dma_start3A_169, %dma_start3A_170] : memref<1x16384xf32, #tpu.memory_space<vmem>> -> memref<1x2048xf32, #tpu.memory_space<vmem>>
    %dma_start3A_172 = arith.constant 14336 : i32
    %dma_start3A_173 = tpu.memref_slice %arg6[%add3A, %dma_start3A_172] : memref<64x16384xf32, #tpu.memory_space<hbm>> -> memref<1x2048xf32, #tpu.memory_space<hbm>>
    %dma_start3A_174 = arith.constant 14336 : i32
    %dma_start3A_175 = tpu.memref_slice %arg6[%add3A, %dma_start3A_174] : memref<64x16384xf32, #tpu.memory_space<hbm>> -> memref<1x2048xf32, #tpu.memory_space<hbm>>
    %dma_start3A_176 = arith.constant 0 : i32
    %dma_start3A_177 = arith.constant 14336 : i32
    %dma_start3A_178 = tpu.memref_slice %arg8[%dma_start3A_176, %dma_start3A_177] : memref<1x16384xf32, #tpu.memory_space<vmem>> -> memref<1x2048xf32, #tpu.memory_space<vmem>>
    tpu.enqueue_dma source(%dma_start3A_178 : memref<1x2048xf32, #tpu.memory_space<vmem>>) target(%dma_start3A_175 : memref<1x2048xf32, #tpu.memory_space<hbm>>) target_semaphore(%arg14 : memref<!tpu.dma_semaphore, #tpu.memory_space<semaphore_mem>>)
    %dma_wait3A_179 = arith.constant 0 : i32
    %dma_wait3A_180 = arith.constant 0 : i32
    %dma_wait3A_181 = tpu.memref_slice %arg8[%dma_wait3A_179, %dma_wait3A_180] : memref<1x16384xf32, #tpu.memory_space<vmem>> -> memref<1x2048xf32, #tpu.memory_space<vmem>>
    %dma_wait3A_182 = arith.constant 0 : i32
    %dma_wait3A_183 = tpu.memref_slice %arg6[%add3A, %dma_wait3A_182] : memref<64x16384xf32, #tpu.memory_space<hbm>> -> memref<1x2048xf32, #tpu.memory_space<hbm>>
    %dma_wait3A_184 = arith.constant 0 : i32
    %dma_wait3A_185 = tpu.memref_slice %arg6[%add3A, %dma_wait3A_184] : memref<64x16384xf32, #tpu.memory_space<hbm>> -> memref<1x2048xf32, #tpu.memory_space<hbm>>
    %dma_wait3A_186 = arith.constant 0 : i32
    %dma_wait3A_187 = arith.constant 0 : i32
    %dma_wait3A_188 = tpu.memref_slice %arg8[%dma_wait3A_186, %dma_wait3A_187] : memref<1x16384xf32, #tpu.memory_space<vmem>> -> memref<1x2048xf32, #tpu.memory_space<vmem>>
    tpu.wait_dma2 semaphore(%arg14 : memref<!tpu.dma_semaphore, #tpu.memory_space<semaphore_mem>>) src(%dma_wait3A_188 : memref<1x2048xf32, #tpu.memory_space<vmem>>) dst(%dma_wait3A_185 : memref<1x2048xf32, #tpu.memory_space<hbm>>)
    %dma_wait3A_189 = arith.constant 0 : i32
    %dma_wait3A_190 = arith.constant 2048 : i32
    %dma_wait3A_191 = tpu.memref_slice %arg8[%dma_wait3A_189, %dma_wait3A_190] : memref<1x16384xf32, #tpu.memory_space<vmem>> -> memref<1x2048xf32, #tpu.memory_space<vmem>>
    %dma_wait3A_192 = arith.constant 2048 : i32
    %dma_wait3A_193 = tpu.memref_slice %arg6[%add3A, %dma_wait3A_192] : memref<64x16384xf32, #tpu.memory_space<hbm>> -> memref<1x2048xf32, #tpu.memory_space<hbm>>
    %dma_wait3A_194 = arith.constant 2048 : i32
    %dma_wait3A_195 = tpu.memref_slice %arg6[%add3A, %dma_wait3A_194] : memref<64x16384xf32, #tpu.memory_space<hbm>> -> memref<1x2048xf32, #tpu.memory_space<hbm>>
    %dma_wait3A_196 = arith.constant 0 : i32
    %dma_wait3A_197 = arith.constant 2048 : i32
    %dma_wait3A_198 = tpu.memref_slice %arg8[%dma_wait3A_196, %dma_wait3A_197] : memref<1x16384xf32, #tpu.memory_space<vmem>> -> memref<1x2048xf32, #tpu.memory_space<vmem>>
    tpu.wait_dma2 semaphore(%arg14 : memref<!tpu.dma_semaphore, #tpu.memory_space<semaphore_mem>>) src(%dma_wait3A_198 : memref<1x2048xf32, #tpu.memory_space<vmem>>) dst(%dma_wait3A_195 : memref<1x2048xf32, #tpu.memory_space<hbm>>)
    %dma_wait3A_199 = arith.constant 0 : i32
    %dma_wait3A_200 = arith.constant 4096 : i32
    %dma_wait3A_201 = tpu.memref_slice %arg8[%dma_wait3A_199, %dma_wait3A_200] : memref<1x16384xf32, #tpu.memory_space<vmem>> -> memref<1x2048xf32, #tpu.memory_space<vmem>>
    %dma_wait3A_202 = arith.constant 4096 : i32
    %dma_wait3A_203 = tpu.memref_slice %arg6[%add3A, %dma_wait3A_202] : memref<64x16384xf32, #tpu.memory_space<hbm>> -> memref<1x2048xf32, #tpu.memory_space<hbm>>
    %dma_wait3A_204 = arith.constant 4096 : i32
    %dma_wait3A_205 = tpu.memref_slice %arg6[%add3A, %dma_wait3A_204] : memref<64x16384xf32, #tpu.memory_space<hbm>> -> memref<1x2048xf32, #tpu.memory_space<hbm>>
    %dma_wait3A_206 = arith.constant 0 : i32
    %dma_wait3A_207 = arith.constant 4096 : i32
    %dma_wait3A_208 = tpu.memref_slice %arg8[%dma_wait3A_206, %dma_wait3A_207] : memref<1x16384xf32, #tpu.memory_space<vmem>> -> memref<1x2048xf32, #tpu.memory_space<vmem>>
    tpu.wait_dma2 semaphore(%arg14 : memref<!tpu.dma_semaphore, #tpu.memory_space<semaphore_mem>>) src(%dma_wait3A_208 : memref<1x2048xf32, #tpu.memory_space<vmem>>) dst(%dma_wait3A_205 : memref<1x2048xf32, #tpu.memory_space<hbm>>)
    %dma_wait3A_209 = arith.constant 0 : i32
    %dma_wait3A_210 = arith.constant 6144 : i32
    %dma_wait3A_211 = tpu.memref_slice %arg8[%dma_wait3A_209, %dma_wait3A_210] : memref<1x16384xf32, #tpu.memory_space<vmem>> -> memref<1x2048xf32, #tpu.memory_space<vmem>>
    %dma_wait3A_212 = arith.constant 6144 : i32
    %dma_wait3A_213 = tpu.memref_slice %arg6[%add3A, %dma_wait3A_212] : memref<64x16384xf32, #tpu.memory_space<hbm>> -> memref<1x2048xf32, #tpu.memory_space<hbm>>
    %dma_wait3A_214 = arith.constant 6144 : i32
    %dma_wait3A_215 = tpu.memref_slice %arg6[%add3A, %dma_wait3A_214] : memref<64x16384xf32, #tpu.memory_space<hbm>> -> memref<1x2048xf32, #tpu.memory_space<hbm>>
    %dma_wait3A_216 = arith.constant 0 : i32
    %dma_wait3A_217 = arith.constant 6144 : i32
    %dma_wait3A_218 = tpu.memref_slice %arg8[%dma_wait3A_216, %dma_wait3A_217] : memref<1x16384xf32, #tpu.memory_space<vmem>> -> memref<1x2048xf32, #tpu.memory_space<vmem>>
    tpu.wait_dma2 semaphore(%arg14 : memref<!tpu.dma_semaphore, #tpu.memory_space<semaphore_mem>>) src(%dma_wait3A_218 : memref<1x2048xf32, #tpu.memory_space<vmem>>) dst(%dma_wait3A_215 : memref<1x2048xf32, #tpu.memory_space<hbm>>)
    %dma_wait3A_219 = arith.constant 0 : i32
    %dma_wait3A_220 = arith.constant 8192 : i32
    %dma_wait3A_221 = tpu.memref_slice %arg8[%dma_wait3A_219, %dma_wait3A_220] : memref<1x16384xf32, #tpu.memory_space<vmem>> -> memref<1x2048xf32, #tpu.memory_space<vmem>>
    %dma_wait3A_222 = arith.constant 8192 : i32
    %dma_wait3A_223 = tpu.memref_slice %arg6[%add3A, %dma_wait3A_222] : memref<64x16384xf32, #tpu.memory_space<hbm>> -> memref<1x2048xf32, #tpu.memory_space<hbm>>
    %dma_wait3A_224 = arith.constant 8192 : i32
    %dma_wait3A_225 = tpu.memref_slice %arg6[%add3A, %dma_wait3A_224] : memref<64x16384xf32, #tpu.memory_space<hbm>> -> memref<1x2048xf32, #tpu.memory_space<hbm>>
    %dma_wait3A_226 = arith.constant 0 : i32
    %dma_wait3A_227 = arith.constant 8192 : i32
    %dma_wait3A_228 = tpu.memref_slice %arg8[%dma_wait3A_226, %dma_wait3A_227] : memref<1x16384xf32, #tpu.memory_space<vmem>> -> memref<1x2048xf32, #tpu.memory_space<vmem>>
    tpu.wait_dma2 semaphore(%arg14 : memref<!tpu.dma_semaphore, #tpu.memory_space<semaphore_mem>>) src(%dma_wait3A_228 : memref<1x2048xf32, #tpu.memory_space<vmem>>) dst(%dma_wait3A_225 : memref<1x2048xf32, #tpu.memory_space<hbm>>)
    %dma_wait3A_229 = arith.constant 0 : i32
    %dma_wait3A_230 = arith.constant 10240 : i32
    %dma_wait3A_231 = tpu.memref_slice %arg8[%dma_wait3A_229, %dma_wait3A_230] : memref<1x16384xf32, #tpu.memory_space<vmem>> -> memref<1x2048xf32, #tpu.memory_space<vmem>>
    %dma_wait3A_232 = arith.constant 10240 : i32
    %dma_wait3A_233 = tpu.memref_slice %arg6[%add3A, %dma_wait3A_232] : memref<64x16384xf32, #tpu.memory_space<hbm>> -> memref<1x2048xf32, #tpu.memory_space<hbm>>
    %dma_wait3A_234 = arith.constant 10240 : i32
    %dma_wait3A_235 = tpu.memref_slice %arg6[%add3A, %dma_wait3A_234] : memref<64x16384xf32, #tpu.memory_space<hbm>> -> memref<1x2048xf32, #tpu.memory_space<hbm>>
    %dma_wait3A_236 = arith.constant 0 : i32
    %dma_wait3A_237 = arith.constant 10240 : i32
    %dma_wait3A_238 = tpu.memref_slice %arg8[%dma_wait3A_236, %dma_wait3A_237] : memref<1x16384xf32, #tpu.memory_space<vmem>> -> memref<1x2048xf32, #tpu.memory_space<vmem>>
    tpu.wait_dma2 semaphore(%arg14 : memref<!tpu.dma_semaphore, #tpu.memory_space<semaphore_mem>>) src(%dma_wait3A_238 : memref<1x2048xf32, #tpu.memory_space<vmem>>) dst(%dma_wait3A_235 : memref<1x2048xf32, #tpu.memory_space<hbm>>)
    %dma_wait3A_239 = arith.constant 0 : i32
    %dma_wait3A_240 = arith.constant 12288 : i32
    %dma_wait3A_241 = tpu.memref_slice %arg8[%dma_wait3A_239, %dma_wait3A_240] : memref<1x16384xf32, #tpu.memory_space<vmem>> -> memref<1x2048xf32, #tpu.memory_space<vmem>>
    %dma_wait3A_242 = arith.constant 12288 : i32
    %dma_wait3A_243 = tpu.memref_slice %arg6[%add3A, %dma_wait3A_242] : memref<64x16384xf32, #tpu.memory_space<hbm>> -> memref<1x2048xf32, #tpu.memory_space<hbm>>
    %dma_wait3A_244 = arith.constant 12288 : i32
    %dma_wait3A_245 = tpu.memref_slice %arg6[%add3A, %dma_wait3A_244] : memref<64x16384xf32, #tpu.memory_space<hbm>> -> memref<1x2048xf32, #tpu.memory_space<hbm>>
    %dma_wait3A_246 = arith.constant 0 : i32
    %dma_wait3A_247 = arith.constant 12288 : i32
    %dma_wait3A_248 = tpu.memref_slice %arg8[%dma_wait3A_246, %dma_wait3A_247] : memref<1x16384xf32, #tpu.memory_space<vmem>> -> memref<1x2048xf32, #tpu.memory_space<vmem>>
    tpu.wait_dma2 semaphore(%arg14 : memref<!tpu.dma_semaphore, #tpu.memory_space<semaphore_mem>>) src(%dma_wait3A_248 : memref<1x2048xf32, #tpu.memory_space<vmem>>) dst(%dma_wait3A_245 : memref<1x2048xf32, #tpu.memory_space<hbm>>)
    %dma_wait3A_249 = arith.constant 0 : i32
    %dma_wait3A_250 = arith.constant 14336 : i32
    %dma_wait3A_251 = tpu.memref_slice %arg8[%dma_wait3A_249, %dma_wait3A_250] : memref<1x16384xf32, #tpu.memory_space<vmem>> -> memref<1x2048xf32, #tpu.memory_space<vmem>>
    %dma_wait3A_252 = arith.constant 14336 : i32
    %dma_wait3A_253 = tpu.memref_slice %arg6[%add3A, %dma_wait3A_252] : memref<64x16384xf32, #tpu.memory_space<hbm>> -> memref<1x2048xf32, #tpu.memory_space<hbm>>
    %dma_wait3A_254 = arith.constant 14336 : i32
    %dma_wait3A_255 = tpu.memref_slice %arg6[%add3A, %dma_wait3A_254] : memref<64x16384xf32, #tpu.memory_space<hbm>> -> memref<1x2048xf32, #tpu.memory_space<hbm>>
    %dma_wait3A_256 = arith.constant 0 : i32
    %dma_wait3A_257 = arith.constant 14336 : i32
    %dma_wait3A_258 = tpu.memref_slice %arg8[%dma_wait3A_256, %dma_wait3A_257] : memref<1x16384xf32, #tpu.memory_space<vmem>> -> memref<1x2048xf32, #tpu.memory_space<vmem>>
    tpu.wait_dma2 semaphore(%arg14 : memref<!tpu.dma_semaphore, #tpu.memory_space<semaphore_mem>>) src(%dma_wait3A_258 : memref<1x2048xf32, #tpu.memory_space<vmem>>) dst(%dma_wait3A_255 : memref<1x2048xf32, #tpu.memory_space<hbm>>)
    %add3A_259 = arith.constant 256 : i32
    %add3A_260 = arith.addi %mul3A_2, %add3A_259 : i32
    %dma_wait3A_261 = arith.constant 32 : i32
    %dma_wait3A_262 = tpu.memref_slice %arg6[%dma_wait3A_261, %add3A_260] : memref<64x16384xf32, #tpu.memory_space<hbm>> -> memref<32x256xf32, #tpu.memory_space<hbm>>
    %dma_wait3A_263 = arith.constant 32 : i32
    %dma_wait3A_264 = tpu.memref_slice %arg6[%dma_wait3A_263, %add3A_260] : memref<64x16384xf32, #tpu.memory_space<hbm>> -> memref<32x256xf32, #tpu.memory_space<hbm>>
    tpu.wait_dma2 semaphore(%arg16 : memref<!tpu.dma_semaphore, #tpu.memory_space<semaphore_mem>>) src(%arg11 : memref<32x256xf32, #tpu.memory_space<vmem>>) dst(%dma_wait3A_264 : memref<32x256xf32, #tpu.memory_space<hbm>>)
    return
  }
}

</mosaic_0001>

<sc_bundles>
// kernel: _run.3.cloned.1.call-start
scs
__scs_entry_jumppad:
0x0: {  	(pc) =	sbr.rel $0x88, $3  }
0x1: {  	(tag) =	ssettag $0x0;
	lr =	simm.s32 $0x1  }
0x2: {  	[smem:$0x3F9D] =	sst lr;
	_ =	strace $0xD0000000  }
0x3: {  	_ = 	snop  }
0x4: {  	_ = 	snop  }
0x5: {  	_ = 	snop  }
0x6: {  	_ = 	snop  }
0x7: {  	_ = 	snop  }
__scs_overlays_trampoline_lowered:
0x8: {  	[smem:$0x3FAC] =	sst s0  }
0x9: {  	[smem:$0x3FAD] =	sst s1  }
0xa: {  	[smem:$0x3FAE] =	sst s2  }
0xb: {  	[smem:$0x3FAF] =	sst s3  }
0xc: {  	[smem:$0x3FB0] =	sst s4  }
0xd: {  	[smem:$0x3FB1] =	sst s5  }
0xe: {  	[smem:$0x3FB2] =	sst s6  }
0xf: {  	[smem:$0x3FB3] =	sst s7  }
0x10: {  	[smem:$0x3FB4] =	sst s8  }
0x11: {  	[smem:$0x3FB5] =	sst s9;
	s0 =	simm.s32 @!p0 $0x0  }
0x12: {  	s1 =	sld [smem:$0x3F9B];
	s0 =	simm.s32 @p0 $0x1  }
0x13: {  	[smem:$0x3FB6] =	sst s0;
	s0 =	simm.s32 @!p1 $0x0  }
0x14: {  	s2 =	sld [smem:$0x3F9A];
	s0 =	simm.s32 @p1 $0x1  }
0x15: {  	[smem:$0x3FB7] =	sst s0;
	s0 =	simm.s32 @!p2 $0x0  }
0x16: {  	s3 =	sld [smem:$0x3FDB];
	s0 =	simm.s32 @p2 $0x1  }
0x17: {  	s4 =	simm.s32 $0x1BF5;
	[smem:$0x3FB9] =	sst s0  }
0x18: {  	s0 =	sld [smem:$0x3F9C];
	_ =	swait.ge [sflag:s4], $0x0  }
0x19: {  	s7 =	sld [smem:$0x3F9D]  }
0x1a: {  	s8 =	sadd.s32 $0xFFFFE003, lr  }
0x1b: {  	s9 =	sadd.s32 $0xFFFFFEF7, lr;
	s5 =	simm.s32 $0xFFFFFFFF;
	p2 =	slt.u32 s8, $0xFFFFF086  }
0x1c: {  	p1 =	slt.u32 s9, $0xF7A;
	s5 =	simm.s32 @!p2 $0x0  }
0x1d: {  	s5 =	simm.s32 @p1 $0x1;
	p0 =	seq.s32 s7, s2  }
0x1e: {  	s7 =	smul.u32 @!p0 $0xF7A, s2;
	p2 =	seq.s32 @!p0 s5, $0x0  }
0x1f: {  	s9 =	smul.u32 $0xF7A, s1;
	s8 =	simm.s32 @!p0 $0x1BF5;
	p2 =	por !p2, p0  }
0x20: {  	[sflag:s8] =	ssyncset.s32 @!p0 $0xFFFFF086;
	s6 =	sadd.s32 @!p0 s3, s7;
	s7 =	simm.s32 @!p0 $0x108  }
0x21: {  	s3 =	sadd.s32 s3, s9;
	s6 =	sadd.s32 @!p0 $0x88, s6;
	s7 =	simm.s32 @p2 $0x1082  }
0x22: {  	[simem:s7], [sflag:s8] =	dma.local @!p0 [hbm:s6], $0xF7A  }
0x23: {  	s9 =	sor.u32 $0xD0000000, s2;
	s6 =	simm.s32 $0x108;
	_ =	swait.ge @!p0 [sflag:s8], $0x0  }
0x24: {  	s3 =	sadd.s32 $0x88, s3;
	s6 =	simm.s32 @!p1 $0x1082;
	[sflag:s4] =	ssyncset.s32 $0xFFFFF086  }
0x25: {  	[simem:s6], [sflag:s4] =	dma.local [hbm:s3], $0xF7A  }
0x26: {  	[smem:$0x3F9D] =	sst s1;
	(tag) =	ssettag s2;
	_ =	strace s9  }
0x27: {  	s1 =	sld [smem:$0x3FAD]  }
0x28: {  	s2 =	sld [smem:$0x3FAE]  }
0x29: {  	s4 =	sld [smem:$0x3FB0]  }
0x2a: {  	p0 =	seq.s32 s5, $0x0;
	s5 =	sld [smem:$0x3FB1]  }
0x2b: {  	s6 =	sld [smem:$0x3FB2]  }
0x2c: {  	s7 =	sld [smem:$0x3FB3]  }
0x2d: {  	s3 =	simm.s32 $0x108;
	s8 =	sld [smem:$0x3FB4]  }
0x2e: {  	s3 =	simm.s32 @!p0 $0x1082;
	s9 =	sld [smem:$0x3FB5]  }
0x2f: {  	lr =	sadd.s32 s0, s3;
	s0 =	sld [smem:$0x3FAC]  }
0x30: {  	s3 =	sld [smem:$0x3FAF]  }
0x31: {  	[smem:$0x3FB8] =	sst s10  }
0x32: {  	s10 =	sld [smem:$0x3FB6];
	_ =	sdelay $0x3  }
0x33: {  	p0 =	seq.s32 s10, $0x1;
	s10 =	sld [smem:$0x3FB8];
	_ =	sdelay $0x3  }
0x34: {  	[smem:$0x3FB8] =	sst s10  }
0x35: {  	s10 =	sld [smem:$0x3FB7];
	_ =	sdelay $0x3  }
0x36: {  	p1 =	seq.s32 s10, $0x1;
	s10 =	sld [smem:$0x3FB8];
	_ =	sdelay $0x3  }
0x37: {  	[smem:$0x3FB8] =	sst s10  }
0x38: {  	s10 =	sld [smem:$0x3FB9]  }
0x39: {  	_ = 	snop;
	(pc) =	sbr.ind lr, $3  }
0x3a: {  	_ = 	snop  }
0x3b: {  	_ = 	snop  }
0x3c: {  	p2 =	seq.s32 s10, $0x1;
	s10 =	sld [smem:$0x3FB8]  }
0x3d: {  	_ =	shalt  }
0x3e: {  	_ =	shalt  }
0x3f: {  	_ =	shalt  }
0x40: {  	_ =	shalt  }
0x41: {  	_ =	shalt  }
0x42: {  	_ =	shalt  }
0x43: {  	_ =	shalt  }
0x44: {  	_ =	shalt  }
0x45: {  	_ =	shalt  }
0x46: {  	_ =	shalt  }
0x47: {  	_ =	shalt  }
0x48: {  	_ =	shalt  }
0x49: {  	_ =	shalt  }
0x4a: {  	_ =	shalt  }
0x4b: {  	_ =	shalt  }
0x4c: {  	_ =	shalt  }
0x4d: {  	_ =	shalt  }
0x4e: {  	_ =	shalt  }
0x4f: {  	_ =	shalt  }
0x50: {  	_ =	shalt  }
0x51: {  	_ =	shalt  }
0x52: {  	_ =	shalt  }
0x53: {  	_ =	shalt  }
0x54: {  	_ =	shalt  }
0x55: {  	_ =	shalt  }
0x56: {  	_ =	shalt  }
0x57: {  	_ =	shalt  }
0x58: {  	_ =	shalt  }
0x59: {  	_ =	shalt  }
0x5a: {  	_ =	shalt  }
0x5b: {  	_ =	shalt  }
0x5c: {  	_ =	shalt  }
0x5d: {  	_ =	shalt  }
0x5e: {  	_ =	shalt  }
0x5f: {  	_ =	shalt  }
0x60: {  	_ =	shalt  }
0x61: {  	_ =	shalt  }
0x62: {  	_ =	shalt  }
0x63: {  	_ =	shalt  }
0x64: {  	_ =	shalt  }
0x65: {  	_ =	shalt  }
0x66: {  	_ =	shalt  }
0x67: {  	_ =	shalt  }
0x68: {  	_ =	shalt  }
0x69: {  	_ =	shalt  }
0x6a: {  	_ =	shalt  }
0x6b: {  	_ =	shalt  }
0x6c: {  	_ =	shalt  }
0x6d: {  	_ =	shalt  }
0x6e: {  	_ =	shalt  }
0x6f: {  	_ =	shalt  }
0x70: {  	_ =	shalt  }
0x71: {  	_ =	shalt  }
0x72: {  	_ =	shalt  }
0x73: {  	_ =	shalt  }
0x74: {  	_ =	shalt  }
0x75: {  	_ =	shalt  }
0x76: {  	_ =	shalt  }
0x77: {  	_ =	shalt  }
0x78: {  	_ =	shalt  }
0x79: {  	_ =	shalt  }
0x7a: {  	_ =	shalt  }
0x7b: {  	_ =	shalt  }
0x7c: {  	_ =	shalt  }
0x7d: {  	_ =	shalt  }
0x7e: {  	_ =	shalt  }
0x7f: {  	_ =	shalt  }
0x80: {  	_ =	shalt  }
0x81: {  	_ =	shalt  }
0x82: {  	_ =	shalt  }
0x83: {  	_ =	shalt  }
0x84: {  	_ =	shalt  }
0x85: {  	_ =	shalt  }
0x86: {  	_ =	shalt  }
0x87: {  	_ =	shalt  }
.Lfunc_end0:
.L_simem_size_0:
called_computation_lowered:
.L_overlay_start_0:
0x88: {  	s2 =	sld [smem:$0x3FD9]  }
0x89: {  	s3 =	sld [smem:$0x3FFE];
	_ =	sdelay $0x1  }
0x8a: {  	s1 =	srdreg.scid  }
0x8b: {  	s0 =	sand.u32 $0x1, s1  }
0x8c: {  	s17 =	sshll.u32 s0, $0xA;
	s2 =	sadd.s32 s3, s2  }
0x8d: {  	s2 =	sadd.s32 s2, s17  }
0x8e: {  	[smem:$0x3FC4] =	sst s2  }
0x8f: {  	_ = 	snop  }
0x90: {  	s2 =	sld [smem:$0x3FC7]  }
0x91: {  	s18 =	sld [smem:$0x3FD0];
	(tm) =	ssettm $0x1  }
0x92: {  	s4 =	sld [smem:$0x3FFB];
	_ =	sdelay $0x3  }
0x93: {  	_ =	strace s4  }
0x94: {  	s4 =	sld [smem:$0x3FFC];
	_ =	sdelay $0x3  }
0x95: {  	_ =	strace s4  }
0x96: {  	s4 =	sld [smem:$0x3FFD];
	_ =	sdelay $0x3  }
0x97: {  	_ =	strace s4  }
0x98: {  	_ =	strace $0x8FFFFFFF  }
0x99: {  	s19 =	sld [smem:$0x3FDB];
	_ =	sdelay $0x1  }
0x9a: {  	s5 =	simm.s32 $_scs_section_size  }
0x9b: {  	s6 =	simm.s32 $_size__tile_overlayer_lowered;
	s7 =	simm.s32 $_tile_overlayer_lowered  }
0x9c: {  	s22 =	simm.s32 $0x1BFF;
	s21 =	sshll.u32 s7, $0x1;
	s4 =	sadd.s32 s5, s19  }
0x9d: {  	s8 =	simm.s32 $0x0;
	s20 =	sshll.u32 s6, $0x1;
	s6 =	sadd.s32 s21, s4  }
0x9e: {  	[timem:s8], [sflag:s22] =	dma.local [hbm:s6], s20  }
0x9f: {  	_ =	swait.ge [sflag:s22], s20  }
0xa0: {  	s5 =	ssub.s32 $0x0, s20;
	[sflag:s22] =	ssyncset.done $0x0  }
0xa1: {  	[sflag:s22] =	ssyncadd.s32 s5;
	_ =	sdelay $0x1  }
0xa2: {  	s23 =	simm.s32 $0x1B8B  }
0xa3: {  	_ =	swait.ge [sflag:s23], $0x1  }
0xa4: {  	[sflag:s23] =	ssyncset.done $0x0  }
0xa5: {  	s25 =	simm.s32 $0x1B8E;
	s24 =	sld [smem:$0x3FFE];
	[sflag:s23] =	ssyncadd.s32 $0xFFFFFFFF  }
0xa6: {  	s26 =	simm.s32 $execute0_lowered;
	[smem:$0x3FD2] =	sst s25  }
0xa7: {  	s6 =	sshll.u32 s26, $0x1;
	_ =	strace $0x80000046;
	[dreg:$0x1] =	wrdreg $0xFFFFFFFF  }
0xa8: {  	s28 =	simm.s32 $_size_execute0_lowered;
	s4 =	sadd.s32 s4, s6;
	[dreg:$0x0] =	wrdreg $0x0  }
0xa9: {  	s6 =	sshll.u32 s28, $0x1;
	[dreg:$0x2] =	wrdreg s4  }
0xaa: {  	[dreg:$0x3] =	wrdreg s6  }
0xab: {  	[dreg:$0x4] =	wrdreg $0xC0  }
0xac: {  	_ =	task [dreg:s8], $0x5FFFF  }
0xad: {  	[dreg:$0x1] =	wrdreg $0xFFFFFFFF  }
0xae: {  	[dreg:$0x0] =	wrdreg $0x60  }
0xaf: {  	[dreg:$0x2] =	wrdreg s24  }
0xb0: {  	[dreg:$0x3] =	wrdreg s2  }
0xb1: {  	[dreg:$0x4] =	wrdreg s18  }
0xb2: {  	[dreg:$0x5] =	wrdreg $0x9  }
0xb3: {  	_ =	task.clear_ibuf [dreg:s8], $0x6FFFF;
	_ =	strace $0x90000046  }
0xb4: {  	s29 =	simm.s32 $0x9;
	_ =	strace $0x80000048  }
0xb5: {  	_ =	swait.ge [sflag:s29], $0x1  }
0xb6: {  	[sflag:s29] =	ssyncadd.s32 $0xFFFFFFFF  }
0xb7: {  	_ =	strace $0x90000048  }
0xb8: {  	_ =	sfence  }
0xb9: {  	s30 =	sld [smem:$0x0];
	_ =	sdelay $0x2  }
0xba: {  	s31 =	sshll.u32 s1, $0xD;
	s1 =	sshrl.u32 s1, $0x2  }
0xbb: {  	s3 =	sand.u32 $0x4000, s31;
	s1 =	sadd.s32 s1, s30  }
0xbc: {  	s0 =	sor.u32 s3, s0;
	s1 =	sshll.u32 s1, $0x11  }
0xbd: {  	s0 =	sor.u32 s1, s0  }
0xbe: {  	s0 =	sadd.s32 $0x8F2B, s0  }
0xbf: {  	[sflag:s0] =	ssyncadd.remote.s32 $0x1  }
0xc0: {  	_ =	sfence.sel $0xFFFF  }
0xc1: {  	[dreg:$0x0] =	wrdreg $0xFFFFFFFF;
	(pc) =	sbr.abs _section_cstart, $3  }
0xc2: {  	[dreg:$0x1] =	wrdreg $0xFFFFFFFF  }
0xc3: {  	_ =	task.clear_ibuf [dreg:s8], $0x2FFFF;
	_ =	strace $0x9FFFFFFF  }
0xc4: {  	(tm) =	ssettm $0x7FFFFFFF  }
0xc5: {  	_ =	shalt  }
tec
execute0_lowered:
.L_overlay_start_1:
0x0: {  	(tag) =	ssettag $0x1  }
0x1: {  	s0 =	rddreg [dreg:$0x0];
	s1 =	srdreg.scid  }
0x2: {  	s3 =	stileid.u32;
	s2 =	rddreg [dreg:$0x2]  }
0x3: {  	s18 =	simm.s32 $0x186A8;
	s20 =	simm.s32 $0x4000;
	s22 =	simm.s32 $0x1D6A8  }
0x4: {  	s23 =	simm.s32 $0x6;
	s24 =	simm.s32 $0x4;
	s25 =	simm.s32 $0x100  }
0x5: {  	s28 =	simm.s32 $0x5;
	s29 =	simm.s32 $0x1;
	s30 =	simm.s32 $0x2  }
0x6: {  	s1 =	sand.u32 $0x1, s1;
	s4 =	sshll.u32 s3, $0x1;
	s3 =	simm.s32 $0x0  }
0x7: {  	s31 =	simm.s32 $0x1BEA8;
	s6 =	sor.u32 s1, s4;
	[smem:$0x7FF] =	sst s3  }
0x8: {  	s1 =	ssub.s32 $0x2, s1;
	s4 =	smul.u32 $0x30D5, s6;
	_ =	strace $0x80000047  }
0x9: {  	s7 =	sshrl.u32 s1, $0x1;
	s26 =	sshll.u32 s6, $0x6;
	s8 =	sshll.u32 s6, $0xB  }
0xa: {  	s1 =	ssub.s32 s1, s7;
	s6 =	sadd.s32 s2, s26;
	s5 =	sadd.s32 s4, s0  }
0xb: {  	s4 =	sadd.s32 $0x62400, s0;
	s0 =	sadd.s32 $0x62600, s0;
	s17 =	smax.u32 s1, $0x1  }
0xc: {  	s1 =	simm.s32 $0x3;
	s5 =	sadd.s32 $0x800, s5;
	s9 =	sadd.s32 s26, s0  }
0xd: {  	s8 =	sadd.s32 s0, s8;
	s26 =	simm.s32 $0x1D9A8;
	s0 =	simm.s32 $0x0  }
0xe: {  	s7 =	sadd.s32 $0x10000, s9;
	s9 =	sadd.s32 $0x10020, s9;
	s10 =	sadd.s32 $0x100, s8  }
0xf: {  	s11 =	sadd.s32 $0x200, s8;
	s12 =	sadd.s32 $0x300, s8;
	s13 =	sadd.s32 $0x400, s8  }
0x10: {  	s14 =	sadd.s32 $0x500, s8;
	s15 =	sadd.s32 $0x600, s8;
	s16 =	sadd.s32 $0x700, s8  }
.LBB2_1:
0x11: {  	[tilespmem:s3], [sflag:$0x1] =	stream.linear.gather [hbm4b:s5+s3], $0x186A8, $0x38;
	[tilespmem:$0x1F9A8] =	vst v63  }
0x12: {  	s2 =	rddreg [dreg:$0x1]  }
0x13: {  	[tilespmem:s18], [sflag:$0x2] =	stream.linear.gather [hbm4b:s2+s3], $0x4000, $0x38;
	[tilespmem:$0x1F9A8] =	vst v63  }
0x14: {  	s21 =	simm.s32 $0x200;
	s19 =	simm.s32 $0x1C6A8  }
0x15: {  	[tilespmem:s19], [sflag:$0x4] =	stream.strided.gather [hbm4b:s6+s21], $0x1000, s20, s21, $0x38;
	[tilespmem:$0x1F9A8] =	vst v63  }
0x16: {  	_ = 	snop  }
0x17: {  	[tilespmem:s22], [sflag:$0x6] =	stream.linear.gather [hbm4b:s4+s3], $0x300, $0x38;
	[tilespmem:$0x1F9A8] =	vst v63  }
0x18: {  	_ =	swait.ge [sflag:s23], $0x300  }
0x19: {  	[sflag:s23] =	ssyncset.done $0x0  }
0x1a: {  	[sflag:s23] =	ssyncadd.s32 $0xFFFFFD00  }
0x1b: {  	_ =	swait.ge [sflag:s24], $0x1000  }
0x1c: {  	[sflag:s24] =	ssyncset.done $0x0  }
0x1d: {  	s2 =	simm.s32 $0x0;
	[sflag:s24] =	ssyncadd.s32 $0xFFFFF000  }
.LBB2_2:
0x1e: {  	s19 =	sshra.s32 s2, $0x2  }
0x1f: {  	v6 =	vld [tilespmem:s19+$0x1C6A8]  }
0x20: {  	v7 =	vld [tilespmem:s19+$0x1C8A8];
	_ =	sdelay $0x1  }
0x21: {  	v5 =	vld [tilespmem:s19+$0x1CAA8];
	_ =	sdelay $0x1  }
0x22: {  	v4 =	vld [tilespmem:s19+$0x1CCA8]  }
0x23: {  	v3 =	vld [tilespmem:s19+$0x1CEA8]  }
0x24: {  	v1 =	vld [tilespmem:s19+$0x1D0A8]  }
0x25: {  	v8 =	vld.idx.msk [tilespmem:v6+s22+$0x0], $0xffff  }
0x26: {  	v9 =	vld.idx.msk [tilespmem:v7+s22+$0x0], $0xffff  }
0x27: {  	v2 =	vld [tilespmem:s19+$0x1D2A8]  }
0x28: {  	v10 =	vld.idx.msk [tilespmem:v5+s22+$0x0], $0xffff  }
0x29: {  	v0 =	vld [tilespmem:s19+$0x1D4A8]  }
0x2a: {  	v11 =	vld.idx.msk [tilespmem:v4+s22+$0x0], $0xffff  }
0x2b: {  	v8 =	vadd.f32 v9, v8  }
0x2c: {  	v13 =	vld.idx.msk [tilespmem:v3+s22+$0x0], $0xffff  }
0x2d: {  	v8 =	vadd.f32 v10, v8  }
0x2e: {  	v14 =	vld.idx.msk [tilespmem:v1+s22+$0x0], $0xffff  }
0x2f: {  	v8 =	vadd.f32 v11, v8  }
0x30: {  	v15 =	vld.idx.msk [tilespmem:v2+s22+$0x0], $0xffff  }
0x31: {  	v8 =	vadd.f32 v13, v8  }
0x32: {  	v16 =	vld.idx.msk [tilespmem:v0+s22+$0x0], $0xffff  }
0x33: {  	v8 =	vadd.f32 v14, v8;
	_ =	sdelay $0x1  }
0x34: {  	v8 =	vadd.f32 v15, v8;
	_ =	sdelay $0x1  }
0x35: {  	v17 =	vadd.s32 $0x18, v6;
	v8 =	vadd.f32 v16, v8  }
0x36: {  	v18 =	vadd.s32 $0x18, v7  }
0x37: {  	v8 =	vmul.f32 $1.250000000e-01, v8  }
0x38: {  	v19 =	vadd.s32 $0x18, v5  }
0x39: {  	[tilespmem:s19+$0x1D9A8] =	vst v8  }
0x3a: {  	v20 =	vadd.s32 $0x18, v4;
	v8 =	vld.idx.msk [tilespmem:v17+s22+$0x0], $0xffff  }
0x3b: {  	v10 =	vld.idx.msk [tilespmem:v18+s22+$0x0], $0xffff  }
0x3c: {  	v12 =	vadd.s32 $0x18, v3  }
0x3d: {  	v11 =	vld.idx.msk [tilespmem:v19+s22+$0x0], $0xffff  }
0x3e: {  	v13 =	vadd.s32 $0x18, v1  }
0x3f: {  	v9 =	vld.idx.msk [tilespmem:v20+s22+$0x0], $0xffff  }
0x40: {  	v21 =	vadd.s32 $0x18, v2;
	v8 =	vadd.f32 v10, v8  }
0x41: {  	v12 =	vld.idx.msk [tilespmem:v12+s22+$0x0], $0xffff  }
0x42: {  	v22 =	vadd.s32 $0x18, v0;
	v8 =	vadd.f32 v11, v8  }
0x43: {  	v13 =	vld.idx.msk [tilespmem:v13+s22+$0x0], $0xffff  }
0x44: {  	v8 =	vadd.f32 v9, v8  }
0x45: {  	v23 =	vld.idx.msk [tilespmem:v21+s22+$0x0], $0xffff  }
0x46: {  	v8 =	vadd.f32 v12, v8  }
0x47: {  	v24 =	vld.idx.msk [tilespmem:v22+s22+$0x0], $0xffff  }
0x48: {  	v8 =	vadd.f32 v13, v8;
	_ =	sdelay $0x1  }
0x49: {  	v8 =	vadd.f32 v23, v8;
	_ =	sdelay $0x1  }
0x4a: {  	v25 =	vadd.s32 $0x30, v6;
	v8 =	vadd.f32 v24, v8  }
0x4b: {  	v26 =	vadd.s32 $0x30, v7  }
0x4c: {  	v8 =	vmul.f32 $1.250000000e-01, v8  }
0x4d: {  	v27 =	vadd.s32 $0x30, v5  }
0x4e: {  	[tilespmem:s19+$0x1DAA8] =	vst v8  }
0x4f: {  	v28 =	vadd.s32 $0x30, v4;
	v8 =	vld.idx.msk [tilespmem:v25+s22+$0x0], $0xffff  }
0x50: {  	v10 =	vld.idx.msk [tilespmem:v26+s22+$0x0], $0xffff  }
0x51: {  	v29 =	vadd.s32 $0x30, v3  }
0x52: {  	v11 =	vld.idx.msk [tilespmem:v27+s22+$0x0], $0xffff  }
0x53: {  	v30 =	vadd.s32 $0x30, v1  }
0x54: {  	v9 =	vld.idx.msk [tilespmem:v28+s22+$0x0], $0xffff  }
0x55: {  	v31 =	vadd.s32 $0x30, v2;
	v8 =	vadd.f32 v10, v8  }
0x56: {  	v12 =	vld.idx.msk [tilespmem:v29+s22+$0x0], $0xffff  }
0x57: {  	v32 =	vadd.s32 $0x30, v0;
	v8 =	vadd.f32 v11, v8  }
0x58: {  	v13 =	vld.idx.msk [tilespmem:v30+s22+$0x0], $0xffff  }
0x59: {  	v8 =	vadd.f32 v9, v8  }
0x5a: {  	v33 =	vld.idx.msk [tilespmem:v31+s22+$0x0], $0xffff  }
0x5b: {  	v8 =	vadd.f32 v12, v8  }
0x5c: {  	v34 =	vld.idx.msk [tilespmem:v32+s22+$0x0], $0xffff  }
0x5d: {  	v8 =	vadd.f32 v13, v8;
	_ =	sdelay $0x1  }
0x5e: {  	v8 =	vadd.f32 v33, v8;
	_ =	sdelay $0x1  }
0x5f: {  	v35 =	vadd.s32 $0x48, v6;
	v8 =	vadd.f32 v34, v8  }
0x60: {  	v36 =	vadd.s32 $0x48, v7  }
0x61: {  	v8 =	vmul.f32 $1.250000000e-01, v8  }
0x62: {  	v37 =	vadd.s32 $0x48, v5  }
0x63: {  	[tilespmem:s19+$0x1DBA8] =	vst v8  }
0x64: {  	v38 =	vadd.s32 $0x48, v4;
	v8 =	vld.idx.msk [tilespmem:v35+s22+$0x0], $0xffff  }
0x65: {  	v10 =	vld.idx.msk [tilespmem:v36+s22+$0x0], $0xffff  }
0x66: {  	v39 =	vadd.s32 $0x48, v3  }
0x67: {  	v11 =	vld.idx.msk [tilespmem:v37+s22+$0x0], $0xffff  }
0x68: {  	v40 =	vadd.s32 $0x48, v1  }
0x69: {  	v9 =	vld.idx.msk [tilespmem:v38+s22+$0x0], $0xffff  }
0x6a: {  	v41 =	vadd.s32 $0x48, v2;
	v8 =	vadd.f32 v10, v8  }
0x6b: {  	v12 =	vld.idx.msk [tilespmem:v39+s22+$0x0], $0xffff  }
0x6c: {  	v42 =	vadd.s32 $0x48, v0;
	v8 =	vadd.f32 v11, v8  }
0x6d: {  	v13 =	vld.idx.msk [tilespmem:v40+s22+$0x0], $0xffff  }
0x6e: {  	v8 =	vadd.f32 v9, v8  }
0x6f: {  	v43 =	vld.idx.msk [tilespmem:v41+s22+$0x0], $0xffff  }
0x70: {  	v8 =	vadd.f32 v12, v8  }
0x71: {  	v44 =	vld.idx.msk [tilespmem:v42+s22+$0x0], $0xffff  }
0x72: {  	v8 =	vadd.f32 v13, v8;
	_ =	sdelay $0x1  }
0x73: {  	v8 =	vadd.f32 v43, v8;
	_ =	sdelay $0x1  }
0x74: {  	v45 =	vadd.s32 $0x60, v6;
	v8 =	vadd.f32 v44, v8  }
0x75: {  	v46 =	vadd.s32 $0x60, v7  }
0x76: {  	v8 =	vmul.f32 $1.250000000e-01, v8  }
0x77: {  	v47 =	vadd.s32 $0x60, v5  }
0x78: {  	[tilespmem:s19+$0x1DCA8] =	vst v8  }
0x79: {  	v48 =	vadd.s32 $0x60, v4;
	v8 =	vld.idx.msk [tilespmem:v45+s22+$0x0], $0xffff  }
0x7a: {  	v10 =	vld.idx.msk [tilespmem:v46+s22+$0x0], $0xffff  }
0x7b: {  	v49 =	vadd.s32 $0x60, v3  }
0x7c: {  	v11 =	vld.idx.msk [tilespmem:v47+s22+$0x0], $0xffff  }
0x7d: {  	v50 =	vadd.s32 $0x60, v1  }
0x7e: {  	v9 =	vld.idx.msk [tilespmem:v48+s22+$0x0], $0xffff  }
0x7f: {  	v51 =	vadd.s32 $0x60, v2;
	v8 =	vadd.f32 v10, v8  }
0x80: {  	v12 =	vld.idx.msk [tilespmem:v49+s22+$0x0], $0xffff  }
0x81: {  	v52 =	vadd.s32 $0x60, v0;
	v8 =	vadd.f32 v11, v8  }
0x82: {  	v13 =	vld.idx.msk [tilespmem:v50+s22+$0x0], $0xffff  }
0x83: {  	v8 =	vadd.f32 v9, v8  }
0x84: {  	v53 =	vld.idx.msk [tilespmem:v51+s22+$0x0], $0xffff  }
0x85: {  	v8 =	vadd.f32 v12, v8  }
0x86: {  	v54 =	vld.idx.msk [tilespmem:v52+s22+$0x0], $0xffff  }
0x87: {  	v8 =	vadd.f32 v13, v8;
	_ =	sdelay $0x1  }
0x88: {  	v8 =	vadd.f32 v53, v8;
	_ =	sdelay $0x1  }
0x89: {  	v55 =	vadd.s32 $0x78, v6;
	v8 =	vadd.f32 v54, v8  }
0x8a: {  	v56 =	vadd.s32 $0x78, v7  }
0x8b: {  	v8 =	vmul.f32 $1.250000000e-01, v8  }
0x8c: {  	v57 =	vadd.s32 $0x78, v5  }
0x8d: {  	[tilespmem:s19+$0x1DDA8] =	vst v8  }
0x8e: {  	v58 =	vadd.s32 $0x78, v4;
	v8 =	vld.idx.msk [tilespmem:v55+s22+$0x0], $0xffff  }
0x8f: {  	v10 =	vld.idx.msk [tilespmem:v56+s22+$0x0], $0xffff  }
0x90: {  	v59 =	vadd.s32 $0x78, v3  }
0x91: {  	v11 =	vld.idx.msk [tilespmem:v57+s22+$0x0], $0xffff  }
0x92: {  	v60 =	vadd.s32 $0x78, v1  }
0x93: {  	v9 =	vld.idx.msk [tilespmem:v58+s22+$0x0], $0xffff  }
0x94: {  	v61 =	vadd.s32 $0x78, v2;
	v8 =	vadd.f32 v10, v8  }
0x95: {  	v12 =	vld.idx.msk [tilespmem:v59+s22+$0x0], $0xffff  }
0x96: {  	v62 =	vadd.s32 $0x78, v0;
	v8 =	vadd.f32 v11, v8  }
0x97: {  	v13 =	vld.idx.msk [tilespmem:v60+s22+$0x0], $0xffff  }
0x98: {  	v8 =	vadd.f32 v9, v8  }
0x99: {  	v63 =	vld.idx.msk [tilespmem:v61+s22+$0x0], $0xffff  }
0x9a: {  	v8 =	vadd.f32 v12, v8  }
0x9b: {  	v14 =	vld.idx.msk [tilespmem:v62+s22+$0x0], $0xffff  }
0x9c: {  	v8 =	vadd.f32 v13, v8;
	_ =	sdelay $0x1  }
0x9d: {  	v8 =	vadd.f32 v63, v8;
	_ =	sdelay $0x1  }
0x9e: {  	v15 =	vadd.s32 $0x90, v6;
	v8 =	vadd.f32 v14, v8  }
0x9f: {  	v16 =	vadd.s32 $0x90, v7  }
0xa0: {  	v8 =	vmul.f32 $1.250000000e-01, v8  }
0xa1: {  	v17 =	vadd.s32 $0x90, v5  }
0xa2: {  	[tilespmem:s19+$0x1DEA8] =	vst v8  }
0xa3: {  	v18 =	vadd.s32 $0x90, v4;
	v8 =	vld.idx.msk [tilespmem:v15+s22+$0x0], $0xffff  }
0xa4: {  	v10 =	vld.idx.msk [tilespmem:v16+s22+$0x0], $0xffff  }
0xa5: {  	v19 =	vadd.s32 $0x90, v3  }
0xa6: {  	v11 =	vld.idx.msk [tilespmem:v17+s22+$0x0], $0xffff  }
0xa7: {  	v20 =	vadd.s32 $0x90, v1  }
0xa8: {  	v9 =	vld.idx.msk [tilespmem:v18+s22+$0x0], $0xffff  }
0xa9: {  	v21 =	vadd.s32 $0x90, v2;
	v8 =	vadd.f32 v10, v8  }
0xaa: {  	v12 =	vld.idx.msk [tilespmem:v19+s22+$0x0], $0xffff  }
0xab: {  	v22 =	vadd.s32 $0x90, v0;
	v8 =	vadd.f32 v11, v8  }
0xac: {  	v13 =	vld.idx.msk [tilespmem:v20+s22+$0x0], $0xffff  }
0xad: {  	v8 =	vadd.f32 v9, v8  }
0xae: {  	v23 =	vld.idx.msk [tilespmem:v21+s22+$0x0], $0xffff  }
0xaf: {  	v8 =	vadd.f32 v12, v8  }
0xb0: {  	v24 =	vld.idx.msk [tilespmem:v22+s22+$0x0], $0xffff  }
0xb1: {  	v8 =	vadd.f32 v13, v8;
	_ =	sdelay $0x1  }
0xb2: {  	v8 =	vadd.f32 v23, v8;
	_ =	sdelay $0x1  }
0xb3: {  	v25 =	vadd.s32 $0xA8, v6;
	v8 =	vadd.f32 v24, v8  }
0xb4: {  	v26 =	vadd.s32 $0xA8, v7  }
0xb5: {  	v8 =	vmul.f32 $1.250000000e-01, v8  }
0xb6: {  	v27 =	vadd.s32 $0xA8, v5  }
0xb7: {  	[tilespmem:s19+$0x1DFA8] =	vst v8  }
0xb8: {  	v28 =	vadd.s32 $0xA8, v4;
	v8 =	vld.idx.msk [tilespmem:v25+s22+$0x0], $0xffff  }
0xb9: {  	v10 =	vld.idx.msk [tilespmem:v26+s22+$0x0], $0xffff  }
0xba: {  	v29 =	vadd.s32 $0xA8, v3  }
0xbb: {  	v11 =	vld.idx.msk [tilespmem:v27+s22+$0x0], $0xffff  }
0xbc: {  	v30 =	vadd.s32 $0xA8, v1  }
0xbd: {  	v9 =	vld.idx.msk [tilespmem:v28+s22+$0x0], $0xffff  }
0xbe: {  	v31 =	vadd.s32 $0xA8, v2;
	v8 =	vadd.f32 v10, v8  }
0xbf: {  	v12 =	vld.idx.msk [tilespmem:v29+s22+$0x0], $0xffff  }
0xc0: {  	v32 =	vadd.s32 $0xA8, v0;
	v8 =	vadd.f32 v11, v8  }
0xc1: {  	v13 =	vld.idx.msk [tilespmem:v30+s22+$0x0], $0xffff  }
0xc2: {  	v8 =	vadd.f32 v9, v8  }
0xc3: {  	v33 =	vld.idx.msk [tilespmem:v31+s22+$0x0], $0xffff  }
0xc4: {  	v8 =	vadd.f32 v12, v8  }
0xc5: {  	v34 =	vld.idx.msk [tilespmem:v32+s22+$0x0], $0xffff  }
0xc6: {  	v8 =	vadd.f32 v13, v8;
	_ =	sdelay $0x1  }
0xc7: {  	v8 =	vadd.f32 v33, v8;
	_ =	sdelay $0x1  }
0xc8: {  	v35 =	vadd.s32 $0xC0, v6;
	v8 =	vadd.f32 v34, v8  }
0xc9: {  	v36 =	vadd.s32 $0xC0, v7  }
0xca: {  	v8 =	vmul.f32 $1.250000000e-01, v8  }
0xcb: {  	v37 =	vadd.s32 $0xC0, v5  }
0xcc: {  	[tilespmem:s19+$0x1E0A8] =	vst v8  }
0xcd: {  	v38 =	vadd.s32 $0xC0, v4;
	v8 =	vld.idx.msk [tilespmem:v35+s22+$0x0], $0xffff  }
0xce: {  	v10 =	vld.idx.msk [tilespmem:v36+s22+$0x0], $0xffff  }
0xcf: {  	v39 =	vadd.s32 $0xC0, v3  }
0xd0: {  	v11 =	vld.idx.msk [tilespmem:v37+s22+$0x0], $0xffff  }
0xd1: {  	v40 =	vadd.s32 $0xC0, v1  }
0xd2: {  	v9 =	vld.idx.msk [tilespmem:v38+s22+$0x0], $0xffff  }
0xd3: {  	v41 =	vadd.s32 $0xC0, v2;
	v8 =	vadd.f32 v10, v8  }
0xd4: {  	v12 =	vld.idx.msk [tilespmem:v39+s22+$0x0], $0xffff  }
0xd5: {  	v42 =	vadd.s32 $0xC0, v0;
	v8 =	vadd.f32 v11, v8  }
0xd6: {  	v13 =	vld.idx.msk [tilespmem:v40+s22+$0x0], $0xffff  }
0xd7: {  	v8 =	vadd.f32 v9, v8  }
0xd8: {  	v43 =	vld.idx.msk [tilespmem:v41+s22+$0x0], $0xffff  }
0xd9: {  	v8 =	vadd.f32 v12, v8  }
0xda: {  	v44 =	vld.idx.msk [tilespmem:v42+s22+$0x0], $0xffff  }
0xdb: {  	v8 =	vadd.f32 v13, v8;
	_ =	sdelay $0x1  }
0xdc: {  	v8 =	vadd.f32 v43, v8;
	_ =	sdelay $0x1  }
0xdd: {  	v45 =	vadd.s32 $0xD8, v6;
	v8 =	vadd.f32 v44, v8  }
0xde: {  	v46 =	vadd.s32 $0xD8, v7  }
0xdf: {  	v8 =	vmul.f32 $1.250000000e-01, v8  }
0xe0: {  	v47 =	vadd.s32 $0xD8, v5  }
0xe1: {  	[tilespmem:s19+$0x1E1A8] =	vst v8  }
0xe2: {  	v48 =	vadd.s32 $0xD8, v4;
	v8 =	vld.idx.msk [tilespmem:v45+s22+$0x0], $0xffff  }
0xe3: {  	v10 =	vld.idx.msk [tilespmem:v46+s22+$0x0], $0xffff  }
0xe4: {  	v49 =	vadd.s32 $0xD8, v3  }
0xe5: {  	v11 =	vld.idx.msk [tilespmem:v47+s22+$0x0], $0xffff  }
0xe6: {  	v50 =	vadd.s32 $0xD8, v1  }
0xe7: {  	v9 =	vld.idx.msk [tilespmem:v48+s22+$0x0], $0xffff  }
0xe8: {  	v51 =	vadd.s32 $0xD8, v2;
	v8 =	vadd.f32 v10, v8  }
0xe9: {  	v12 =	vld.idx.msk [tilespmem:v49+s22+$0x0], $0xffff  }
0xea: {  	v52 =	vadd.s32 $0xD8, v0;
	v8 =	vadd.f32 v11, v8  }
0xeb: {  	v13 =	vld.idx.msk [tilespmem:v50+s22+$0x0], $0xffff  }
0xec: {  	v8 =	vadd.f32 v9, v8  }
0xed: {  	v53 =	vld.idx.msk [tilespmem:v51+s22+$0x0], $0xffff  }
0xee: {  	v8 =	vadd.f32 v12, v8  }
0xef: {  	v54 =	vld.idx.msk [tilespmem:v52+s22+$0x0], $0xffff  }
0xf0: {  	v8 =	vadd.f32 v13, v8;
	_ =	sdelay $0x1  }
0xf1: {  	v8 =	vadd.f32 v53, v8;
	_ =	sdelay $0x1  }
0xf2: {  	v55 =	vadd.s32 $0xF0, v6;
	v8 =	vadd.f32 v54, v8  }
0xf3: {  	v56 =	vadd.s32 $0xF0, v7  }
0xf4: {  	v8 =	vmul.f32 $1.250000000e-01, v8  }
0xf5: {  	v57 =	vadd.s32 $0xF0, v5  }
0xf6: {  	[tilespmem:s19+$0x1E2A8] =	vst v8  }
0xf7: {  	v58 =	vadd.s32 $0xF0, v4;
	v8 =	vld.idx.msk [tilespmem:v55+s22+$0x0], $0xffff  }
0xf8: {  	v10 =	vld.idx.msk [tilespmem:v56+s22+$0x0], $0xffff  }
0xf9: {  	v59 =	vadd.s32 $0xF0, v3  }
0xfa: {  	v11 =	vld.idx.msk [tilespmem:v57+s22+$0x0], $0xffff  }
0xfb: {  	v60 =	vadd.s32 $0xF0, v1  }
0xfc: {  	v9 =	vld.idx.msk [tilespmem:v58+s22+$0x0], $0xffff  }
0xfd: {  	v61 =	vadd.s32 $0xF0, v2;
	v8 =	vadd.f32 v10, v8  }
0xfe: {  	v12 =	vld.idx.msk [tilespmem:v59+s22+$0x0], $0xffff  }
0xff: {  	v62 =	vadd.s32 $0xF0, v0;
	v8 =	vadd.f32 v11, v8  }
0x100: {  	v13 =	vld.idx.msk [tilespmem:v60+s22+$0x0], $0xffff  }
0x101: {  	v8 =	vadd.f32 v9, v8  }
0x102: {  	v63 =	vld.idx.msk [tilespmem:v61+s22+$0x0], $0xffff  }
0x103: {  	v8 =	vadd.f32 v12, v8  }
0x104: {  	v14 =	vld.idx.msk [tilespmem:v62+s22+$0x0], $0xffff  }
0x105: {  	v8 =	vadd.f32 v13, v8;
	_ =	sdelay $0x1  }
0x106: {  	v8 =	vadd.f32 v63, v8;
	_ =	sdelay $0x1  }
0x107: {  	v15 =	vadd.s32 $0x108, v6;
	v8 =	vadd.f32 v14, v8  }
0x108: {  	v16 =	vadd.s32 $0x108, v7  }
0x109: {  	v8 =	vmul.f32 $1.250000000e-01, v8  }
0x10a: {  	v17 =	vadd.s32 $0x108, v5  }
0x10b: {  	[tilespmem:s19+$0x1E3A8] =	vst v8  }
0x10c: {  	v18 =	vadd.s32 $0x108, v4;
	v8 =	vld.idx.msk [tilespmem:v15+s22+$0x0], $0xffff  }
0x10d: {  	v10 =	vld.idx.msk [tilespmem:v16+s22+$0x0], $0xffff  }
0x10e: {  	v19 =	vadd.s32 $0x108, v3  }
0x10f: {  	v11 =	vld.idx.msk [tilespmem:v17+s22+$0x0], $0xffff  }
0x110: {  	v20 =	vadd.s32 $0x108, v1  }
0x111: {  	v9 =	vld.idx.msk [tilespmem:v18+s22+$0x0], $0xffff  }
0x112: {  	v21 =	vadd.s32 $0x108, v2;
	v8 =	vadd.f32 v10, v8  }
0x113: {  	v12 =	vld.idx.msk [tilespmem:v19+s22+$0x0], $0xffff  }
0x114: {  	v22 =	vadd.s32 $0x108, v0;
	v8 =	vadd.f32 v11, v8  }
0x115: {  	v13 =	vld.idx.msk [tilespmem:v20+s22+$0x0], $0xffff  }
0x116: {  	v8 =	vadd.f32 v9, v8  }
0x117: {  	v23 =	vld.idx.msk [tilespmem:v21+s22+$0x0], $0xffff  }
0x118: {  	v8 =	vadd.f32 v12, v8  }
0x119: {  	v24 =	vld.idx.msk [tilespmem:v22+s22+$0x0], $0xffff  }
0x11a: {  	v8 =	vadd.f32 v13, v8;
	_ =	sdelay $0x1  }
0x11b: {  	v8 =	vadd.f32 v23, v8;
	_ =	sdelay $0x1  }
0x11c: {  	v25 =	vadd.s32 $0x120, v6;
	v8 =	vadd.f32 v24, v8  }
0x11d: {  	v26 =	vadd.s32 $0x120, v7  }
0x11e: {  	v8 =	vmul.f32 $1.250000000e-01, v8  }
0x11f: {  	v27 =	vadd.s32 $0x120, v5  }
0x120: {  	[tilespmem:s19+$0x1E4A8] =	vst v8  }
0x121: {  	v28 =	vadd.s32 $0x120, v4;
	v8 =	vld.idx.msk [tilespmem:v25+s22+$0x0], $0xffff  }
0x122: {  	v10 =	vld.idx.msk [tilespmem:v26+s22+$0x0], $0xffff  }
0x123: {  	v29 =	vadd.s32 $0x120, v3  }
0x124: {  	v11 =	vld.idx.msk [tilespmem:v27+s22+$0x0], $0xffff  }
0x125: {  	v30 =	vadd.s32 $0x120, v1  }
0x126: {  	v9 =	vld.idx.msk [tilespmem:v28+s22+$0x0], $0xffff  }
0x127: {  	v31 =	vadd.s32 $0x120, v2;
	v8 =	vadd.f32 v10, v8  }
0x128: {  	v12 =	vld.idx.msk [tilespmem:v29+s22+$0x0], $0xffff  }
0x129: {  	v32 =	vadd.s32 $0x120, v0;
	v8 =	vadd.f32 v11, v8  }
0x12a: {  	v13 =	vld.idx.msk [tilespmem:v30+s22+$0x0], $0xffff  }
0x12b: {  	v8 =	vadd.f32 v9, v8  }
0x12c: {  	v33 =	vld.idx.msk [tilespmem:v31+s22+$0x0], $0xffff  }
0x12d: {  	v8 =	vadd.f32 v12, v8  }
0x12e: {  	v34 =	vld.idx.msk [tilespmem:v32+s22+$0x0], $0xffff  }
0x12f: {  	v8 =	vadd.f32 v13, v8;
	_ =	sdelay $0x1  }
0x130: {  	v8 =	vadd.f32 v33, v8;
	_ =	sdelay $0x1  }
0x131: {  	v35 =	vadd.s32 $0x138, v6;
	v8 =	vadd.f32 v34, v8  }
0x132: {  	v36 =	vadd.s32 $0x138, v7  }
0x133: {  	v8 =	vmul.f32 $1.250000000e-01, v8  }
0x134: {  	v37 =	vadd.s32 $0x138, v5  }
0x135: {  	[tilespmem:s19+$0x1E5A8] =	vst v8  }
0x136: {  	v38 =	vadd.s32 $0x138, v4;
	v8 =	vld.idx.msk [tilespmem:v35+s22+$0x0], $0xffff  }
0x137: {  	v10 =	vld.idx.msk [tilespmem:v36+s22+$0x0], $0xffff  }
0x138: {  	v39 =	vadd.s32 $0x138, v3  }
0x139: {  	v11 =	vld.idx.msk [tilespmem:v37+s22+$0x0], $0xffff  }
0x13a: {  	v40 =	vadd.s32 $0x138, v1  }
0x13b: {  	v9 =	vld.idx.msk [tilespmem:v38+s22+$0x0], $0xffff  }
0x13c: {  	v41 =	vadd.s32 $0x138, v2;
	v8 =	vadd.f32 v10, v8  }
0x13d: {  	v12 =	vld.idx.msk [tilespmem:v39+s22+$0x0], $0xffff  }
0x13e: {  	v42 =	vadd.s32 $0x138, v0;
	v8 =	vadd.f32 v11, v8  }
0x13f: {  	v13 =	vld.idx.msk [tilespmem:v40+s22+$0x0], $0xffff  }
0x140: {  	v8 =	vadd.f32 v9, v8  }
0x141: {  	v43 =	vld.idx.msk [tilespmem:v41+s22+$0x0], $0xffff  }
0x142: {  	v8 =	vadd.f32 v12, v8  }
0x143: {  	v44 =	vld.idx.msk [tilespmem:v42+s22+$0x0], $0xffff  }
0x144: {  	v8 =	vadd.f32 v13, v8;
	_ =	sdelay $0x1  }
0x145: {  	v8 =	vadd.f32 v43, v8;
	_ =	sdelay $0x1  }
0x146: {  	v45 =	vadd.s32 $0x150, v6;
	v8 =	vadd.f32 v44, v8  }
0x147: {  	v46 =	vadd.s32 $0x150, v7  }
0x148: {  	v8 =	vmul.f32 $1.250000000e-01, v8  }
0x149: {  	v47 =	vadd.s32 $0x150, v5  }
0x14a: {  	[tilespmem:s19+$0x1E6A8] =	vst v8  }
0x14b: {  	v48 =	vadd.s32 $0x150, v4;
	v8 =	vld.idx.msk [tilespmem:v45+s22+$0x0], $0xffff  }
0x14c: {  	v10 =	vld.idx.msk [tilespmem:v46+s22+$0x0], $0xffff  }
0x14d: {  	v49 =	vadd.s32 $0x150, v3  }
0x14e: {  	v11 =	vld.idx.msk [tilespmem:v47+s22+$0x0], $0xffff  }
0x14f: {  	v50 =	vadd.s32 $0x150, v1  }
0x150: {  	v9 =	vld.idx.msk [tilespmem:v48+s22+$0x0], $0xffff  }
0x151: {  	v51 =	vadd.s32 $0x150, v2;
	v8 =	vadd.f32 v10, v8  }
0x152: {  	v12 =	vld.idx.msk [tilespmem:v49+s22+$0x0], $0xffff  }
0x153: {  	v52 =	vadd.s32 $0x150, v0;
	v8 =	vadd.f32 v11, v8  }
0x154: {  	v13 =	vld.idx.msk [tilespmem:v50+s22+$0x0], $0xffff  }
0x155: {  	v8 =	vadd.f32 v9, v8  }
0x156: {  	v53 =	vld.idx.msk [tilespmem:v51+s22+$0x0], $0xffff  }
0x157: {  	v8 =	vadd.f32 v12, v8  }
0x158: {  	v54 =	vld.idx.msk [tilespmem:v52+s22+$0x0], $0xffff  }
0x159: {  	v8 =	vadd.f32 v13, v8;
	_ =	sdelay $0x1  }
0x15a: {  	v8 =	vadd.f32 v53, v8;
	_ =	sdelay $0x1  }
0x15b: {  	v55 =	vadd.s32 $0x168, v6;
	v8 =	vadd.f32 v54, v8  }
0x15c: {  	v56 =	vadd.s32 $0x168, v7  }
0x15d: {  	v8 =	vmul.f32 $1.250000000e-01, v8  }
0x15e: {  	v57 =	vadd.s32 $0x168, v5  }
0x15f: {  	[tilespmem:s19+$0x1E7A8] =	vst v8  }
0x160: {  	v58 =	vadd.s32 $0x168, v4;
	v8 =	vld.idx.msk [tilespmem:v55+s22+$0x0], $0xffff  }
0x161: {  	v10 =	vld.idx.msk [tilespmem:v56+s22+$0x0], $0xffff  }
0x162: {  	v59 =	vadd.s32 $0x168, v3  }
0x163: {  	v11 =	vld.idx.msk [tilespmem:v57+s22+$0x0], $0xffff  }
0x164: {  	v60 =	vadd.s32 $0x168, v1  }
0x165: {  	v9 =	vld.idx.msk [tilespmem:v58+s22+$0x0], $0xffff  }
0x166: {  	v61 =	vadd.s32 $0x168, v2;
	v8 =	vadd.f32 v10, v8  }
0x167: {  	v12 =	vld.idx.msk [tilespmem:v59+s22+$0x0], $0xffff  }
0x168: {  	v62 =	vadd.s32 $0x168, v0;
	v8 =	vadd.f32 v11, v8  }
0x169: {  	v13 =	vld.idx.msk [tilespmem:v60+s22+$0x0], $0xffff  }
0x16a: {  	v8 =	vadd.f32 v9, v8  }
0x16b: {  	v63 =	vld.idx.msk [tilespmem:v61+s22+$0x0], $0xffff  }
0x16c: {  	v8 =	vadd.f32 v12, v8  }
0x16d: {  	v14 =	vld.idx.msk [tilespmem:v62+s22+$0x0], $0xffff  }
0x16e: {  	v8 =	vadd.f32 v13, v8;
	_ =	sdelay $0x1  }
0x16f: {  	v8 =	vadd.f32 v63, v8;
	_ =	sdelay $0x1  }
0x170: {  	v15 =	vadd.s32 $0x180, v6;
	v8 =	vadd.f32 v14, v8  }
0x171: {  	v16 =	vadd.s32 $0x180, v7  }
0x172: {  	v8 =	vmul.f32 $1.250000000e-01, v8  }
0x173: {  	v17 =	vadd.s32 $0x180, v5  }
0x174: {  	[tilespmem:s19+$0x1E8A8] =	vst v8  }
0x175: {  	v18 =	vadd.s32 $0x180, v4;
	v8 =	vld.idx.msk [tilespmem:v15+s22+$0x0], $0xffff  }
0x176: {  	v10 =	vld.idx.msk [tilespmem:v16+s22+$0x0], $0xffff  }
0x177: {  	v19 =	vadd.s32 $0x180, v3  }
0x178: {  	v11 =	vld.idx.msk [tilespmem:v17+s22+$0x0], $0xffff  }
0x179: {  	v20 =	vadd.s32 $0x180, v1  }
0x17a: {  	v9 =	vld.idx.msk [tilespmem:v18+s22+$0x0], $0xffff  }
0x17b: {  	v21 =	vadd.s32 $0x180, v2;
	v8 =	vadd.f32 v10, v8  }
0x17c: {  	v12 =	vld.idx.msk [tilespmem:v19+s22+$0x0], $0xffff  }
0x17d: {  	v22 =	vadd.s32 $0x180, v0;
	v8 =	vadd.f32 v11, v8  }
0x17e: {  	v13 =	vld.idx.msk [tilespmem:v20+s22+$0x0], $0xffff  }
0x17f: {  	v8 =	vadd.f32 v9, v8  }
0x180: {  	v23 =	vld.idx.msk [tilespmem:v21+s22+$0x0], $0xffff  }
0x181: {  	v8 =	vadd.f32 v12, v8  }
0x182: {  	v24 =	vld.idx.msk [tilespmem:v22+s22+$0x0], $0xffff  }
0x183: {  	v8 =	vadd.f32 v13, v8;
	_ =	sdelay $0x1  }
0x184: {  	v8 =	vadd.f32 v23, v8;
	_ =	sdelay $0x1  }
0x185: {  	v25 =	vadd.s32 $0x198, v6;
	v8 =	vadd.f32 v24, v8  }
0x186: {  	v26 =	vadd.s32 $0x198, v7  }
0x187: {  	v8 =	vmul.f32 $1.250000000e-01, v8  }
0x188: {  	v27 =	vadd.s32 $0x198, v5  }
0x189: {  	[tilespmem:s19+$0x1E9A8] =	vst v8  }
0x18a: {  	v28 =	vadd.s32 $0x198, v4;
	v8 =	vld.idx.msk [tilespmem:v25+s22+$0x0], $0xffff  }
0x18b: {  	v10 =	vld.idx.msk [tilespmem:v26+s22+$0x0], $0xffff  }
0x18c: {  	v29 =	vadd.s32 $0x198, v3  }
0x18d: {  	v11 =	vld.idx.msk [tilespmem:v27+s22+$0x0], $0xffff  }
0x18e: {  	v30 =	vadd.s32 $0x198, v1  }
0x18f: {  	v9 =	vld.idx.msk [tilespmem:v28+s22+$0x0], $0xffff  }
0x190: {  	v31 =	vadd.s32 $0x198, v2;
	v8 =	vadd.f32 v10, v8  }
0x191: {  	v12 =	vld.idx.msk [tilespmem:v29+s22+$0x0], $0xffff  }
0x192: {  	v32 =	vadd.s32 $0x198, v0;
	v8 =	vadd.f32 v11, v8  }
0x193: {  	v13 =	vld.idx.msk [tilespmem:v30+s22+$0x0], $0xffff  }
0x194: {  	v8 =	vadd.f32 v9, v8  }
0x195: {  	v33 =	vld.idx.msk [tilespmem:v31+s22+$0x0], $0xffff  }
0x196: {  	v8 =	vadd.f32 v12, v8  }
0x197: {  	v34 =	vld.idx.msk [tilespmem:v32+s22+$0x0], $0xffff  }
0x198: {  	v8 =	vadd.f32 v13, v8;
	_ =	sdelay $0x1  }
0x199: {  	v8 =	vadd.f32 v33, v8;
	_ =	sdelay $0x1  }
0x19a: {  	v35 =	vadd.s32 $0x1B0, v6;
	v8 =	vadd.f32 v34, v8  }
0x19b: {  	v36 =	vadd.s32 $0x1B0, v7  }
0x19c: {  	v8 =	vmul.f32 $1.250000000e-01, v8  }
0x19d: {  	v37 =	vadd.s32 $0x1B0, v5  }
0x19e: {  	[tilespmem:s19+$0x1EAA8] =	vst v8  }
0x19f: {  	v38 =	vadd.s32 $0x1B0, v4;
	v8 =	vld.idx.msk [tilespmem:v35+s22+$0x0], $0xffff  }
0x1a0: {  	v10 =	vld.idx.msk [tilespmem:v36+s22+$0x0], $0xffff  }
0x1a1: {  	v39 =	vadd.s32 $0x1B0, v3  }
0x1a2: {  	v11 =	vld.idx.msk [tilespmem:v37+s22+$0x0], $0xffff  }
0x1a3: {  	v40 =	vadd.s32 $0x1B0, v1  }
0x1a4: {  	v9 =	vld.idx.msk [tilespmem:v38+s22+$0x0], $0xffff  }
0x1a5: {  	v41 =	vadd.s32 $0x1B0, v2;
	v8 =	vadd.f32 v10, v8  }
0x1a6: {  	v12 =	vld.idx.msk [tilespmem:v39+s22+$0x0], $0xffff  }
0x1a7: {  	v42 =	vadd.s32 $0x1B0, v0;
	v8 =	vadd.f32 v11, v8  }
0x1a8: {  	v13 =	vld.idx.msk [tilespmem:v40+s22+$0x0], $0xffff  }
0x1a9: {  	v8 =	vadd.f32 v9, v8  }
0x1aa: {  	v43 =	vld.idx.msk [tilespmem:v41+s22+$0x0], $0xffff  }
0x1ab: {  	v8 =	vadd.f32 v12, v8  }
0x1ac: {  	v44 =	vld.idx.msk [tilespmem:v42+s22+$0x0], $0xffff  }
0x1ad: {  	v8 =	vadd.f32 v13, v8;
	_ =	sdelay $0x1  }
0x1ae: {  	v8 =	vadd.f32 v43, v8;
	_ =	sdelay $0x1  }
0x1af: {  	v45 =	vadd.s32 $0x1C8, v6;
	v8 =	vadd.f32 v44, v8  }
0x1b0: {  	v46 =	vadd.s32 $0x1C8, v7  }
0x1b1: {  	v8 =	vmul.f32 $1.250000000e-01, v8  }
0x1b2: {  	v47 =	vadd.s32 $0x1C8, v5  }
0x1b3: {  	[tilespmem:s19+$0x1EBA8] =	vst v8  }
0x1b4: {  	v48 =	vadd.s32 $0x1C8, v4;
	v8 =	vld.idx.msk [tilespmem:v45+s22+$0x0], $0xffff  }
0x1b5: {  	v10 =	vld.idx.msk [tilespmem:v46+s22+$0x0], $0xffff  }
0x1b6: {  	v49 =	vadd.s32 $0x1C8, v3  }
0x1b7: {  	v11 =	vld.idx.msk [tilespmem:v47+s22+$0x0], $0xffff  }
0x1b8: {  	v50 =	vadd.s32 $0x1C8, v1  }
0x1b9: {  	v9 =	vld.idx.msk [tilespmem:v48+s22+$0x0], $0xffff  }
0x1ba: {  	v51 =	vadd.s32 $0x1C8, v2;
	v8 =	vadd.f32 v10, v8  }
0x1bb: {  	v12 =	vld.idx.msk [tilespmem:v49+s22+$0x0], $0xffff  }
0x1bc: {  	v52 =	vadd.s32 $0x1C8, v0;
	v8 =	vadd.f32 v11, v8  }
0x1bd: {  	v13 =	vld.idx.msk [tilespmem:v50+s22+$0x0], $0xffff  }
0x1be: {  	v8 =	vadd.f32 v9, v8  }
0x1bf: {  	v53 =	vld.idx.msk [tilespmem:v51+s22+$0x0], $0xffff  }
0x1c0: {  	v8 =	vadd.f32 v12, v8  }
0x1c1: {  	v54 =	vld.idx.msk [tilespmem:v52+s22+$0x0], $0xffff  }
0x1c2: {  	v8 =	vadd.f32 v13, v8;
	_ =	sdelay $0x1  }
0x1c3: {  	v8 =	vadd.f32 v53, v8;
	_ =	sdelay $0x1  }
0x1c4: {  	v55 =	vadd.s32 $0x1E0, v6;
	v8 =	vadd.f32 v54, v8  }
0x1c5: {  	v56 =	vadd.s32 $0x1E0, v7  }
0x1c6: {  	v8 =	vmul.f32 $1.250000000e-01, v8  }
0x1c7: {  	v57 =	vadd.s32 $0x1E0, v5  }
0x1c8: {  	[tilespmem:s19+$0x1ECA8] =	vst v8  }
0x1c9: {  	v58 =	vadd.s32 $0x1E0, v4;
	v8 =	vld.idx.msk [tilespmem:v55+s22+$0x0], $0xffff  }
0x1ca: {  	v10 =	vld.idx.msk [tilespmem:v56+s22+$0x0], $0xffff  }
0x1cb: {  	v59 =	vadd.s32 $0x1E0, v3  }
0x1cc: {  	v11 =	vld.idx.msk [tilespmem:v57+s22+$0x0], $0xffff  }
0x1cd: {  	v60 =	vadd.s32 $0x1E0, v1  }
0x1ce: {  	v9 =	vld.idx.msk [tilespmem:v58+s22+$0x0], $0xffff  }
0x1cf: {  	v61 =	vadd.s32 $0x1E0, v2;
	v8 =	vadd.f32 v10, v8  }
0x1d0: {  	v12 =	vld.idx.msk [tilespmem:v59+s22+$0x0], $0xffff  }
0x1d1: {  	v62 =	vadd.s32 $0x1E0, v0;
	v8 =	vadd.f32 v11, v8  }
0x1d2: {  	v13 =	vld.idx.msk [tilespmem:v60+s22+$0x0], $0xffff  }
0x1d3: {  	v8 =	vadd.f32 v9, v8  }
0x1d4: {  	v63 =	vld.idx.msk [tilespmem:v61+s22+$0x0], $0xffff  }
0x1d5: {  	v8 =	vadd.f32 v12, v8  }
0x1d6: {  	v14 =	vld.idx.msk [tilespmem:v62+s22+$0x0], $0xffff  }
0x1d7: {  	v8 =	vadd.f32 v13, v8;
	_ =	sdelay $0x1  }
0x1d8: {  	v8 =	vadd.f32 v63, v8;
	_ =	sdelay $0x1  }
0x1d9: {  	v15 =	vadd.s32 $0x1F8, v6;
	v8 =	vadd.f32 v14, v8  }
0x1da: {  	v16 =	vadd.s32 $0x1F8, v7  }
0x1db: {  	v8 =	vmul.f32 $1.250000000e-01, v8  }
0x1dc: {  	v17 =	vadd.s32 $0x1F8, v5  }
0x1dd: {  	[tilespmem:s19+$0x1EDA8] =	vst v8  }
0x1de: {  	v18 =	vadd.s32 $0x1F8, v4;
	v8 =	vld.idx.msk [tilespmem:v15+s22+$0x0], $0xffff  }
0x1df: {  	v10 =	vld.idx.msk [tilespmem:v16+s22+$0x0], $0xffff  }
0x1e0: {  	v19 =	vadd.s32 $0x1F8, v3  }
0x1e1: {  	v11 =	vld.idx.msk [tilespmem:v17+s22+$0x0], $0xffff  }
0x1e2: {  	v20 =	vadd.s32 $0x1F8, v1  }
0x1e3: {  	v9 =	vld.idx.msk [tilespmem:v18+s22+$0x0], $0xffff  }
0x1e4: {  	v21 =	vadd.s32 $0x1F8, v2;
	v8 =	vadd.f32 v10, v8  }
0x1e5: {  	v12 =	vld.idx.msk [tilespmem:v19+s22+$0x0], $0xffff  }
0x1e6: {  	v22 =	vadd.s32 $0x1F8, v0;
	v8 =	vadd.f32 v11, v8  }
0x1e7: {  	v13 =	vld.idx.msk [tilespmem:v20+s22+$0x0], $0xffff  }
0x1e8: {  	v8 =	vadd.f32 v9, v8  }
0x1e9: {  	v23 =	vld.idx.msk [tilespmem:v21+s22+$0x0], $0xffff  }
0x1ea: {  	v8 =	vadd.f32 v12, v8  }
0x1eb: {  	v24 =	vld.idx.msk [tilespmem:v22+s22+$0x0], $0xffff  }
0x1ec: {  	v8 =	vadd.f32 v13, v8;
	_ =	sdelay $0x1  }
0x1ed: {  	v8 =	vadd.f32 v23, v8;
	_ =	sdelay $0x1  }
0x1ee: {  	v25 =	vadd.s32 $0x210, v6;
	v8 =	vadd.f32 v24, v8  }
0x1ef: {  	v26 =	vadd.s32 $0x210, v7  }
0x1f0: {  	v8 =	vmul.f32 $1.250000000e-01, v8  }
0x1f1: {  	v27 =	vadd.s32 $0x210, v5  }
0x1f2: {  	[tilespmem:s19+$0x1EEA8] =	vst v8  }
0x1f3: {  	v28 =	vadd.s32 $0x210, v4;
	v8 =	vld.idx.msk [tilespmem:v25+s22+$0x0], $0xffff  }
0x1f4: {  	v10 =	vld.idx.msk [tilespmem:v26+s22+$0x0], $0xffff  }
0x1f5: {  	v29 =	vadd.s32 $0x210, v3  }
0x1f6: {  	v11 =	vld.idx.msk [tilespmem:v27+s22+$0x0], $0xffff  }
0x1f7: {  	v30 =	vadd.s32 $0x210, v1  }
0x1f8: {  	v9 =	vld.idx.msk [tilespmem:v28+s22+$0x0], $0xffff  }
0x1f9: {  	v31 =	vadd.s32 $0x210, v2;
	v8 =	vadd.f32 v10, v8  }
0x1fa: {  	v12 =	vld.idx.msk [tilespmem:v29+s22+$0x0], $0xffff  }
0x1fb: {  	v32 =	vadd.s32 $0x210, v0;
	v8 =	vadd.f32 v11, v8  }
0x1fc: {  	v13 =	vld.idx.msk [tilespmem:v30+s22+$0x0], $0xffff  }
0x1fd: {  	v8 =	vadd.f32 v9, v8  }
0x1fe: {  	v33 =	vld.idx.msk [tilespmem:v31+s22+$0x0], $0xffff  }
0x1ff: {  	v8 =	vadd.f32 v12, v8  }
0x200: {  	v34 =	vld.idx.msk [tilespmem:v32+s22+$0x0], $0xffff  }
0x201: {  	v8 =	vadd.f32 v13, v8;
	_ =	sdelay $0x1  }
0x202: {  	v8 =	vadd.f32 v33, v8;
	_ =	sdelay $0x1  }
0x203: {  	v35 =	vadd.s32 $0x228, v6;
	v8 =	vadd.f32 v34, v8  }
0x204: {  	v36 =	vadd.s32 $0x228, v7  }
0x205: {  	v8 =	vmul.f32 $1.250000000e-01, v8  }
0x206: {  	v37 =	vadd.s32 $0x228, v5  }
0x207: {  	[tilespmem:s19+$0x1EFA8] =	vst v8  }
0x208: {  	v38 =	vadd.s32 $0x228, v4;
	v8 =	vld.idx.msk [tilespmem:v35+s22+$0x0], $0xffff  }
0x209: {  	v10 =	vld.idx.msk [tilespmem:v36+s22+$0x0], $0xffff  }
0x20a: {  	v39 =	vadd.s32 $0x228, v3  }
0x20b: {  	v11 =	vld.idx.msk [tilespmem:v37+s22+$0x0], $0xffff  }
0x20c: {  	v40 =	vadd.s32 $0x228, v1  }
0x20d: {  	v9 =	vld.idx.msk [tilespmem:v38+s22+$0x0], $0xffff  }
0x20e: {  	v41 =	vadd.s32 $0x228, v2;
	v8 =	vadd.f32 v10, v8  }
0x20f: {  	v12 =	vld.idx.msk [tilespmem:v39+s22+$0x0], $0xffff  }
0x210: {  	v42 =	vadd.s32 $0x228, v0;
	v8 =	vadd.f32 v11, v8  }
0x211: {  	v13 =	vld.idx.msk [tilespmem:v40+s22+$0x0], $0xffff  }
0x212: {  	v8 =	vadd.f32 v9, v8  }
0x213: {  	v43 =	vld.idx.msk [tilespmem:v41+s22+$0x0], $0xffff  }
0x214: {  	v8 =	vadd.f32 v12, v8  }
0x215: {  	v44 =	vld.idx.msk [tilespmem:v42+s22+$0x0], $0xffff  }
0x216: {  	v8 =	vadd.f32 v13, v8;
	_ =	sdelay $0x1  }
0x217: {  	v8 =	vadd.f32 v43, v8;
	_ =	sdelay $0x1  }
0x218: {  	v45 =	vadd.s32 $0x240, v6;
	v8 =	vadd.f32 v44, v8  }
0x219: {  	v46 =	vadd.s32 $0x240, v7  }
0x21a: {  	v8 =	vmul.f32 $1.250000000e-01, v8  }
0x21b: {  	v47 =	vadd.s32 $0x240, v5  }
0x21c: {  	[tilespmem:s19+$0x1F0A8] =	vst v8  }
0x21d: {  	v48 =	vadd.s32 $0x240, v4;
	v8 =	vld.idx.msk [tilespmem:v45+s22+$0x0], $0xffff  }
0x21e: {  	v10 =	vld.idx.msk [tilespmem:v46+s22+$0x0], $0xffff  }
0x21f: {  	v49 =	vadd.s32 $0x240, v3  }
0x220: {  	v11 =	vld.idx.msk [tilespmem:v47+s22+$0x0], $0xffff  }
0x221: {  	v50 =	vadd.s32 $0x240, v1  }
0x222: {  	v9 =	vld.idx.msk [tilespmem:v48+s22+$0x0], $0xffff  }
0x223: {  	v51 =	vadd.s32 $0x240, v2;
	v8 =	vadd.f32 v10, v8  }
0x224: {  	v12 =	vld.idx.msk [tilespmem:v49+s22+$0x0], $0xffff  }
0x225: {  	v52 =	vadd.s32 $0x240, v0;
	v8 =	vadd.f32 v11, v8  }
0x226: {  	v13 =	vld.idx.msk [tilespmem:v50+s22+$0x0], $0xffff  }
0x227: {  	v8 =	vadd.f32 v9, v8  }
0x228: {  	v53 =	vld.idx.msk [tilespmem:v51+s22+$0x0], $0xffff  }
0x229: {  	v8 =	vadd.f32 v12, v8  }
0x22a: {  	v54 =	vld.idx.msk [tilespmem:v52+s22+$0x0], $0xffff  }
0x22b: {  	v8 =	vadd.f32 v13, v8;
	_ =	sdelay $0x1  }
0x22c: {  	v8 =	vadd.f32 v53, v8;
	_ =	sdelay $0x1  }
0x22d: {  	v55 =	vadd.s32 $0x258, v6;
	v8 =	vadd.f32 v54, v8  }
0x22e: {  	v56 =	vadd.s32 $0x258, v7  }
0x22f: {  	v8 =	vmul.f32 $1.250000000e-01, v8  }
0x230: {  	v57 =	vadd.s32 $0x258, v5  }
0x231: {  	[tilespmem:s19+$0x1F1A8] =	vst v8  }
0x232: {  	v58 =	vadd.s32 $0x258, v4;
	v8 =	vld.idx.msk [tilespmem:v55+s22+$0x0], $0xffff  }
0x233: {  	v10 =	vld.idx.msk [tilespmem:v56+s22+$0x0], $0xffff  }
0x234: {  	v59 =	vadd.s32 $0x258, v3  }
0x235: {  	v11 =	vld.idx.msk [tilespmem:v57+s22+$0x0], $0xffff  }
0x236: {  	v60 =	vadd.s32 $0x258, v1  }
0x237: {  	v9 =	vld.idx.msk [tilespmem:v58+s22+$0x0], $0xffff  }
0x238: {  	v61 =	vadd.s32 $0x258, v2;
	v8 =	vadd.f32 v10, v8  }
0x239: {  	v12 =	vld.idx.msk [tilespmem:v59+s22+$0x0], $0xffff  }
0x23a: {  	v62 =	vadd.s32 $0x258, v0;
	v8 =	vadd.f32 v11, v8  }
0x23b: {  	v13 =	vld.idx.msk [tilespmem:v60+s22+$0x0], $0xffff  }
0x23c: {  	v8 =	vadd.f32 v9, v8  }
0x23d: {  	v63 =	vld.idx.msk [tilespmem:v61+s22+$0x0], $0xffff  }
0x23e: {  	v8 =	vadd.f32 v12, v8  }
0x23f: {  	v12 =	vld.idx.msk [tilespmem:v62+s22+$0x0], $0xffff  }
0x240: {  	v8 =	vadd.f32 v13, v8;
	_ =	sdelay $0x1  }
0x241: {  	v8 =	vadd.f32 v63, v8;
	_ =	sdelay $0x1  }
0x242: {  	v14 =	vadd.s32 $0x270, v6;
	v8 =	vadd.f32 v12, v8  }
0x243: {  	v15 =	vadd.s32 $0x270, v7  }
0x244: {  	v8 =	vmul.f32 $1.250000000e-01, v8  }
0x245: {  	v16 =	vadd.s32 $0x270, v5  }
0x246: {  	[tilespmem:s19+$0x1F2A8] =	vst v8  }
0x247: {  	v17 =	vadd.s32 $0x270, v4;
	v8 =	vld.idx.msk [tilespmem:v14+s22+$0x0], $0xffff  }
0x248: {  	v10 =	vld.idx.msk [tilespmem:v15+s22+$0x0], $0xffff  }
0x249: {  	v18 =	vadd.s32 $0x270, v3  }
0x24a: {  	v11 =	vld.idx.msk [tilespmem:v16+s22+$0x0], $0xffff  }
0x24b: {  	v19 =	vadd.s32 $0x270, v1  }
0x24c: {  	v9 =	vld.idx.msk [tilespmem:v17+s22+$0x0], $0xffff  }
0x24d: {  	v20 =	vadd.s32 $0x270, v2;
	v8 =	vadd.f32 v10, v8  }
0x24e: {  	v12 =	vld.idx.msk [tilespmem:v18+s22+$0x0], $0xffff  }
0x24f: {  	v21 =	vadd.s32 $0x270, v0;
	v8 =	vadd.f32 v11, v8  }
0x250: {  	v13 =	vld.idx.msk [tilespmem:v19+s22+$0x0], $0xffff  }
0x251: {  	v8 =	vadd.f32 v9, v8  }
0x252: {  	v22 =	vld.idx.msk [tilespmem:v20+s22+$0x0], $0xffff  }
0x253: {  	v8 =	vadd.f32 v12, v8  }
0x254: {  	v23 =	vld.idx.msk [tilespmem:v21+s22+$0x0], $0xffff  }
0x255: {  	v8 =	vadd.f32 v13, v8;
	_ =	sdelay $0x1  }
0x256: {  	v8 =	vadd.f32 v22, v8;
	_ =	sdelay $0x1  }
0x257: {  	v24 =	vadd.s32 $0x288, v6;
	v8 =	vadd.f32 v23, v8  }
0x258: {  	v25 =	vadd.s32 $0x288, v7  }
0x259: {  	v8 =	vmul.f32 $1.250000000e-01, v8  }
0x25a: {  	v26 =	vadd.s32 $0x288, v5  }
0x25b: {  	[tilespmem:s19+$0x1F3A8] =	vst v8  }
0x25c: {  	v27 =	vadd.s32 $0x288, v4;
	v8 =	vld.idx.msk [tilespmem:v24+s22+$0x0], $0xffff  }
0x25d: {  	v10 =	vld.idx.msk [tilespmem:v25+s22+$0x0], $0xffff  }
0x25e: {  	v28 =	vadd.s32 $0x288, v3  }
0x25f: {  	v11 =	vld.idx.msk [tilespmem:v26+s22+$0x0], $0xffff  }
0x260: {  	v29 =	vadd.s32 $0x288, v1  }
0x261: {  	v9 =	vld.idx.msk [tilespmem:v27+s22+$0x0], $0xffff  }
0x262: {  	v30 =	vadd.s32 $0x288, v2;
	v8 =	vadd.f32 v10, v8  }
0x263: {  	v12 =	vld.idx.msk [tilespmem:v28+s22+$0x0], $0xffff  }
0x264: {  	v31 =	vadd.s32 $0x288, v0;
	v8 =	vadd.f32 v11, v8  }
0x265: {  	v13 =	vld.idx.msk [tilespmem:v29+s22+$0x0], $0xffff  }
0x266: {  	v8 =	vadd.f32 v9, v8  }
0x267: {  	v32 =	vld.idx.msk [tilespmem:v30+s22+$0x0], $0xffff  }
0x268: {  	v8 =	vadd.f32 v12, v8  }
0x269: {  	v33 =	vld.idx.msk [tilespmem:v31+s22+$0x0], $0xffff  }
0x26a: {  	v8 =	vadd.f32 v13, v8;
	_ =	sdelay $0x1  }
0x26b: {  	v8 =	vadd.f32 v32, v8;
	_ =	sdelay $0x1  }
0x26c: {  	v34 =	vadd.s32 $0x2A0, v6;
	v8 =	vadd.f32 v33, v8  }
0x26d: {  	v35 =	vadd.s32 $0x2A0, v7  }
0x26e: {  	v8 =	vmul.f32 $1.250000000e-01, v8  }
0x26f: {  	v36 =	vadd.s32 $0x2A0, v5  }
0x270: {  	[tilespmem:s19+$0x1F4A8] =	vst v8  }
0x271: {  	v37 =	vadd.s32 $0x2A0, v4;
	v8 =	vld.idx.msk [tilespmem:v34+s22+$0x0], $0xffff  }
0x272: {  	v10 =	vld.idx.msk [tilespmem:v35+s22+$0x0], $0xffff  }
0x273: {  	v38 =	vadd.s32 $0x2A0, v3  }
0x274: {  	v11 =	vld.idx.msk [tilespmem:v36+s22+$0x0], $0xffff  }
0x275: {  	v39 =	vadd.s32 $0x2A0, v1  }
0x276: {  	v9 =	vld.idx.msk [tilespmem:v37+s22+$0x0], $0xffff  }
0x277: {  	v40 =	vadd.s32 $0x2A0, v2;
	v8 =	vadd.f32 v10, v8  }
0x278: {  	v12 =	vld.idx.msk [tilespmem:v38+s22+$0x0], $0xffff  }
0x279: {  	v41 =	vadd.s32 $0x2A0, v0;
	v8 =	vadd.f32 v11, v8  }
0x27a: {  	v13 =	vld.idx.msk [tilespmem:v39+s22+$0x0], $0xffff  }
0x27b: {  	v8 =	vadd.f32 v9, v8  }
0x27c: {  	v42 =	vld.idx.msk [tilespmem:v40+s22+$0x0], $0xffff  }
0x27d: {  	v8 =	vadd.f32 v12, v8  }
0x27e: {  	v43 =	vld.idx.msk [tilespmem:v41+s22+$0x0], $0xffff  }
0x27f: {  	v8 =	vadd.f32 v13, v8;
	_ =	sdelay $0x1  }
0x280: {  	v8 =	vadd.f32 v42, v8;
	_ =	sdelay $0x1  }
0x281: {  	v44 =	vadd.s32 $0x2B8, v6;
	v8 =	vadd.f32 v43, v8  }
0x282: {  	v45 =	vadd.s32 $0x2B8, v7  }
0x283: {  	v8 =	vmul.f32 $1.250000000e-01, v8  }
0x284: {  	v46 =	vadd.s32 $0x2B8, v5  }
0x285: {  	[tilespmem:s19+$0x1F5A8] =	vst v8  }
0x286: {  	v47 =	vadd.s32 $0x2B8, v4;
	v8 =	vld.idx.msk [tilespmem:v44+s22+$0x0], $0xffff  }
0x287: {  	v10 =	vld.idx.msk [tilespmem:v45+s22+$0x0], $0xffff  }
0x288: {  	v48 =	vadd.s32 $0x2B8, v3  }
0x289: {  	v11 =	vld.idx.msk [tilespmem:v46+s22+$0x0], $0xffff  }
0x28a: {  	v49 =	vadd.s32 $0x2B8, v1  }
0x28b: {  	v9 =	vld.idx.msk [tilespmem:v47+s22+$0x0], $0xffff  }
0x28c: {  	v50 =	vadd.s32 $0x2B8, v2;
	v8 =	vadd.f32 v10, v8  }
0x28d: {  	v12 =	vld.idx.msk [tilespmem:v48+s22+$0x0], $0xffff  }
0x28e: {  	v51 =	vadd.s32 $0x2B8, v0;
	v8 =	vadd.f32 v11, v8  }
0x28f: {  	v13 =	vld.idx.msk [tilespmem:v49+s22+$0x0], $0xffff  }
0x290: {  	v8 =	vadd.f32 v9, v8  }
0x291: {  	v52 =	vld.idx.msk [tilespmem:v50+s22+$0x0], $0xffff  }
0x292: {  	v8 =	vadd.f32 v12, v8  }
0x293: {  	v53 =	vld.idx.msk [tilespmem:v51+s22+$0x0], $0xffff  }
0x294: {  	v8 =	vadd.f32 v13, v8;
	_ =	sdelay $0x1  }
0x295: {  	v8 =	vadd.f32 v52, v8;
	_ =	sdelay $0x1  }
0x296: {  	v54 =	vadd.s32 $0x2D0, v6;
	v8 =	vadd.f32 v53, v8  }
0x297: {  	v55 =	vadd.s32 $0x2D0, v7  }
0x298: {  	v8 =	vmul.f32 $1.250000000e-01, v8  }
0x299: {  	v56 =	vadd.s32 $0x2D0, v5  }
0x29a: {  	[tilespmem:s19+$0x1F6A8] =	vst v8  }
0x29b: {  	v57 =	vadd.s32 $0x2D0, v4;
	v8 =	vld.idx.msk [tilespmem:v54+s22+$0x0], $0xffff  }
0x29c: {  	v10 =	vld.idx.msk [tilespmem:v55+s22+$0x0], $0xffff  }
0x29d: {  	v58 =	vadd.s32 $0x2D0, v3  }
0x29e: {  	v11 =	vld.idx.msk [tilespmem:v56+s22+$0x0], $0xffff  }
0x29f: {  	v59 =	vadd.s32 $0x2D0, v1  }
0x2a0: {  	v9 =	vld.idx.msk [tilespmem:v57+s22+$0x0], $0xffff  }
0x2a1: {  	v60 =	vadd.s32 $0x2D0, v2;
	v8 =	vadd.f32 v10, v8  }
0x2a2: {  	v12 =	vld.idx.msk [tilespmem:v58+s22+$0x0], $0xffff  }
0x2a3: {  	v61 =	vadd.s32 $0x2D0, v0;
	v8 =	vadd.f32 v11, v8  }
0x2a4: {  	v13 =	vld.idx.msk [tilespmem:v59+s22+$0x0], $0xffff  }
0x2a5: {  	v8 =	vadd.f32 v9, v8  }
0x2a6: {  	v62 =	vld.idx.msk [tilespmem:v60+s22+$0x0], $0xffff  }
0x2a7: {  	v8 =	vadd.f32 v12, v8  }
0x2a8: {  	v63 =	vld.idx.msk [tilespmem:v61+s22+$0x0], $0xffff  }
0x2a9: {  	v8 =	vadd.f32 v13, v8;
	_ =	sdelay $0x1  }
0x2aa: {  	v8 =	vadd.f32 v62, v8;
	_ =	sdelay $0x1  }
0x2ab: {  	v6 =	vadd.s32 $0x2E8, v6;
	v8 =	vadd.f32 v63, v8  }
0x2ac: {  	v7 =	vadd.s32 $0x2E8, v7  }
0x2ad: {  	v8 =	vmul.f32 $1.250000000e-01, v8  }
0x2ae: {  	v5 =	vadd.s32 $0x2E8, v5  }
0x2af: {  	[tilespmem:s19+$0x1F7A8] =	vst v8  }
0x2b0: {  	v4 =	vadd.s32 $0x2E8, v4;
	v6 =	vld.idx.msk [tilespmem:v6+s22+$0x0], $0xffff  }
0x2b1: {  	v7 =	vld.idx.msk [tilespmem:v7+s22+$0x0], $0xffff  }
0x2b2: {  	v3 =	vadd.s32 $0x2E8, v3  }
0x2b3: {  	v5 =	vld.idx.msk [tilespmem:v5+s22+$0x0], $0xffff  }
0x2b4: {  	v1 =	vadd.s32 $0x2E8, v1  }
0x2b5: {  	v4 =	vld.idx.msk [tilespmem:v4+s22+$0x0], $0xffff  }
0x2b6: {  	v2 =	vadd.s32 $0x2E8, v2;
	v6 =	vadd.f32 v7, v6  }
0x2b7: {  	v3 =	vld.idx.msk [tilespmem:v3+s22+$0x0], $0xffff  }
0x2b8: {  	v0 =	vadd.s32 $0x2E8, v0;
	v5 =	vadd.f32 v5, v6  }
0x2b9: {  	v1 =	vld.idx.msk [tilespmem:v1+s22+$0x0], $0xffff  }
0x2ba: {  	v4 =	vadd.f32 v4, v5  }
0x2bb: {  	v2 =	vld.idx.msk [tilespmem:v2+s22+$0x0], $0xffff  }
0x2bc: {  	v3 =	vadd.f32 v3, v4  }
0x2bd: {  	v0 =	vld.idx.msk [tilespmem:v0+s22+$0x0], $0xffff  }
0x2be: {  	v1 =	vadd.f32 v1, v3;
	_ =	sdelay $0x1  }
0x2bf: {  	v1 =	vadd.f32 v2, v1  }
0x2c0: {  	p0 =	sne.s32 s2, $0x3C0  }
.Ltmp0:
0x2c1: {  	v0 =	vadd.f32 v0, v1;
	(pc) =	sbr.rel @p0 .LBB2_2-.Ltmp0, $3  }
0x2c2: {  	_ = 	snop  }
0x2c3: {  	v0 =	vmul.f32 $1.250000000e-01, v0;
	_ =	sdelay $0x1  }
0x2c4: {  	s2 =	sadd.s32 $0x40, s2;
	[tilespmem:s19+$0x1F8A8] =	vst v0  }
0x2c5: {  	[hbm4b:s7+s25] =	stream.strided.scatter [tilespmem:s26], [sflag:$0x5], $0x2000, s20, s25, $0x38;
	[tilespmem:$0x1F9A8] =	vst v63  }
0x2c6: {  	_ =	swait.ge [sflag:s28], $0x2000  }
0x2c7: {  	[sflag:s28] =	ssyncset.done $0x0  }
0x2c8: {  	s2 =	simm.s32 $0x0;
	[sflag:s28] =	ssyncadd.s32 $0xFFFFE000  }
.LBB2_4:
0x2c9: {  	s19 =	sshra.s32 s2, $0x2  }
0x2ca: {  	v6 =	vld [tilespmem:s19+$0x1C7A8]  }
0x2cb: {  	v7 =	vld [tilespmem:s19+$0x1C9A8];
	_ =	sdelay $0x1  }
0x2cc: {  	v5 =	vld [tilespmem:s19+$0x1CBA8];
	_ =	sdelay $0x1  }
0x2cd: {  	v4 =	vld [tilespmem:s19+$0x1CDA8]  }
0x2ce: {  	v3 =	vld [tilespmem:s19+$0x1CFA8]  }
0x2cf: {  	v1 =	vld [tilespmem:s19+$0x1D1A8]  }
0x2d0: {  	v8 =	vld.idx.msk [tilespmem:v6+s22+$0x0], $0xffff  }
0x2d1: {  	v9 =	vld.idx.msk [tilespmem:v7+s22+$0x0], $0xffff  }
0x2d2: {  	v2 =	vld [tilespmem:s19+$0x1D3A8]  }
0x2d3: {  	v10 =	vld.idx.msk [tilespmem:v5+s22+$0x0], $0xffff  }
0x2d4: {  	v0 =	vld [tilespmem:s19+$0x1D5A8]  }
0x2d5: {  	v11 =	vld.idx.msk [tilespmem:v4+s22+$0x0], $0xffff  }
0x2d6: {  	v8 =	vadd.f32 v9, v8  }
0x2d7: {  	v13 =	vld.idx.msk [tilespmem:v3+s22+$0x0], $0xffff  }
0x2d8: {  	v8 =	vadd.f32 v10, v8  }
0x2d9: {  	v14 =	vld.idx.msk [tilespmem:v1+s22+$0x0], $0xffff  }
0x2da: {  	v8 =	vadd.f32 v11, v8  }
0x2db: {  	v15 =	vld.idx.msk [tilespmem:v2+s22+$0x0], $0xffff  }
0x2dc: {  	v8 =	vadd.f32 v13, v8  }
0x2dd: {  	v16 =	vld.idx.msk [tilespmem:v0+s22+$0x0], $0xffff  }
0x2de: {  	v8 =	vadd.f32 v14, v8;
	_ =	sdelay $0x1  }
0x2df: {  	v8 =	vadd.f32 v15, v8;
	_ =	sdelay $0x1  }
0x2e0: {  	v17 =	vadd.s32 $0x18, v6;
	v8 =	vadd.f32 v16, v8  }
0x2e1: {  	v18 =	vadd.s32 $0x18, v7  }
0x2e2: {  	v8 =	vmul.f32 $1.250000000e-01, v8  }
0x2e3: {  	v19 =	vadd.s32 $0x18, v5  }
0x2e4: {  	[tilespmem:s19+$0x1D9A8] =	vst v8  }
0x2e5: {  	v20 =	vadd.s32 $0x18, v4;
	v8 =	vld.idx.msk [tilespmem:v17+s22+$0x0], $0xffff  }
0x2e6: {  	v10 =	vld.idx.msk [tilespmem:v18+s22+$0x0], $0xffff  }
0x2e7: {  	v12 =	vadd.s32 $0x18, v3  }
0x2e8: {  	v11 =	vld.idx.msk [tilespmem:v19+s22+$0x0], $0xffff  }
0x2e9: {  	v13 =	vadd.s32 $0x18, v1  }
0x2ea: {  	v9 =	vld.idx.msk [tilespmem:v20+s22+$0x0], $0xffff  }
0x2eb: {  	v21 =	vadd.s32 $0x18, v2;
	v8 =	vadd.f32 v10, v8  }
0x2ec: {  	v12 =	vld.idx.msk [tilespmem:v12+s22+$0x0], $0xffff  }
0x2ed: {  	v22 =	vadd.s32 $0x18, v0;
	v8 =	vadd.f32 v11, v8  }
0x2ee: {  	v13 =	vld.idx.msk [tilespmem:v13+s22+$0x0], $0xffff  }
0x2ef: {  	v8 =	vadd.f32 v9, v8  }
0x2f0: {  	v23 =	vld.idx.msk [tilespmem:v21+s22+$0x0], $0xffff  }
0x2f1: {  	v8 =	vadd.f32 v12, v8  }
0x2f2: {  	v24 =	vld.idx.msk [tilespmem:v22+s22+$0x0], $0xffff  }
0x2f3: {  	v8 =	vadd.f32 v13, v8;
	_ =	sdelay $0x1  }
0x2f4: {  	v8 =	vadd.f32 v23, v8;
	_ =	sdelay $0x1  }
0x2f5: {  	v25 =	vadd.s32 $0x30, v6;
	v8 =	vadd.f32 v24, v8  }
0x2f6: {  	v26 =	vadd.s32 $0x30, v7  }
0x2f7: {  	v8 =	vmul.f32 $1.250000000e-01, v8  }
0x2f8: {  	v27 =	vadd.s32 $0x30, v5  }
0x2f9: {  	[tilespmem:s19+$0x1DAA8] =	vst v8  }
0x2fa: {  	v28 =	vadd.s32 $0x30, v4;
	v8 =	vld.idx.msk [tilespmem:v25+s22+$0x0], $0xffff  }
0x2fb: {  	v10 =	vld.idx.msk [tilespmem:v26+s22+$0x0], $0xffff  }
0x2fc: {  	v29 =	vadd.s32 $0x30, v3  }
0x2fd: {  	v11 =	vld.idx.msk [tilespmem:v27+s22+$0x0], $0xffff  }
0x2fe: {  	v30 =	vadd.s32 $0x30, v1  }
0x2ff: {  	v9 =	vld.idx.msk [tilespmem:v28+s22+$0x0], $0xffff  }
0x300: {  	v31 =	vadd.s32 $0x30, v2;
	v8 =	vadd.f32 v10, v8  }
0x301: {  	v12 =	vld.idx.msk [tilespmem:v29+s22+$0x0], $0xffff  }
0x302: {  	v32 =	vadd.s32 $0x30, v0;
	v8 =	vadd.f32 v11, v8  }
0x303: {  	v13 =	vld.idx.msk [tilespmem:v30+s22+$0x0], $0xffff  }
0x304: {  	v8 =	vadd.f32 v9, v8  }
0x305: {  	v33 =	vld.idx.msk [tilespmem:v31+s22+$0x0], $0xffff  }
0x306: {  	v8 =	vadd.f32 v12, v8  }
0x307: {  	v34 =	vld.idx.msk [tilespmem:v32+s22+$0x0], $0xffff  }
0x308: {  	v8 =	vadd.f32 v13, v8;
	_ =	sdelay $0x1  }
0x309: {  	v8 =	vadd.f32 v33, v8;
	_ =	sdelay $0x1  }
0x30a: {  	v35 =	vadd.s32 $0x48, v6;
	v8 =	vadd.f32 v34, v8  }
0x30b: {  	v36 =	vadd.s32 $0x48, v7  }
0x30c: {  	v8 =	vmul.f32 $1.250000000e-01, v8  }
0x30d: {  	v37 =	vadd.s32 $0x48, v5  }
0x30e: {  	[tilespmem:s19+$0x1DBA8] =	vst v8  }
0x30f: {  	v38 =	vadd.s32 $0x48, v4;
	v8 =	vld.idx.msk [tilespmem:v35+s22+$0x0], $0xffff  }
0x310: {  	v10 =	vld.idx.msk [tilespmem:v36+s22+$0x0], $0xffff  }
0x311: {  	v39 =	vadd.s32 $0x48, v3  }
0x312: {  	v11 =	vld.idx.msk [tilespmem:v37+s22+$0x0], $0xffff  }
0x313: {  	v40 =	vadd.s32 $0x48, v1  }
0x314: {  	v9 =	vld.idx.msk [tilespmem:v38+s22+$0x0], $0xffff  }
0x315: {  	v41 =	vadd.s32 $0x48, v2;
	v8 =	vadd.f32 v10, v8  }
0x316: {  	v12 =	vld.idx.msk [tilespmem:v39+s22+$0x0], $0xffff  }
0x317: {  	v42 =	vadd.s32 $0x48, v0;
	v8 =	vadd.f32 v11, v8  }
0x318: {  	v13 =	vld.idx.msk [tilespmem:v40+s22+$0x0], $0xffff  }
0x319: {  	v8 =	vadd.f32 v9, v8  }
0x31a: {  	v43 =	vld.idx.msk [tilespmem:v41+s22+$0x0], $0xffff  }
0x31b: {  	v8 =	vadd.f32 v12, v8  }
0x31c: {  	v44 =	vld.idx.msk [tilespmem:v42+s22+$0x0], $0xffff  }
0x31d: {  	v8 =	vadd.f32 v13, v8;
	_ =	sdelay $0x1  }
0x31e: {  	v8 =	vadd.f32 v43, v8;
	_ =	sdelay $0x1  }
0x31f: {  	v45 =	vadd.s32 $0x60, v6;
	v8 =	vadd.f32 v44, v8  }
0x320: {  	v46 =	vadd.s32 $0x60, v7  }
0x321: {  	v8 =	vmul.f32 $1.250000000e-01, v8  }
0x322: {  	v47 =	vadd.s32 $0x60, v5  }
0x323: {  	[tilespmem:s19+$0x1DCA8] =	vst v8  }
0x324: {  	v48 =	vadd.s32 $0x60, v4;
	v8 =	vld.idx.msk [tilespmem:v45+s22+$0x0], $0xffff  }
0x325: {  	v10 =	vld.idx.msk [tilespmem:v46+s22+$0x0], $0xffff  }
0x326: {  	v49 =	vadd.s32 $0x60, v3  }
0x327: {  	v11 =	vld.idx.msk [tilespmem:v47+s22+$0x0], $0xffff  }
0x328: {  	v50 =	vadd.s32 $0x60, v1  }
0x329: {  	v9 =	vld.idx.msk [tilespmem:v48+s22+$0x0], $0xffff  }
0x32a: {  	v51 =	vadd.s32 $0x60, v2;
	v8 =	vadd.f32 v10, v8  }
0x32b: {  	v12 =	vld.idx.msk [tilespmem:v49+s22+$0x0], $0xffff  }
0x32c: {  	v52 =	vadd.s32 $0x60, v0;
	v8 =	vadd.f32 v11, v8  }
0x32d: {  	v13 =	vld.idx.msk [tilespmem:v50+s22+$0x0], $0xffff  }
0x32e: {  	v8 =	vadd.f32 v9, v8  }
0x32f: {  	v53 =	vld.idx.msk [tilespmem:v51+s22+$0x0], $0xffff  }
0x330: {  	v8 =	vadd.f32 v12, v8  }
0x331: {  	v54 =	vld.idx.msk [tilespmem:v52+s22+$0x0], $0xffff  }
0x332: {  	v8 =	vadd.f32 v13, v8;
	_ =	sdelay $0x1  }
0x333: {  	v8 =	vadd.f32 v53, v8;
	_ =	sdelay $0x1  }
0x334: {  	v55 =	vadd.s32 $0x78, v6;
	v8 =	vadd.f32 v54, v8  }
0x335: {  	v56 =	vadd.s32 $0x78, v7  }
0x336: {  	v8 =	vmul.f32 $1.250000000e-01, v8  }
0x337: {  	v57 =	vadd.s32 $0x78, v5  }
0x338: {  	[tilespmem:s19+$0x1DDA8] =	vst v8  }
0x339: {  	v58 =	vadd.s32 $0x78, v4;
	v8 =	vld.idx.msk [tilespmem:v55+s22+$0x0], $0xffff  }
0x33a: {  	v10 =	vld.idx.msk [tilespmem:v56+s22+$0x0], $0xffff  }
0x33b: {  	v59 =	vadd.s32 $0x78, v3  }
0x33c: {  	v11 =	vld.idx.msk [tilespmem:v57+s22+$0x0], $0xffff  }
0x33d: {  	v60 =	vadd.s32 $0x78, v1  }
0x33e: {  	v9 =	vld.idx.msk [tilespmem:v58+s22+$0x0], $0xffff  }
0x33f: {  	v61 =	vadd.s32 $0x78, v2;
	v8 =	vadd.f32 v10, v8  }
0x340: {  	v12 =	vld.idx.msk [tilespmem:v59+s22+$0x0], $0xffff  }
0x341: {  	v62 =	vadd.s32 $0x78, v0;
	v8 =	vadd.f32 v11, v8  }
0x342: {  	v13 =	vld.idx.msk [tilespmem:v60+s22+$0x0], $0xffff  }
0x343: {  	v8 =	vadd.f32 v9, v8  }
0x344: {  	v63 =	vld.idx.msk [tilespmem:v61+s22+$0x0], $0xffff  }
0x345: {  	v8 =	vadd.f32 v12, v8  }
0x346: {  	v14 =	vld.idx.msk [tilespmem:v62+s22+$0x0], $0xffff  }
0x347: {  	v8 =	vadd.f32 v13, v8;
	_ =	sdelay $0x1  }
0x348: {  	v8 =	vadd.f32 v63, v8;
	_ =	sdelay $0x1  }
0x349: {  	v15 =	vadd.s32 $0x90, v6;
	v8 =	vadd.f32 v14, v8  }
0x34a: {  	v16 =	vadd.s32 $0x90, v7  }
0x34b: {  	v8 =	vmul.f32 $1.250000000e-01, v8  }
0x34c: {  	v17 =	vadd.s32 $0x90, v5  }
0x34d: {  	[tilespmem:s19+$0x1DEA8] =	vst v8  }
0x34e: {  	v18 =	vadd.s32 $0x90, v4;
	v8 =	vld.idx.msk [tilespmem:v15+s22+$0x0], $0xffff  }
0x34f: {  	v10 =	vld.idx.msk [tilespmem:v16+s22+$0x0], $0xffff  }
0x350: {  	v19 =	vadd.s32 $0x90, v3  }
0x351: {  	v11 =	vld.idx.msk [tilespmem:v17+s22+$0x0], $0xffff  }
0x352: {  	v20 =	vadd.s32 $0x90, v1  }
0x353: {  	v9 =	vld.idx.msk [tilespmem:v18+s22+$0x0], $0xffff  }
0x354: {  	v21 =	vadd.s32 $0x90, v2;
	v8 =	vadd.f32 v10, v8  }
0x355: {  	v12 =	vld.idx.msk [tilespmem:v19+s22+$0x0], $0xffff  }
0x356: {  	v22 =	vadd.s32 $0x90, v0;
	v8 =	vadd.f32 v11, v8  }
0x357: {  	v13 =	vld.idx.msk [tilespmem:v20+s22+$0x0], $0xffff  }
0x358: {  	v8 =	vadd.f32 v9, v8  }
0x359: {  	v23 =	vld.idx.msk [tilespmem:v21+s22+$0x0], $0xffff  }
0x35a: {  	v8 =	vadd.f32 v12, v8  }
0x35b: {  	v24 =	vld.idx.msk [tilespmem:v22+s22+$0x0], $0xffff  }
0x35c: {  	v8 =	vadd.f32 v13, v8;
	_ =	sdelay $0x1  }
0x35d: {  	v8 =	vadd.f32 v23, v8;
	_ =	sdelay $0x1  }
0x35e: {  	v25 =	vadd.s32 $0xA8, v6;
	v8 =	vadd.f32 v24, v8  }
0x35f: {  	v26 =	vadd.s32 $0xA8, v7  }
0x360: {  	v8 =	vmul.f32 $1.250000000e-01, v8  }
0x361: {  	v27 =	vadd.s32 $0xA8, v5  }
0x362: {  	[tilespmem:s19+$0x1DFA8] =	vst v8  }
0x363: {  	v28 =	vadd.s32 $0xA8, v4;
	v8 =	vld.idx.msk [tilespmem:v25+s22+$0x0], $0xffff  }
0x364: {  	v10 =	vld.idx.msk [tilespmem:v26+s22+$0x0], $0xffff  }
0x365: {  	v29 =	vadd.s32 $0xA8, v3  }
0x366: {  	v11 =	vld.idx.msk [tilespmem:v27+s22+$0x0], $0xffff  }
0x367: {  	v30 =	vadd.s32 $0xA8, v1  }
0x368: {  	v9 =	vld.idx.msk [tilespmem:v28+s22+$0x0], $0xffff  }
0x369: {  	v31 =	vadd.s32 $0xA8, v2;
	v8 =	vadd.f32 v10, v8  }
0x36a: {  	v12 =	vld.idx.msk [tilespmem:v29+s22+$0x0], $0xffff  }
0x36b: {  	v32 =	vadd.s32 $0xA8, v0;
	v8 =	vadd.f32 v11, v8  }
0x36c: {  	v13 =	vld.idx.msk [tilespmem:v30+s22+$0x0], $0xffff  }
0x36d: {  	v8 =	vadd.f32 v9, v8  }
0x36e: {  	v33 =	vld.idx.msk [tilespmem:v31+s22+$0x0], $0xffff  }
0x36f: {  	v8 =	vadd.f32 v12, v8  }
0x370: {  	v34 =	vld.idx.msk [tilespmem:v32+s22+$0x0], $0xffff  }
0x371: {  	v8 =	vadd.f32 v13, v8;
	_ =	sdelay $0x1  }
0x372: {  	v8 =	vadd.f32 v33, v8;
	_ =	sdelay $0x1  }
0x373: {  	v35 =	vadd.s32 $0xC0, v6;
	v8 =	vadd.f32 v34, v8  }
0x374: {  	v36 =	vadd.s32 $0xC0, v7  }
0x375: {  	v8 =	vmul.f32 $1.250000000e-01, v8  }
0x376: {  	v37 =	vadd.s32 $0xC0, v5  }
0x377: {  	[tilespmem:s19+$0x1E0A8] =	vst v8  }
0x378: {  	v38 =	vadd.s32 $0xC0, v4;
	v8 =	vld.idx.msk [tilespmem:v35+s22+$0x0], $0xffff  }
0x379: {  	v10 =	vld.idx.msk [tilespmem:v36+s22+$0x0], $0xffff  }
0x37a: {  	v39 =	vadd.s32 $0xC0, v3  }
0x37b: {  	v11 =	vld.idx.msk [tilespmem:v37+s22+$0x0], $0xffff  }
0x37c: {  	v40 =	vadd.s32 $0xC0, v1  }
0x37d: {  	v9 =	vld.idx.msk [tilespmem:v38+s22+$0x0], $0xffff  }
0x37e: {  	v41 =	vadd.s32 $0xC0, v2;
	v8 =	vadd.f32 v10, v8  }
0x37f: {  	v12 =	vld.idx.msk [tilespmem:v39+s22+$0x0], $0xffff  }
0x380: {  	v42 =	vadd.s32 $0xC0, v0;
	v8 =	vadd.f32 v11, v8  }
0x381: {  	v13 =	vld.idx.msk [tilespmem:v40+s22+$0x0], $0xffff  }
0x382: {  	v8 =	vadd.f32 v9, v8  }
0x383: {  	v43 =	vld.idx.msk [tilespmem:v41+s22+$0x0], $0xffff  }
0x384: {  	v8 =	vadd.f32 v12, v8  }
0x385: {  	v44 =	vld.idx.msk [tilespmem:v42+s22+$0x0], $0xffff  }
0x386: {  	v8 =	vadd.f32 v13, v8;
	_ =	sdelay $0x1  }
0x387: {  	v8 =	vadd.f32 v43, v8;
	_ =	sdelay $0x1  }
0x388: {  	v45 =	vadd.s32 $0xD8, v6;
	v8 =	vadd.f32 v44, v8  }
0x389: {  	v46 =	vadd.s32 $0xD8, v7  }
0x38a: {  	v8 =	vmul.f32 $1.250000000e-01, v8  }
0x38b: {  	v47 =	vadd.s32 $0xD8, v5  }
0x38c: {  	[tilespmem:s19+$0x1E1A8] =	vst v8  }
0x38d: {  	v48 =	vadd.s32 $0xD8, v4;
	v8 =	vld.idx.msk [tilespmem:v45+s22+$0x0], $0xffff  }
0x38e: {  	v10 =	vld.idx.msk [tilespmem:v46+s22+$0x0], $0xffff  }
0x38f: {  	v49 =	vadd.s32 $0xD8, v3  }
0x390: {  	v11 =	vld.idx.msk [tilespmem:v47+s22+$0x0], $0xffff  }
0x391: {  	v50 =	vadd.s32 $0xD8, v1  }
0x392: {  	v9 =	vld.idx.msk [tilespmem:v48+s22+$0x0], $0xffff  }
0x393: {  	v51 =	vadd.s32 $0xD8, v2;
	v8 =	vadd.f32 v10, v8  }
0x394: {  	v12 =	vld.idx.msk [tilespmem:v49+s22+$0x0], $0xffff  }
0x395: {  	v52 =	vadd.s32 $0xD8, v0;
	v8 =	vadd.f32 v11, v8  }
0x396: {  	v13 =	vld.idx.msk [tilespmem:v50+s22+$0x0], $0xffff  }
0x397: {  	v8 =	vadd.f32 v9, v8  }
0x398: {  	v53 =	vld.idx.msk [tilespmem:v51+s22+$0x0], $0xffff  }
0x399: {  	v8 =	vadd.f32 v12, v8  }
0x39a: {  	v54 =	vld.idx.msk [tilespmem:v52+s22+$0x0], $0xffff  }
0x39b: {  	v8 =	vadd.f32 v13, v8;
	_ =	sdelay $0x1  }
0x39c: {  	v8 =	vadd.f32 v53, v8;
	_ =	sdelay $0x1  }
0x39d: {  	v55 =	vadd.s32 $0xF0, v6;
	v8 =	vadd.f32 v54, v8  }
0x39e: {  	v56 =	vadd.s32 $0xF0, v7  }
0x39f: {  	v8 =	vmul.f32 $1.250000000e-01, v8  }
0x3a0: {  	v57 =	vadd.s32 $0xF0, v5  }
0x3a1: {  	[tilespmem:s19+$0x1E2A8] =	vst v8  }
0x3a2: {  	v58 =	vadd.s32 $0xF0, v4;
	v8 =	vld.idx.msk [tilespmem:v55+s22+$0x0], $0xffff  }
0x3a3: {  	v10 =	vld.idx.msk [tilespmem:v56+s22+$0x0], $0xffff  }
0x3a4: {  	v59 =	vadd.s32 $0xF0, v3  }
0x3a5: {  	v11 =	vld.idx.msk [tilespmem:v57+s22+$0x0], $0xffff  }
0x3a6: {  	v60 =	vadd.s32 $0xF0, v1  }
0x3a7: {  	v9 =	vld.idx.msk [tilespmem:v58+s22+$0x0], $0xffff  }
0x3a8: {  	v61 =	vadd.s32 $0xF0, v2;
	v8 =	vadd.f32 v10, v8  }
0x3a9: {  	v12 =	vld.idx.msk [tilespmem:v59+s22+$0x0], $0xffff  }
0x3aa: {  	v62 =	vadd.s32 $0xF0, v0;
	v8 =	vadd.f32 v11, v8  }
0x3ab: {  	v13 =	vld.idx.msk [tilespmem:v60+s22+$0x0], $0xffff  }
0x3ac: {  	v8 =	vadd.f32 v9, v8  }
0x3ad: {  	v63 =	vld.idx.msk [tilespmem:v61+s22+$0x0], $0xffff  }
0x3ae: {  	v8 =	vadd.f32 v12, v8  }
0x3af: {  	v14 =	vld.idx.msk [tilespmem:v62+s22+$0x0], $0xffff  }
0x3b0: {  	v8 =	vadd.f32 v13, v8;
	_ =	sdelay $0x1  }
0x3b1: {  	v8 =	vadd.f32 v63, v8;
	_ =	sdelay $0x1  }
0x3b2: {  	v15 =	vadd.s32 $0x108, v6;
	v8 =	vadd.f32 v14, v8  }
0x3b3: {  	v16 =	vadd.s32 $0x108, v7  }
0x3b4: {  	v8 =	vmul.f32 $1.250000000e-01, v8  }
0x3b5: {  	v17 =	vadd.s32 $0x108, v5  }
0x3b6: {  	[tilespmem:s19+$0x1E3A8] =	vst v8  }
0x3b7: {  	v18 =	vadd.s32 $0x108, v4;
	v8 =	vld.idx.msk [tilespmem:v15+s22+$0x0], $0xffff  }
0x3b8: {  	v10 =	vld.idx.msk [tilespmem:v16+s22+$0x0], $0xffff  }
0x3b9: {  	v19 =	vadd.s32 $0x108, v3  }
0x3ba: {  	v11 =	vld.idx.msk [tilespmem:v17+s22+$0x0], $0xffff  }
0x3bb: {  	v20 =	vadd.s32 $0x108, v1  }
0x3bc: {  	v9 =	vld.idx.msk [tilespmem:v18+s22+$0x0], $0xffff  }
0x3bd: {  	v21 =	vadd.s32 $0x108, v2;
	v8 =	vadd.f32 v10, v8  }
0x3be: {  	v12 =	vld.idx.msk [tilespmem:v19+s22+$0x0], $0xffff  }
0x3bf: {  	v22 =	vadd.s32 $0x108, v0;
	v8 =	vadd.f32 v11, v8  }
0x3c0: {  	v13 =	vld.idx.msk [tilespmem:v20+s22+$0x0], $0xffff  }
0x3c1: {  	v8 =	vadd.f32 v9, v8  }
0x3c2: {  	v23 =	vld.idx.msk [tilespmem:v21+s22+$0x0], $0xffff  }
0x3c3: {  	v8 =	vadd.f32 v12, v8  }
0x3c4: {  	v24 =	vld.idx.msk [tilespmem:v22+s22+$0x0], $0xffff  }
0x3c5: {  	v8 =	vadd.f32 v13, v8;
	_ =	sdelay $0x1  }
0x3c6: {  	v8 =	vadd.f32 v23, v8;
	_ =	sdelay $0x1  }
0x3c7: {  	v25 =	vadd.s32 $0x120, v6;
	v8 =	vadd.f32 v24, v8  }
0x3c8: {  	v26 =	vadd.s32 $0x120, v7  }
0x3c9: {  	v8 =	vmul.f32 $1.250000000e-01, v8  }
0x3ca: {  	v27 =	vadd.s32 $0x120, v5  }
0x3cb: {  	[tilespmem:s19+$0x1E4A8] =	vst v8  }
0x3cc: {  	v28 =	vadd.s32 $0x120, v4;
	v8 =	vld.idx.msk [tilespmem:v25+s22+$0x0], $0xffff  }
0x3cd: {  	v10 =	vld.idx.msk [tilespmem:v26+s22+$0x0], $0xffff  }
0x3ce: {  	v29 =	vadd.s32 $0x120, v3  }
0x3cf: {  	v11 =	vld.idx.msk [tilespmem:v27+s22+$0x0], $0xffff  }
0x3d0: {  	v30 =	vadd.s32 $0x120, v1  }
0x3d1: {  	v9 =	vld.idx.msk [tilespmem:v28+s22+$0x0], $0xffff  }
0x3d2: {  	v31 =	vadd.s32 $0x120, v2;
	v8 =	vadd.f32 v10, v8  }
0x3d3: {  	v12 =	vld.idx.msk [tilespmem:v29+s22+$0x0], $0xffff  }
0x3d4: {  	v32 =	vadd.s32 $0x120, v0;
	v8 =	vadd.f32 v11, v8  }
0x3d5: {  	v13 =	vld.idx.msk [tilespmem:v30+s22+$0x0], $0xffff  }
0x3d6: {  	v8 =	vadd.f32 v9, v8  }
0x3d7: {  	v33 =	vld.idx.msk [tilespmem:v31+s22+$0x0], $0xffff  }
0x3d8: {  	v8 =	vadd.f32 v12, v8  }
0x3d9: {  	v34 =	vld.idx.msk [tilespmem:v32+s22+$0x0], $0xffff  }
0x3da: {  	v8 =	vadd.f32 v13, v8;
	_ =	sdelay $0x1  }
0x3db: {  	v8 =	vadd.f32 v33, v8;
	_ =	sdelay $0x1  }
0x3dc: {  	v35 =	vadd.s32 $0x138, v6;
	v8 =	vadd.f32 v34, v8  }
0x3dd: {  	v36 =	vadd.s32 $0x138, v7  }
0x3de: {  	v8 =	vmul.f32 $1.250000000e-01, v8  }
0x3df: {  	v37 =	vadd.s32 $0x138, v5  }
0x3e0: {  	[tilespmem:s19+$0x1E5A8] =	vst v8  }
0x3e1: {  	v38 =	vadd.s32 $0x138, v4;
	v8 =	vld.idx.msk [tilespmem:v35+s22+$0x0], $0xffff  }
0x3e2: {  	v10 =	vld.idx.msk [tilespmem:v36+s22+$0x0], $0xffff  }
0x3e3: {  	v39 =	vadd.s32 $0x138, v3  }
0x3e4: {  	v11 =	vld.idx.msk [tilespmem:v37+s22+$0x0], $0xffff  }
0x3e5: {  	v40 =	vadd.s32 $0x138, v1  }
0x3e6: {  	v9 =	vld.idx.msk [tilespmem:v38+s22+$0x0], $0xffff  }
0x3e7: {  	v41 =	vadd.s32 $0x138, v2;
	v8 =	vadd.f32 v10, v8  }
0x3e8: {  	v12 =	vld.idx.msk [tilespmem:v39+s22+$0x0], $0xffff  }
0x3e9: {  	v42 =	vadd.s32 $0x138, v0;
	v8 =	vadd.f32 v11, v8  }
0x3ea: {  	v13 =	vld.idx.msk [tilespmem:v40+s22+$0x0], $0xffff  }
0x3eb: {  	v8 =	vadd.f32 v9, v8  }
0x3ec: {  	v43 =	vld.idx.msk [tilespmem:v41+s22+$0x0], $0xffff  }
0x3ed: {  	v8 =	vadd.f32 v12, v8  }
0x3ee: {  	v44 =	vld.idx.msk [tilespmem:v42+s22+$0x0], $0xffff  }
0x3ef: {  	v8 =	vadd.f32 v13, v8;
	_ =	sdelay $0x1  }
0x3f0: {  	v8 =	vadd.f32 v43, v8;
	_ =	sdelay $0x1  }
0x3f1: {  	v45 =	vadd.s32 $0x150, v6;
	v8 =	vadd.f32 v44, v8  }
0x3f2: {  	v46 =	vadd.s32 $0x150, v7  }
0x3f3: {  	v8 =	vmul.f32 $1.250000000e-01, v8  }
0x3f4: {  	v47 =	vadd.s32 $0x150, v5  }
0x3f5: {  	[tilespmem:s19+$0x1E6A8] =	vst v8  }
0x3f6: {  	v48 =	vadd.s32 $0x150, v4;
	v8 =	vld.idx.msk [tilespmem:v45+s22+$0x0], $0xffff  }
0x3f7: {  	v10 =	vld.idx.msk [tilespmem:v46+s22+$0x0], $0xffff  }
0x3f8: {  	v49 =	vadd.s32 $0x150, v3  }
0x3f9: {  	v11 =	vld.idx.msk [tilespmem:v47+s22+$0x0], $0xffff  }
0x3fa: {  	v50 =	vadd.s32 $0x150, v1  }
0x3fb: {  	v9 =	vld.idx.msk [tilespmem:v48+s22+$0x0], $0xffff  }
0x3fc: {  	v51 =	vadd.s32 $0x150, v2;
	v8 =	vadd.f32 v10, v8  }
0x3fd: {  	v12 =	vld.idx.msk [tilespmem:v49+s22+$0x0], $0xffff  }
0x3fe: {  	v52 =	vadd.s32 $0x150, v0;
	v8 =	vadd.f32 v11, v8  }
0x3ff: {  	v13 =	vld.idx.msk [tilespmem:v50+s22+$0x0], $0xffff  }
0x400: {  	v8 =	vadd.f32 v9, v8  }
0x401: {  	v53 =	vld.idx.msk [tilespmem:v51+s22+$0x0], $0xffff  }
0x402: {  	v8 =	vadd.f32 v12, v8  }
0x403: {  	v54 =	vld.idx.msk [tilespmem:v52+s22+$0x0], $0xffff  }
0x404: {  	v8 =	vadd.f32 v13, v8;
	_ =	sdelay $0x1  }
0x405: {  	v8 =	vadd.f32 v53, v8;
	_ =	sdelay $0x1  }
0x406: {  	v55 =	vadd.s32 $0x168, v6;
	v8 =	vadd.f32 v54, v8  }
0x407: {  	v56 =	vadd.s32 $0x168, v7  }
0x408: {  	v8 =	vmul.f32 $1.250000000e-01, v8  }
0x409: {  	v57 =	vadd.s32 $0x168, v5  }
0x40a: {  	[tilespmem:s19+$0x1E7A8] =	vst v8  }
0x40b: {  	v58 =	vadd.s32 $0x168, v4;
	v8 =	vld.idx.msk [tilespmem:v55+s22+$0x0], $0xffff  }
0x40c: {  	v10 =	vld.idx.msk [tilespmem:v56+s22+$0x0], $0xffff  }
0x40d: {  	v59 =	vadd.s32 $0x168, v3  }
0x40e: {  	v11 =	vld.idx.msk [tilespmem:v57+s22+$0x0], $0xffff  }
0x40f: {  	v60 =	vadd.s32 $0x168, v1  }
0x410: {  	v9 =	vld.idx.msk [tilespmem:v58+s22+$0x0], $0xffff  }
0x411: {  	v61 =	vadd.s32 $0x168, v2;
	v8 =	vadd.f32 v10, v8  }
0x412: {  	v12 =	vld.idx.msk [tilespmem:v59+s22+$0x0], $0xffff  }
0x413: {  	v62 =	vadd.s32 $0x168, v0;
	v8 =	vadd.f32 v11, v8  }
0x414: {  	v13 =	vld.idx.msk [tilespmem:v60+s22+$0x0], $0xffff  }
0x415: {  	v8 =	vadd.f32 v9, v8  }
0x416: {  	v63 =	vld.idx.msk [tilespmem:v61+s22+$0x0], $0xffff  }
0x417: {  	v8 =	vadd.f32 v12, v8  }
0x418: {  	v14 =	vld.idx.msk [tilespmem:v62+s22+$0x0], $0xffff  }
0x419: {  	v8 =	vadd.f32 v13, v8;
	_ =	sdelay $0x1  }
0x41a: {  	v8 =	vadd.f32 v63, v8;
	_ =	sdelay $0x1  }
0x41b: {  	v15 =	vadd.s32 $0x180, v6;
	v8 =	vadd.f32 v14, v8  }
0x41c: {  	v16 =	vadd.s32 $0x180, v7  }
0x41d: {  	v8 =	vmul.f32 $1.250000000e-01, v8  }
0x41e: {  	v17 =	vadd.s32 $0x180, v5  }
0x41f: {  	[tilespmem:s19+$0x1E8A8] =	vst v8  }
0x420: {  	v18 =	vadd.s32 $0x180, v4;
	v8 =	vld.idx.msk [tilespmem:v15+s22+$0x0], $0xffff  }
0x421: {  	v10 =	vld.idx.msk [tilespmem:v16+s22+$0x0], $0xffff  }
0x422: {  	v19 =	vadd.s32 $0x180, v3  }
0x423: {  	v11 =	vld.idx.msk [tilespmem:v17+s22+$0x0], $0xffff  }
0x424: {  	v20 =	vadd.s32 $0x180, v1  }
0x425: {  	v9 =	vld.idx.msk [tilespmem:v18+s22+$0x0], $0xffff  }
0x426: {  	v21 =	vadd.s32 $0x180, v2;
	v8 =	vadd.f32 v10, v8  }
0x427: {  	v12 =	vld.idx.msk [tilespmem:v19+s22+$0x0], $0xffff  }
0x428: {  	v22 =	vadd.s32 $0x180, v0;
	v8 =	vadd.f32 v11, v8  }
0x429: {  	v13 =	vld.idx.msk [tilespmem:v20+s22+$0x0], $0xffff  }
0x42a: {  	v8 =	vadd.f32 v9, v8  }
0x42b: {  	v23 =	vld.idx.msk [tilespmem:v21+s22+$0x0], $0xffff  }
0x42c: {  	v8 =	vadd.f32 v12, v8  }
0x42d: {  	v24 =	vld.idx.msk [tilespmem:v22+s22+$0x0], $0xffff  }
0x42e: {  	v8 =	vadd.f32 v13, v8;
	_ =	sdelay $0x1  }
0x42f: {  	v8 =	vadd.f32 v23, v8;
	_ =	sdelay $0x1  }
0x430: {  	v25 =	vadd.s32 $0x198, v6;
	v8 =	vadd.f32 v24, v8  }
0x431: {  	v26 =	vadd.s32 $0x198, v7  }
0x432: {  	v8 =	vmul.f32 $1.250000000e-01, v8  }
0x433: {  	v27 =	vadd.s32 $0x198, v5  }
0x434: {  	[tilespmem:s19+$0x1E9A8] =	vst v8  }
0x435: {  	v28 =	vadd.s32 $0x198, v4;
	v8 =	vld.idx.msk [tilespmem:v25+s22+$0x0], $0xffff  }
0x436: {  	v10 =	vld.idx.msk [tilespmem:v26+s22+$0x0], $0xffff  }
0x437: {  	v29 =	vadd.s32 $0x198, v3  }
0x438: {  	v11 =	vld.idx.msk [tilespmem:v27+s22+$0x0], $0xffff  }
0x439: {  	v30 =	vadd.s32 $0x198, v1  }
0x43a: {  	v9 =	vld.idx.msk [tilespmem:v28+s22+$0x0], $0xffff  }
0x43b: {  	v31 =	vadd.s32 $0x198, v2;
	v8 =	vadd.f32 v10, v8  }
0x43c: {  	v12 =	vld.idx.msk [tilespmem:v29+s22+$0x0], $0xffff  }
0x43d: {  	v32 =	vadd.s32 $0x198, v0;
	v8 =	vadd.f32 v11, v8  }
0x43e: {  	v13 =	vld.idx.msk [tilespmem:v30+s22+$0x0], $0xffff  }
0x43f: {  	v8 =	vadd.f32 v9, v8  }
0x440: {  	v33 =	vld.idx.msk [tilespmem:v31+s22+$0x0], $0xffff  }
0x441: {  	v8 =	vadd.f32 v12, v8  }
0x442: {  	v34 =	vld.idx.msk [tilespmem:v32+s22+$0x0], $0xffff  }
0x443: {  	v8 =	vadd.f32 v13, v8;
	_ =	sdelay $0x1  }
0x444: {  	v8 =	vadd.f32 v33, v8;
	_ =	sdelay $0x1  }
0x445: {  	v35 =	vadd.s32 $0x1B0, v6;
	v8 =	vadd.f32 v34, v8  }
0x446: {  	v36 =	vadd.s32 $0x1B0, v7  }
0x447: {  	v8 =	vmul.f32 $1.250000000e-01, v8  }
0x448: {  	v37 =	vadd.s32 $0x1B0, v5  }
0x449: {  	[tilespmem:s19+$0x1EAA8] =	vst v8  }
0x44a: {  	v38 =	vadd.s32 $0x1B0, v4;
	v8 =	vld.idx.msk [tilespmem:v35+s22+$0x0], $0xffff  }
0x44b: {  	v10 =	vld.idx.msk [tilespmem:v36+s22+$0x0], $0xffff  }
0x44c: {  	v39 =	vadd.s32 $0x1B0, v3  }
0x44d: {  	v11 =	vld.idx.msk [tilespmem:v37+s22+$0x0], $0xffff  }
0x44e: {  	v40 =	vadd.s32 $0x1B0, v1  }
0x44f: {  	v9 =	vld.idx.msk [tilespmem:v38+s22+$0x0], $0xffff  }
0x450: {  	v41 =	vadd.s32 $0x1B0, v2;
	v8 =	vadd.f32 v10, v8  }
0x451: {  	v12 =	vld.idx.msk [tilespmem:v39+s22+$0x0], $0xffff  }
0x452: {  	v42 =	vadd.s32 $0x1B0, v0;
	v8 =	vadd.f32 v11, v8  }
0x453: {  	v13 =	vld.idx.msk [tilespmem:v40+s22+$0x0], $0xffff  }
0x454: {  	v8 =	vadd.f32 v9, v8  }
0x455: {  	v43 =	vld.idx.msk [tilespmem:v41+s22+$0x0], $0xffff  }
0x456: {  	v8 =	vadd.f32 v12, v8  }
0x457: {  	v44 =	vld.idx.msk [tilespmem:v42+s22+$0x0], $0xffff  }
0x458: {  	v8 =	vadd.f32 v13, v8;
	_ =	sdelay $0x1  }
0x459: {  	v8 =	vadd.f32 v43, v8;
	_ =	sdelay $0x1  }
0x45a: {  	v45 =	vadd.s32 $0x1C8, v6;
	v8 =	vadd.f32 v44, v8  }
0x45b: {  	v46 =	vadd.s32 $0x1C8, v7  }
0x45c: {  	v8 =	vmul.f32 $1.250000000e-01, v8  }
0x45d: {  	v47 =	vadd.s32 $0x1C8, v5  }
0x45e: {  	[tilespmem:s19+$0x1EBA8] =	vst v8  }
0x45f: {  	v48 =	vadd.s32 $0x1C8, v4;
	v8 =	vld.idx.msk [tilespmem:v45+s22+$0x0], $0xffff  }
0x460: {  	v10 =	vld.idx.msk [tilespmem:v46+s22+$0x0], $0xffff  }
0x461: {  	v49 =	vadd.s32 $0x1C8, v3  }
0x462: {  	v11 =	vld.idx.msk [tilespmem:v47+s22+$0x0], $0xffff  }
0x463: {  	v50 =	vadd.s32 $0x1C8, v1  }
0x464: {  	v9 =	vld.idx.msk [tilespmem:v48+s22+$0x0], $0xffff  }
0x465: {  	v51 =	vadd.s32 $0x1C8, v2;
	v8 =	vadd.f32 v10, v8  }
0x466: {  	v12 =	vld.idx.msk [tilespmem:v49+s22+$0x0], $0xffff  }
0x467: {  	v52 =	vadd.s32 $0x1C8, v0;
	v8 =	vadd.f32 v11, v8  }
0x468: {  	v13 =	vld.idx.msk [tilespmem:v50+s22+$0x0], $0xffff  }
0x469: {  	v8 =	vadd.f32 v9, v8  }
0x46a: {  	v53 =	vld.idx.msk [tilespmem:v51+s22+$0x0], $0xffff  }
0x46b: {  	v8 =	vadd.f32 v12, v8  }
0x46c: {  	v54 =	vld.idx.msk [tilespmem:v52+s22+$0x0], $0xffff  }
0x46d: {  	v8 =	vadd.f32 v13, v8;
	_ =	sdelay $0x1  }
0x46e: {  	v8 =	vadd.f32 v53, v8;
	_ =	sdelay $0x1  }
0x46f: {  	v55 =	vadd.s32 $0x1E0, v6;
	v8 =	vadd.f32 v54, v8  }
0x470: {  	v56 =	vadd.s32 $0x1E0, v7  }
0x471: {  	v8 =	vmul.f32 $1.250000000e-01, v8  }
0x472: {  	v57 =	vadd.s32 $0x1E0, v5  }
0x473: {  	[tilespmem:s19+$0x1ECA8] =	vst v8  }
0x474: {  	v58 =	vadd.s32 $0x1E0, v4;
	v8 =	vld.idx.msk [tilespmem:v55+s22+$0x0], $0xffff  }
0x475: {  	v10 =	vld.idx.msk [tilespmem:v56+s22+$0x0], $0xffff  }
0x476: {  	v59 =	vadd.s32 $0x1E0, v3  }
0x477: {  	v11 =	vld.idx.msk [tilespmem:v57+s22+$0x0], $0xffff  }
0x478: {  	v60 =	vadd.s32 $0x1E0, v1  }
0x479: {  	v9 =	vld.idx.msk [tilespmem:v58+s22+$0x0], $0xffff  }
0x47a: {  	v61 =	vadd.s32 $0x1E0, v2;
	v8 =	vadd.f32 v10, v8  }
0x47b: {  	v12 =	vld.idx.msk [tilespmem:v59+s22+$0x0], $0xffff  }
0x47c: {  	v62 =	vadd.s32 $0x1E0, v0;
	v8 =	vadd.f32 v11, v8  }
0x47d: {  	v13 =	vld.idx.msk [tilespmem:v60+s22+$0x0], $0xffff  }
0x47e: {  	v8 =	vadd.f32 v9, v8  }
0x47f: {  	v63 =	vld.idx.msk [tilespmem:v61+s22+$0x0], $0xffff  }
0x480: {  	v8 =	vadd.f32 v12, v8  }
0x481: {  	v14 =	vld.idx.msk [tilespmem:v62+s22+$0x0], $0xffff  }
0x482: {  	v8 =	vadd.f32 v13, v8;
	_ =	sdelay $0x1  }
0x483: {  	v8 =	vadd.f32 v63, v8;
	_ =	sdelay $0x1  }
0x484: {  	v15 =	vadd.s32 $0x1F8, v6;
	v8 =	vadd.f32 v14, v8  }
0x485: {  	v16 =	vadd.s32 $0x1F8, v7  }
0x486: {  	v8 =	vmul.f32 $1.250000000e-01, v8  }
0x487: {  	v17 =	vadd.s32 $0x1F8, v5  }
0x488: {  	[tilespmem:s19+$0x1EDA8] =	vst v8  }
0x489: {  	v18 =	vadd.s32 $0x1F8, v4;
	v8 =	vld.idx.msk [tilespmem:v15+s22+$0x0], $0xffff  }
0x48a: {  	v10 =	vld.idx.msk [tilespmem:v16+s22+$0x0], $0xffff  }
0x48b: {  	v19 =	vadd.s32 $0x1F8, v3  }
0x48c: {  	v11 =	vld.idx.msk [tilespmem:v17+s22+$0x0], $0xffff  }
0x48d: {  	v20 =	vadd.s32 $0x1F8, v1  }
0x48e: {  	v9 =	vld.idx.msk [tilespmem:v18+s22+$0x0], $0xffff  }
0x48f: {  	v21 =	vadd.s32 $0x1F8, v2;
	v8 =	vadd.f32 v10, v8  }
0x490: {  	v12 =	vld.idx.msk [tilespmem:v19+s22+$0x0], $0xffff  }
0x491: {  	v22 =	vadd.s32 $0x1F8, v0;
	v8 =	vadd.f32 v11, v8  }
0x492: {  	v13 =	vld.idx.msk [tilespmem:v20+s22+$0x0], $0xffff  }
0x493: {  	v8 =	vadd.f32 v9, v8  }
0x494: {  	v23 =	vld.idx.msk [tilespmem:v21+s22+$0x0], $0xffff  }
0x495: {  	v8 =	vadd.f32 v12, v8  }
0x496: {  	v24 =	vld.idx.msk [tilespmem:v22+s22+$0x0], $0xffff  }
0x497: {  	v8 =	vadd.f32 v13, v8;
	_ =	sdelay $0x1  }
0x498: {  	v8 =	vadd.f32 v23, v8;
	_ =	sdelay $0x1  }
0x499: {  	v25 =	vadd.s32 $0x210, v6;
	v8 =	vadd.f32 v24, v8  }
0x49a: {  	v26 =	vadd.s32 $0x210, v7  }
0x49b: {  	v8 =	vmul.f32 $1.250000000e-01, v8  }
0x49c: {  	v27 =	vadd.s32 $0x210, v5  }
0x49d: {  	[tilespmem:s19+$0x1EEA8] =	vst v8  }
0x49e: {  	v28 =	vadd.s32 $0x210, v4;
	v8 =	vld.idx.msk [tilespmem:v25+s22+$0x0], $0xffff  }
0x49f: {  	v10 =	vld.idx.msk [tilespmem:v26+s22+$0x0], $0xffff  }
0x4a0: {  	v29 =	vadd.s32 $0x210, v3  }
0x4a1: {  	v11 =	vld.idx.msk [tilespmem:v27+s22+$0x0], $0xffff  }
0x4a2: {  	v30 =	vadd.s32 $0x210, v1  }
0x4a3: {  	v9 =	vld.idx.msk [tilespmem:v28+s22+$0x0], $0xffff  }
0x4a4: {  	v31 =	vadd.s32 $0x210, v2;
	v8 =	vadd.f32 v10, v8  }
0x4a5: {  	v12 =	vld.idx.msk [tilespmem:v29+s22+$0x0], $0xffff  }
0x4a6: {  	v32 =	vadd.s32 $0x210, v0;
	v8 =	vadd.f32 v11, v8  }
0x4a7: {  	v13 =	vld.idx.msk [tilespmem:v30+s22+$0x0], $0xffff  }
0x4a8: {  	v8 =	vadd.f32 v9, v8  }
0x4a9: {  	v33 =	vld.idx.msk [tilespmem:v31+s22+$0x0], $0xffff  }
0x4aa: {  	v8 =	vadd.f32 v12, v8  }
0x4ab: {  	v34 =	vld.idx.msk [tilespmem:v32+s22+$0x0], $0xffff  }
0x4ac: {  	v8 =	vadd.f32 v13, v8;
	_ =	sdelay $0x1  }
0x4ad: {  	v8 =	vadd.f32 v33, v8;
	_ =	sdelay $0x1  }
0x4ae: {  	v35 =	vadd.s32 $0x228, v6;
	v8 =	vadd.f32 v34, v8  }
0x4af: {  	v36 =	vadd.s32 $0x228, v7  }
0x4b0: {  	v8 =	vmul.f32 $1.250000000e-01, v8  }
0x4b1: {  	v37 =	vadd.s32 $0x228, v5  }
0x4b2: {  	[tilespmem:s19+$0x1EFA8] =	vst v8  }
0x4b3: {  	v38 =	vadd.s32 $0x228, v4;
	v8 =	vld.idx.msk [tilespmem:v35+s22+$0x0], $0xffff  }
0x4b4: {  	v10 =	vld.idx.msk [tilespmem:v36+s22+$0x0], $0xffff  }
0x4b5: {  	v39 =	vadd.s32 $0x228, v3  }
0x4b6: {  	v11 =	vld.idx.msk [tilespmem:v37+s22+$0x0], $0xffff  }
0x4b7: {  	v40 =	vadd.s32 $0x228, v1  }
0x4b8: {  	v9 =	vld.idx.msk [tilespmem:v38+s22+$0x0], $0xffff  }
0x4b9: {  	v41 =	vadd.s32 $0x228, v2;
	v8 =	vadd.f32 v10, v8  }
0x4ba: {  	v12 =	vld.idx.msk [tilespmem:v39+s22+$0x0], $0xffff  }
0x4bb: {  	v42 =	vadd.s32 $0x228, v0;
	v8 =	vadd.f32 v11, v8  }
0x4bc: {  	v13 =	vld.idx.msk [tilespmem:v40+s22+$0x0], $0xffff  }
0x4bd: {  	v8 =	vadd.f32 v9, v8  }
0x4be: {  	v43 =	vld.idx.msk [tilespmem:v41+s22+$0x0], $0xffff  }
0x4bf: {  	v8 =	vadd.f32 v12, v8  }
0x4c0: {  	v44 =	vld.idx.msk [tilespmem:v42+s22+$0x0], $0xffff  }
0x4c1: {  	v8 =	vadd.f32 v13, v8;
	_ =	sdelay $0x1  }
0x4c2: {  	v8 =	vadd.f32 v43, v8;
	_ =	sdelay $0x1  }
0x4c3: {  	v45 =	vadd.s32 $0x240, v6;
	v8 =	vadd.f32 v44, v8  }
0x4c4: {  	v46 =	vadd.s32 $0x240, v7  }
0x4c5: {  	v8 =	vmul.f32 $1.250000000e-01, v8  }
0x4c6: {  	v47 =	vadd.s32 $0x240, v5  }
0x4c7: {  	[tilespmem:s19+$0x1F0A8] =	vst v8  }
0x4c8: {  	v48 =	vadd.s32 $0x240, v4;
	v8 =	vld.idx.msk [tilespmem:v45+s22+$0x0], $0xffff  }
0x4c9: {  	v10 =	vld.idx.msk [tilespmem:v46+s22+$0x0], $0xffff  }
0x4ca: {  	v49 =	vadd.s32 $0x240, v3  }
0x4cb: {  	v11 =	vld.idx.msk [tilespmem:v47+s22+$0x0], $0xffff  }
0x4cc: {  	v50 =	vadd.s32 $0x240, v1  }
0x4cd: {  	v9 =	vld.idx.msk [tilespmem:v48+s22+$0x0], $0xffff  }
0x4ce: {  	v51 =	vadd.s32 $0x240, v2;
	v8 =	vadd.f32 v10, v8  }
0x4cf: {  	v12 =	vld.idx.msk [tilespmem:v49+s22+$0x0], $0xffff  }
0x4d0: {  	v52 =	vadd.s32 $0x240, v0;
	v8 =	vadd.f32 v11, v8  }
0x4d1: {  	v13 =	vld.idx.msk [tilespmem:v50+s22+$0x0], $0xffff  }
0x4d2: {  	v8 =	vadd.f32 v9, v8  }
0x4d3: {  	v53 =	vld.idx.msk [tilespmem:v51+s22+$0x0], $0xffff  }
0x4d4: {  	v8 =	vadd.f32 v12, v8  }
0x4d5: {  	v54 =	vld.idx.msk [tilespmem:v52+s22+$0x0], $0xffff  }
0x4d6: {  	v8 =	vadd.f32 v13, v8;
	_ =	sdelay $0x1  }
0x4d7: {  	v8 =	vadd.f32 v53, v8;
	_ =	sdelay $0x1  }
0x4d8: {  	v55 =	vadd.s32 $0x258, v6;
	v8 =	vadd.f32 v54, v8  }
0x4d9: {  	v56 =	vadd.s32 $0x258, v7  }
0x4da: {  	v8 =	vmul.f32 $1.250000000e-01, v8  }
0x4db: {  	v57 =	vadd.s32 $0x258, v5  }
0x4dc: {  	[tilespmem:s19+$0x1F1A8] =	vst v8  }
0x4dd: {  	v58 =	vadd.s32 $0x258, v4;
	v8 =	vld.idx.msk [tilespmem:v55+s22+$0x0], $0xffff  }
0x4de: {  	v10 =	vld.idx.msk [tilespmem:v56+s22+$0x0], $0xffff  }
0x4df: {  	v59 =	vadd.s32 $0x258, v3  }
0x4e0: {  	v11 =	vld.idx.msk [tilespmem:v57+s22+$0x0], $0xffff  }
0x4e1: {  	v60 =	vadd.s32 $0x258, v1  }
0x4e2: {  	v9 =	vld.idx.msk [tilespmem:v58+s22+$0x0], $0xffff  }
0x4e3: {  	v61 =	vadd.s32 $0x258, v2;
	v8 =	vadd.f32 v10, v8  }
0x4e4: {  	v12 =	vld.idx.msk [tilespmem:v59+s22+$0x0], $0xffff  }
0x4e5: {  	v62 =	vadd.s32 $0x258, v0;
	v8 =	vadd.f32 v11, v8  }
0x4e6: {  	v13 =	vld.idx.msk [tilespmem:v60+s22+$0x0], $0xffff  }
0x4e7: {  	v8 =	vadd.f32 v9, v8  }
0x4e8: {  	v63 =	vld.idx.msk [tilespmem:v61+s22+$0x0], $0xffff  }
0x4e9: {  	v8 =	vadd.f32 v12, v8  }
0x4ea: {  	v12 =	vld.idx.msk [tilespmem:v62+s22+$0x0], $0xffff  }
0x4eb: {  	v8 =	vadd.f32 v13, v8;
	_ =	sdelay $0x1  }
0x4ec: {  	v8 =	vadd.f32 v63, v8;
	_ =	sdelay $0x1  }
0x4ed: {  	v14 =	vadd.s32 $0x270, v6;
	v8 =	vadd.f32 v12, v8  }
0x4ee: {  	v15 =	vadd.s32 $0x270, v7  }
0x4ef: {  	v8 =	vmul.f32 $1.250000000e-01, v8  }
0x4f0: {  	v16 =	vadd.s32 $0x270, v5  }
0x4f1: {  	[tilespmem:s19+$0x1F2A8] =	vst v8  }
0x4f2: {  	v17 =	vadd.s32 $0x270, v4;
	v8 =	vld.idx.msk [tilespmem:v14+s22+$0x0], $0xffff  }
0x4f3: {  	v10 =	vld.idx.msk [tilespmem:v15+s22+$0x0], $0xffff  }
0x4f4: {  	v18 =	vadd.s32 $0x270, v3  }
0x4f5: {  	v11 =	vld.idx.msk [tilespmem:v16+s22+$0x0], $0xffff  }
0x4f6: {  	v19 =	vadd.s32 $0x270, v1  }
0x4f7: {  	v9 =	vld.idx.msk [tilespmem:v17+s22+$0x0], $0xffff  }
0x4f8: {  	v20 =	vadd.s32 $0x270, v2;
	v8 =	vadd.f32 v10, v8  }
0x4f9: {  	v12 =	vld.idx.msk [tilespmem:v18+s22+$0x0], $0xffff  }
0x4fa: {  	v21 =	vadd.s32 $0x270, v0;
	v8 =	vadd.f32 v11, v8  }
0x4fb: {  	v13 =	vld.idx.msk [tilespmem:v19+s22+$0x0], $0xffff  }
0x4fc: {  	v8 =	vadd.f32 v9, v8  }
0x4fd: {  	v22 =	vld.idx.msk [tilespmem:v20+s22+$0x0], $0xffff  }
0x4fe: {  	v8 =	vadd.f32 v12, v8  }
0x4ff: {  	v23 =	vld.idx.msk [tilespmem:v21+s22+$0x0], $0xffff  }
0x500: {  	v8 =	vadd.f32 v13, v8;
	_ =	sdelay $0x1  }
0x501: {  	v8 =	vadd.f32 v22, v8;
	_ =	sdelay $0x1  }
0x502: {  	v24 =	vadd.s32 $0x288, v6;
	v8 =	vadd.f32 v23, v8  }
0x503: {  	v25 =	vadd.s32 $0x288, v7  }
0x504: {  	v8 =	vmul.f32 $1.250000000e-01, v8  }
0x505: {  	v26 =	vadd.s32 $0x288, v5  }
0x506: {  	[tilespmem:s19+$0x1F3A8] =	vst v8  }
0x507: {  	v27 =	vadd.s32 $0x288, v4;
	v8 =	vld.idx.msk [tilespmem:v24+s22+$0x0], $0xffff  }
0x508: {  	v10 =	vld.idx.msk [tilespmem:v25+s22+$0x0], $0xffff  }
0x509: {  	v28 =	vadd.s32 $0x288, v3  }
0x50a: {  	v11 =	vld.idx.msk [tilespmem:v26+s22+$0x0], $0xffff  }
0x50b: {  	v29 =	vadd.s32 $0x288, v1  }
0x50c: {  	v9 =	vld.idx.msk [tilespmem:v27+s22+$0x0], $0xffff  }
0x50d: {  	v30 =	vadd.s32 $0x288, v2;
	v8 =	vadd.f32 v10, v8  }
0x50e: {  	v12 =	vld.idx.msk [tilespmem:v28+s22+$0x0], $0xffff  }
0x50f: {  	v31 =	vadd.s32 $0x288, v0;
	v8 =	vadd.f32 v11, v8  }
0x510: {  	v13 =	vld.idx.msk [tilespmem:v29+s22+$0x0], $0xffff  }
0x511: {  	v8 =	vadd.f32 v9, v8  }
0x512: {  	v32 =	vld.idx.msk [tilespmem:v30+s22+$0x0], $0xffff  }
0x513: {  	v8 =	vadd.f32 v12, v8  }
0x514: {  	v33 =	vld.idx.msk [tilespmem:v31+s22+$0x0], $0xffff  }
0x515: {  	v8 =	vadd.f32 v13, v8;
	_ =	sdelay $0x1  }
0x516: {  	v8 =	vadd.f32 v32, v8;
	_ =	sdelay $0x1  }
0x517: {  	v34 =	vadd.s32 $0x2A0, v6;
	v8 =	vadd.f32 v33, v8  }
0x518: {  	v35 =	vadd.s32 $0x2A0, v7  }
0x519: {  	v8 =	vmul.f32 $1.250000000e-01, v8  }
0x51a: {  	v36 =	vadd.s32 $0x2A0, v5  }
0x51b: {  	[tilespmem:s19+$0x1F4A8] =	vst v8  }
0x51c: {  	v37 =	vadd.s32 $0x2A0, v4;
	v8 =	vld.idx.msk [tilespmem:v34+s22+$0x0], $0xffff  }
0x51d: {  	v10 =	vld.idx.msk [tilespmem:v35+s22+$0x0], $0xffff  }
0x51e: {  	v38 =	vadd.s32 $0x2A0, v3  }
0x51f: {  	v11 =	vld.idx.msk [tilespmem:v36+s22+$0x0], $0xffff  }
0x520: {  	v39 =	vadd.s32 $0x2A0, v1  }
0x521: {  	v9 =	vld.idx.msk [tilespmem:v37+s22+$0x0], $0xffff  }
0x522: {  	v40 =	vadd.s32 $0x2A0, v2;
	v8 =	vadd.f32 v10, v8  }
0x523: {  	v12 =	vld.idx.msk [tilespmem:v38+s22+$0x0], $0xffff  }
0x524: {  	v41 =	vadd.s32 $0x2A0, v0;
	v8 =	vadd.f32 v11, v8  }
0x525: {  	v13 =	vld.idx.msk [tilespmem:v39+s22+$0x0], $0xffff  }
0x526: {  	v8 =	vadd.f32 v9, v8  }
0x527: {  	v42 =	vld.idx.msk [tilespmem:v40+s22+$0x0], $0xffff  }
0x528: {  	v8 =	vadd.f32 v12, v8  }
0x529: {  	v43 =	vld.idx.msk [tilespmem:v41+s22+$0x0], $0xffff  }
0x52a: {  	v8 =	vadd.f32 v13, v8;
	_ =	sdelay $0x1  }
0x52b: {  	v8 =	vadd.f32 v42, v8;
	_ =	sdelay $0x1  }
0x52c: {  	v44 =	vadd.s32 $0x2B8, v6;
	v8 =	vadd.f32 v43, v8  }
0x52d: {  	v45 =	vadd.s32 $0x2B8, v7  }
0x52e: {  	v8 =	vmul.f32 $1.250000000e-01, v8  }
0x52f: {  	v46 =	vadd.s32 $0x2B8, v5  }
0x530: {  	[tilespmem:s19+$0x1F5A8] =	vst v8  }
0x531: {  	v47 =	vadd.s32 $0x2B8, v4;
	v8 =	vld.idx.msk [tilespmem:v44+s22+$0x0], $0xffff  }
0x532: {  	v10 =	vld.idx.msk [tilespmem:v45+s22+$0x0], $0xffff  }
0x533: {  	v48 =	vadd.s32 $0x2B8, v3  }
0x534: {  	v11 =	vld.idx.msk [tilespmem:v46+s22+$0x0], $0xffff  }
0x535: {  	v49 =	vadd.s32 $0x2B8, v1  }
0x536: {  	v9 =	vld.idx.msk [tilespmem:v47+s22+$0x0], $0xffff  }
0x537: {  	v50 =	vadd.s32 $0x2B8, v2;
	v8 =	vadd.f32 v10, v8  }
0x538: {  	v12 =	vld.idx.msk [tilespmem:v48+s22+$0x0], $0xffff  }
0x539: {  	v51 =	vadd.s32 $0x2B8, v0;
	v8 =	vadd.f32 v11, v8  }
0x53a: {  	v13 =	vld.idx.msk [tilespmem:v49+s22+$0x0], $0xffff  }
0x53b: {  	v8 =	vadd.f32 v9, v8  }
0x53c: {  	v52 =	vld.idx.msk [tilespmem:v50+s22+$0x0], $0xffff  }
0x53d: {  	v8 =	vadd.f32 v12, v8  }
0x53e: {  	v53 =	vld.idx.msk [tilespmem:v51+s22+$0x0], $0xffff  }
0x53f: {  	v8 =	vadd.f32 v13, v8;
	_ =	sdelay $0x1  }
0x540: {  	v8 =	vadd.f32 v52, v8;
	_ =	sdelay $0x1  }
0x541: {  	v54 =	vadd.s32 $0x2D0, v6;
	v8 =	vadd.f32 v53, v8  }
0x542: {  	v55 =	vadd.s32 $0x2D0, v7  }
0x543: {  	v8 =	vmul.f32 $1.250000000e-01, v8  }
0x544: {  	v56 =	vadd.s32 $0x2D0, v5  }
0x545: {  	[tilespmem:s19+$0x1F6A8] =	vst v8  }
0x546: {  	v57 =	vadd.s32 $0x2D0, v4;
	v8 =	vld.idx.msk [tilespmem:v54+s22+$0x0], $0xffff  }
0x547: {  	v10 =	vld.idx.msk [tilespmem:v55+s22+$0x0], $0xffff  }
0x548: {  	v58 =	vadd.s32 $0x2D0, v3  }
0x549: {  	v11 =	vld.idx.msk [tilespmem:v56+s22+$0x0], $0xffff  }
0x54a: {  	v59 =	vadd.s32 $0x2D0, v1  }
0x54b: {  	v9 =	vld.idx.msk [tilespmem:v57+s22+$0x0], $0xffff  }
0x54c: {  	v60 =	vadd.s32 $0x2D0, v2;
	v8 =	vadd.f32 v10, v8  }
0x54d: {  	v12 =	vld.idx.msk [tilespmem:v58+s22+$0x0], $0xffff  }
0x54e: {  	v61 =	vadd.s32 $0x2D0, v0;
	v8 =	vadd.f32 v11, v8  }
0x54f: {  	v13 =	vld.idx.msk [tilespmem:v59+s22+$0x0], $0xffff  }
0x550: {  	v8 =	vadd.f32 v9, v8  }
0x551: {  	v62 =	vld.idx.msk [tilespmem:v60+s22+$0x0], $0xffff  }
0x552: {  	v8 =	vadd.f32 v12, v8  }
0x553: {  	v63 =	vld.idx.msk [tilespmem:v61+s22+$0x0], $0xffff  }
0x554: {  	v8 =	vadd.f32 v13, v8;
	_ =	sdelay $0x1  }
0x555: {  	v8 =	vadd.f32 v62, v8;
	_ =	sdelay $0x1  }
0x556: {  	v6 =	vadd.s32 $0x2E8, v6;
	v8 =	vadd.f32 v63, v8  }
0x557: {  	v7 =	vadd.s32 $0x2E8, v7  }
0x558: {  	v8 =	vmul.f32 $1.250000000e-01, v8  }
0x559: {  	v5 =	vadd.s32 $0x2E8, v5  }
0x55a: {  	[tilespmem:s19+$0x1F7A8] =	vst v8  }
0x55b: {  	v4 =	vadd.s32 $0x2E8, v4;
	v6 =	vld.idx.msk [tilespmem:v6+s22+$0x0], $0xffff  }
0x55c: {  	v7 =	vld.idx.msk [tilespmem:v7+s22+$0x0], $0xffff  }
0x55d: {  	v3 =	vadd.s32 $0x2E8, v3  }
0x55e: {  	v5 =	vld.idx.msk [tilespmem:v5+s22+$0x0], $0xffff  }
0x55f: {  	v1 =	vadd.s32 $0x2E8, v1  }
0x560: {  	v4 =	vld.idx.msk [tilespmem:v4+s22+$0x0], $0xffff  }
0x561: {  	v2 =	vadd.s32 $0x2E8, v2;
	v6 =	vadd.f32 v7, v6  }
0x562: {  	v3 =	vld.idx.msk [tilespmem:v3+s22+$0x0], $0xffff  }
0x563: {  	v0 =	vadd.s32 $0x2E8, v0;
	v5 =	vadd.f32 v5, v6  }
0x564: {  	v1 =	vld.idx.msk [tilespmem:v1+s22+$0x0], $0xffff  }
0x565: {  	v4 =	vadd.f32 v4, v5  }
0x566: {  	v2 =	vld.idx.msk [tilespmem:v2+s22+$0x0], $0xffff  }
0x567: {  	v3 =	vadd.f32 v3, v4  }
0x568: {  	v0 =	vld.idx.msk [tilespmem:v0+s22+$0x0], $0xffff  }
0x569: {  	v1 =	vadd.f32 v1, v3;
	_ =	sdelay $0x1  }
0x56a: {  	v1 =	vadd.f32 v2, v1  }
0x56b: {  	p0 =	sne.s32 s2, $0x3C0  }
.Ltmp1:
0x56c: {  	v0 =	vadd.f32 v0, v1;
	(pc) =	sbr.rel @p0 .LBB2_4-.Ltmp1, $3  }
0x56d: {  	_ = 	snop  }
0x56e: {  	v0 =	vmul.f32 $1.250000000e-01, v0;
	_ =	sdelay $0x1  }
0x56f: {  	s2 =	sadd.s32 $0x40, s2;
	[tilespmem:s19+$0x1F8A8] =	vst v0  }
0x570: {  	[hbm4b:s9+s25] =	stream.strided.scatter [tilespmem:s26], [sflag:$0x5], $0x2000, s20, s25, $0x38;
	[tilespmem:$0x1F9A8] =	vst v63  }
0x571: {  	_ =	swait.ge [sflag:s29], $0x186A8  }
0x572: {  	[sflag:s29] =	ssyncset.done $0x0  }
0x573: {  	[sflag:s29] =	ssyncadd.s32 $0xFFFE7958  }
0x574: {  	_ =	swait.ge [sflag:s30], $0x4000  }
0x575: {  	[sflag:s30] =	ssyncset.done $0x0  }
0x576: {  	s2 =	simm.s32 $0x0;
	[sflag:s30] =	ssyncadd.s32 $0xFFFFC000  }
0x577: {  	v0 =	vld [tilespmem:s2+$0x186A8];
	_ =	sdelay $0x5  }
0x578: {  	v1 =	vld [tilespmem:s2+$0x186B8];
	_ =	sdelay $0x1  }
0x579: {  	v0 =	vld.idx.msk [tilespmem:v0+s3+$0x0], $0xffff;
	_ =	sdelay $0x4  }
0x57a: {  	[tilespmem:s2+$0x186A8] =	vst v0;
	v0 =	vld [tilespmem:s2+$0x186C8]  }
0x57b: {  	v1 =	vld.idx.msk [tilespmem:v1+s3+$0x0], $0xffff;
	_ =	sdelay $0x4  }
0x57c: {  	[tilespmem:s2+$0x186B8] =	vst v1;
	v1 =	vld [tilespmem:s2+$0x186D8];
	_ =	sdelay $0x1  }
0x57d: {  	v0 =	vld.idx.msk [tilespmem:v0+s3+$0x0], $0xffff;
	_ =	sdelay $0x4  }
0x57e: {  	[tilespmem:s2+$0x186C8] =	vst v0;
	v0 =	vld [tilespmem:s2+$0x186E8]  }
0x57f: {  	v1 =	vld.idx.msk [tilespmem:v1+s3+$0x0], $0xffff;
	_ =	sdelay $0x4  }
0x580: {  	[tilespmem:s2+$0x186D8] =	vst v1;
	v1 =	vld [tilespmem:s2+$0x186F8];
	_ =	sdelay $0x1  }
0x581: {  	v0 =	vld.idx.msk [tilespmem:v0+s3+$0x0], $0xffff;
	_ =	sdelay $0x4  }
0x582: {  	v2 =	vld [tilespmem:s2+$0x18708];
	[tilespmem:s2+$0x186E8] =	vst v0  }
0x583: {  	v0 =	vld.idx.msk [tilespmem:v1+s3+$0x0], $0xffff;
	_ =	sdelay $0x4  }
0x584: {  	[tilespmem:s2+$0x186F8] =	vst v0;
	v0 =	vld [tilespmem:s2+$0x18718];
	_ =	sdelay $0x1  }
0x585: {  	v1 =	vld.idx.msk [tilespmem:v2+s3+$0x0], $0xffff;
	_ =	sdelay $0x3  }
0x586: {  	s21 =	simm.s32 $0x80;
	s19 =	simm.s32 $0x400  }
.LBB2_6:
0x587: {  	p0 =	sne.s32 s19, $0x1E00;
	v2 =	vld [tilespmem:s21+$0x186A8];
	[tilespmem:s2+$0x18708] =	vst v1  }
0x588: {  	v0 =	vld.idx.msk [tilespmem:v0+s3+$0x0], $0xffff;
	_ =	sdelay $0x5  }
0x589: {  	v1 =	vld [tilespmem:s21+$0x186B8];
	[tilespmem:s2+$0x18718] =	vst v0;
	s2 =	smov.u32 s21  }
0x58a: {  	v0 =	vld.idx.msk [tilespmem:v2+s3+$0x0], $0xffff;
	_ =	sdelay $0x5  }
0x58b: {  	[tilespmem:s2+$0x186A8] =	vst v0;
	v0 =	vld [tilespmem:s2+$0x186C8]  }
0x58c: {  	v1 =	vld.idx.msk [tilespmem:v1+s3+$0x0], $0xffff;
	_ =	sdelay $0x5  }
0x58d: {  	[tilespmem:s2+$0x186B8] =	vst v1;
	v1 =	vld [tilespmem:s2+$0x186D8]  }
0x58e: {  	v0 =	vld.idx.msk [tilespmem:v0+s3+$0x0], $0xffff;
	_ =	sdelay $0x5  }
0x58f: {  	[tilespmem:s2+$0x186C8] =	vst v0;
	v0 =	vld [tilespmem:s2+$0x186E8]  }
0x590: {  	v1 =	vld.idx.msk [tilespmem:v1+s3+$0x0], $0xffff;
	_ =	sdelay $0x5  }
0x591: {  	[tilespmem:s2+$0x186D8] =	vst v1;
	v1 =	vld [tilespmem:s2+$0x186F8]  }
0x592: {  	v0 =	vld.idx.msk [tilespmem:v0+s3+$0x0], $0xffff;
	_ =	sdelay $0x5  }
0x593: {  	[tilespmem:s2+$0x186E8] =	vst v0;
	v2 =	vld [tilespmem:s2+$0x18708]  }
0x594: {  	v0 =	vld.idx.msk [tilespmem:v1+s3+$0x0], $0xffff;
	_ =	sdelay $0x5  }
0x595: {  	[tilespmem:s2+$0x186F8] =	vst v0;
	v0 =	vld [tilespmem:s2+$0x18718]  }
0x596: {  	v1 =	vld.idx.msk [tilespmem:v2+s3+$0x0], $0xffff  }
.Ltmp2:
0x597: {  	(pc) =	sbr.rel @p0 .LBB2_6-.Ltmp2, $2  }
0x598: {  	_ =	sdelay $0x2  }
0x599: {  	s21 =	sshra.s32 s19, $0x2;
	s19 =	sadd.s32 $0x200, s19  }
0x59a: {  	_ =	sdelay $0x1  }
0x59b: {  	v2 =	vld [tilespmem:s21+$0x186A8]  }
0x59c: {  	[tilespmem:s2+$0x18708] =	vst v1  }
0x59d: {  	v0 =	vld.idx.msk [tilespmem:v0+s3+$0x0], $0xffff;
	_ =	sdelay $0x3  }
0x59e: {  	v1 =	vld [tilespmem:s21+$0x186B8]  }
0x59f: {  	[tilespmem:s2+$0x18718] =	vst v0  }
0x5a0: {  	v0 =	vld.idx.msk [tilespmem:v2+s3+$0x0], $0xffff;
	_ =	sdelay $0x4  }
0x5a1: {  	[tilespmem:s21+$0x186A8] =	vst v0;
	v0 =	vld [tilespmem:s21+$0x186C8]  }
0x5a2: {  	v1 =	vld.idx.msk [tilespmem:v1+s3+$0x0], $0xffff;
	_ =	sdelay $0x4  }
0x5a3: {  	[tilespmem:s21+$0x186B8] =	vst v1;
	v1 =	vld [tilespmem:s21+$0x186D8];
	_ =	sdelay $0x1  }
0x5a4: {  	v0 =	vld.idx.msk [tilespmem:v0+s3+$0x0], $0xffff;
	_ =	sdelay $0x4  }
0x5a5: {  	[tilespmem:s21+$0x186C8] =	vst v0;
	v0 =	vld [tilespmem:s21+$0x186E8]  }
0x5a6: {  	v1 =	vld.idx.msk [tilespmem:v1+s3+$0x0], $0xffff;
	_ =	sdelay $0x4  }
0x5a7: {  	[tilespmem:s21+$0x186D8] =	vst v1;
	v1 =	vld [tilespmem:s21+$0x186F8];
	_ =	sdelay $0x1  }
0x5a8: {  	v0 =	vld.idx.msk [tilespmem:v0+s3+$0x0], $0xffff;
	_ =	sdelay $0x4  }
0x5a9: {  	[tilespmem:s21+$0x186E8] =	vst v0;
	v0 =	vld [tilespmem:s21+$0x18708]  }
0x5aa: {  	v1 =	vld.idx.msk [tilespmem:v1+s3+$0x0], $0xffff;
	_ =	sdelay $0x4  }
0x5ab: {  	[tilespmem:s21+$0x186F8] =	vst v1;
	v1 =	vld [tilespmem:s21+$0x18718];
	_ =	sdelay $0x1  }
0x5ac: {  	v0 =	vld.idx.msk [tilespmem:v0+s3+$0x0], $0xffff;
	_ =	sdelay $0x4  }
0x5ad: {  	[tilespmem:s21+$0x18708] =	vst v0  }
0x5ae: {  	v0 =	vld.idx.msk [tilespmem:v1+s3+$0x0], $0xffff;
	_ =	sdelay $0x4  }
0x5af: {  	s2 =	simm.s32 $0x0;
	[tilespmem:s21+$0x18718] =	vst v0;
	s21 =	simm.s32 $0x0  }
0x5b0: {  	[hbm4b:s8+s21] =	stream.linear.scatter [tilespmem:s18], [sflag:$0x3], $0x800, $0x38;
	[tilespmem:$0x1F9A8] =	vst v63  }
0x5b1: {  	v0 =	vld [tilespmem:s2+$0x18EA8];
	_ =	sdelay $0x5  }
0x5b2: {  	v1 =	vld [tilespmem:s2+$0x18EB8];
	_ =	sdelay $0x1  }
0x5b3: {  	v0 =	vld.idx.msk [tilespmem:v0+s3+$0x0], $0xffff;
	_ =	sdelay $0x4  }
0x5b4: {  	[tilespmem:s2+$0x18EA8] =	vst v0;
	v0 =	vld [tilespmem:s2+$0x18EC8]  }
0x5b5: {  	v1 =	vld.idx.msk [tilespmem:v1+s3+$0x0], $0xffff;
	_ =	sdelay $0x4  }
0x5b6: {  	[tilespmem:s2+$0x18EB8] =	vst v1;
	v1 =	vld [tilespmem:s2+$0x18ED8];
	_ =	sdelay $0x1  }
0x5b7: {  	v0 =	vld.idx.msk [tilespmem:v0+s3+$0x0], $0xffff;
	_ =	sdelay $0x4  }
0x5b8: {  	[tilespmem:s2+$0x18EC8] =	vst v0;
	v0 =	vld [tilespmem:s2+$0x18EE8]  }
0x5b9: {  	v1 =	vld.idx.msk [tilespmem:v1+s3+$0x0], $0xffff;
	_ =	sdelay $0x4  }
0x5ba: {  	[tilespmem:s2+$0x18ED8] =	vst v1;
	v1 =	vld [tilespmem:s2+$0x18EF8];
	_ =	sdelay $0x1  }
0x5bb: {  	v0 =	vld.idx.msk [tilespmem:v0+s3+$0x0], $0xffff;
	_ =	sdelay $0x4  }
0x5bc: {  	v2 =	vld [tilespmem:s2+$0x18F08];
	[tilespmem:s2+$0x18EE8] =	vst v0  }
0x5bd: {  	v0 =	vld.idx.msk [tilespmem:v1+s3+$0x0], $0xffff;
	_ =	sdelay $0x4  }
0x5be: {  	[tilespmem:s2+$0x18EF8] =	vst v0;
	v0 =	vld [tilespmem:s2+$0x18F18];
	_ =	sdelay $0x1  }
0x5bf: {  	v1 =	vld.idx.msk [tilespmem:v2+s3+$0x0], $0xffff;
	_ =	sdelay $0x3  }
0x5c0: {  	s19 =	simm.s32 $0x400;
	s21 =	simm.s32 $0x80  }
.LBB2_8:
0x5c1: {  	p0 =	sne.s32 s19, $0x1E00;
	v2 =	vld [tilespmem:s21+$0x18EA8];
	[tilespmem:s2+$0x18F08] =	vst v1  }
0x5c2: {  	v0 =	vld.idx.msk [tilespmem:v0+s3+$0x0], $0xffff;
	_ =	sdelay $0x5  }
0x5c3: {  	v1 =	vld [tilespmem:s21+$0x18EB8];
	[tilespmem:s2+$0x18F18] =	vst v0;
	s2 =	smov.u32 s21  }
0x5c4: {  	v0 =	vld.idx.msk [tilespmem:v2+s3+$0x0], $0xffff;
	_ =	sdelay $0x5  }
0x5c5: {  	[tilespmem:s2+$0x18EA8] =	vst v0;
	v0 =	vld [tilespmem:s2+$0x18EC8]  }
0x5c6: {  	v1 =	vld.idx.msk [tilespmem:v1+s3+$0x0], $0xffff;
	_ =	sdelay $0x5  }
0x5c7: {  	[tilespmem:s2+$0x18EB8] =	vst v1;
	v1 =	vld [tilespmem:s2+$0x18ED8]  }
0x5c8: {  	v0 =	vld.idx.msk [tilespmem:v0+s3+$0x0], $0xffff;
	_ =	sdelay $0x5  }
0x5c9: {  	[tilespmem:s2+$0x18EC8] =	vst v0;
	v0 =	vld [tilespmem:s2+$0x18EE8]  }
0x5ca: {  	v1 =	vld.idx.msk [tilespmem:v1+s3+$0x0], $0xffff;
	_ =	sdelay $0x5  }
0x5cb: {  	[tilespmem:s2+$0x18ED8] =	vst v1;
	v1 =	vld [tilespmem:s2+$0x18EF8]  }
0x5cc: {  	v0 =	vld.idx.msk [tilespmem:v0+s3+$0x0], $0xffff;
	_ =	sdelay $0x5  }
0x5cd: {  	[tilespmem:s2+$0x18EE8] =	vst v0;
	v2 =	vld [tilespmem:s2+$0x18F08]  }
0x5ce: {  	v0 =	vld.idx.msk [tilespmem:v1+s3+$0x0], $0xffff;
	_ =	sdelay $0x5  }
0x5cf: {  	[tilespmem:s2+$0x18EF8] =	vst v0;
	v0 =	vld [tilespmem:s2+$0x18F18]  }
0x5d0: {  	v1 =	vld.idx.msk [tilespmem:v2+s3+$0x0], $0xffff  }
.Ltmp3:
0x5d1: {  	(pc) =	sbr.rel @p0 .LBB2_8-.Ltmp3, $2  }
0x5d2: {  	_ =	sdelay $0x2  }
0x5d3: {  	s21 =	sshra.s32 s19, $0x2;
	s19 =	sadd.s32 $0x200, s19  }
0x5d4: {  	_ =	sdelay $0x1  }
0x5d5: {  	v2 =	vld [tilespmem:s21+$0x18EA8]  }
0x5d6: {  	[tilespmem:s2+$0x18F08] =	vst v1  }
0x5d7: {  	v0 =	vld.idx.msk [tilespmem:v0+s3+$0x0], $0xffff;
	_ =	sdelay $0x3  }
0x5d8: {  	v1 =	vld [tilespmem:s21+$0x18EB8]  }
0x5d9: {  	[tilespmem:s2+$0x18F18] =	vst v0  }
0x5da: {  	v0 =	vld.idx.msk [tilespmem:v2+s3+$0x0], $0xffff;
	_ =	sdelay $0x4  }
0x5db: {  	[tilespmem:s21+$0x18EA8] =	vst v0;
	v0 =	vld [tilespmem:s21+$0x18EC8]  }
0x5dc: {  	v1 =	vld.idx.msk [tilespmem:v1+s3+$0x0], $0xffff;
	_ =	sdelay $0x4  }
0x5dd: {  	[tilespmem:s21+$0x18EB8] =	vst v1;
	v1 =	vld [tilespmem:s21+$0x18ED8];
	_ =	sdelay $0x1  }
0x5de: {  	v0 =	vld.idx.msk [tilespmem:v0+s3+$0x0], $0xffff;
	_ =	sdelay $0x4  }
0x5df: {  	[tilespmem:s21+$0x18EC8] =	vst v0;
	v0 =	vld [tilespmem:s21+$0x18EE8]  }
0x5e0: {  	v1 =	vld.idx.msk [tilespmem:v1+s3+$0x0], $0xffff;
	_ =	sdelay $0x4  }
0x5e1: {  	[tilespmem:s21+$0x18ED8] =	vst v1;
	v1 =	vld [tilespmem:s21+$0x18EF8];
	_ =	sdelay $0x1  }
0x5e2: {  	v0 =	vld.idx.msk [tilespmem:v0+s3+$0x0], $0xffff;
	_ =	sdelay $0x4  }
0x5e3: {  	[tilespmem:s21+$0x18EE8] =	vst v0;
	v0 =	vld [tilespmem:s21+$0x18F08]  }
0x5e4: {  	v1 =	vld.idx.msk [tilespmem:v1+s3+$0x0], $0xffff;
	_ =	sdelay $0x4  }
0x5e5: {  	[tilespmem:s21+$0x18EF8] =	vst v1;
	v1 =	vld [tilespmem:s21+$0x18F18];
	_ =	sdelay $0x1  }
0x5e6: {  	v0 =	vld.idx.msk [tilespmem:v0+s3+$0x0], $0xffff;
	_ =	sdelay $0x4  }
0x5e7: {  	[tilespmem:s21+$0x18F08] =	vst v0  }
0x5e8: {  	v0 =	vld.idx.msk [tilespmem:v1+s3+$0x0], $0xffff;
	_ =	sdelay $0x4  }
0x5e9: {  	s19 =	simm.s32 $0x18EA8;
	s2 =	simm.s32 $0x0;
	[tilespmem:s21+$0x18F18] =	vst v0;
	s21 =	simm.s32 $0x0  }
0x5ea: {  	[hbm4b:s10+s21] =	stream.linear.scatter [tilespmem:s19], [sflag:$0x3], $0x800, $0x38;
	[tilespmem:$0x1F9A8] =	vst v63  }
0x5eb: {  	v0 =	vld [tilespmem:s2+$0x196A8];
	_ =	sdelay $0x5  }
0x5ec: {  	v1 =	vld [tilespmem:s2+$0x196B8];
	_ =	sdelay $0x1  }
0x5ed: {  	v0 =	vld.idx.msk [tilespmem:v0+s3+$0x0], $0xffff;
	_ =	sdelay $0x4  }
0x5ee: {  	[tilespmem:s2+$0x196A8] =	vst v0;
	v0 =	vld [tilespmem:s2+$0x196C8]  }
0x5ef: {  	v1 =	vld.idx.msk [tilespmem:v1+s3+$0x0], $0xffff;
	_ =	sdelay $0x4  }
0x5f0: {  	[tilespmem:s2+$0x196B8] =	vst v1;
	v1 =	vld [tilespmem:s2+$0x196D8];
	_ =	sdelay $0x1  }
0x5f1: {  	v0 =	vld.idx.msk [tilespmem:v0+s3+$0x0], $0xffff;
	_ =	sdelay $0x4  }
0x5f2: {  	[tilespmem:s2+$0x196C8] =	vst v0;
	v0 =	vld [tilespmem:s2+$0x196E8]  }
0x5f3: {  	v1 =	vld.idx.msk [tilespmem:v1+s3+$0x0], $0xffff;
	_ =	sdelay $0x4  }
0x5f4: {  	[tilespmem:s2+$0x196D8] =	vst v1;
	v1 =	vld [tilespmem:s2+$0x196F8];
	_ =	sdelay $0x1  }
0x5f5: {  	v0 =	vld.idx.msk [tilespmem:v0+s3+$0x0], $0xffff;
	_ =	sdelay $0x4  }
0x5f6: {  	v2 =	vld [tilespmem:s2+$0x19708];
	[tilespmem:s2+$0x196E8] =	vst v0  }
0x5f7: {  	v0 =	vld.idx.msk [tilespmem:v1+s3+$0x0], $0xffff;
	_ =	sdelay $0x4  }
0x5f8: {  	[tilespmem:s2+$0x196F8] =	vst v0;
	v0 =	vld [tilespmem:s2+$0x19718];
	_ =	sdelay $0x1  }
0x5f9: {  	v1 =	vld.idx.msk [tilespmem:v2+s3+$0x0], $0xffff;
	_ =	sdelay $0x3  }
0x5fa: {  	s21 =	simm.s32 $0x80;
	s19 =	simm.s32 $0x400  }
.LBB2_10:
0x5fb: {  	p0 =	sne.s32 s19, $0x1E00;
	v2 =	vld [tilespmem:s21+$0x196A8];
	[tilespmem:s2+$0x19708] =	vst v1  }
0x5fc: {  	v0 =	vld.idx.msk [tilespmem:v0+s3+$0x0], $0xffff;
	_ =	sdelay $0x5  }
0x5fd: {  	v1 =	vld [tilespmem:s21+$0x196B8];
	[tilespmem:s2+$0x19718] =	vst v0;
	s2 =	smov.u32 s21  }
0x5fe: {  	v0 =	vld.idx.msk [tilespmem:v2+s3+$0x0], $0xffff;
	_ =	sdelay $0x5  }
0x5ff: {  	[tilespmem:s2+$0x196A8] =	vst v0;
	v0 =	vld [tilespmem:s2+$0x196C8]  }
0x600: {  	v1 =	vld.idx.msk [tilespmem:v1+s3+$0x0], $0xffff;
	_ =	sdelay $0x5  }
0x601: {  	[tilespmem:s2+$0x196B8] =	vst v1;
	v1 =	vld [tilespmem:s2+$0x196D8]  }
0x602: {  	v0 =	vld.idx.msk [tilespmem:v0+s3+$0x0], $0xffff;
	_ =	sdelay $0x5  }
0x603: {  	[tilespmem:s2+$0x196C8] =	vst v0;
	v0 =	vld [tilespmem:s2+$0x196E8]  }
0x604: {  	v1 =	vld.idx.msk [tilespmem:v1+s3+$0x0], $0xffff;
	_ =	sdelay $0x5  }
0x605: {  	[tilespmem:s2+$0x196D8] =	vst v1;
	v1 =	vld [tilespmem:s2+$0x196F8]  }
0x606: {  	v0 =	vld.idx.msk [tilespmem:v0+s3+$0x0], $0xffff;
	_ =	sdelay $0x5  }
0x607: {  	[tilespmem:s2+$0x196E8] =	vst v0;
	v2 =	vld [tilespmem:s2+$0x19708]  }
0x608: {  	v0 =	vld.idx.msk [tilespmem:v1+s3+$0x0], $0xffff;
	_ =	sdelay $0x5  }
0x609: {  	[tilespmem:s2+$0x196F8] =	vst v0;
	v0 =	vld [tilespmem:s2+$0x19718]  }
0x60a: {  	v1 =	vld.idx.msk [tilespmem:v2+s3+$0x0], $0xffff  }
.Ltmp4:
0x60b: {  	(pc) =	sbr.rel @p0 .LBB2_10-.Ltmp4, $2  }
0x60c: {  	_ =	sdelay $0x2  }
0x60d: {  	s21 =	sshra.s32 s19, $0x2;
	s19 =	sadd.s32 $0x200, s19  }
0x60e: {  	_ =	sdelay $0x1  }
0x60f: {  	v2 =	vld [tilespmem:s21+$0x196A8]  }
0x610: {  	[tilespmem:s2+$0x19708] =	vst v1  }
0x611: {  	v0 =	vld.idx.msk [tilespmem:v0+s3+$0x0], $0xffff;
	_ =	sdelay $0x3  }
0x612: {  	v1 =	vld [tilespmem:s21+$0x196B8]  }
0x613: {  	[tilespmem:s2+$0x19718] =	vst v0  }
0x614: {  	v0 =	vld.idx.msk [tilespmem:v2+s3+$0x0], $0xffff;
	_ =	sdelay $0x4  }
0x615: {  	[tilespmem:s21+$0x196A8] =	vst v0;
	v0 =	vld [tilespmem:s21+$0x196C8]  }
0x616: {  	v1 =	vld.idx.msk [tilespmem:v1+s3+$0x0], $0xffff;
	_ =	sdelay $0x4  }
0x617: {  	[tilespmem:s21+$0x196B8] =	vst v1;
	v1 =	vld [tilespmem:s21+$0x196D8];
	_ =	sdelay $0x1  }
0x618: {  	v0 =	vld.idx.msk [tilespmem:v0+s3+$0x0], $0xffff;
	_ =	sdelay $0x4  }
0x619: {  	[tilespmem:s21+$0x196C8] =	vst v0;
	v0 =	vld [tilespmem:s21+$0x196E8]  }
0x61a: {  	v1 =	vld.idx.msk [tilespmem:v1+s3+$0x0], $0xffff;
	_ =	sdelay $0x4  }
0x61b: {  	[tilespmem:s21+$0x196D8] =	vst v1;
	v1 =	vld [tilespmem:s21+$0x196F8];
	_ =	sdelay $0x1  }
0x61c: {  	v0 =	vld.idx.msk [tilespmem:v0+s3+$0x0], $0xffff;
	_ =	sdelay $0x4  }
0x61d: {  	[tilespmem:s21+$0x196E8] =	vst v0;
	v0 =	vld [tilespmem:s21+$0x19708]  }
0x61e: {  	v1 =	vld.idx.msk [tilespmem:v1+s3+$0x0], $0xffff;
	_ =	sdelay $0x4  }
0x61f: {  	[tilespmem:s21+$0x196F8] =	vst v1;
	v1 =	vld [tilespmem:s21+$0x19718];
	_ =	sdelay $0x1  }
0x620: {  	v0 =	vld.idx.msk [tilespmem:v0+s3+$0x0], $0xffff;
	_ =	sdelay $0x4  }
0x621: {  	[tilespmem:s21+$0x19708] =	vst v0  }
0x622: {  	v0 =	vld.idx.msk [tilespmem:v1+s3+$0x0], $0xffff;
	_ =	sdelay $0x4  }
0x623: {  	s19 =	simm.s32 $0x196A8;
	s2 =	simm.s32 $0x0;
	[tilespmem:s21+$0x19718] =	vst v0;
	s21 =	simm.s32 $0x0  }
0x624: {  	[hbm4b:s11+s21] =	stream.linear.scatter [tilespmem:s19], [sflag:$0x3], $0x800, $0x38;
	[tilespmem:$0x1F9A8] =	vst v63  }
0x625: {  	v0 =	vld [tilespmem:s2+$0x19EA8];
	_ =	sdelay $0x5  }
0x626: {  	v1 =	vld [tilespmem:s2+$0x19EB8];
	_ =	sdelay $0x1  }
0x627: {  	v0 =	vld.idx.msk [tilespmem:v0+s3+$0x0], $0xffff;
	_ =	sdelay $0x4  }
0x628: {  	[tilespmem:s2+$0x19EA8] =	vst v0;
	v0 =	vld [tilespmem:s2+$0x19EC8]  }
0x629: {  	v1 =	vld.idx.msk [tilespmem:v1+s3+$0x0], $0xffff;
	_ =	sdelay $0x4  }
0x62a: {  	[tilespmem:s2+$0x19EB8] =	vst v1;
	v1 =	vld [tilespmem:s2+$0x19ED8];
	_ =	sdelay $0x1  }
0x62b: {  	v0 =	vld.idx.msk [tilespmem:v0+s3+$0x0], $0xffff;
	_ =	sdelay $0x4  }
0x62c: {  	[tilespmem:s2+$0x19EC8] =	vst v0;
	v0 =	vld [tilespmem:s2+$0x19EE8]  }
0x62d: {  	v1 =	vld.idx.msk [tilespmem:v1+s3+$0x0], $0xffff;
	_ =	sdelay $0x4  }
0x62e: {  	[tilespmem:s2+$0x19ED8] =	vst v1;
	v1 =	vld [tilespmem:s2+$0x19EF8];
	_ =	sdelay $0x1  }
0x62f: {  	v0 =	vld.idx.msk [tilespmem:v0+s3+$0x0], $0xffff;
	_ =	sdelay $0x4  }
0x630: {  	v2 =	vld [tilespmem:s2+$0x19F08];
	[tilespmem:s2+$0x19EE8] =	vst v0  }
0x631: {  	v0 =	vld.idx.msk [tilespmem:v1+s3+$0x0], $0xffff;
	_ =	sdelay $0x4  }
0x632: {  	[tilespmem:s2+$0x19EF8] =	vst v0;
	v0 =	vld [tilespmem:s2+$0x19F18];
	_ =	sdelay $0x1  }
0x633: {  	v1 =	vld.idx.msk [tilespmem:v2+s3+$0x0], $0xffff;
	_ =	sdelay $0x3  }
0x634: {  	s21 =	simm.s32 $0x80;
	s19 =	simm.s32 $0x400  }
.LBB2_12:
0x635: {  	p0 =	sne.s32 s19, $0x1E00;
	v2 =	vld [tilespmem:s21+$0x19EA8];
	[tilespmem:s2+$0x19F08] =	vst v1  }
0x636: {  	v0 =	vld.idx.msk [tilespmem:v0+s3+$0x0], $0xffff;
	_ =	sdelay $0x5  }
0x637: {  	v1 =	vld [tilespmem:s21+$0x19EB8];
	[tilespmem:s2+$0x19F18] =	vst v0;
	s2 =	smov.u32 s21  }
0x638: {  	v0 =	vld.idx.msk [tilespmem:v2+s3+$0x0], $0xffff;
	_ =	sdelay $0x5  }
0x639: {  	[tilespmem:s2+$0x19EA8] =	vst v0;
	v0 =	vld [tilespmem:s2+$0x19EC8]  }
0x63a: {  	v1 =	vld.idx.msk [tilespmem:v1+s3+$0x0], $0xffff;
	_ =	sdelay $0x5  }
0x63b: {  	[tilespmem:s2+$0x19EB8] =	vst v1;
	v1 =	vld [tilespmem:s2+$0x19ED8]  }
0x63c: {  	v0 =	vld.idx.msk [tilespmem:v0+s3+$0x0], $0xffff;
	_ =	sdelay $0x5  }
0x63d: {  	[tilespmem:s2+$0x19EC8] =	vst v0;
	v0 =	vld [tilespmem:s2+$0x19EE8]  }
0x63e: {  	v1 =	vld.idx.msk [tilespmem:v1+s3+$0x0], $0xffff;
	_ =	sdelay $0x5  }
0x63f: {  	[tilespmem:s2+$0x19ED8] =	vst v1;
	v1 =	vld [tilespmem:s2+$0x19EF8]  }
0x640: {  	v0 =	vld.idx.msk [tilespmem:v0+s3+$0x0], $0xffff;
	_ =	sdelay $0x5  }
0x641: {  	[tilespmem:s2+$0x19EE8] =	vst v0;
	v2 =	vld [tilespmem:s2+$0x19F08]  }
0x642: {  	v0 =	vld.idx.msk [tilespmem:v1+s3+$0x0], $0xffff;
	_ =	sdelay $0x5  }
0x643: {  	[tilespmem:s2+$0x19EF8] =	vst v0;
	v0 =	vld [tilespmem:s2+$0x19F18]  }
0x644: {  	v1 =	vld.idx.msk [tilespmem:v2+s3+$0x0], $0xffff  }
.Ltmp5:
0x645: {  	(pc) =	sbr.rel @p0 .LBB2_12-.Ltmp5, $2  }
0x646: {  	_ =	sdelay $0x2  }
0x647: {  	s21 =	sshra.s32 s19, $0x2;
	s19 =	sadd.s32 $0x200, s19  }
0x648: {  	_ =	sdelay $0x1  }
0x649: {  	v2 =	vld [tilespmem:s21+$0x19EA8]  }
0x64a: {  	[tilespmem:s2+$0x19F08] =	vst v1  }
0x64b: {  	v0 =	vld.idx.msk [tilespmem:v0+s3+$0x0], $0xffff;
	_ =	sdelay $0x3  }
0x64c: {  	v1 =	vld [tilespmem:s21+$0x19EB8]  }
0x64d: {  	[tilespmem:s2+$0x19F18] =	vst v0  }
0x64e: {  	v0 =	vld.idx.msk [tilespmem:v2+s3+$0x0], $0xffff;
	_ =	sdelay $0x4  }
0x64f: {  	[tilespmem:s21+$0x19EA8] =	vst v0;
	v0 =	vld [tilespmem:s21+$0x19EC8]  }
0x650: {  	v1 =	vld.idx.msk [tilespmem:v1+s3+$0x0], $0xffff;
	_ =	sdelay $0x4  }
0x651: {  	[tilespmem:s21+$0x19EB8] =	vst v1;
	v1 =	vld [tilespmem:s21+$0x19ED8];
	_ =	sdelay $0x1  }
0x652: {  	v0 =	vld.idx.msk [tilespmem:v0+s3+$0x0], $0xffff;
	_ =	sdelay $0x4  }
0x653: {  	[tilespmem:s21+$0x19EC8] =	vst v0;
	v0 =	vld [tilespmem:s21+$0x19EE8]  }
0x654: {  	v1 =	vld.idx.msk [tilespmem:v1+s3+$0x0], $0xffff;
	_ =	sdelay $0x4  }
0x655: {  	[tilespmem:s21+$0x19ED8] =	vst v1;
	v1 =	vld [tilespmem:s21+$0x19EF8];
	_ =	sdelay $0x1  }
0x656: {  	v0 =	vld.idx.msk [tilespmem:v0+s3+$0x0], $0xffff;
	_ =	sdelay $0x4  }
0x657: {  	[tilespmem:s21+$0x19EE8] =	vst v0;
	v0 =	vld [tilespmem:s21+$0x19F08]  }
0x658: {  	v1 =	vld.idx.msk [tilespmem:v1+s3+$0x0], $0xffff;
	_ =	sdelay $0x4  }
0x659: {  	[tilespmem:s21+$0x19EF8] =	vst v1;
	v1 =	vld [tilespmem:s21+$0x19F18];
	_ =	sdelay $0x1  }
0x65a: {  	v0 =	vld.idx.msk [tilespmem:v0+s3+$0x0], $0xffff;
	_ =	sdelay $0x4  }
0x65b: {  	[tilespmem:s21+$0x19F08] =	vst v0  }
0x65c: {  	v0 =	vld.idx.msk [tilespmem:v1+s3+$0x0], $0xffff;
	_ =	sdelay $0x4  }
0x65d: {  	s19 =	simm.s32 $0x19EA8;
	s2 =	simm.s32 $0x0;
	[tilespmem:s21+$0x19F18] =	vst v0;
	s21 =	simm.s32 $0x0  }
0x65e: {  	[hbm4b:s12+s21] =	stream.linear.scatter [tilespmem:s19], [sflag:$0x3], $0x800, $0x38;
	[tilespmem:$0x1F9A8] =	vst v63  }
0x65f: {  	v0 =	vld [tilespmem:s2+$0x1A6A8];
	_ =	sdelay $0x5  }
0x660: {  	v1 =	vld [tilespmem:s2+$0x1A6B8];
	_ =	sdelay $0x1  }
0x661: {  	v0 =	vld.idx.msk [tilespmem:v0+s3+$0x0], $0xffff;
	_ =	sdelay $0x4  }
0x662: {  	[tilespmem:s2+$0x1A6A8] =	vst v0;
	v0 =	vld [tilespmem:s2+$0x1A6C8]  }
0x663: {  	v1 =	vld.idx.msk [tilespmem:v1+s3+$0x0], $0xffff;
	_ =	sdelay $0x4  }
0x664: {  	[tilespmem:s2+$0x1A6B8] =	vst v1;
	v1 =	vld [tilespmem:s2+$0x1A6D8];
	_ =	sdelay $0x1  }
0x665: {  	v0 =	vld.idx.msk [tilespmem:v0+s3+$0x0], $0xffff;
	_ =	sdelay $0x4  }
0x666: {  	[tilespmem:s2+$0x1A6C8] =	vst v0;
	v0 =	vld [tilespmem:s2+$0x1A6E8]  }
0x667: {  	v1 =	vld.idx.msk [tilespmem:v1+s3+$0x0], $0xffff;
	_ =	sdelay $0x4  }
0x668: {  	[tilespmem:s2+$0x1A6D8] =	vst v1;
	v1 =	vld [tilespmem:s2+$0x1A6F8];
	_ =	sdelay $0x1  }
0x669: {  	v0 =	vld.idx.msk [tilespmem:v0+s3+$0x0], $0xffff;
	_ =	sdelay $0x4  }
0x66a: {  	v2 =	vld [tilespmem:s2+$0x1A708];
	[tilespmem:s2+$0x1A6E8] =	vst v0  }
0x66b: {  	v0 =	vld.idx.msk [tilespmem:v1+s3+$0x0], $0xffff;
	_ =	sdelay $0x4  }
0x66c: {  	[tilespmem:s2+$0x1A6F8] =	vst v0;
	v0 =	vld [tilespmem:s2+$0x1A718];
	_ =	sdelay $0x1  }
0x66d: {  	v1 =	vld.idx.msk [tilespmem:v2+s3+$0x0], $0xffff;
	_ =	sdelay $0x3  }
0x66e: {  	s21 =	simm.s32 $0x80;
	s19 =	simm.s32 $0x400  }
.LBB2_14:
0x66f: {  	p0 =	sne.s32 s19, $0x1E00;
	v2 =	vld [tilespmem:s21+$0x1A6A8];
	[tilespmem:s2+$0x1A708] =	vst v1  }
0x670: {  	v0 =	vld.idx.msk [tilespmem:v0+s3+$0x0], $0xffff;
	_ =	sdelay $0x5  }
0x671: {  	v1 =	vld [tilespmem:s21+$0x1A6B8];
	[tilespmem:s2+$0x1A718] =	vst v0;
	s2 =	smov.u32 s21  }
0x672: {  	v0 =	vld.idx.msk [tilespmem:v2+s3+$0x0], $0xffff;
	_ =	sdelay $0x5  }
0x673: {  	[tilespmem:s2+$0x1A6A8] =	vst v0;
	v0 =	vld [tilespmem:s2+$0x1A6C8]  }
0x674: {  	v1 =	vld.idx.msk [tilespmem:v1+s3+$0x0], $0xffff;
	_ =	sdelay $0x5  }
0x675: {  	[tilespmem:s2+$0x1A6B8] =	vst v1;
	v1 =	vld [tilespmem:s2+$0x1A6D8]  }
0x676: {  	v0 =	vld.idx.msk [tilespmem:v0+s3+$0x0], $0xffff;
	_ =	sdelay $0x5  }
0x677: {  	[tilespmem:s2+$0x1A6C8] =	vst v0;
	v0 =	vld [tilespmem:s2+$0x1A6E8]  }
0x678: {  	v1 =	vld.idx.msk [tilespmem:v1+s3+$0x0], $0xffff;
	_ =	sdelay $0x5  }
0x679: {  	[tilespmem:s2+$0x1A6D8] =	vst v1;
	v1 =	vld [tilespmem:s2+$0x1A6F8]  }
0x67a: {  	v0 =	vld.idx.msk [tilespmem:v0+s3+$0x0], $0xffff;
	_ =	sdelay $0x5  }
0x67b: {  	[tilespmem:s2+$0x1A6E8] =	vst v0;
	v2 =	vld [tilespmem:s2+$0x1A708]  }
0x67c: {  	v0 =	vld.idx.msk [tilespmem:v1+s3+$0x0], $0xffff;
	_ =	sdelay $0x5  }
0x67d: {  	[tilespmem:s2+$0x1A6F8] =	vst v0;
	v0 =	vld [tilespmem:s2+$0x1A718]  }
0x67e: {  	v1 =	vld.idx.msk [tilespmem:v2+s3+$0x0], $0xffff  }
.Ltmp6:
0x67f: {  	(pc) =	sbr.rel @p0 .LBB2_14-.Ltmp6, $2  }
0x680: {  	_ =	sdelay $0x2  }
0x681: {  	s21 =	sshra.s32 s19, $0x2;
	s19 =	sadd.s32 $0x200, s19  }
0x682: {  	_ =	sdelay $0x1  }
0x683: {  	v2 =	vld [tilespmem:s21+$0x1A6A8]  }
0x684: {  	[tilespmem:s2+$0x1A708] =	vst v1  }
0x685: {  	v0 =	vld.idx.msk [tilespmem:v0+s3+$0x0], $0xffff;
	_ =	sdelay $0x3  }
0x686: {  	v1 =	vld [tilespmem:s21+$0x1A6B8]  }
0x687: {  	[tilespmem:s2+$0x1A718] =	vst v0  }
0x688: {  	v0 =	vld.idx.msk [tilespmem:v2+s3+$0x0], $0xffff;
	_ =	sdelay $0x4  }
0x689: {  	[tilespmem:s21+$0x1A6A8] =	vst v0;
	v0 =	vld [tilespmem:s21+$0x1A6C8]  }
0x68a: {  	v1 =	vld.idx.msk [tilespmem:v1+s3+$0x0], $0xffff;
	_ =	sdelay $0x4  }
0x68b: {  	[tilespmem:s21+$0x1A6B8] =	vst v1;
	v1 =	vld [tilespmem:s21+$0x1A6D8];
	_ =	sdelay $0x1  }
0x68c: {  	v0 =	vld.idx.msk [tilespmem:v0+s3+$0x0], $0xffff;
	_ =	sdelay $0x4  }
0x68d: {  	[tilespmem:s21+$0x1A6C8] =	vst v0;
	v0 =	vld [tilespmem:s21+$0x1A6E8]  }
0x68e: {  	v1 =	vld.idx.msk [tilespmem:v1+s3+$0x0], $0xffff;
	_ =	sdelay $0x4  }
0x68f: {  	[tilespmem:s21+$0x1A6D8] =	vst v1;
	v1 =	vld [tilespmem:s21+$0x1A6F8];
	_ =	sdelay $0x1  }
0x690: {  	v0 =	vld.idx.msk [tilespmem:v0+s3+$0x0], $0xffff;
	_ =	sdelay $0x4  }
0x691: {  	[tilespmem:s21+$0x1A6E8] =	vst v0;
	v0 =	vld [tilespmem:s21+$0x1A708]  }
0x692: {  	v1 =	vld.idx.msk [tilespmem:v1+s3+$0x0], $0xffff;
	_ =	sdelay $0x4  }
0x693: {  	[tilespmem:s21+$0x1A6F8] =	vst v1;
	v1 =	vld [tilespmem:s21+$0x1A718];
	_ =	sdelay $0x1  }
0x694: {  	v0 =	vld.idx.msk [tilespmem:v0+s3+$0x0], $0xffff;
	_ =	sdelay $0x4  }
0x695: {  	[tilespmem:s21+$0x1A708] =	vst v0  }
0x696: {  	v0 =	vld.idx.msk [tilespmem:v1+s3+$0x0], $0xffff;
	_ =	sdelay $0x4  }
0x697: {  	s19 =	simm.s32 $0x1A6A8;
	s2 =	simm.s32 $0x0;
	[tilespmem:s21+$0x1A718] =	vst v0;
	s21 =	simm.s32 $0x0  }
0x698: {  	[hbm4b:s13+s21] =	stream.linear.scatter [tilespmem:s19], [sflag:$0x3], $0x800, $0x38;
	[tilespmem:$0x1F9A8] =	vst v63  }
0x699: {  	v0 =	vld [tilespmem:s2+$0x1AEA8];
	_ =	sdelay $0x5  }
0x69a: {  	v1 =	vld [tilespmem:s2+$0x1AEB8];
	_ =	sdelay $0x1  }
0x69b: {  	v0 =	vld.idx.msk [tilespmem:v0+s3+$0x0], $0xffff;
	_ =	sdelay $0x4  }
0x69c: {  	[tilespmem:s2+$0x1AEA8] =	vst v0;
	v0 =	vld [tilespmem:s2+$0x1AEC8]  }
0x69d: {  	v1 =	vld.idx.msk [tilespmem:v1+s3+$0x0], $0xffff;
	_ =	sdelay $0x4  }
0x69e: {  	[tilespmem:s2+$0x1AEB8] =	vst v1;
	v1 =	vld [tilespmem:s2+$0x1AED8];
	_ =	sdelay $0x1  }
0x69f: {  	v0 =	vld.idx.msk [tilespmem:v0+s3+$0x0], $0xffff;
	_ =	sdelay $0x4  }
0x6a0: {  	[tilespmem:s2+$0x1AEC8] =	vst v0;
	v0 =	vld [tilespmem:s2+$0x1AEE8]  }
0x6a1: {  	v1 =	vld.idx.msk [tilespmem:v1+s3+$0x0], $0xffff;
	_ =	sdelay $0x4  }
0x6a2: {  	[tilespmem:s2+$0x1AED8] =	vst v1;
	v1 =	vld [tilespmem:s2+$0x1AEF8];
	_ =	sdelay $0x1  }
0x6a3: {  	v0 =	vld.idx.msk [tilespmem:v0+s3+$0x0], $0xffff;
	_ =	sdelay $0x4  }
0x6a4: {  	v2 =	vld [tilespmem:s2+$0x1AF08];
	[tilespmem:s2+$0x1AEE8] =	vst v0  }
0x6a5: {  	v0 =	vld.idx.msk [tilespmem:v1+s3+$0x0], $0xffff;
	_ =	sdelay $0x4  }
0x6a6: {  	[tilespmem:s2+$0x1AEF8] =	vst v0;
	v0 =	vld [tilespmem:s2+$0x1AF18];
	_ =	sdelay $0x1  }
0x6a7: {  	v1 =	vld.idx.msk [tilespmem:v2+s3+$0x0], $0xffff;
	_ =	sdelay $0x3  }
0x6a8: {  	s21 =	simm.s32 $0x80;
	s19 =	simm.s32 $0x400  }
.LBB2_16:
0x6a9: {  	p0 =	sne.s32 s19, $0x1E00;
	v2 =	vld [tilespmem:s21+$0x1AEA8];
	[tilespmem:s2+$0x1AF08] =	vst v1  }
0x6aa: {  	v0 =	vld.idx.msk [tilespmem:v0+s3+$0x0], $0xffff;
	_ =	sdelay $0x5  }
0x6ab: {  	v1 =	vld [tilespmem:s21+$0x1AEB8];
	[tilespmem:s2+$0x1AF18] =	vst v0;
	s2 =	smov.u32 s21  }
0x6ac: {  	v0 =	vld.idx.msk [tilespmem:v2+s3+$0x0], $0xffff;
	_ =	sdelay $0x5  }
0x6ad: {  	[tilespmem:s2+$0x1AEA8] =	vst v0;
	v0 =	vld [tilespmem:s2+$0x1AEC8]  }
0x6ae: {  	v1 =	vld.idx.msk [tilespmem:v1+s3+$0x0], $0xffff;
	_ =	sdelay $0x5  }
0x6af: {  	[tilespmem:s2+$0x1AEB8] =	vst v1;
	v1 =	vld [tilespmem:s2+$0x1AED8]  }
0x6b0: {  	v0 =	vld.idx.msk [tilespmem:v0+s3+$0x0], $0xffff;
	_ =	sdelay $0x5  }
0x6b1: {  	[tilespmem:s2+$0x1AEC8] =	vst v0;
	v0 =	vld [tilespmem:s2+$0x1AEE8]  }
0x6b2: {  	v1 =	vld.idx.msk [tilespmem:v1+s3+$0x0], $0xffff;
	_ =	sdelay $0x5  }
0x6b3: {  	[tilespmem:s2+$0x1AED8] =	vst v1;
	v1 =	vld [tilespmem:s2+$0x1AEF8]  }
0x6b4: {  	v0 =	vld.idx.msk [tilespmem:v0+s3+$0x0], $0xffff;
	_ =	sdelay $0x5  }
0x6b5: {  	[tilespmem:s2+$0x1AEE8] =	vst v0;
	v2 =	vld [tilespmem:s2+$0x1AF08]  }
0x6b6: {  	v0 =	vld.idx.msk [tilespmem:v1+s3+$0x0], $0xffff;
	_ =	sdelay $0x5  }
0x6b7: {  	[tilespmem:s2+$0x1AEF8] =	vst v0;
	v0 =	vld [tilespmem:s2+$0x1AF18]  }
0x6b8: {  	v1 =	vld.idx.msk [tilespmem:v2+s3+$0x0], $0xffff  }
.Ltmp7:
0x6b9: {  	(pc) =	sbr.rel @p0 .LBB2_16-.Ltmp7, $2  }
0x6ba: {  	_ =	sdelay $0x2  }
0x6bb: {  	s21 =	sshra.s32 s19, $0x2;
	s19 =	sadd.s32 $0x200, s19  }
0x6bc: {  	_ =	sdelay $0x1  }
0x6bd: {  	v2 =	vld [tilespmem:s21+$0x1AEA8]  }
0x6be: {  	[tilespmem:s2+$0x1AF08] =	vst v1  }
0x6bf: {  	v0 =	vld.idx.msk [tilespmem:v0+s3+$0x0], $0xffff;
	_ =	sdelay $0x3  }
0x6c0: {  	v1 =	vld [tilespmem:s21+$0x1AEB8]  }
0x6c1: {  	[tilespmem:s2+$0x1AF18] =	vst v0  }
0x6c2: {  	v0 =	vld.idx.msk [tilespmem:v2+s3+$0x0], $0xffff;
	_ =	sdelay $0x4  }
0x6c3: {  	[tilespmem:s21+$0x1AEA8] =	vst v0;
	v0 =	vld [tilespmem:s21+$0x1AEC8]  }
0x6c4: {  	v1 =	vld.idx.msk [tilespmem:v1+s3+$0x0], $0xffff;
	_ =	sdelay $0x4  }
0x6c5: {  	[tilespmem:s21+$0x1AEB8] =	vst v1;
	v1 =	vld [tilespmem:s21+$0x1AED8];
	_ =	sdelay $0x1  }
0x6c6: {  	v0 =	vld.idx.msk [tilespmem:v0+s3+$0x0], $0xffff;
	_ =	sdelay $0x4  }
0x6c7: {  	[tilespmem:s21+$0x1AEC8] =	vst v0;
	v0 =	vld [tilespmem:s21+$0x1AEE8]  }
0x6c8: {  	v1 =	vld.idx.msk [tilespmem:v1+s3+$0x0], $0xffff;
	_ =	sdelay $0x4  }
0x6c9: {  	[tilespmem:s21+$0x1AED8] =	vst v1;
	v1 =	vld [tilespmem:s21+$0x1AEF8];
	_ =	sdelay $0x1  }
0x6ca: {  	v0 =	vld.idx.msk [tilespmem:v0+s3+$0x0], $0xffff;
	_ =	sdelay $0x4  }
0x6cb: {  	[tilespmem:s21+$0x1AEE8] =	vst v0;
	v0 =	vld [tilespmem:s21+$0x1AF08]  }
0x6cc: {  	v1 =	vld.idx.msk [tilespmem:v1+s3+$0x0], $0xffff;
	_ =	sdelay $0x4  }
0x6cd: {  	[tilespmem:s21+$0x1AEF8] =	vst v1;
	v1 =	vld [tilespmem:s21+$0x1AF18];
	_ =	sdelay $0x1  }
0x6ce: {  	v0 =	vld.idx.msk [tilespmem:v0+s3+$0x0], $0xffff;
	_ =	sdelay $0x4  }
0x6cf: {  	[tilespmem:s21+$0x1AF08] =	vst v0  }
0x6d0: {  	v0 =	vld.idx.msk [tilespmem:v1+s3+$0x0], $0xffff;
	_ =	sdelay $0x4  }
0x6d1: {  	s19 =	simm.s32 $0x1AEA8;
	s2 =	simm.s32 $0x0;
	[tilespmem:s21+$0x1AF18] =	vst v0;
	s21 =	simm.s32 $0x0  }
0x6d2: {  	[hbm4b:s14+s21] =	stream.linear.scatter [tilespmem:s19], [sflag:$0x3], $0x800, $0x38;
	[tilespmem:$0x1F9A8] =	vst v63  }
0x6d3: {  	v0 =	vld [tilespmem:s2+$0x1B6A8];
	_ =	sdelay $0x5  }
0x6d4: {  	v1 =	vld [tilespmem:s2+$0x1B6B8];
	_ =	sdelay $0x1  }
0x6d5: {  	v0 =	vld.idx.msk [tilespmem:v0+s3+$0x0], $0xffff;
	_ =	sdelay $0x4  }
0x6d6: {  	[tilespmem:s2+$0x1B6A8] =	vst v0;
	v0 =	vld [tilespmem:s2+$0x1B6C8]  }
0x6d7: {  	v1 =	vld.idx.msk [tilespmem:v1+s3+$0x0], $0xffff;
	_ =	sdelay $0x4  }
0x6d8: {  	[tilespmem:s2+$0x1B6B8] =	vst v1;
	v1 =	vld [tilespmem:s2+$0x1B6D8];
	_ =	sdelay $0x1  }
0x6d9: {  	v0 =	vld.idx.msk [tilespmem:v0+s3+$0x0], $0xffff;
	_ =	sdelay $0x4  }
0x6da: {  	[tilespmem:s2+$0x1B6C8] =	vst v0;
	v0 =	vld [tilespmem:s2+$0x1B6E8]  }
0x6db: {  	v1 =	vld.idx.msk [tilespmem:v1+s3+$0x0], $0xffff;
	_ =	sdelay $0x4  }
0x6dc: {  	[tilespmem:s2+$0x1B6D8] =	vst v1;
	v1 =	vld [tilespmem:s2+$0x1B6F8];
	_ =	sdelay $0x1  }
0x6dd: {  	v0 =	vld.idx.msk [tilespmem:v0+s3+$0x0], $0xffff;
	_ =	sdelay $0x4  }
0x6de: {  	v2 =	vld [tilespmem:s2+$0x1B708];
	[tilespmem:s2+$0x1B6E8] =	vst v0  }
0x6df: {  	v0 =	vld.idx.msk [tilespmem:v1+s3+$0x0], $0xffff;
	_ =	sdelay $0x4  }
0x6e0: {  	[tilespmem:s2+$0x1B6F8] =	vst v0;
	v0 =	vld [tilespmem:s2+$0x1B718];
	_ =	sdelay $0x1  }
0x6e1: {  	v1 =	vld.idx.msk [tilespmem:v2+s3+$0x0], $0xffff;
	_ =	sdelay $0x3  }
0x6e2: {  	s21 =	simm.s32 $0x80;
	s19 =	simm.s32 $0x400  }
.LBB2_18:
0x6e3: {  	p0 =	sne.s32 s19, $0x1E00;
	v2 =	vld [tilespmem:s21+$0x1B6A8];
	[tilespmem:s2+$0x1B708] =	vst v1  }
0x6e4: {  	v0 =	vld.idx.msk [tilespmem:v0+s3+$0x0], $0xffff;
	_ =	sdelay $0x5  }
0x6e5: {  	v1 =	vld [tilespmem:s21+$0x1B6B8];
	[tilespmem:s2+$0x1B718] =	vst v0;
	s2 =	smov.u32 s21  }
0x6e6: {  	v0 =	vld.idx.msk [tilespmem:v2+s3+$0x0], $0xffff;
	_ =	sdelay $0x5  }
0x6e7: {  	[tilespmem:s2+$0x1B6A8] =	vst v0;
	v0 =	vld [tilespmem:s2+$0x1B6C8]  }
0x6e8: {  	v1 =	vld.idx.msk [tilespmem:v1+s3+$0x0], $0xffff;
	_ =	sdelay $0x5  }
0x6e9: {  	[tilespmem:s2+$0x1B6B8] =	vst v1;
	v1 =	vld [tilespmem:s2+$0x1B6D8]  }
0x6ea: {  	v0 =	vld.idx.msk [tilespmem:v0+s3+$0x0], $0xffff;
	_ =	sdelay $0x5  }
0x6eb: {  	[tilespmem:s2+$0x1B6C8] =	vst v0;
	v0 =	vld [tilespmem:s2+$0x1B6E8]  }
0x6ec: {  	v1 =	vld.idx.msk [tilespmem:v1+s3+$0x0], $0xffff;
	_ =	sdelay $0x5  }
0x6ed: {  	[tilespmem:s2+$0x1B6D8] =	vst v1;
	v1 =	vld [tilespmem:s2+$0x1B6F8]  }
0x6ee: {  	v0 =	vld.idx.msk [tilespmem:v0+s3+$0x0], $0xffff;
	_ =	sdelay $0x5  }
0x6ef: {  	[tilespmem:s2+$0x1B6E8] =	vst v0;
	v2 =	vld [tilespmem:s2+$0x1B708]  }
0x6f0: {  	v0 =	vld.idx.msk [tilespmem:v1+s3+$0x0], $0xffff;
	_ =	sdelay $0x5  }
0x6f1: {  	[tilespmem:s2+$0x1B6F8] =	vst v0;
	v0 =	vld [tilespmem:s2+$0x1B718]  }
0x6f2: {  	v1 =	vld.idx.msk [tilespmem:v2+s3+$0x0], $0xffff  }
.Ltmp8:
0x6f3: {  	(pc) =	sbr.rel @p0 .LBB2_18-.Ltmp8, $2  }
0x6f4: {  	_ =	sdelay $0x2  }
0x6f5: {  	s21 =	sshra.s32 s19, $0x2;
	s19 =	sadd.s32 $0x200, s19  }
0x6f6: {  	_ =	sdelay $0x1  }
0x6f7: {  	v2 =	vld [tilespmem:s21+$0x1B6A8]  }
0x6f8: {  	[tilespmem:s2+$0x1B708] =	vst v1  }
0x6f9: {  	v0 =	vld.idx.msk [tilespmem:v0+s3+$0x0], $0xffff;
	_ =	sdelay $0x3  }
0x6fa: {  	v1 =	vld [tilespmem:s21+$0x1B6B8]  }
0x6fb: {  	[tilespmem:s2+$0x1B718] =	vst v0  }
0x6fc: {  	v0 =	vld.idx.msk [tilespmem:v2+s3+$0x0], $0xffff;
	_ =	sdelay $0x4  }
0x6fd: {  	[tilespmem:s21+$0x1B6A8] =	vst v0;
	v0 =	vld [tilespmem:s21+$0x1B6C8]  }
0x6fe: {  	v1 =	vld.idx.msk [tilespmem:v1+s3+$0x0], $0xffff;
	_ =	sdelay $0x4  }
0x6ff: {  	[tilespmem:s21+$0x1B6B8] =	vst v1;
	v1 =	vld [tilespmem:s21+$0x1B6D8];
	_ =	sdelay $0x1  }
0x700: {  	v0 =	vld.idx.msk [tilespmem:v0+s3+$0x0], $0xffff;
	_ =	sdelay $0x4  }
0x701: {  	[tilespmem:s21+$0x1B6C8] =	vst v0;
	v0 =	vld [tilespmem:s21+$0x1B6E8]  }
0x702: {  	v1 =	vld.idx.msk [tilespmem:v1+s3+$0x0], $0xffff;
	_ =	sdelay $0x4  }
0x703: {  	[tilespmem:s21+$0x1B6D8] =	vst v1;
	v1 =	vld [tilespmem:s21+$0x1B6F8];
	_ =	sdelay $0x1  }
0x704: {  	v0 =	vld.idx.msk [tilespmem:v0+s3+$0x0], $0xffff;
	_ =	sdelay $0x4  }
0x705: {  	[tilespmem:s21+$0x1B6E8] =	vst v0;
	v0 =	vld [tilespmem:s21+$0x1B708]  }
0x706: {  	v1 =	vld.idx.msk [tilespmem:v1+s3+$0x0], $0xffff;
	_ =	sdelay $0x4  }
0x707: {  	[tilespmem:s21+$0x1B6F8] =	vst v1;
	v1 =	vld [tilespmem:s21+$0x1B718];
	_ =	sdelay $0x1  }
0x708: {  	v0 =	vld.idx.msk [tilespmem:v0+s3+$0x0], $0xffff;
	_ =	sdelay $0x4  }
0x709: {  	[tilespmem:s21+$0x1B708] =	vst v0  }
0x70a: {  	v0 =	vld.idx.msk [tilespmem:v1+s3+$0x0], $0xffff;
	_ =	sdelay $0x4  }
0x70b: {  	s19 =	simm.s32 $0x1B6A8;
	s2 =	simm.s32 $0x0;
	[tilespmem:s21+$0x1B718] =	vst v0;
	s21 =	simm.s32 $0x0  }
0x70c: {  	[hbm4b:s15+s21] =	stream.linear.scatter [tilespmem:s19], [sflag:$0x3], $0x800, $0x38;
	[tilespmem:$0x1F9A8] =	vst v63  }
0x70d: {  	v0 =	vld [tilespmem:s2+$0x1BEA8];
	_ =	sdelay $0x5  }
0x70e: {  	v1 =	vld [tilespmem:s2+$0x1BEB8];
	_ =	sdelay $0x1  }
0x70f: {  	v0 =	vld.idx.msk [tilespmem:v0+s3+$0x0], $0xffff;
	_ =	sdelay $0x4  }
0x710: {  	[tilespmem:s2+$0x1BEA8] =	vst v0;
	v0 =	vld [tilespmem:s2+$0x1BEC8]  }
0x711: {  	v1 =	vld.idx.msk [tilespmem:v1+s3+$0x0], $0xffff;
	_ =	sdelay $0x4  }
0x712: {  	[tilespmem:s2+$0x1BEB8] =	vst v1;
	v1 =	vld [tilespmem:s2+$0x1BED8];
	_ =	sdelay $0x1  }
0x713: {  	v0 =	vld.idx.msk [tilespmem:v0+s3+$0x0], $0xffff;
	_ =	sdelay $0x4  }
0x714: {  	[tilespmem:s2+$0x1BEC8] =	vst v0;
	v0 =	vld [tilespmem:s2+$0x1BEE8]  }
0x715: {  	v1 =	vld.idx.msk [tilespmem:v1+s3+$0x0], $0xffff;
	_ =	sdelay $0x4  }
0x716: {  	[tilespmem:s2+$0x1BED8] =	vst v1;
	v1 =	vld [tilespmem:s2+$0x1BEF8];
	_ =	sdelay $0x1  }
0x717: {  	v0 =	vld.idx.msk [tilespmem:v0+s3+$0x0], $0xffff;
	_ =	sdelay $0x4  }
0x718: {  	v2 =	vld [tilespmem:s2+$0x1BF08];
	[tilespmem:s2+$0x1BEE8] =	vst v0  }
0x719: {  	v0 =	vld.idx.msk [tilespmem:v1+s3+$0x0], $0xffff;
	_ =	sdelay $0x4  }
0x71a: {  	[tilespmem:s2+$0x1BEF8] =	vst v0;
	v0 =	vld [tilespmem:s2+$0x1BF18];
	_ =	sdelay $0x1  }
0x71b: {  	v1 =	vld.idx.msk [tilespmem:v2+s3+$0x0], $0xffff;
	_ =	sdelay $0x3  }
0x71c: {  	s21 =	simm.s32 $0x80;
	s19 =	simm.s32 $0x400  }
.LBB2_20:
0x71d: {  	p0 =	sne.s32 s19, $0x1E00;
	v2 =	vld [tilespmem:s21+$0x1BEA8];
	[tilespmem:s2+$0x1BF08] =	vst v1  }
0x71e: {  	v0 =	vld.idx.msk [tilespmem:v0+s3+$0x0], $0xffff;
	_ =	sdelay $0x5  }
0x71f: {  	v1 =	vld [tilespmem:s21+$0x1BEB8];
	[tilespmem:s2+$0x1BF18] =	vst v0;
	s2 =	smov.u32 s21  }
0x720: {  	v0 =	vld.idx.msk [tilespmem:v2+s3+$0x0], $0xffff;
	_ =	sdelay $0x5  }
0x721: {  	[tilespmem:s2+$0x1BEA8] =	vst v0;
	v0 =	vld [tilespmem:s2+$0x1BEC8]  }
0x722: {  	v1 =	vld.idx.msk [tilespmem:v1+s3+$0x0], $0xffff;
	_ =	sdelay $0x5  }
0x723: {  	[tilespmem:s2+$0x1BEB8] =	vst v1;
	v1 =	vld [tilespmem:s2+$0x1BED8]  }
0x724: {  	v0 =	vld.idx.msk [tilespmem:v0+s3+$0x0], $0xffff;
	_ =	sdelay $0x5  }
0x725: {  	[tilespmem:s2+$0x1BEC8] =	vst v0;
	v0 =	vld [tilespmem:s2+$0x1BEE8]  }
0x726: {  	v1 =	vld.idx.msk [tilespmem:v1+s3+$0x0], $0xffff;
	_ =	sdelay $0x5  }
0x727: {  	[tilespmem:s2+$0x1BED8] =	vst v1;
	v1 =	vld [tilespmem:s2+$0x1BEF8]  }
0x728: {  	v0 =	vld.idx.msk [tilespmem:v0+s3+$0x0], $0xffff;
	_ =	sdelay $0x5  }
0x729: {  	[tilespmem:s2+$0x1BEE8] =	vst v0;
	v2 =	vld [tilespmem:s2+$0x1BF08]  }
0x72a: {  	v0 =	vld.idx.msk [tilespmem:v1+s3+$0x0], $0xffff;
	_ =	sdelay $0x5  }
0x72b: {  	[tilespmem:s2+$0x1BEF8] =	vst v0;
	v0 =	vld [tilespmem:s2+$0x1BF18]  }
0x72c: {  	v1 =	vld.idx.msk [tilespmem:v2+s3+$0x0], $0xffff  }
.Ltmp9:
0x72d: {  	(pc) =	sbr.rel @p0 .LBB2_20-.Ltmp9, $2  }
0x72e: {  	_ =	sdelay $0x2  }
0x72f: {  	s21 =	sshra.s32 s19, $0x2;
	s19 =	sadd.s32 $0x200, s19  }
0x730: {  	_ =	sdelay $0x1  }
0x731: {  	v2 =	vld [tilespmem:s21+$0x1BEA8]  }
0x732: {  	[tilespmem:s2+$0x1BF08] =	vst v1  }
0x733: {  	v0 =	vld.idx.msk [tilespmem:v0+s3+$0x0], $0xffff;
	_ =	sdelay $0x3  }
0x734: {  	v1 =	vld [tilespmem:s21+$0x1BEB8]  }
0x735: {  	[tilespmem:s2+$0x1BF18] =	vst v0  }
0x736: {  	v0 =	vld.idx.msk [tilespmem:v2+s3+$0x0], $0xffff;
	_ =	sdelay $0x3  }
0x737: {  	v58 =	vld [tilespmem:s21+$0x1BEC8]  }
0x738: {  	[tilespmem:s21+$0x1BEA8] =	vst v0  }
0x739: {  	v1 =	vld.idx.msk [tilespmem:v1+s3+$0x0], $0xffff;
	_ =	sdelay $0x3  }
0x73a: {  	v59 =	vld [tilespmem:s21+$0x1BED8]  }
0x73b: {  	[tilespmem:s21+$0x1BEB8] =	vst v1  }
0x73c: {  	v0 =	vld.idx.msk [tilespmem:v58+s3+$0x0], $0xffff;
	_ =	sdelay $0x3  }
0x73d: {  	v60 =	vld [tilespmem:s21+$0x1BEE8]  }
0x73e: {  	[tilespmem:s21+$0x1BEC8] =	vst v0  }
0x73f: {  	v1 =	vld.idx.msk [tilespmem:v59+s3+$0x0], $0xffff;
	_ =	sdelay $0x3  }
0x740: {  	v61 =	vld [tilespmem:s21+$0x1BEF8]  }
0x741: {  	[tilespmem:s21+$0x1BED8] =	vst v1  }
0x742: {  	v0 =	vld.idx.msk [tilespmem:v60+s3+$0x0], $0xffff;
	_ =	sdelay $0x3  }
0x743: {  	v62 =	vld [tilespmem:s21+$0x1BF08]  }
0x744: {  	[tilespmem:s21+$0x1BEE8] =	vst v0  }
0x745: {  	v1 =	vld.idx.msk [tilespmem:v61+s3+$0x0], $0xffff;
	_ =	sdelay $0x3  }
0x746: {  	v63 =	vld [tilespmem:s21+$0x1BF18]  }
0x747: {  	[tilespmem:s21+$0x1BEF8] =	vst v1  }
0x748: {  	v0 =	vld.idx.msk [tilespmem:v62+s3+$0x0], $0xffff;
	_ =	sdelay $0x4  }
0x749: {  	[tilespmem:s21+$0x1BF08] =	vst v0  }
0x74a: {  	v0 =	vld.idx.msk [tilespmem:v63+s3+$0x0], $0xffff;
	_ =	sdelay $0x4  }
0x74b: {  	[tilespmem:s21+$0x1BF18] =	vst v0  }
0x74c: {  	[hbm4b:s16+s3] =	stream.linear.scatter [tilespmem:s31], [sflag:$0x3], $0x800, $0x38;
	[tilespmem:$0x1F9A8] =	vst v63  }
0x74d: {  	_ =	swait.ge [sflag:s1], $0x800  }
0x74e: {  	[sflag:s1] =	ssyncset.done $0x0  }
0x74f: {  	[sflag:s1] =	ssyncadd.s32 $0xFFFFF800  }
0x750: {  	_ =	swait.ge [sflag:s1], $0x800  }
0x751: {  	[sflag:s1] =	ssyncset.done $0x0  }
0x752: {  	[sflag:s1] =	ssyncadd.s32 $0xFFFFF800  }
0x753: {  	_ =	swait.ge [sflag:s1], $0x800  }
0x754: {  	[sflag:s1] =	ssyncset.done $0x0  }
0x755: {  	[sflag:s1] =	ssyncadd.s32 $0xFFFFF800  }
0x756: {  	_ =	swait.ge [sflag:s1], $0x800  }
0x757: {  	[sflag:s1] =	ssyncset.done $0x0  }
0x758: {  	[sflag:s1] =	ssyncadd.s32 $0xFFFFF800  }
0x759: {  	_ =	swait.ge [sflag:s1], $0x800  }
0x75a: {  	[sflag:s1] =	ssyncset.done $0x0  }
0x75b: {  	[sflag:s1] =	ssyncadd.s32 $0xFFFFF800  }
0x75c: {  	_ =	swait.ge [sflag:s1], $0x800  }
0x75d: {  	[sflag:s1] =	ssyncset.done $0x0  }
0x75e: {  	[sflag:s1] =	ssyncadd.s32 $0xFFFFF800  }
0x75f: {  	_ =	swait.ge [sflag:s1], $0x800  }
0x760: {  	[sflag:s1] =	ssyncset.done $0x0  }
0x761: {  	s0 =	sadd.s32 $0x1, s0;
	[sflag:s1] =	ssyncadd.s32 $0xFFFFF800  }
0x762: {  	p0 =	sne.s32 s0, s17;
	_ =	swait.ge [sflag:s1], $0x800  }
.Ltmp10:
0x763: {  	[sflag:s1] =	ssyncset.done $0x0;
	(pc) =	sbr.rel @p0 .LBB2_1-.Ltmp10, $4  }
0x764: {  	[sflag:s1] =	ssyncadd.s32 $0xFFFFF800  }
0x765: {  	_ =	swait.ge [sflag:s28], $0x2000  }
0x766: {  	[sflag:s28] =	ssyncset.done $0x0  }
0x767: {  	[sflag:s28] =	ssyncadd.s32 $0xFFFFE000  }
0x768: {  	_ =	sfence.sel $0x180000  }
0x769: {  	[bflag:$0x0] =	sbarrier.arrive $0xFFFF  }
0x76a: {  	_ =	strace $0x90000047  }
0x76b: {  	s0 =	stileid.u32;
	[bflag:$0x2] =	sbarrier.arrive $0xFFFF  }
0x76c: {  	p0 =	sne.s32 s0, $0x0;
	s0 =	rddreg [dreg:$0x3]  }
0x76d: {  	s0 =	sadd.s32 @!p0 $0x100000, s0  }
0x76e: {  	[sflag:s0] =	ssyncadd.tile.s32 @!p0 $0x1;
	_ =	shalt  }
.Lfunc_end2:
_tile_overlayer_lowered:
.L_overlay_start_2:
0x76f: {  	(tag) =	ssettag $0x2  }
0x770: {  	s0 =	rddreg [dreg:$0x0];
	s2 =	stileid.u32  }
0x771: {  	s1 =	rddreg [dreg:$0x1];
	p0 =	sne.s32 s2, $0x0  }
0x772: {  	s3 =	rddreg [dreg:$0x2];
	[bflag:$0x3] =	sbarrier.arrive $0xFFFF;
	s2 =	simm.s32 @!p0 $0x1C06  }
0x773: {  	[timem:s3], [sflag:s2] =	dma.local @!p0 [hbm:s0], s1  }
0x774: {  	s0 =	simm.s32 @!p0 $0x6  }
0x775: {  	_ =	swait.ge @!p0 [sflag:s0], s1  }
0x776: {  	s1 =	ssub.s32 @!p0 $0x0, s1;
	[sflag:s0] =	ssyncset.done @!p0 $0x0  }
0x777: {  	[sflag:s0] =	ssyncadd.s32 @!p0 s1  }
0x778: {  	[bflag:$0x3] =	sbarrier.arrive $0xFFFF  }
0x779: {  	_ =	shalt  }

</sc_bundles>
